<compile_context>
chip_gen: v7x
topology: tpu7x:2x2x1
jax: 0.10.2.dev20260603
libtpu: 0.0.44.dev20260713+nightly
codegen_flags: <defaults>
</compile_context>

<pallas_src>
import functools

import jax
import jax.numpy as jnp
from jax import lax
from jax.experimental import pallas as pl
from jax.experimental.pallas import tpu as pltpu
from jax.experimental.pallas import tpu_sc as plsc

N_NODES = 10000
D = 128
N_EDGES = 320000

NT = 16
CHUNK = 128
NCHUNK = 160
EDGES_PAD = NT * NCHUNK * CHUNK
NB = 2
PASSES = 4
PCHUNK = NCHUNK // PASSES
N_PAD = 10240
DUMMY_ROW = 10016
ROWS_PER_TILE = N_PAD // NT


def _segment_sum_sc(hw, src3, dst3, zeros):
    mesh = plsc.VectorSubcoreMesh(
        core_axis_name="c", subcore_axis_name="s", num_cores=1)

    @functools.partial(
        pl.kernel,
        out_type=jax.ShapeDtypeStruct((N_PAD, D), jnp.float32),
        mesh=mesh,
        scratch_types=[
            pltpu.VMEM((PCHUNK, CHUNK), jnp.int32),
            pltpu.VMEM((PCHUNK, CHUNK), jnp.int32),
            [pltpu.VMEM((CHUNK, D), jnp.float32) for _ in range(NB)],
            pltpu.VMEM_SHARED((N_PAD, D), jnp.float32),
            [pltpu.SemaphoreType.DMA for _ in range(NB)],
            [pltpu.SemaphoreType.DMA for _ in range(NB)],
        ],
    )
    def k(hw_hbm, src_hbm, dst_hbm, zero_hbm, out_hbm,
          src_v, dst_v, bufs, acc, gsems, ssems):
        s = lax.axis_index("s")

        pltpu.sync_copy(
            zero_hbm.at[pl.ds(s * ROWS_PER_TILE, ROWS_PER_TILE)],
            acc.at[pl.ds(s * ROWS_PER_TILE, ROWS_PER_TILE)])
        plsc.subcore_barrier()

        for p in range(PASSES):
            pltpu.sync_copy(src_hbm.at[s, pl.ds(p * PCHUNK, PCHUNK)], src_v)
            pltpu.sync_copy(dst_hbm.at[s, pl.ds(p * PCHUNK, PCHUNK)], dst_v)

            for b in range(NB):
                pltpu.async_copy(hw_hbm.at[src_v.at[b]], bufs[b], gsems[b])

            def body(i, _):
                j0 = i * NB
                for b in range(NB):
                    j = j0 + b
                    pltpu.make_async_copy(
                        hw_hbm.at[src_v.at[j]], bufs[b], gsems[b]).wait()
                    pltpu.async_copy(
                        bufs[b], acc.at[dst_v.at[j]], ssems[b], add=True)
                    pltpu.make_async_copy(
                        bufs[b], acc.at[dst_v.at[j]], ssems[b]).wait()

                    @pl.when(j + NB < PCHUNK)
                    def _():
                        pltpu.async_copy(
                            hw_hbm.at[src_v.at[j + NB]], bufs[b], gsems[b])

                return 0

            lax.fori_loop(0, PCHUNK // NB, body, 0)

        plsc.subcore_barrier()
        pltpu.sync_copy(
            acc.at[pl.ds(s * ROWS_PER_TILE, ROWS_PER_TILE)],
            out_hbm.at[pl.ds(s * ROWS_PER_TILE, ROWS_PER_TILE)],
        )

    return k(hw, src3, dst3, zeros)


def _mm_first(x, W):
    def body(x_ref, w_ref, o_ref):
        o_ref[...] = jnp.dot(x_ref[...], w_ref[...],
                             preferred_element_type=jnp.float32)

    return pl.pallas_call(
        body,
        out_shape=jax.ShapeDtypeStruct((N_NODES, D), jnp.float32),
    )(x, W)


def _bn_relu(p_ref, g_ref, b_ref):
    sarr = p_ref[pl.ds(0, N_NODES), :]
    mu = jnp.mean(sarr, axis=0, keepdims=True)
    d = sarr - mu
    var = jnp.mean(d * d, axis=0, keepdims=True)
    hn = g_ref[...] * d * lax.rsqrt(var + 1e-5) + b_ref[...]
    return jnp.maximum(hn, 0.0)


def _stage_mid(p, g, b, W):
    def body(p_ref, g_ref, b_ref, w_ref, o_ref):
        h = _bn_relu(p_ref, g_ref, b_ref)
        o_ref[...] = jnp.dot(h, w_ref[...],
                             preferred_element_type=jnp.float32)

    return pl.pallas_call(
        body,
        out_shape=jax.ShapeDtypeStruct((N_NODES, D), jnp.float32),
    )(p, g.reshape(1, D), b.reshape(1, D), W)


def _stage_final(p, g, b, Wm0, bm0, Wm1, bm1):
    def body(p_ref, g_ref, b_ref, w0_ref, b0_ref, w1_ref, b1_ref,
             o_ref):
        h = _bn_relu(p_ref, g_ref, b_ref)
        pooled = jnp.sum(h, axis=0, keepdims=True)
        z = jnp.maximum(
            jnp.dot(pooled, w0_ref[...],
                    preferred_element_type=jnp.float32) + b0_ref[...], 0.0)
        o_ref[...] = jnp.dot(z, w1_ref[...],
                             preferred_element_type=jnp.float32) + b1_ref[...]

    return pl.pallas_call(
        body,
        out_shape=jax.ShapeDtypeStruct((1, 16), jnp.float32),
    )(p, g.reshape(1, D), b.reshape(1, D),
      Wm0, bm0.reshape(1, -1), Wm1, bm1.reshape(1, -1))


@jax.jit
def kernel(x, edge_index, W0, g0, b0, W1, g1, b1, W2, g2, b2,
           Wm0, bm0, Wm1, bm1):
    pad = EDGES_PAD - N_EDGES
    src3 = jnp.concatenate(
        [edge_index[0].astype(jnp.int32), jnp.zeros((pad,), jnp.int32)]
    ).reshape(NT, NCHUNK, CHUNK)
    dst3 = jnp.concatenate(
        [edge_index[1].astype(jnp.int32),
         jnp.full((pad,), DUMMY_ROW, jnp.int32)]
    ).reshape(NT, NCHUNK, CHUNK)
    zeros = jnp.zeros((N_PAD, D), jnp.float32)

    hw = _mm_first(x, W0)
    p = _segment_sum_sc(hw, src3, dst3, zeros)
    hw = _stage_mid(p, g0, b0, W1)
    p = _segment_sum_sc(hw, src3, dst3, zeros)
    hw = _stage_mid(p, g1, b1, W2)
    p = _segment_sum_sc(hw, src3, dst3, zeros)
    return _stage_final(p, g2, b2, Wm0, bm0, Wm1, bm1)

# --- scband reference (transcript-rebuilt; emitter-appended) ---
"""Pipeline reference for scband-gin-56684978372721 (READ-ONLY COPY).

The authoritative reference and input builder live on the scoring server;
editing this copy changes nothing except your own understanding.
"""

import jax, jax.numpy as jnp
import numpy as np

N_NODES = 10000
N_EDGES = 320000
D_IN = 128
D_HID = 128
N_CLASSES = 16


def _bn(h, gamma, beta, eps=1e-5):
    mean = jnp.mean(h, axis=0)
    var = jnp.var(h, axis=0)
    return gamma * (h - mean) / jnp.sqrt(var + eps) + beta


def setup_inputs(seed: int = 0) -> dict:
    key = jax.random.key(seed)
    ks = jax.random.split(key, 16)
    x = jax.random.normal(ks[0], (N_NODES, D_IN), dtype=jnp.float32)
    edge_index = jax.random.randint(ks[1], (2, N_EDGES), 0, N_NODES, dtype=jnp.int64) if jax.config.read('jax_enable_x64') else jax.random.randint(ks[1], (2, N_EDGES), 0, N_NODES, dtype=jnp.int32)
    def w(k, shape, scale=0.05):
        return jax.random.normal(k, shape, dtype=jnp.float32) * scale
    inp = {
        'x': x,
        'edge_index': edge_index,
        'W0': w(ks[2], (D_IN, D_HID)),
        'g0': jnp.ones((D_HID,), jnp.float32),
        'b0': jnp.zeros((D_HID,), jnp.float32),
        'W1': w(ks[3], (D_HID, D_HID)),
        'g1': jnp.ones((D_HID,), jnp.float32),
        'b1': jnp.zeros((D_HID,), jnp.float32),
        'W2': w(ks[4], (D_HID, D_HID)),
        'g2': jnp.ones((D_HID,), jnp.float32),
        'b2': jnp.zeros((D_HID,), jnp.float32),
        'Wm0': w(ks[5], (D_HID, D_HID // 2)),
        'bm0': jnp.zeros((D_HID // 2,), jnp.float32),
        'Wm1': w(ks[6], (D_HID // 2, N_CLASSES)),
        'bm1': jnp.zeros((N_CLASSES,), jnp.float32),
    }
    return inp


def reference(x, edge_index, W0, g0, b0, W1, g1, b1, W2, g2, b2, Wm0, bm0, Wm1, bm1):
    src = edge_index[0]
    dst = edge_index[1]

    def gconv(h, W, gamma, beta):
        # msg_fun: linear applied to source features on each edge; agg: sum over mailbox
        msg = jnp.take(h @ W, src, axis=0)            # [E, d_out] gather of transformed src feats
        agg = jax.ops.segment_sum(msg, dst, num_segments=N_NODES)  # scatter-add to dst nodes
        return jax.nn.relu(_bn(agg, gamma, beta))

    h = gconv(x, W0, g0, b0)
    h = gconv(h, W1, g1, b1)
    h = gconv(h, W2, g2, b2)

    # dgl.sum_nodes over the (single) batched graph
    pooled = jnp.sum(h, axis=0, keepdims=True)        # [1, D_HID]

    # classifier MLP: hidden -> hidden/2 -> num_classes
    z = jax.nn.relu(pooled @ Wm0 + bm0)
    logits = z @ Wm1 + bm1                            # [1, N_CLASSES]
    return logits

if __name__ == "__main__":
    import jax
    _d = setup_inputs()
    print(jax.jit(kernel)(*tuple(_d.values())))

</pallas_src>

<mosaic_0001>
#map = affine_map<(d0, d1) -> (0, 0)>
#map1 = affine_map<(d0, d1) -> (0, 0, 0)>
module attributes {stable_mosaic.version = 14 : i64} {
  func.func @k(%arg0: i32, %arg1: i32, %arg2: memref<10000x128xf32, #tpu.memory_space<hbm>>, %arg3: memref<16x160x128xi32, #tpu.memory_space<hbm>>, %arg4: memref<16x160x128xi32, #tpu.memory_space<hbm>>, %arg5: memref<10240x128xf32, #tpu.memory_space<hbm>>, %arg6: memref<10240x128xf32, #tpu.memory_space<hbm>>, %arg7: memref<40x128xi32, #tpu.memory_space<vmem>>, %arg8: memref<40x128xi32, #tpu.memory_space<vmem>>, %arg9: memref<128x128xf32, #tpu.memory_space<vmem>>, %arg10: memref<128x128xf32, #tpu.memory_space<vmem>>, %arg11: memref<10240x128xf32, #tpu.memory_space<vmem_shared>>, %arg12: memref<!tpu.dma_semaphore, #tpu.memory_space<semaphore_mem>>, %arg13: memref<!tpu.dma_semaphore, #tpu.memory_space<semaphore_mem>>, %arg14: memref<!tpu.dma_semaphore, #tpu.memory_space<semaphore_mem>>, %arg15: memref<!tpu.dma_semaphore, #tpu.memory_space<semaphore_mem>>) attributes {dimension_semantics = [#tpu.dimension_semantics<core_parallel>, #tpu.dimension_semantics<subcore_parallel>], iteration_bounds = array<i64: 1, 16>, scalar_prefetch = 0 : i64, scratch_operands = 9 : i64, tpu.core_type = #tpu.core_type<sc_vector_subcore>, window_params = [{transform_indices = #map}, {transform_indices = #map1}, {transform_indices = #map1}, {transform_indices = #map}, {transform_indices = #map}]} {
    %mul3A = arith.constant 640 : i32
    %mul3A_0 = arith.muli %arg1, %mul3A : i32
    %mul3A_1 = arith.constant 640 : i32
    %mul3A_2 = arith.muli %arg1, %mul3A_1 : i32
    "tpu.region"() ({
      %run_scoped3A = tpu.sem_alloc : memref<!tpu.dma_semaphore, #tpu.memory_space<semaphore_mem>>
      %dma_start3A_90 = arith.constant 0 : i32
      %dma_start3A_91 = tpu.memref_slice %arg11[%mul3A_2, %dma_start3A_90] : memref<10240x128xf32, #tpu.memory_space<vmem_shared>> -> memref<640x128xf32, #tpu.memory_space<vmem_shared>>
      %dma_start3A_92 = arith.constant 0 : i32
      %dma_start3A_93 = tpu.memref_slice %arg5[%mul3A_0, %dma_start3A_92] : memref<10240x128xf32, #tpu.memory_space<hbm>> -> memref<640x128xf32, #tpu.memory_space<hbm>>
      tpu.enqueue_dma source(%dma_start3A_93 : memref<640x128xf32, #tpu.memory_space<hbm>>) target(%dma_start3A_91 : memref<640x128xf32, #tpu.memory_space<vmem_shared>>) target_semaphore(%run_scoped3A : memref<!tpu.dma_semaphore, #tpu.memory_space<semaphore_mem>>)
      %dma_wait3A = arith.constant 0 : i32
      %dma_wait3A_94 = tpu.memref_slice %arg11[%mul3A_2, %dma_wait3A] : memref<10240x128xf32, #tpu.memory_space<vmem_shared>> -> memref<640x128xf32, #tpu.memory_space<vmem_shared>>
      %dma_wait3A_95 = arith.constant 0 : i32
      %dma_wait3A_96 = tpu.memref_slice %arg5[%mul3A_0, %dma_wait3A_95] : memref<10240x128xf32, #tpu.memory_space<hbm>> -> memref<640x128xf32, #tpu.memory_space<hbm>>
      tpu.wait_dma2 semaphore(%run_scoped3A : memref<!tpu.dma_semaphore, #tpu.memory_space<semaphore_mem>>) src(%dma_wait3A_96 : memref<640x128xf32, #tpu.memory_space<hbm>>) dst(%dma_wait3A_94 : memref<640x128xf32, #tpu.memory_space<vmem_shared>>)
      tpu.yield
    }) : () -> ()
    %barrier3A = arith.constant 0 : index
    tpu.barrier barrier_id(%barrier3A)
    "tpu.region"() ({
      %run_scoped3A = tpu.sem_alloc : memref<!tpu.dma_semaphore, #tpu.memory_space<semaphore_mem>>
      %dma_start3A_90 = arith.constant 0 : i32
      %dma_start3A_91 = arith.constant 0 : i32
      %dma_start3A_92 = tpu.memref_slice %arg3[%arg1, %dma_start3A_90, %dma_start3A_91] : memref<16x160x128xi32, #tpu.memory_space<hbm>> -> memref<1x40x128xi32, #tpu.memory_space<hbm>>
      %dma_start3A_93 = tpu.memref_squeeze %dma_start3A_92 : memref<1x40x128xi32, #tpu.memory_space<hbm>> -> memref<40x128xi32, #tpu.memory_space<hbm>>
      %dma_start3A_94 = arith.constant 0 : i32
      %dma_start3A_95 = arith.constant 0 : i32
      %dma_start3A_96 = tpu.memref_slice %arg3[%arg1, %dma_start3A_94, %dma_start3A_95] : memref<16x160x128xi32, #tpu.memory_space<hbm>> -> memref<1x40x128xi32, #tpu.memory_space<hbm>>
      %dma_start3A_97 = tpu.memref_squeeze %dma_start3A_96 : memref<1x40x128xi32, #tpu.memory_space<hbm>> -> memref<40x128xi32, #tpu.memory_space<hbm>>
      tpu.enqueue_dma source(%dma_start3A_97 : memref<40x128xi32, #tpu.memory_space<hbm>>) target(%arg7 : memref<40x128xi32, #tpu.memory_space<vmem>>) target_semaphore(%run_scoped3A : memref<!tpu.dma_semaphore, #tpu.memory_space<semaphore_mem>>)
      %dma_wait3A = arith.constant 0 : i32
      %dma_wait3A_98 = arith.constant 0 : i32
      %dma_wait3A_99 = tpu.memref_slice %arg3[%arg1, %dma_wait3A, %dma_wait3A_98] : memref<16x160x128xi32, #tpu.memory_space<hbm>> -> memref<1x40x128xi32, #tpu.memory_space<hbm>>
      %dma_wait3A_100 = tpu.memref_squeeze %dma_wait3A_99 : memref<1x40x128xi32, #tpu.memory_space<hbm>> -> memref<40x128xi32, #tpu.memory_space<hbm>>
      %dma_wait3A_101 = arith.constant 0 : i32
      %dma_wait3A_102 = arith.constant 0 : i32
      %dma_wait3A_103 = tpu.memref_slice %arg3[%arg1, %dma_wait3A_101, %dma_wait3A_102] : memref<16x160x128xi32, #tpu.memory_space<hbm>> -> memref<1x40x128xi32, #tpu.memory_space<hbm>>
      %dma_wait3A_104 = tpu.memref_squeeze %dma_wait3A_103 : memref<1x40x128xi32, #tpu.memory_space<hbm>> -> memref<40x128xi32, #tpu.memory_space<hbm>>
      tpu.wait_dma2 semaphore(%run_scoped3A : memref<!tpu.dma_semaphore, #tpu.memory_space<semaphore_mem>>) src(%dma_wait3A_104 : memref<40x128xi32, #tpu.memory_space<hbm>>) dst(%arg7 : memref<40x128xi32, #tpu.memory_space<vmem>>)
      tpu.yield
    }) : () -> ()
    "tpu.region"() ({
      %run_scoped3A = tpu.sem_alloc : memref<!tpu.dma_semaphore, #tpu.memory_space<semaphore_mem>>
      %dma_start3A_90 = arith.constant 0 : i32
      %dma_start3A_91 = arith.constant 0 : i32
      %dma_start3A_92 = tpu.memref_slice %arg4[%arg1, %dma_start3A_90, %dma_start3A_91] : memref<16x160x128xi32, #tpu.memory_space<hbm>> -> memref<1x40x128xi32, #tpu.memory_space<hbm>>
      %dma_start3A_93 = tpu.memref_squeeze %dma_start3A_92 : memref<1x40x128xi32, #tpu.memory_space<hbm>> -> memref<40x128xi32, #tpu.memory_space<hbm>>
      %dma_start3A_94 = arith.constant 0 : i32
      %dma_start3A_95 = arith.constant 0 : i32
      %dma_start3A_96 = tpu.memref_slice %arg4[%arg1, %dma_start3A_94, %dma_start3A_95] : memref<16x160x128xi32, #tpu.memory_space<hbm>> -> memref<1x40x128xi32, #tpu.memory_space<hbm>>
      %dma_start3A_97 = tpu.memref_squeeze %dma_start3A_96 : memref<1x40x128xi32, #tpu.memory_space<hbm>> -> memref<40x128xi32, #tpu.memory_space<hbm>>
      tpu.enqueue_dma source(%dma_start3A_97 : memref<40x128xi32, #tpu.memory_space<hbm>>) target(%arg8 : memref<40x128xi32, #tpu.memory_space<vmem>>) target_semaphore(%run_scoped3A : memref<!tpu.dma_semaphore, #tpu.memory_space<semaphore_mem>>)
      %dma_wait3A = arith.constant 0 : i32
      %dma_wait3A_98 = arith.constant 0 : i32
      %dma_wait3A_99 = tpu.memref_slice %arg4[%arg1, %dma_wait3A, %dma_wait3A_98] : memref<16x160x128xi32, #tpu.memory_space<hbm>> -> memref<1x40x128xi32, #tpu.memory_space<hbm>>
      %dma_wait3A_100 = tpu.memref_squeeze %dma_wait3A_99 : memref<1x40x128xi32, #tpu.memory_space<hbm>> -> memref<40x128xi32, #tpu.memory_space<hbm>>
      %dma_wait3A_101 = arith.constant 0 : i32
      %dma_wait3A_102 = arith.constant 0 : i32
      %dma_wait3A_103 = tpu.memref_slice %arg4[%arg1, %dma_wait3A_101, %dma_wait3A_102] : memref<16x160x128xi32, #tpu.memory_space<hbm>> -> memref<1x40x128xi32, #tpu.memory_space<hbm>>
      %dma_wait3A_104 = tpu.memref_squeeze %dma_wait3A_103 : memref<1x40x128xi32, #tpu.memory_space<hbm>> -> memref<40x128xi32, #tpu.memory_space<hbm>>
      tpu.wait_dma2 semaphore(%run_scoped3A : memref<!tpu.dma_semaphore, #tpu.memory_space<semaphore_mem>>) src(%dma_wait3A_104 : memref<40x128xi32, #tpu.memory_space<hbm>>) dst(%arg8 : memref<40x128xi32, #tpu.memory_space<vmem>>)
      tpu.yield
    }) : () -> ()
    %dma_start3A = arith.constant 0 : i32
    %dma_start3A_3 = arith.constant 0 : i32
    %dma_start3A_4 = tpu.memref_slice %arg7[%dma_start3A, %dma_start3A_3] : memref<40x128xi32, #tpu.memory_space<vmem>> -> memref<1x128xi32, #tpu.memory_space<vmem>>
    %dma_start3A_5 = tpu.memref_squeeze %dma_start3A_4 : memref<1x128xi32, #tpu.memory_space<vmem>> -> memref<128xi32, #tpu.memory_space<vmem>>
    %dma_start3A_6 = arith.constant 0 : i32
    %dma_start3A_7 = arith.constant 0 : i32
    %dma_start3A_8 = tpu.memref_slice %arg2[%dma_start3A_6, %dma_start3A_7] : memref<10000x128xf32, #tpu.memory_space<hbm>> -> memref<10000x128xf32, #tpu.memory_space<hbm>>
    tpu.enqueue_indirect_dma source(%dma_start3A_8 : memref<10000x128xf32, #tpu.memory_space<hbm>>) target(%arg9 : memref<128x128xf32, #tpu.memory_space<vmem>>) offsets(%dma_start3A_5 : memref<128xi32, #tpu.memory_space<vmem>>) semaphore(%arg12 : memref<!tpu.dma_semaphore, #tpu.memory_space<semaphore_mem>>)
    %dma_start3A_9 = arith.constant 1 : i32
    %dma_start3A_10 = arith.constant 0 : i32
    %dma_start3A_11 = tpu.memref_slice %arg7[%dma_start3A_9, %dma_start3A_10] : memref<40x128xi32, #tpu.memory_space<vmem>> -> memref<1x128xi32, #tpu.memory_space<vmem>>
    %dma_start3A_12 = tpu.memref_squeeze %dma_start3A_11 : memref<1x128xi32, #tpu.memory_space<vmem>> -> memref<128xi32, #tpu.memory_space<vmem>>
    %dma_start3A_13 = arith.constant 0 : i32
    %dma_start3A_14 = arith.constant 0 : i32
    %dma_start3A_15 = tpu.memref_slice %arg2[%dma_start3A_13, %dma_start3A_14] : memref<10000x128xf32, #tpu.memory_space<hbm>> -> memref<10000x128xf32, #tpu.memory_space<hbm>>
    tpu.enqueue_indirect_dma source(%dma_start3A_15 : memref<10000x128xf32, #tpu.memory_space<hbm>>) target(%arg10 : memref<128x128xf32, #tpu.memory_space<vmem>>) offsets(%dma_start3A_12 : memref<128xi32, #tpu.memory_space<vmem>>) semaphore(%arg13 : memref<!tpu.dma_semaphore, #tpu.memory_space<semaphore_mem>>)
    %scan3A = arith.constant 0 : i32
    %scan3A_16 = arith.constant 0 : i32
    %scan3A_17 = arith.constant 20 : i32
    %scan3A_18 = arith.addi %scan3A_16, %scan3A_17 : i32
    %scan3A_19 = arith.constant 1 : i32
    %scan3A_20 = scf.for %scan3A_90 = %scan3A_16 to %scan3A_18 step %scan3A_19 iter_args(%scan3A_91 = %scan3A) -> (i32)  : i32 {
      %mul3A_92 = arith.constant 2 : i32
      %mul3A_93 = arith.muli %scan3A_90, %mul3A_92 : i32
      %add3A = arith.constant 0 : i32
      %add3A_94 = arith.addi %mul3A_93, %add3A : i32
      %dma_wait3A = arith.constant 0 : i32
      %dma_wait3A_95 = tpu.memref_slice %arg7[%add3A_94, %dma_wait3A] : memref<40x128xi32, #tpu.memory_space<vmem>> -> memref<1x128xi32, #tpu.memory_space<vmem>>
      %dma_wait3A_96 = tpu.memref_squeeze %dma_wait3A_95 : memref<1x128xi32, #tpu.memory_space<vmem>> -> memref<128xi32, #tpu.memory_space<vmem>>
      %dma_wait3A_97 = arith.constant 0 : i32
      %dma_wait3A_98 = arith.constant 0 : i32
      %dma_wait3A_99 = tpu.memref_slice %arg2[%dma_wait3A_97, %dma_wait3A_98] : memref<10000x128xf32, #tpu.memory_space<hbm>> -> memref<10000x128xf32, #tpu.memory_space<hbm>>
      tpu.wait_indirect_dma semaphore(%arg12 : memref<!tpu.dma_semaphore, #tpu.memory_space<semaphore_mem>>) src(%dma_wait3A_99 : memref<10000x128xf32, #tpu.memory_space<hbm>>) dst(%arg9 : memref<128x128xf32, #tpu.memory_space<vmem>>)
      %dma_start3A_100 = arith.constant 0 : i32
      %dma_start3A_101 = tpu.memref_slice %arg8[%add3A_94, %dma_start3A_100] : memref<40x128xi32, #tpu.memory_space<vmem>> -> memref<1x128xi32, #tpu.memory_space<vmem>>
      %dma_start3A_102 = tpu.memref_squeeze %dma_start3A_101 : memref<1x128xi32, #tpu.memory_space<vmem>> -> memref<128xi32, #tpu.memory_space<vmem>>
      %dma_start3A_103 = arith.constant 0 : i32
      %dma_start3A_104 = arith.constant 0 : i32
      %dma_start3A_105 = tpu.memref_slice %arg11[%dma_start3A_103, %dma_start3A_104] : memref<10240x128xf32, #tpu.memory_space<vmem_shared>> -> memref<10240x128xf32, #tpu.memory_space<vmem_shared>>
      tpu.enqueue_indirect_dma source(%arg9 : memref<128x128xf32, #tpu.memory_space<vmem>>) target(%dma_start3A_105 : memref<10240x128xf32, #tpu.memory_space<vmem_shared>>) offsets(%dma_start3A_102 : memref<128xi32, #tpu.memory_space<vmem>>) semaphore(%arg14 : memref<!tpu.dma_semaphore, #tpu.memory_space<semaphore_mem>>) {add = true}
      %dma_wait3A_106 = arith.constant 0 : i32
      %dma_wait3A_107 = tpu.memref_slice %arg8[%add3A_94, %dma_wait3A_106] : memref<40x128xi32, #tpu.memory_space<vmem>> -> memref<1x128xi32, #tpu.memory_space<vmem>>
      %dma_wait3A_108 = tpu.memref_squeeze %dma_wait3A_107 : memref<1x128xi32, #tpu.memory_space<vmem>> -> memref<128xi32, #tpu.memory_space<vmem>>
      %dma_wait3A_109 = arith.constant 0 : i32
      %dma_wait3A_110 = arith.constant 0 : i32
      %dma_wait3A_111 = tpu.memref_slice %arg11[%dma_wait3A_109, %dma_wait3A_110] : memref<10240x128xf32, #tpu.memory_space<vmem_shared>> -> memref<10240x128xf32, #tpu.memory_space<vmem_shared>>
      tpu.wait_indirect_dma semaphore(%arg14 : memref<!tpu.dma_semaphore, #tpu.memory_space<semaphore_mem>>) src(%arg9 : memref<128x128xf32, #tpu.memory_space<vmem>>) dst(%dma_wait3A_111 : memref<10240x128xf32, #tpu.memory_space<vmem_shared>>)
      %add3A_112 = arith.constant 2 : i32
      %add3A_113 = arith.addi %add3A_94, %add3A_112 : i32
      %lt3A = arith.constant 40 : i32
      %lt3A_114 = arith.cmpi slt, %add3A_113, %lt3A : i32
      %convert_element_type3A = arith.extui %lt3A_114 : i1 to i32
      %cond3A = arith.constant 0 : i32
      %cond3A_115 = arith.cmpi ne, %convert_element_type3A, %cond3A : i32
      scf.if %cond3A_115 {
        %add3A_144 = arith.constant 2 : i32
        %add3A_145 = arith.addi %add3A_94, %add3A_144 : i32
        %dma_start3A_146 = arith.constant 0 : i32
        %dma_start3A_147 = tpu.memref_slice %arg7[%add3A_145, %dma_start3A_146] : memref<40x128xi32, #tpu.memory_space<vmem>> -> memref<1x128xi32, #tpu.memory_space<vmem>>
        %dma_start3A_148 = tpu.memref_squeeze %dma_start3A_147 : memref<1x128xi32, #tpu.memory_space<vmem>> -> memref<128xi32, #tpu.memory_space<vmem>>
        %dma_start3A_149 = arith.constant 0 : i32
        %dma_start3A_150 = arith.constant 0 : i32
        %dma_start3A_151 = tpu.memref_slice %arg2[%dma_start3A_149, %dma_start3A_150] : memref<10000x128xf32, #tpu.memory_space<hbm>> -> memref<10000x128xf32, #tpu.memory_space<hbm>>
        tpu.enqueue_indirect_dma source(%dma_start3A_151 : memref<10000x128xf32, #tpu.memory_space<hbm>>) target(%arg9 : memref<128x128xf32, #tpu.memory_space<vmem>>) offsets(%dma_start3A_148 : memref<128xi32, #tpu.memory_space<vmem>>) semaphore(%arg12 : memref<!tpu.dma_semaphore, #tpu.memory_space<semaphore_mem>>)
      } else {
      }
      %add3A_116 = arith.constant 1 : i32
      %add3A_117 = arith.addi %mul3A_93, %add3A_116 : i32
      %dma_wait3A_118 = arith.constant 0 : i32
      %dma_wait3A_119 = tpu.memref_slice %arg7[%add3A_117, %dma_wait3A_118] : memref<40x128xi32, #tpu.memory_space<vmem>> -> memref<1x128xi32, #tpu.memory_space<vmem>>
      %dma_wait3A_120 = tpu.memref_squeeze %dma_wait3A_119 : memref<1x128xi32, #tpu.memory_space<vmem>> -> memref<128xi32, #tpu.memory_space<vmem>>
      %dma_wait3A_121 = arith.constant 0 : i32
      %dma_wait3A_122 = arith.constant 0 : i32
      %dma_wait3A_123 = tpu.memref_slice %arg2[%dma_wait3A_121, %dma_wait3A_122] : memref<10000x128xf32, #tpu.memory_space<hbm>> -> memref<10000x128xf32, #tpu.memory_space<hbm>>
      tpu.wait_indirect_dma semaphore(%arg13 : memref<!tpu.dma_semaphore, #tpu.memory_space<semaphore_mem>>) src(%dma_wait3A_123 : memref<10000x128xf32, #tpu.memory_space<hbm>>) dst(%arg10 : memref<128x128xf32, #tpu.memory_space<vmem>>)
      %dma_start3A_124 = arith.constant 0 : i32
      %dma_start3A_125 = tpu.memref_slice %arg8[%add3A_117, %dma_start3A_124] : memref<40x128xi32, #tpu.memory_space<vmem>> -> memref<1x128xi32, #tpu.memory_space<vmem>>
      %dma_start3A_126 = tpu.memref_squeeze %dma_start3A_125 : memref<1x128xi32, #tpu.memory_space<vmem>> -> memref<128xi32, #tpu.memory_space<vmem>>
      %dma_start3A_127 = arith.constant 0 : i32
      %dma_start3A_128 = arith.constant 0 : i32
      %dma_start3A_129 = tpu.memref_slice %arg11[%dma_start3A_127, %dma_start3A_128] : memref<10240x128xf32, #tpu.memory_space<vmem_shared>> -> memref<10240x128xf32, #tpu.memory_space<vmem_shared>>
      tpu.enqueue_indirect_dma source(%arg10 : memref<128x128xf32, #tpu.memory_space<vmem>>) target(%dma_start3A_129 : memref<10240x128xf32, #tpu.memory_space<vmem_shared>>) offsets(%dma_start3A_126 : memref<128xi32, #tpu.memory_space<vmem>>) semaphore(%arg15 : memref<!tpu.dma_semaphore, #tpu.memory_space<semaphore_mem>>) {add = true}
      %dma_wait3A_130 = arith.constant 0 : i32
      %dma_wait3A_131 = tpu.memref_slice %arg8[%add3A_117, %dma_wait3A_130] : memref<40x128xi32, #tpu.memory_space<vmem>> -> memref<1x128xi32, #tpu.memory_space<vmem>>
      %dma_wait3A_132 = tpu.memref_squeeze %dma_wait3A_131 : memref<1x128xi32, #tpu.memory_space<vmem>> -> memref<128xi32, #tpu.memory_space<vmem>>
      %dma_wait3A_133 = arith.constant 0 : i32
      %dma_wait3A_134 = arith.constant 0 : i32
      %dma_wait3A_135 = tpu.memref_slice %arg11[%dma_wait3A_133, %dma_wait3A_134] : memref<10240x128xf32, #tpu.memory_space<vmem_shared>> -> memref<10240x128xf32, #tpu.memory_space<vmem_shared>>
      tpu.wait_indirect_dma semaphore(%arg15 : memref<!tpu.dma_semaphore, #tpu.memory_space<semaphore_mem>>) src(%arg10 : memref<128x128xf32, #tpu.memory_space<vmem>>) dst(%dma_wait3A_135 : memref<10240x128xf32, #tpu.memory_space<vmem_shared>>)
      %add3A_136 = arith.constant 2 : i32
      %add3A_137 = arith.addi %add3A_117, %add3A_136 : i32
      %lt3A_138 = arith.constant 40 : i32
      %lt3A_139 = arith.cmpi slt, %add3A_137, %lt3A_138 : i32
      %convert_element_type3A_140 = arith.extui %lt3A_139 : i1 to i32
      %cond3A_141 = arith.constant 0 : i32
      %cond3A_142 = arith.cmpi ne, %convert_element_type3A_140, %cond3A_141 : i32
      scf.if %cond3A_142 {
        %add3A_144 = arith.constant 2 : i32
        %add3A_145 = arith.addi %add3A_117, %add3A_144 : i32
        %dma_start3A_146 = arith.constant 0 : i32
        %dma_start3A_147 = tpu.memref_slice %arg7[%add3A_145, %dma_start3A_146] : memref<40x128xi32, #tpu.memory_space<vmem>> -> memref<1x128xi32, #tpu.memory_space<vmem>>
        %dma_start3A_148 = tpu.memref_squeeze %dma_start3A_147 : memref<1x128xi32, #tpu.memory_space<vmem>> -> memref<128xi32, #tpu.memory_space<vmem>>
        %dma_start3A_149 = arith.constant 0 : i32
        %dma_start3A_150 = arith.constant 0 : i32
        %dma_start3A_151 = tpu.memref_slice %arg2[%dma_start3A_149, %dma_start3A_150] : memref<10000x128xf32, #tpu.memory_space<hbm>> -> memref<10000x128xf32, #tpu.memory_space<hbm>>
        tpu.enqueue_indirect_dma source(%dma_start3A_151 : memref<10000x128xf32, #tpu.memory_space<hbm>>) target(%arg10 : memref<128x128xf32, #tpu.memory_space<vmem>>) offsets(%dma_start3A_148 : memref<128xi32, #tpu.memory_space<vmem>>) semaphore(%arg13 : memref<!tpu.dma_semaphore, #tpu.memory_space<semaphore_mem>>)
      } else {
      }
      %scan3A_143 = arith.constant 0 : i32
      scf.yield %scan3A_143 : i32
    }
    %scan3A_21 = arith.constant 20 : i32
    "tpu.region"() ({
      %run_scoped3A = tpu.sem_alloc : memref<!tpu.dma_semaphore, #tpu.memory_space<semaphore_mem>>
      %dma_start3A_90 = arith.constant 40 : i32
      %dma_start3A_91 = arith.constant 0 : i32
      %dma_start3A_92 = tpu.memref_slice %arg3[%arg1, %dma_start3A_90, %dma_start3A_91] : memref<16x160x128xi32, #tpu.memory_space<hbm>> -> memref<1x40x128xi32, #tpu.memory_space<hbm>>
      %dma_start3A_93 = tpu.memref_squeeze %dma_start3A_92 : memref<1x40x128xi32, #tpu.memory_space<hbm>> -> memref<40x128xi32, #tpu.memory_space<hbm>>
      %dma_start3A_94 = arith.constant 40 : i32
      %dma_start3A_95 = arith.constant 0 : i32
      %dma_start3A_96 = tpu.memref_slice %arg3[%arg1, %dma_start3A_94, %dma_start3A_95] : memref<16x160x128xi32, #tpu.memory_space<hbm>> -> memref<1x40x128xi32, #tpu.memory_space<hbm>>
      %dma_start3A_97 = tpu.memref_squeeze %dma_start3A_96 : memref<1x40x128xi32, #tpu.memory_space<hbm>> -> memref<40x128xi32, #tpu.memory_space<hbm>>
      tpu.enqueue_dma source(%dma_start3A_97 : memref<40x128xi32, #tpu.memory_space<hbm>>) target(%arg7 : memref<40x128xi32, #tpu.memory_space<vmem>>) target_semaphore(%run_scoped3A : memref<!tpu.dma_semaphore, #tpu.memory_space<semaphore_mem>>)
      %dma_wait3A = arith.constant 40 : i32
      %dma_wait3A_98 = arith.constant 0 : i32
      %dma_wait3A_99 = tpu.memref_slice %arg3[%arg1, %dma_wait3A, %dma_wait3A_98] : memref<16x160x128xi32, #tpu.memory_space<hbm>> -> memref<1x40x128xi32, #tpu.memory_space<hbm>>
      %dma_wait3A_100 = tpu.memref_squeeze %dma_wait3A_99 : memref<1x40x128xi32, #tpu.memory_space<hbm>> -> memref<40x128xi32, #tpu.memory_space<hbm>>
      %dma_wait3A_101 = arith.constant 40 : i32
      %dma_wait3A_102 = arith.constant 0 : i32
      %dma_wait3A_103 = tpu.memref_slice %arg3[%arg1, %dma_wait3A_101, %dma_wait3A_102] : memref<16x160x128xi32, #tpu.memory_space<hbm>> -> memref<1x40x128xi32, #tpu.memory_space<hbm>>
      %dma_wait3A_104 = tpu.memref_squeeze %dma_wait3A_103 : memref<1x40x128xi32, #tpu.memory_space<hbm>> -> memref<40x128xi32, #tpu.memory_space<hbm>>
      tpu.wait_dma2 semaphore(%run_scoped3A : memref<!tpu.dma_semaphore, #tpu.memory_space<semaphore_mem>>) src(%dma_wait3A_104 : memref<40x128xi32, #tpu.memory_space<hbm>>) dst(%arg7 : memref<40x128xi32, #tpu.memory_space<vmem>>)
      tpu.yield
    }) : () -> ()
    "tpu.region"() ({
      %run_scoped3A = tpu.sem_alloc : memref<!tpu.dma_semaphore, #tpu.memory_space<semaphore_mem>>
      %dma_start3A_90 = arith.constant 40 : i32
      %dma_start3A_91 = arith.constant 0 : i32
      %dma_start3A_92 = tpu.memref_slice %arg4[%arg1, %dma_start3A_90, %dma_start3A_91] : memref<16x160x128xi32, #tpu.memory_space<hbm>> -> memref<1x40x128xi32, #tpu.memory_space<hbm>>
      %dma_start3A_93 = tpu.memref_squeeze %dma_start3A_92 : memref<1x40x128xi32, #tpu.memory_space<hbm>> -> memref<40x128xi32, #tpu.memory_space<hbm>>
      %dma_start3A_94 = arith.constant 40 : i32
      %dma_start3A_95 = arith.constant 0 : i32
      %dma_start3A_96 = tpu.memref_slice %arg4[%arg1, %dma_start3A_94, %dma_start3A_95] : memref<16x160x128xi32, #tpu.memory_space<hbm>> -> memref<1x40x128xi32, #tpu.memory_space<hbm>>
      %dma_start3A_97 = tpu.memref_squeeze %dma_start3A_96 : memref<1x40x128xi32, #tpu.memory_space<hbm>> -> memref<40x128xi32, #tpu.memory_space<hbm>>
      tpu.enqueue_dma source(%dma_start3A_97 : memref<40x128xi32, #tpu.memory_space<hbm>>) target(%arg8 : memref<40x128xi32, #tpu.memory_space<vmem>>) target_semaphore(%run_scoped3A : memref<!tpu.dma_semaphore, #tpu.memory_space<semaphore_mem>>)
      %dma_wait3A = arith.constant 40 : i32
      %dma_wait3A_98 = arith.constant 0 : i32
      %dma_wait3A_99 = tpu.memref_slice %arg4[%arg1, %dma_wait3A, %dma_wait3A_98] : memref<16x160x128xi32, #tpu.memory_space<hbm>> -> memref<1x40x128xi32, #tpu.memory_space<hbm>>
      %dma_wait3A_100 = tpu.memref_squeeze %dma_wait3A_99 : memref<1x40x128xi32, #tpu.memory_space<hbm>> -> memref<40x128xi32, #tpu.memory_space<hbm>>
      %dma_wait3A_101 = arith.constant 40 : i32
      %dma_wait3A_102 = arith.constant 0 : i32
      %dma_wait3A_103 = tpu.memref_slice %arg4[%arg1, %dma_wait3A_101, %dma_wait3A_102] : memref<16x160x128xi32, #tpu.memory_space<hbm>> -> memref<1x40x128xi32, #tpu.memory_space<hbm>>
      %dma_wait3A_104 = tpu.memref_squeeze %dma_wait3A_103 : memref<1x40x128xi32, #tpu.memory_space<hbm>> -> memref<40x128xi32, #tpu.memory_space<hbm>>
      tpu.wait_dma2 semaphore(%run_scoped3A : memref<!tpu.dma_semaphore, #tpu.memory_space<semaphore_mem>>) src(%dma_wait3A_104 : memref<40x128xi32, #tpu.memory_space<hbm>>) dst(%arg8 : memref<40x128xi32, #tpu.memory_space<vmem>>)
      tpu.yield
    }) : () -> ()
    %dma_start3A_22 = arith.constant 0 : i32
    %dma_start3A_23 = arith.constant 0 : i32
    %dma_start3A_24 = tpu.memref_slice %arg7[%dma_start3A_22, %dma_start3A_23] : memref<40x128xi32, #tpu.memory_space<vmem>> -> memref<1x128xi32, #tpu.memory_space<vmem>>
    %dma_start3A_25 = tpu.memref_squeeze %dma_start3A_24 : memref<1x128xi32, #tpu.memory_space<vmem>> -> memref<128xi32, #tpu.memory_space<vmem>>
    %dma_start3A_26 = arith.constant 0 : i32
    %dma_start3A_27 = arith.constant 0 : i32
    %dma_start3A_28 = tpu.memref_slice %arg2[%dma_start3A_26, %dma_start3A_27] : memref<10000x128xf32, #tpu.memory_space<hbm>> -> memref<10000x128xf32, #tpu.memory_space<hbm>>
    tpu.enqueue_indirect_dma source(%dma_start3A_28 : memref<10000x128xf32, #tpu.memory_space<hbm>>) target(%arg9 : memref<128x128xf32, #tpu.memory_space<vmem>>) offsets(%dma_start3A_25 : memref<128xi32, #tpu.memory_space<vmem>>) semaphore(%arg12 : memref<!tpu.dma_semaphore, #tpu.memory_space<semaphore_mem>>)
    %dma_start3A_29 = arith.constant 1 : i32
    %dma_start3A_30 = arith.constant 0 : i32
    %dma_start3A_31 = tpu.memref_slice %arg7[%dma_start3A_29, %dma_start3A_30] : memref<40x128xi32, #tpu.memory_space<vmem>> -> memref<1x128xi32, #tpu.memory_space<vmem>>
    %dma_start3A_32 = tpu.memref_squeeze %dma_start3A_31 : memref<1x128xi32, #tpu.memory_space<vmem>> -> memref<128xi32, #tpu.memory_space<vmem>>
    %dma_start3A_33 = arith.constant 0 : i32
    %dma_start3A_34 = arith.constant 0 : i32
    %dma_start3A_35 = tpu.memref_slice %arg2[%dma_start3A_33, %dma_start3A_34] : memref<10000x128xf32, #tpu.memory_space<hbm>> -> memref<10000x128xf32, #tpu.memory_space<hbm>>
    tpu.enqueue_indirect_dma source(%dma_start3A_35 : memref<10000x128xf32, #tpu.memory_space<hbm>>) target(%arg10 : memref<128x128xf32, #tpu.memory_space<vmem>>) offsets(%dma_start3A_32 : memref<128xi32, #tpu.memory_space<vmem>>) semaphore(%arg13 : memref<!tpu.dma_semaphore, #tpu.memory_space<semaphore_mem>>)
    %scan3A_36 = arith.constant 0 : i32
    %scan3A_37 = arith.constant 0 : i32
    %scan3A_38 = arith.constant 20 : i32
    %scan3A_39 = arith.addi %scan3A_37, %scan3A_38 : i32
    %scan3A_40 = arith.constant 1 : i32
    %scan3A_41 = scf.for %scan3A_90 = %scan3A_37 to %scan3A_39 step %scan3A_40 iter_args(%scan3A_91 = %scan3A_36) -> (i32)  : i32 {
      %mul3A_92 = arith.constant 2 : i32
      %mul3A_93 = arith.muli %scan3A_90, %mul3A_92 : i32
      %add3A = arith.constant 0 : i32
      %add3A_94 = arith.addi %mul3A_93, %add3A : i32
      %dma_wait3A = arith.constant 0 : i32
      %dma_wait3A_95 = tpu.memref_slice %arg7[%add3A_94, %dma_wait3A] : memref<40x128xi32, #tpu.memory_space<vmem>> -> memref<1x128xi32, #tpu.memory_space<vmem>>
      %dma_wait3A_96 = tpu.memref_squeeze %dma_wait3A_95 : memref<1x128xi32, #tpu.memory_space<vmem>> -> memref<128xi32, #tpu.memory_space<vmem>>
      %dma_wait3A_97 = arith.constant 0 : i32
      %dma_wait3A_98 = arith.constant 0 : i32
      %dma_wait3A_99 = tpu.memref_slice %arg2[%dma_wait3A_97, %dma_wait3A_98] : memref<10000x128xf32, #tpu.memory_space<hbm>> -> memref<10000x128xf32, #tpu.memory_space<hbm>>
      tpu.wait_indirect_dma semaphore(%arg12 : memref<!tpu.dma_semaphore, #tpu.memory_space<semaphore_mem>>) src(%dma_wait3A_99 : memref<10000x128xf32, #tpu.memory_space<hbm>>) dst(%arg9 : memref<128x128xf32, #tpu.memory_space<vmem>>)
      %dma_start3A_100 = arith.constant 0 : i32
      %dma_start3A_101 = tpu.memref_slice %arg8[%add3A_94, %dma_start3A_100] : memref<40x128xi32, #tpu.memory_space<vmem>> -> memref<1x128xi32, #tpu.memory_space<vmem>>
      %dma_start3A_102 = tpu.memref_squeeze %dma_start3A_101 : memref<1x128xi32, #tpu.memory_space<vmem>> -> memref<128xi32, #tpu.memory_space<vmem>>
      %dma_start3A_103 = arith.constant 0 : i32
      %dma_start3A_104 = arith.constant 0 : i32
      %dma_start3A_105 = tpu.memref_slice %arg11[%dma_start3A_103, %dma_start3A_104] : memref<10240x128xf32, #tpu.memory_space<vmem_shared>> -> memref<10240x128xf32, #tpu.memory_space<vmem_shared>>
      tpu.enqueue_indirect_dma source(%arg9 : memref<128x128xf32, #tpu.memory_space<vmem>>) target(%dma_start3A_105 : memref<10240x128xf32, #tpu.memory_space<vmem_shared>>) offsets(%dma_start3A_102 : memref<128xi32, #tpu.memory_space<vmem>>) semaphore(%arg14 : memref<!tpu.dma_semaphore, #tpu.memory_space<semaphore_mem>>) {add = true}
      %dma_wait3A_106 = arith.constant 0 : i32
      %dma_wait3A_107 = tpu.memref_slice %arg8[%add3A_94, %dma_wait3A_106] : memref<40x128xi32, #tpu.memory_space<vmem>> -> memref<1x128xi32, #tpu.memory_space<vmem>>
      %dma_wait3A_108 = tpu.memref_squeeze %dma_wait3A_107 : memref<1x128xi32, #tpu.memory_space<vmem>> -> memref<128xi32, #tpu.memory_space<vmem>>
      %dma_wait3A_109 = arith.constant 0 : i32
      %dma_wait3A_110 = arith.constant 0 : i32
      %dma_wait3A_111 = tpu.memref_slice %arg11[%dma_wait3A_109, %dma_wait3A_110] : memref<10240x128xf32, #tpu.memory_space<vmem_shared>> -> memref<10240x128xf32, #tpu.memory_space<vmem_shared>>
      tpu.wait_indirect_dma semaphore(%arg14 : memref<!tpu.dma_semaphore, #tpu.memory_space<semaphore_mem>>) src(%arg9 : memref<128x128xf32, #tpu.memory_space<vmem>>) dst(%dma_wait3A_111 : memref<10240x128xf32, #tpu.memory_space<vmem_shared>>)
      %add3A_112 = arith.constant 2 : i32
      %add3A_113 = arith.addi %add3A_94, %add3A_112 : i32
      %lt3A = arith.constant 40 : i32
      %lt3A_114 = arith.cmpi slt, %add3A_113, %lt3A : i32
      %convert_element_type3A = arith.extui %lt3A_114 : i1 to i32
      %cond3A = arith.constant 0 : i32
      %cond3A_115 = arith.cmpi ne, %convert_element_type3A, %cond3A : i32
      scf.if %cond3A_115 {
        %add3A_144 = arith.constant 2 : i32
        %add3A_145 = arith.addi %add3A_94, %add3A_144 : i32
        %dma_start3A_146 = arith.constant 0 : i32
        %dma_start3A_147 = tpu.memref_slice %arg7[%add3A_145, %dma_start3A_146] : memref<40x128xi32, #tpu.memory_space<vmem>> -> memref<1x128xi32, #tpu.memory_space<vmem>>
        %dma_start3A_148 = tpu.memref_squeeze %dma_start3A_147 : memref<1x128xi32, #tpu.memory_space<vmem>> -> memref<128xi32, #tpu.memory_space<vmem>>
        %dma_start3A_149 = arith.constant 0 : i32
        %dma_start3A_150 = arith.constant 0 : i32
        %dma_start3A_151 = tpu.memref_slice %arg2[%dma_start3A_149, %dma_start3A_150] : memref<10000x128xf32, #tpu.memory_space<hbm>> -> memref<10000x128xf32, #tpu.memory_space<hbm>>
        tpu.enqueue_indirect_dma source(%dma_start3A_151 : memref<10000x128xf32, #tpu.memory_space<hbm>>) target(%arg9 : memref<128x128xf32, #tpu.memory_space<vmem>>) offsets(%dma_start3A_148 : memref<128xi32, #tpu.memory_space<vmem>>) semaphore(%arg12 : memref<!tpu.dma_semaphore, #tpu.memory_space<semaphore_mem>>)
      } else {
      }
      %add3A_116 = arith.constant 1 : i32
      %add3A_117 = arith.addi %mul3A_93, %add3A_116 : i32
      %dma_wait3A_118 = arith.constant 0 : i32
      %dma_wait3A_119 = tpu.memref_slice %arg7[%add3A_117, %dma_wait3A_118] : memref<40x128xi32, #tpu.memory_space<vmem>> -> memref<1x128xi32, #tpu.memory_space<vmem>>
      %dma_wait3A_120 = tpu.memref_squeeze %dma_wait3A_119 : memref<1x128xi32, #tpu.memory_space<vmem>> -> memref<128xi32, #tpu.memory_space<vmem>>
      %dma_wait3A_121 = arith.constant 0 : i32
      %dma_wait3A_122 = arith.constant 0 : i32
      %dma_wait3A_123 = tpu.memref_slice %arg2[%dma_wait3A_121, %dma_wait3A_122] : memref<10000x128xf32, #tpu.memory_space<hbm>> -> memref<10000x128xf32, #tpu.memory_space<hbm>>
      tpu.wait_indirect_dma semaphore(%arg13 : memref<!tpu.dma_semaphore, #tpu.memory_space<semaphore_mem>>) src(%dma_wait3A_123 : memref<10000x128xf32, #tpu.memory_space<hbm>>) dst(%arg10 : memref<128x128xf32, #tpu.memory_space<vmem>>)
      %dma_start3A_124 = arith.constant 0 : i32
      %dma_start3A_125 = tpu.memref_slice %arg8[%add3A_117, %dma_start3A_124] : memref<40x128xi32, #tpu.memory_space<vmem>> -> memref<1x128xi32, #tpu.memory_space<vmem>>
      %dma_start3A_126 = tpu.memref_squeeze %dma_start3A_125 : memref<1x128xi32, #tpu.memory_space<vmem>> -> memref<128xi32, #tpu.memory_space<vmem>>
      %dma_start3A_127 = arith.constant 0 : i32
      %dma_start3A_128 = arith.constant 0 : i32
      %dma_start3A_129 = tpu.memref_slice %arg11[%dma_start3A_127, %dma_start3A_128] : memref<10240x128xf32, #tpu.memory_space<vmem_shared>> -> memref<10240x128xf32, #tpu.memory_space<vmem_shared>>
      tpu.enqueue_indirect_dma source(%arg10 : memref<128x128xf32, #tpu.memory_space<vmem>>) target(%dma_start3A_129 : memref<10240x128xf32, #tpu.memory_space<vmem_shared>>) offsets(%dma_start3A_126 : memref<128xi32, #tpu.memory_space<vmem>>) semaphore(%arg15 : memref<!tpu.dma_semaphore, #tpu.memory_space<semaphore_mem>>) {add = true}
      %dma_wait3A_130 = arith.constant 0 : i32
      %dma_wait3A_131 = tpu.memref_slice %arg8[%add3A_117, %dma_wait3A_130] : memref<40x128xi32, #tpu.memory_space<vmem>> -> memref<1x128xi32, #tpu.memory_space<vmem>>
      %dma_wait3A_132 = tpu.memref_squeeze %dma_wait3A_131 : memref<1x128xi32, #tpu.memory_space<vmem>> -> memref<128xi32, #tpu.memory_space<vmem>>
      %dma_wait3A_133 = arith.constant 0 : i32
      %dma_wait3A_134 = arith.constant 0 : i32
      %dma_wait3A_135 = tpu.memref_slice %arg11[%dma_wait3A_133, %dma_wait3A_134] : memref<10240x128xf32, #tpu.memory_space<vmem_shared>> -> memref<10240x128xf32, #tpu.memory_space<vmem_shared>>
      tpu.wait_indirect_dma semaphore(%arg15 : memref<!tpu.dma_semaphore, #tpu.memory_space<semaphore_mem>>) src(%arg10 : memref<128x128xf32, #tpu.memory_space<vmem>>) dst(%dma_wait3A_135 : memref<10240x128xf32, #tpu.memory_space<vmem_shared>>)
      %add3A_136 = arith.constant 2 : i32
      %add3A_137 = arith.addi %add3A_117, %add3A_136 : i32
      %lt3A_138 = arith.constant 40 : i32
      %lt3A_139 = arith.cmpi slt, %add3A_137, %lt3A_138 : i32
      %convert_element_type3A_140 = arith.extui %lt3A_139 : i1 to i32
      %cond3A_141 = arith.constant 0 : i32
      %cond3A_142 = arith.cmpi ne, %convert_element_type3A_140, %cond3A_141 : i32
      scf.if %cond3A_142 {
        %add3A_144 = arith.constant 2 : i32
        %add3A_145 = arith.addi %add3A_117, %add3A_144 : i32
        %dma_start3A_146 = arith.constant 0 : i32
        %dma_start3A_147 = tpu.memref_slice %arg7[%add3A_145, %dma_start3A_146] : memref<40x128xi32, #tpu.memory_space<vmem>> -> memref<1x128xi32, #tpu.memory_space<vmem>>
        %dma_start3A_148 = tpu.memref_squeeze %dma_start3A_147 : memref<1x128xi32, #tpu.memory_space<vmem>> -> memref<128xi32, #tpu.memory_space<vmem>>
        %dma_start3A_149 = arith.constant 0 : i32
        %dma_start3A_150 = arith.constant 0 : i32
        %dma_start3A_151 = tpu.memref_slice %arg2[%dma_start3A_149, %dma_start3A_150] : memref<10000x128xf32, #tpu.memory_space<hbm>> -> memref<10000x128xf32, #tpu.memory_space<hbm>>
        tpu.enqueue_indirect_dma source(%dma_start3A_151 : memref<10000x128xf32, #tpu.memory_space<hbm>>) target(%arg10 : memref<128x128xf32, #tpu.memory_space<vmem>>) offsets(%dma_start3A_148 : memref<128xi32, #tpu.memory_space<vmem>>) semaphore(%arg13 : memref<!tpu.dma_semaphore, #tpu.memory_space<semaphore_mem>>)
      } else {
      }
      %scan3A_143 = arith.constant 0 : i32
      scf.yield %scan3A_143 : i32
    }
    %scan3A_42 = arith.constant 20 : i32
    "tpu.region"() ({
      %run_scoped3A = tpu.sem_alloc : memref<!tpu.dma_semaphore, #tpu.memory_space<semaphore_mem>>
      %dma_start3A_90 = arith.constant 80 : i32
      %dma_start3A_91 = arith.constant 0 : i32
      %dma_start3A_92 = tpu.memref_slice %arg3[%arg1, %dma_start3A_90, %dma_start3A_91] : memref<16x160x128xi32, #tpu.memory_space<hbm>> -> memref<1x40x128xi32, #tpu.memory_space<hbm>>
      %dma_start3A_93 = tpu.memref_squeeze %dma_start3A_92 : memref<1x40x128xi32, #tpu.memory_space<hbm>> -> memref<40x128xi32, #tpu.memory_space<hbm>>
      %dma_start3A_94 = arith.constant 80 : i32
      %dma_start3A_95 = arith.constant 0 : i32
      %dma_start3A_96 = tpu.memref_slice %arg3[%arg1, %dma_start3A_94, %dma_start3A_95] : memref<16x160x128xi32, #tpu.memory_space<hbm>> -> memref<1x40x128xi32, #tpu.memory_space<hbm>>
      %dma_start3A_97 = tpu.memref_squeeze %dma_start3A_96 : memref<1x40x128xi32, #tpu.memory_space<hbm>> -> memref<40x128xi32, #tpu.memory_space<hbm>>
      tpu.enqueue_dma source(%dma_start3A_97 : memref<40x128xi32, #tpu.memory_space<hbm>>) target(%arg7 : memref<40x128xi32, #tpu.memory_space<vmem>>) target_semaphore(%run_scoped3A : memref<!tpu.dma_semaphore, #tpu.memory_space<semaphore_mem>>)
      %dma_wait3A = arith.constant 80 : i32
      %dma_wait3A_98 = arith.constant 0 : i32
      %dma_wait3A_99 = tpu.memref_slice %arg3[%arg1, %dma_wait3A, %dma_wait3A_98] : memref<16x160x128xi32, #tpu.memory_space<hbm>> -> memref<1x40x128xi32, #tpu.memory_space<hbm>>
      %dma_wait3A_100 = tpu.memref_squeeze %dma_wait3A_99 : memref<1x40x128xi32, #tpu.memory_space<hbm>> -> memref<40x128xi32, #tpu.memory_space<hbm>>
      %dma_wait3A_101 = arith.constant 80 : i32
      %dma_wait3A_102 = arith.constant 0 : i32
      %dma_wait3A_103 = tpu.memref_slice %arg3[%arg1, %dma_wait3A_101, %dma_wait3A_102] : memref<16x160x128xi32, #tpu.memory_space<hbm>> -> memref<1x40x128xi32, #tpu.memory_space<hbm>>
      %dma_wait3A_104 = tpu.memref_squeeze %dma_wait3A_103 : memref<1x40x128xi32, #tpu.memory_space<hbm>> -> memref<40x128xi32, #tpu.memory_space<hbm>>
      tpu.wait_dma2 semaphore(%run_scoped3A : memref<!tpu.dma_semaphore, #tpu.memory_space<semaphore_mem>>) src(%dma_wait3A_104 : memref<40x128xi32, #tpu.memory_space<hbm>>) dst(%arg7 : memref<40x128xi32, #tpu.memory_space<vmem>>)
      tpu.yield
    }) : () -> ()
    "tpu.region"() ({
      %run_scoped3A = tpu.sem_alloc : memref<!tpu.dma_semaphore, #tpu.memory_space<semaphore_mem>>
      %dma_start3A_90 = arith.constant 80 : i32
      %dma_start3A_91 = arith.constant 0 : i32
      %dma_start3A_92 = tpu.memref_slice %arg4[%arg1, %dma_start3A_90, %dma_start3A_91] : memref<16x160x128xi32, #tpu.memory_space<hbm>> -> memref<1x40x128xi32, #tpu.memory_space<hbm>>
      %dma_start3A_93 = tpu.memref_squeeze %dma_start3A_92 : memref<1x40x128xi32, #tpu.memory_space<hbm>> -> memref<40x128xi32, #tpu.memory_space<hbm>>
      %dma_start3A_94 = arith.constant 80 : i32
      %dma_start3A_95 = arith.constant 0 : i32
      %dma_start3A_96 = tpu.memref_slice %arg4[%arg1, %dma_start3A_94, %dma_start3A_95] : memref<16x160x128xi32, #tpu.memory_space<hbm>> -> memref<1x40x128xi32, #tpu.memory_space<hbm>>
      %dma_start3A_97 = tpu.memref_squeeze %dma_start3A_96 : memref<1x40x128xi32, #tpu.memory_space<hbm>> -> memref<40x128xi32, #tpu.memory_space<hbm>>
      tpu.enqueue_dma source(%dma_start3A_97 : memref<40x128xi32, #tpu.memory_space<hbm>>) target(%arg8 : memref<40x128xi32, #tpu.memory_space<vmem>>) target_semaphore(%run_scoped3A : memref<!tpu.dma_semaphore, #tpu.memory_space<semaphore_mem>>)
      %dma_wait3A = arith.constant 80 : i32
      %dma_wait3A_98 = arith.constant 0 : i32
      %dma_wait3A_99 = tpu.memref_slice %arg4[%arg1, %dma_wait3A, %dma_wait3A_98] : memref<16x160x128xi32, #tpu.memory_space<hbm>> -> memref<1x40x128xi32, #tpu.memory_space<hbm>>
      %dma_wait3A_100 = tpu.memref_squeeze %dma_wait3A_99 : memref<1x40x128xi32, #tpu.memory_space<hbm>> -> memref<40x128xi32, #tpu.memory_space<hbm>>
      %dma_wait3A_101 = arith.constant 80 : i32
      %dma_wait3A_102 = arith.constant 0 : i32
      %dma_wait3A_103 = tpu.memref_slice %arg4[%arg1, %dma_wait3A_101, %dma_wait3A_102] : memref<16x160x128xi32, #tpu.memory_space<hbm>> -> memref<1x40x128xi32, #tpu.memory_space<hbm>>
      %dma_wait3A_104 = tpu.memref_squeeze %dma_wait3A_103 : memref<1x40x128xi32, #tpu.memory_space<hbm>> -> memref<40x128xi32, #tpu.memory_space<hbm>>
      tpu.wait_dma2 semaphore(%run_scoped3A : memref<!tpu.dma_semaphore, #tpu.memory_space<semaphore_mem>>) src(%dma_wait3A_104 : memref<40x128xi32, #tpu.memory_space<hbm>>) dst(%arg8 : memref<40x128xi32, #tpu.memory_space<vmem>>)
      tpu.yield
    }) : () -> ()
    %dma_start3A_43 = arith.constant 0 : i32
    %dma_start3A_44 = arith.constant 0 : i32
    %dma_start3A_45 = tpu.memref_slice %arg7[%dma_start3A_43, %dma_start3A_44] : memref<40x128xi32, #tpu.memory_space<vmem>> -> memref<1x128xi32, #tpu.memory_space<vmem>>
    %dma_start3A_46 = tpu.memref_squeeze %dma_start3A_45 : memref<1x128xi32, #tpu.memory_space<vmem>> -> memref<128xi32, #tpu.memory_space<vmem>>
    %dma_start3A_47 = arith.constant 0 : i32
    %dma_start3A_48 = arith.constant 0 : i32
    %dma_start3A_49 = tpu.memref_slice %arg2[%dma_start3A_47, %dma_start3A_48] : memref<10000x128xf32, #tpu.memory_space<hbm>> -> memref<10000x128xf32, #tpu.memory_space<hbm>>
    tpu.enqueue_indirect_dma source(%dma_start3A_49 : memref<10000x128xf32, #tpu.memory_space<hbm>>) target(%arg9 : memref<128x128xf32, #tpu.memory_space<vmem>>) offsets(%dma_start3A_46 : memref<128xi32, #tpu.memory_space<vmem>>) semaphore(%arg12 : memref<!tpu.dma_semaphore, #tpu.memory_space<semaphore_mem>>)
    %dma_start3A_50 = arith.constant 1 : i32
    %dma_start3A_51 = arith.constant 0 : i32
    %dma_start3A_52 = tpu.memref_slice %arg7[%dma_start3A_50, %dma_start3A_51] : memref<40x128xi32, #tpu.memory_space<vmem>> -> memref<1x128xi32, #tpu.memory_space<vmem>>
    %dma_start3A_53 = tpu.memref_squeeze %dma_start3A_52 : memref<1x128xi32, #tpu.memory_space<vmem>> -> memref<128xi32, #tpu.memory_space<vmem>>
    %dma_start3A_54 = arith.constant 0 : i32
    %dma_start3A_55 = arith.constant 0 : i32
    %dma_start3A_56 = tpu.memref_slice %arg2[%dma_start3A_54, %dma_start3A_55] : memref<10000x128xf32, #tpu.memory_space<hbm>> -> memref<10000x128xf32, #tpu.memory_space<hbm>>
    tpu.enqueue_indirect_dma source(%dma_start3A_56 : memref<10000x128xf32, #tpu.memory_space<hbm>>) target(%arg10 : memref<128x128xf32, #tpu.memory_space<vmem>>) offsets(%dma_start3A_53 : memref<128xi32, #tpu.memory_space<vmem>>) semaphore(%arg13 : memref<!tpu.dma_semaphore, #tpu.memory_space<semaphore_mem>>)
    %scan3A_57 = arith.constant 0 : i32
    %scan3A_58 = arith.constant 0 : i32
    %scan3A_59 = arith.constant 20 : i32
    %scan3A_60 = arith.addi %scan3A_58, %scan3A_59 : i32
    %scan3A_61 = arith.constant 1 : i32
    %scan3A_62 = scf.for %scan3A_90 = %scan3A_58 to %scan3A_60 step %scan3A_61 iter_args(%scan3A_91 = %scan3A_57) -> (i32)  : i32 {
      %mul3A_92 = arith.constant 2 : i32
      %mul3A_93 = arith.muli %scan3A_90, %mul3A_92 : i32
      %add3A = arith.constant 0 : i32
      %add3A_94 = arith.addi %mul3A_93, %add3A : i32
      %dma_wait3A = arith.constant 0 : i32
      %dma_wait3A_95 = tpu.memref_slice %arg7[%add3A_94, %dma_wait3A] : memref<40x128xi32, #tpu.memory_space<vmem>> -> memref<1x128xi32, #tpu.memory_space<vmem>>
      %dma_wait3A_96 = tpu.memref_squeeze %dma_wait3A_95 : memref<1x128xi32, #tpu.memory_space<vmem>> -> memref<128xi32, #tpu.memory_space<vmem>>
      %dma_wait3A_97 = arith.constant 0 : i32
      %dma_wait3A_98 = arith.constant 0 : i32
      %dma_wait3A_99 = tpu.memref_slice %arg2[%dma_wait3A_97, %dma_wait3A_98] : memref<10000x128xf32, #tpu.memory_space<hbm>> -> memref<10000x128xf32, #tpu.memory_space<hbm>>
      tpu.wait_indirect_dma semaphore(%arg12 : memref<!tpu.dma_semaphore, #tpu.memory_space<semaphore_mem>>) src(%dma_wait3A_99 : memref<10000x128xf32, #tpu.memory_space<hbm>>) dst(%arg9 : memref<128x128xf32, #tpu.memory_space<vmem>>)
      %dma_start3A_100 = arith.constant 0 : i32
      %dma_start3A_101 = tpu.memref_slice %arg8[%add3A_94, %dma_start3A_100] : memref<40x128xi32, #tpu.memory_space<vmem>> -> memref<1x128xi32, #tpu.memory_space<vmem>>
      %dma_start3A_102 = tpu.memref_squeeze %dma_start3A_101 : memref<1x128xi32, #tpu.memory_space<vmem>> -> memref<128xi32, #tpu.memory_space<vmem>>
      %dma_start3A_103 = arith.constant 0 : i32
      %dma_start3A_104 = arith.constant 0 : i32
      %dma_start3A_105 = tpu.memref_slice %arg11[%dma_start3A_103, %dma_start3A_104] : memref<10240x128xf32, #tpu.memory_space<vmem_shared>> -> memref<10240x128xf32, #tpu.memory_space<vmem_shared>>
      tpu.enqueue_indirect_dma source(%arg9 : memref<128x128xf32, #tpu.memory_space<vmem>>) target(%dma_start3A_105 : memref<10240x128xf32, #tpu.memory_space<vmem_shared>>) offsets(%dma_start3A_102 : memref<128xi32, #tpu.memory_space<vmem>>) semaphore(%arg14 : memref<!tpu.dma_semaphore, #tpu.memory_space<semaphore_mem>>) {add = true}
      %dma_wait3A_106 = arith.constant 0 : i32
      %dma_wait3A_107 = tpu.memref_slice %arg8[%add3A_94, %dma_wait3A_106] : memref<40x128xi32, #tpu.memory_space<vmem>> -> memref<1x128xi32, #tpu.memory_space<vmem>>
      %dma_wait3A_108 = tpu.memref_squeeze %dma_wait3A_107 : memref<1x128xi32, #tpu.memory_space<vmem>> -> memref<128xi32, #tpu.memory_space<vmem>>
      %dma_wait3A_109 = arith.constant 0 : i32
      %dma_wait3A_110 = arith.constant 0 : i32
      %dma_wait3A_111 = tpu.memref_slice %arg11[%dma_wait3A_109, %dma_wait3A_110] : memref<10240x128xf32, #tpu.memory_space<vmem_shared>> -> memref<10240x128xf32, #tpu.memory_space<vmem_shared>>
      tpu.wait_indirect_dma semaphore(%arg14 : memref<!tpu.dma_semaphore, #tpu.memory_space<semaphore_mem>>) src(%arg9 : memref<128x128xf32, #tpu.memory_space<vmem>>) dst(%dma_wait3A_111 : memref<10240x128xf32, #tpu.memory_space<vmem_shared>>)
      %add3A_112 = arith.constant 2 : i32
      %add3A_113 = arith.addi %add3A_94, %add3A_112 : i32
      %lt3A = arith.constant 40 : i32
      %lt3A_114 = arith.cmpi slt, %add3A_113, %lt3A : i32
      %convert_element_type3A = arith.extui %lt3A_114 : i1 to i32
      %cond3A = arith.constant 0 : i32
      %cond3A_115 = arith.cmpi ne, %convert_element_type3A, %cond3A : i32
      scf.if %cond3A_115 {
        %add3A_144 = arith.constant 2 : i32
        %add3A_145 = arith.addi %add3A_94, %add3A_144 : i32
        %dma_start3A_146 = arith.constant 0 : i32
        %dma_start3A_147 = tpu.memref_slice %arg7[%add3A_145, %dma_start3A_146] : memref<40x128xi32, #tpu.memory_space<vmem>> -> memref<1x128xi32, #tpu.memory_space<vmem>>
        %dma_start3A_148 = tpu.memref_squeeze %dma_start3A_147 : memref<1x128xi32, #tpu.memory_space<vmem>> -> memref<128xi32, #tpu.memory_space<vmem>>
        %dma_start3A_149 = arith.constant 0 : i32
        %dma_start3A_150 = arith.constant 0 : i32
        %dma_start3A_151 = tpu.memref_slice %arg2[%dma_start3A_149, %dma_start3A_150] : memref<10000x128xf32, #tpu.memory_space<hbm>> -> memref<10000x128xf32, #tpu.memory_space<hbm>>
        tpu.enqueue_indirect_dma source(%dma_start3A_151 : memref<10000x128xf32, #tpu.memory_space<hbm>>) target(%arg9 : memref<128x128xf32, #tpu.memory_space<vmem>>) offsets(%dma_start3A_148 : memref<128xi32, #tpu.memory_space<vmem>>) semaphore(%arg12 : memref<!tpu.dma_semaphore, #tpu.memory_space<semaphore_mem>>)
      } else {
      }
      %add3A_116 = arith.constant 1 : i32
      %add3A_117 = arith.addi %mul3A_93, %add3A_116 : i32
      %dma_wait3A_118 = arith.constant 0 : i32
      %dma_wait3A_119 = tpu.memref_slice %arg7[%add3A_117, %dma_wait3A_118] : memref<40x128xi32, #tpu.memory_space<vmem>> -> memref<1x128xi32, #tpu.memory_space<vmem>>
      %dma_wait3A_120 = tpu.memref_squeeze %dma_wait3A_119 : memref<1x128xi32, #tpu.memory_space<vmem>> -> memref<128xi32, #tpu.memory_space<vmem>>
      %dma_wait3A_121 = arith.constant 0 : i32
      %dma_wait3A_122 = arith.constant 0 : i32
      %dma_wait3A_123 = tpu.memref_slice %arg2[%dma_wait3A_121, %dma_wait3A_122] : memref<10000x128xf32, #tpu.memory_space<hbm>> -> memref<10000x128xf32, #tpu.memory_space<hbm>>
      tpu.wait_indirect_dma semaphore(%arg13 : memref<!tpu.dma_semaphore, #tpu.memory_space<semaphore_mem>>) src(%dma_wait3A_123 : memref<10000x128xf32, #tpu.memory_space<hbm>>) dst(%arg10 : memref<128x128xf32, #tpu.memory_space<vmem>>)
      %dma_start3A_124 = arith.constant 0 : i32
      %dma_start3A_125 = tpu.memref_slice %arg8[%add3A_117, %dma_start3A_124] : memref<40x128xi32, #tpu.memory_space<vmem>> -> memref<1x128xi32, #tpu.memory_space<vmem>>
      %dma_start3A_126 = tpu.memref_squeeze %dma_start3A_125 : memref<1x128xi32, #tpu.memory_space<vmem>> -> memref<128xi32, #tpu.memory_space<vmem>>
      %dma_start3A_127 = arith.constant 0 : i32
      %dma_start3A_128 = arith.constant 0 : i32
      %dma_start3A_129 = tpu.memref_slice %arg11[%dma_start3A_127, %dma_start3A_128] : memref<10240x128xf32, #tpu.memory_space<vmem_shared>> -> memref<10240x128xf32, #tpu.memory_space<vmem_shared>>
      tpu.enqueue_indirect_dma source(%arg10 : memref<128x128xf32, #tpu.memory_space<vmem>>) target(%dma_start3A_129 : memref<10240x128xf32, #tpu.memory_space<vmem_shared>>) offsets(%dma_start3A_126 : memref<128xi32, #tpu.memory_space<vmem>>) semaphore(%arg15 : memref<!tpu.dma_semaphore, #tpu.memory_space<semaphore_mem>>) {add = true}
      %dma_wait3A_130 = arith.constant 0 : i32
      %dma_wait3A_131 = tpu.memref_slice %arg8[%add3A_117, %dma_wait3A_130] : memref<40x128xi32, #tpu.memory_space<vmem>> -> memref<1x128xi32, #tpu.memory_space<vmem>>
      %dma_wait3A_132 = tpu.memref_squeeze %dma_wait3A_131 : memref<1x128xi32, #tpu.memory_space<vmem>> -> memref<128xi32, #tpu.memory_space<vmem>>
      %dma_wait3A_133 = arith.constant 0 : i32
      %dma_wait3A_134 = arith.constant 0 : i32
      %dma_wait3A_135 = tpu.memref_slice %arg11[%dma_wait3A_133, %dma_wait3A_134] : memref<10240x128xf32, #tpu.memory_space<vmem_shared>> -> memref<10240x128xf32, #tpu.memory_space<vmem_shared>>
      tpu.wait_indirect_dma semaphore(%arg15 : memref<!tpu.dma_semaphore, #tpu.memory_space<semaphore_mem>>) src(%arg10 : memref<128x128xf32, #tpu.memory_space<vmem>>) dst(%dma_wait3A_135 : memref<10240x128xf32, #tpu.memory_space<vmem_shared>>)
      %add3A_136 = arith.constant 2 : i32
      %add3A_137 = arith.addi %add3A_117, %add3A_136 : i32
      %lt3A_138 = arith.constant 40 : i32
      %lt3A_139 = arith.cmpi slt, %add3A_137, %lt3A_138 : i32
      %convert_element_type3A_140 = arith.extui %lt3A_139 : i1 to i32
      %cond3A_141 = arith.constant 0 : i32
      %cond3A_142 = arith.cmpi ne, %convert_element_type3A_140, %cond3A_141 : i32
      scf.if %cond3A_142 {
        %add3A_144 = arith.constant 2 : i32
        %add3A_145 = arith.addi %add3A_117, %add3A_144 : i32
        %dma_start3A_146 = arith.constant 0 : i32
        %dma_start3A_147 = tpu.memref_slice %arg7[%add3A_145, %dma_start3A_146] : memref<40x128xi32, #tpu.memory_space<vmem>> -> memref<1x128xi32, #tpu.memory_space<vmem>>
        %dma_start3A_148 = tpu.memref_squeeze %dma_start3A_147 : memref<1x128xi32, #tpu.memory_space<vmem>> -> memref<128xi32, #tpu.memory_space<vmem>>
        %dma_start3A_149 = arith.constant 0 : i32
        %dma_start3A_150 = arith.constant 0 : i32
        %dma_start3A_151 = tpu.memref_slice %arg2[%dma_start3A_149, %dma_start3A_150] : memref<10000x128xf32, #tpu.memory_space<hbm>> -> memref<10000x128xf32, #tpu.memory_space<hbm>>
        tpu.enqueue_indirect_dma source(%dma_start3A_151 : memref<10000x128xf32, #tpu.memory_space<hbm>>) target(%arg10 : memref<128x128xf32, #tpu.memory_space<vmem>>) offsets(%dma_start3A_148 : memref<128xi32, #tpu.memory_space<vmem>>) semaphore(%arg13 : memref<!tpu.dma_semaphore, #tpu.memory_space<semaphore_mem>>)
      } else {
      }
      %scan3A_143 = arith.constant 0 : i32
      scf.yield %scan3A_143 : i32
    }
    %scan3A_63 = arith.constant 20 : i32
    "tpu.region"() ({
      %run_scoped3A = tpu.sem_alloc : memref<!tpu.dma_semaphore, #tpu.memory_space<semaphore_mem>>
      %dma_start3A_90 = arith.constant 120 : i32
      %dma_start3A_91 = arith.constant 0 : i32
      %dma_start3A_92 = tpu.memref_slice %arg3[%arg1, %dma_start3A_90, %dma_start3A_91] : memref<16x160x128xi32, #tpu.memory_space<hbm>> -> memref<1x40x128xi32, #tpu.memory_space<hbm>>
      %dma_start3A_93 = tpu.memref_squeeze %dma_start3A_92 : memref<1x40x128xi32, #tpu.memory_space<hbm>> -> memref<40x128xi32, #tpu.memory_space<hbm>>
      %dma_start3A_94 = arith.constant 120 : i32
      %dma_start3A_95 = arith.constant 0 : i32
      %dma_start3A_96 = tpu.memref_slice %arg3[%arg1, %dma_start3A_94, %dma_start3A_95] : memref<16x160x128xi32, #tpu.memory_space<hbm>> -> memref<1x40x128xi32, #tpu.memory_space<hbm>>
      %dma_start3A_97 = tpu.memref_squeeze %dma_start3A_96 : memref<1x40x128xi32, #tpu.memory_space<hbm>> -> memref<40x128xi32, #tpu.memory_space<hbm>>
      tpu.enqueue_dma source(%dma_start3A_97 : memref<40x128xi32, #tpu.memory_space<hbm>>) target(%arg7 : memref<40x128xi32, #tpu.memory_space<vmem>>) target_semaphore(%run_scoped3A : memref<!tpu.dma_semaphore, #tpu.memory_space<semaphore_mem>>)
      %dma_wait3A = arith.constant 120 : i32
      %dma_wait3A_98 = arith.constant 0 : i32
      %dma_wait3A_99 = tpu.memref_slice %arg3[%arg1, %dma_wait3A, %dma_wait3A_98] : memref<16x160x128xi32, #tpu.memory_space<hbm>> -> memref<1x40x128xi32, #tpu.memory_space<hbm>>
      %dma_wait3A_100 = tpu.memref_squeeze %dma_wait3A_99 : memref<1x40x128xi32, #tpu.memory_space<hbm>> -> memref<40x128xi32, #tpu.memory_space<hbm>>
      %dma_wait3A_101 = arith.constant 120 : i32
      %dma_wait3A_102 = arith.constant 0 : i32
      %dma_wait3A_103 = tpu.memref_slice %arg3[%arg1, %dma_wait3A_101, %dma_wait3A_102] : memref<16x160x128xi32, #tpu.memory_space<hbm>> -> memref<1x40x128xi32, #tpu.memory_space<hbm>>
      %dma_wait3A_104 = tpu.memref_squeeze %dma_wait3A_103 : memref<1x40x128xi32, #tpu.memory_space<hbm>> -> memref<40x128xi32, #tpu.memory_space<hbm>>
      tpu.wait_dma2 semaphore(%run_scoped3A : memref<!tpu.dma_semaphore, #tpu.memory_space<semaphore_mem>>) src(%dma_wait3A_104 : memref<40x128xi32, #tpu.memory_space<hbm>>) dst(%arg7 : memref<40x128xi32, #tpu.memory_space<vmem>>)
      tpu.yield
    }) : () -> ()
    "tpu.region"() ({
      %run_scoped3A = tpu.sem_alloc : memref<!tpu.dma_semaphore, #tpu.memory_space<semaphore_mem>>
      %dma_start3A_90 = arith.constant 120 : i32
      %dma_start3A_91 = arith.constant 0 : i32
      %dma_start3A_92 = tpu.memref_slice %arg4[%arg1, %dma_start3A_90, %dma_start3A_91] : memref<16x160x128xi32, #tpu.memory_space<hbm>> -> memref<1x40x128xi32, #tpu.memory_space<hbm>>
      %dma_start3A_93 = tpu.memref_squeeze %dma_start3A_92 : memref<1x40x128xi32, #tpu.memory_space<hbm>> -> memref<40x128xi32, #tpu.memory_space<hbm>>
      %dma_start3A_94 = arith.constant 120 : i32
      %dma_start3A_95 = arith.constant 0 : i32
      %dma_start3A_96 = tpu.memref_slice %arg4[%arg1, %dma_start3A_94, %dma_start3A_95] : memref<16x160x128xi32, #tpu.memory_space<hbm>> -> memref<1x40x128xi32, #tpu.memory_space<hbm>>
      %dma_start3A_97 = tpu.memref_squeeze %dma_start3A_96 : memref<1x40x128xi32, #tpu.memory_space<hbm>> -> memref<40x128xi32, #tpu.memory_space<hbm>>
      tpu.enqueue_dma source(%dma_start3A_97 : memref<40x128xi32, #tpu.memory_space<hbm>>) target(%arg8 : memref<40x128xi32, #tpu.memory_space<vmem>>) target_semaphore(%run_scoped3A : memref<!tpu.dma_semaphore, #tpu.memory_space<semaphore_mem>>)
      %dma_wait3A = arith.constant 120 : i32
      %dma_wait3A_98 = arith.constant 0 : i32
      %dma_wait3A_99 = tpu.memref_slice %arg4[%arg1, %dma_wait3A, %dma_wait3A_98] : memref<16x160x128xi32, #tpu.memory_space<hbm>> -> memref<1x40x128xi32, #tpu.memory_space<hbm>>
      %dma_wait3A_100 = tpu.memref_squeeze %dma_wait3A_99 : memref<1x40x128xi32, #tpu.memory_space<hbm>> -> memref<40x128xi32, #tpu.memory_space<hbm>>
      %dma_wait3A_101 = arith.constant 120 : i32
      %dma_wait3A_102 = arith.constant 0 : i32
      %dma_wait3A_103 = tpu.memref_slice %arg4[%arg1, %dma_wait3A_101, %dma_wait3A_102] : memref<16x160x128xi32, #tpu.memory_space<hbm>> -> memref<1x40x128xi32, #tpu.memory_space<hbm>>
      %dma_wait3A_104 = tpu.memref_squeeze %dma_wait3A_103 : memref<1x40x128xi32, #tpu.memory_space<hbm>> -> memref<40x128xi32, #tpu.memory_space<hbm>>
      tpu.wait_dma2 semaphore(%run_scoped3A : memref<!tpu.dma_semaphore, #tpu.memory_space<semaphore_mem>>) src(%dma_wait3A_104 : memref<40x128xi32, #tpu.memory_space<hbm>>) dst(%arg8 : memref<40x128xi32, #tpu.memory_space<vmem>>)
      tpu.yield
    }) : () -> ()
    %dma_start3A_64 = arith.constant 0 : i32
    %dma_start3A_65 = arith.constant 0 : i32
    %dma_start3A_66 = tpu.memref_slice %arg7[%dma_start3A_64, %dma_start3A_65] : memref<40x128xi32, #tpu.memory_space<vmem>> -> memref<1x128xi32, #tpu.memory_space<vmem>>
    %dma_start3A_67 = tpu.memref_squeeze %dma_start3A_66 : memref<1x128xi32, #tpu.memory_space<vmem>> -> memref<128xi32, #tpu.memory_space<vmem>>
    %dma_start3A_68 = arith.constant 0 : i32
    %dma_start3A_69 = arith.constant 0 : i32
    %dma_start3A_70 = tpu.memref_slice %arg2[%dma_start3A_68, %dma_start3A_69] : memref<10000x128xf32, #tpu.memory_space<hbm>> -> memref<10000x128xf32, #tpu.memory_space<hbm>>
    tpu.enqueue_indirect_dma source(%dma_start3A_70 : memref<10000x128xf32, #tpu.memory_space<hbm>>) target(%arg9 : memref<128x128xf32, #tpu.memory_space<vmem>>) offsets(%dma_start3A_67 : memref<128xi32, #tpu.memory_space<vmem>>) semaphore(%arg12 : memref<!tpu.dma_semaphore, #tpu.memory_space<semaphore_mem>>)
    %dma_start3A_71 = arith.constant 1 : i32
    %dma_start3A_72 = arith.constant 0 : i32
    %dma_start3A_73 = tpu.memref_slice %arg7[%dma_start3A_71, %dma_start3A_72] : memref<40x128xi32, #tpu.memory_space<vmem>> -> memref<1x128xi32, #tpu.memory_space<vmem>>
    %dma_start3A_74 = tpu.memref_squeeze %dma_start3A_73 : memref<1x128xi32, #tpu.memory_space<vmem>> -> memref<128xi32, #tpu.memory_space<vmem>>
    %dma_start3A_75 = arith.constant 0 : i32
    %dma_start3A_76 = arith.constant 0 : i32
    %dma_start3A_77 = tpu.memref_slice %arg2[%dma_start3A_75, %dma_start3A_76] : memref<10000x128xf32, #tpu.memory_space<hbm>> -> memref<10000x128xf32, #tpu.memory_space<hbm>>
    tpu.enqueue_indirect_dma source(%dma_start3A_77 : memref<10000x128xf32, #tpu.memory_space<hbm>>) target(%arg10 : memref<128x128xf32, #tpu.memory_space<vmem>>) offsets(%dma_start3A_74 : memref<128xi32, #tpu.memory_space<vmem>>) semaphore(%arg13 : memref<!tpu.dma_semaphore, #tpu.memory_space<semaphore_mem>>)
    %scan3A_78 = arith.constant 0 : i32
    %scan3A_79 = arith.constant 0 : i32
    %scan3A_80 = arith.constant 20 : i32
    %scan3A_81 = arith.addi %scan3A_79, %scan3A_80 : i32
    %scan3A_82 = arith.constant 1 : i32
    %scan3A_83 = scf.for %scan3A_90 = %scan3A_79 to %scan3A_81 step %scan3A_82 iter_args(%scan3A_91 = %scan3A_78) -> (i32)  : i32 {
      %mul3A_92 = arith.constant 2 : i32
      %mul3A_93 = arith.muli %scan3A_90, %mul3A_92 : i32
      %add3A = arith.constant 0 : i32
      %add3A_94 = arith.addi %mul3A_93, %add3A : i32
      %dma_wait3A = arith.constant 0 : i32
      %dma_wait3A_95 = tpu.memref_slice %arg7[%add3A_94, %dma_wait3A] : memref<40x128xi32, #tpu.memory_space<vmem>> -> memref<1x128xi32, #tpu.memory_space<vmem>>
      %dma_wait3A_96 = tpu.memref_squeeze %dma_wait3A_95 : memref<1x128xi32, #tpu.memory_space<vmem>> -> memref<128xi32, #tpu.memory_space<vmem>>
      %dma_wait3A_97 = arith.constant 0 : i32
      %dma_wait3A_98 = arith.constant 0 : i32
      %dma_wait3A_99 = tpu.memref_slice %arg2[%dma_wait3A_97, %dma_wait3A_98] : memref<10000x128xf32, #tpu.memory_space<hbm>> -> memref<10000x128xf32, #tpu.memory_space<hbm>>
      tpu.wait_indirect_dma semaphore(%arg12 : memref<!tpu.dma_semaphore, #tpu.memory_space<semaphore_mem>>) src(%dma_wait3A_99 : memref<10000x128xf32, #tpu.memory_space<hbm>>) dst(%arg9 : memref<128x128xf32, #tpu.memory_space<vmem>>)
      %dma_start3A_100 = arith.constant 0 : i32
      %dma_start3A_101 = tpu.memref_slice %arg8[%add3A_94, %dma_start3A_100] : memref<40x128xi32, #tpu.memory_space<vmem>> -> memref<1x128xi32, #tpu.memory_space<vmem>>
      %dma_start3A_102 = tpu.memref_squeeze %dma_start3A_101 : memref<1x128xi32, #tpu.memory_space<vmem>> -> memref<128xi32, #tpu.memory_space<vmem>>
      %dma_start3A_103 = arith.constant 0 : i32
      %dma_start3A_104 = arith.constant 0 : i32
      %dma_start3A_105 = tpu.memref_slice %arg11[%dma_start3A_103, %dma_start3A_104] : memref<10240x128xf32, #tpu.memory_space<vmem_shared>> -> memref<10240x128xf32, #tpu.memory_space<vmem_shared>>
      tpu.enqueue_indirect_dma source(%arg9 : memref<128x128xf32, #tpu.memory_space<vmem>>) target(%dma_start3A_105 : memref<10240x128xf32, #tpu.memory_space<vmem_shared>>) offsets(%dma_start3A_102 : memref<128xi32, #tpu.memory_space<vmem>>) semaphore(%arg14 : memref<!tpu.dma_semaphore, #tpu.memory_space<semaphore_mem>>) {add = true}
      %dma_wait3A_106 = arith.constant 0 : i32
      %dma_wait3A_107 = tpu.memref_slice %arg8[%add3A_94, %dma_wait3A_106] : memref<40x128xi32, #tpu.memory_space<vmem>> -> memref<1x128xi32, #tpu.memory_space<vmem>>
      %dma_wait3A_108 = tpu.memref_squeeze %dma_wait3A_107 : memref<1x128xi32, #tpu.memory_space<vmem>> -> memref<128xi32, #tpu.memory_space<vmem>>
      %dma_wait3A_109 = arith.constant 0 : i32
      %dma_wait3A_110 = arith.constant 0 : i32
      %dma_wait3A_111 = tpu.memref_slice %arg11[%dma_wait3A_109, %dma_wait3A_110] : memref<10240x128xf32, #tpu.memory_space<vmem_shared>> -> memref<10240x128xf32, #tpu.memory_space<vmem_shared>>
      tpu.wait_indirect_dma semaphore(%arg14 : memref<!tpu.dma_semaphore, #tpu.memory_space<semaphore_mem>>) src(%arg9 : memref<128x128xf32, #tpu.memory_space<vmem>>) dst(%dma_wait3A_111 : memref<10240x128xf32, #tpu.memory_space<vmem_shared>>)
      %add3A_112 = arith.constant 2 : i32
      %add3A_113 = arith.addi %add3A_94, %add3A_112 : i32
      %lt3A = arith.constant 40 : i32
      %lt3A_114 = arith.cmpi slt, %add3A_113, %lt3A : i32
      %convert_element_type3A = arith.extui %lt3A_114 : i1 to i32
      %cond3A = arith.constant 0 : i32
      %cond3A_115 = arith.cmpi ne, %convert_element_type3A, %cond3A : i32
      scf.if %cond3A_115 {
        %add3A_144 = arith.constant 2 : i32
        %add3A_145 = arith.addi %add3A_94, %add3A_144 : i32
        %dma_start3A_146 = arith.constant 0 : i32
        %dma_start3A_147 = tpu.memref_slice %arg7[%add3A_145, %dma_start3A_146] : memref<40x128xi32, #tpu.memory_space<vmem>> -> memref<1x128xi32, #tpu.memory_space<vmem>>
        %dma_start3A_148 = tpu.memref_squeeze %dma_start3A_147 : memref<1x128xi32, #tpu.memory_space<vmem>> -> memref<128xi32, #tpu.memory_space<vmem>>
        %dma_start3A_149 = arith.constant 0 : i32
        %dma_start3A_150 = arith.constant 0 : i32
        %dma_start3A_151 = tpu.memref_slice %arg2[%dma_start3A_149, %dma_start3A_150] : memref<10000x128xf32, #tpu.memory_space<hbm>> -> memref<10000x128xf32, #tpu.memory_space<hbm>>
        tpu.enqueue_indirect_dma source(%dma_start3A_151 : memref<10000x128xf32, #tpu.memory_space<hbm>>) target(%arg9 : memref<128x128xf32, #tpu.memory_space<vmem>>) offsets(%dma_start3A_148 : memref<128xi32, #tpu.memory_space<vmem>>) semaphore(%arg12 : memref<!tpu.dma_semaphore, #tpu.memory_space<semaphore_mem>>)
      } else {
      }
      %add3A_116 = arith.constant 1 : i32
      %add3A_117 = arith.addi %mul3A_93, %add3A_116 : i32
      %dma_wait3A_118 = arith.constant 0 : i32
      %dma_wait3A_119 = tpu.memref_slice %arg7[%add3A_117, %dma_wait3A_118] : memref<40x128xi32, #tpu.memory_space<vmem>> -> memref<1x128xi32, #tpu.memory_space<vmem>>
      %dma_wait3A_120 = tpu.memref_squeeze %dma_wait3A_119 : memref<1x128xi32, #tpu.memory_space<vmem>> -> memref<128xi32, #tpu.memory_space<vmem>>
      %dma_wait3A_121 = arith.constant 0 : i32
      %dma_wait3A_122 = arith.constant 0 : i32
      %dma_wait3A_123 = tpu.memref_slice %arg2[%dma_wait3A_121, %dma_wait3A_122] : memref<10000x128xf32, #tpu.memory_space<hbm>> -> memref<10000x128xf32, #tpu.memory_space<hbm>>
      tpu.wait_indirect_dma semaphore(%arg13 : memref<!tpu.dma_semaphore, #tpu.memory_space<semaphore_mem>>) src(%dma_wait3A_123 : memref<10000x128xf32, #tpu.memory_space<hbm>>) dst(%arg10 : memref<128x128xf32, #tpu.memory_space<vmem>>)
      %dma_start3A_124 = arith.constant 0 : i32
      %dma_start3A_125 = tpu.memref_slice %arg8[%add3A_117, %dma_start3A_124] : memref<40x128xi32, #tpu.memory_space<vmem>> -> memref<1x128xi32, #tpu.memory_space<vmem>>
      %dma_start3A_126 = tpu.memref_squeeze %dma_start3A_125 : memref<1x128xi32, #tpu.memory_space<vmem>> -> memref<128xi32, #tpu.memory_space<vmem>>
      %dma_start3A_127 = arith.constant 0 : i32
      %dma_start3A_128 = arith.constant 0 : i32
      %dma_start3A_129 = tpu.memref_slice %arg11[%dma_start3A_127, %dma_start3A_128] : memref<10240x128xf32, #tpu.memory_space<vmem_shared>> -> memref<10240x128xf32, #tpu.memory_space<vmem_shared>>
      tpu.enqueue_indirect_dma source(%arg10 : memref<128x128xf32, #tpu.memory_space<vmem>>) target(%dma_start3A_129 : memref<10240x128xf32, #tpu.memory_space<vmem_shared>>) offsets(%dma_start3A_126 : memref<128xi32, #tpu.memory_space<vmem>>) semaphore(%arg15 : memref<!tpu.dma_semaphore, #tpu.memory_space<semaphore_mem>>) {add = true}
      %dma_wait3A_130 = arith.constant 0 : i32
      %dma_wait3A_131 = tpu.memref_slice %arg8[%add3A_117, %dma_wait3A_130] : memref<40x128xi32, #tpu.memory_space<vmem>> -> memref<1x128xi32, #tpu.memory_space<vmem>>
      %dma_wait3A_132 = tpu.memref_squeeze %dma_wait3A_131 : memref<1x128xi32, #tpu.memory_space<vmem>> -> memref<128xi32, #tpu.memory_space<vmem>>
      %dma_wait3A_133 = arith.constant 0 : i32
      %dma_wait3A_134 = arith.constant 0 : i32
      %dma_wait3A_135 = tpu.memref_slice %arg11[%dma_wait3A_133, %dma_wait3A_134] : memref<10240x128xf32, #tpu.memory_space<vmem_shared>> -> memref<10240x128xf32, #tpu.memory_space<vmem_shared>>
      tpu.wait_indirect_dma semaphore(%arg15 : memref<!tpu.dma_semaphore, #tpu.memory_space<semaphore_mem>>) src(%arg10 : memref<128x128xf32, #tpu.memory_space<vmem>>) dst(%dma_wait3A_135 : memref<10240x128xf32, #tpu.memory_space<vmem_shared>>)
      %add3A_136 = arith.constant 2 : i32
      %add3A_137 = arith.addi %add3A_117, %add3A_136 : i32
      %lt3A_138 = arith.constant 40 : i32
      %lt3A_139 = arith.cmpi slt, %add3A_137, %lt3A_138 : i32
      %convert_element_type3A_140 = arith.extui %lt3A_139 : i1 to i32
      %cond3A_141 = arith.constant 0 : i32
      %cond3A_142 = arith.cmpi ne, %convert_element_type3A_140, %cond3A_141 : i32
      scf.if %cond3A_142 {
        %add3A_144 = arith.constant 2 : i32
        %add3A_145 = arith.addi %add3A_117, %add3A_144 : i32
        %dma_start3A_146 = arith.constant 0 : i32
        %dma_start3A_147 = tpu.memref_slice %arg7[%add3A_145, %dma_start3A_146] : memref<40x128xi32, #tpu.memory_space<vmem>> -> memref<1x128xi32, #tpu.memory_space<vmem>>
        %dma_start3A_148 = tpu.memref_squeeze %dma_start3A_147 : memref<1x128xi32, #tpu.memory_space<vmem>> -> memref<128xi32, #tpu.memory_space<vmem>>
        %dma_start3A_149 = arith.constant 0 : i32
        %dma_start3A_150 = arith.constant 0 : i32
        %dma_start3A_151 = tpu.memref_slice %arg2[%dma_start3A_149, %dma_start3A_150] : memref<10000x128xf32, #tpu.memory_space<hbm>> -> memref<10000x128xf32, #tpu.memory_space<hbm>>
        tpu.enqueue_indirect_dma source(%dma_start3A_151 : memref<10000x128xf32, #tpu.memory_space<hbm>>) target(%arg10 : memref<128x128xf32, #tpu.memory_space<vmem>>) offsets(%dma_start3A_148 : memref<128xi32, #tpu.memory_space<vmem>>) semaphore(%arg13 : memref<!tpu.dma_semaphore, #tpu.memory_space<semaphore_mem>>)
      } else {
      }
      %scan3A_143 = arith.constant 0 : i32
      scf.yield %scan3A_143 : i32
    }
    %scan3A_84 = arith.constant 20 : i32
    %barrier3A_85 = arith.constant 0 : index
    tpu.barrier barrier_id(%barrier3A_85)
    %mul3A_86 = arith.constant 640 : i32
    %mul3A_87 = arith.muli %arg1, %mul3A_86 : i32
    %mul3A_88 = arith.constant 640 : i32
    %mul3A_89 = arith.muli %arg1, %mul3A_88 : i32
    "tpu.region"() ({
      %run_scoped3A = tpu.sem_alloc : memref<!tpu.dma_semaphore, #tpu.memory_space<semaphore_mem>>
      %dma_start3A_90 = arith.constant 0 : i32
      %dma_start3A_91 = tpu.memref_slice %arg6[%mul3A_89, %dma_start3A_90] : memref<10240x128xf32, #tpu.memory_space<hbm>> -> memref<640x128xf32, #tpu.memory_space<hbm>>
      %dma_start3A_92 = arith.constant 0 : i32
      %dma_start3A_93 = tpu.memref_slice %arg11[%mul3A_87, %dma_start3A_92] : memref<10240x128xf32, #tpu.memory_space<vmem_shared>> -> memref<640x128xf32, #tpu.memory_space<vmem_shared>>
      tpu.enqueue_dma source(%dma_start3A_93 : memref<640x128xf32, #tpu.memory_space<vmem_shared>>) target(%dma_start3A_91 : memref<640x128xf32, #tpu.memory_space<hbm>>) target_semaphore(%run_scoped3A : memref<!tpu.dma_semaphore, #tpu.memory_space<semaphore_mem>>)
      %dma_wait3A = arith.constant 0 : i32
      %dma_wait3A_94 = tpu.memref_slice %arg6[%mul3A_89, %dma_wait3A] : memref<10240x128xf32, #tpu.memory_space<hbm>> -> memref<640x128xf32, #tpu.memory_space<hbm>>
      %dma_wait3A_95 = arith.constant 0 : i32
      %dma_wait3A_96 = tpu.memref_slice %arg11[%mul3A_87, %dma_wait3A_95] : memref<10240x128xf32, #tpu.memory_space<vmem_shared>> -> memref<640x128xf32, #tpu.memory_space<vmem_shared>>
      tpu.wait_dma2 semaphore(%run_scoped3A : memref<!tpu.dma_semaphore, #tpu.memory_space<semaphore_mem>>) src(%dma_wait3A_96 : memref<640x128xf32, #tpu.memory_space<vmem_shared>>) dst(%dma_wait3A_94 : memref<640x128xf32, #tpu.memory_space<hbm>>)
      tpu.yield
    }) : () -> ()
    return
  }
}

#map = affine_map<(d0, d1) -> (0, 0)>
#map1 = affine_map<(d0, d1) -> (0, 0, 0)>
module attributes {stable_mosaic.version = 14 : i64} {
  func.func @k(%arg0: i32, %arg1: i32, %arg2: memref<10000x128xf32, #tpu.memory_space<hbm>>, %arg3: memref<16x160x128xi32, #tpu.memory_space<hbm>>, %arg4: memref<16x160x128xi32, #tpu.memory_space<hbm>>, %arg5: memref<10240x128xf32, #tpu.memory_space<hbm>>, %arg6: memref<10240x128xf32, #tpu.memory_space<hbm>>, %arg7: memref<40x128xi32, #tpu.memory_space<vmem>>, %arg8: memref<40x128xi32, #tpu.memory_space<vmem>>, %arg9: memref<128x128xf32, #tpu.memory_space<vmem>>, %arg10: memref<128x128xf32, #tpu.memory_space<vmem>>, %arg11: memref<10240x128xf32, #tpu.memory_space<vmem_shared>>, %arg12: memref<!tpu.dma_semaphore, #tpu.memory_space<semaphore_mem>>, %arg13: memref<!tpu.dma_semaphore, #tpu.memory_space<semaphore_mem>>, %arg14: memref<!tpu.dma_semaphore, #tpu.memory_space<semaphore_mem>>, %arg15: memref<!tpu.dma_semaphore, #tpu.memory_space<semaphore_mem>>) attributes {dimension_semantics = [#tpu.dimension_semantics<core_parallel>, #tpu.dimension_semantics<subcore_parallel>], iteration_bounds = array<i64: 1, 16>, scalar_prefetch = 0 : i64, scratch_operands = 9 : i64, tpu.core_type = #tpu.core_type<sc_vector_subcore>, window_params = [{transform_indices = #map}, {transform_indices = #map1}, {transform_indices = #map1}, {transform_indices = #map}, {transform_indices = #map}]} {
    %mul3A = arith.constant 640 : i32
    %mul3A_0 = arith.muli %arg1, %mul3A : i32
    %mul3A_1 = arith.constant 640 : i32
    %mul3A_2 = arith.muli %arg1, %mul3A_1 : i32
    "tpu.region"() ({
      %run_scoped3A = tpu.sem_alloc : memref<!tpu.dma_semaphore, #tpu.memory_space<semaphore_mem>>
      %dma_start3A_90 = arith.constant 0 : i32
      %dma_start3A_91 = tpu.memref_slice %arg11[%mul3A_2, %dma_start3A_90] : memref<10240x128xf32, #tpu.memory_space<vmem_shared>> -> memref<640x128xf32, #tpu.memory_space<vmem_shared>>
      %dma_start3A_92 = arith.constant 0 : i32
      %dma_start3A_93 = tpu.memref_slice %arg5[%mul3A_0, %dma_start3A_92] : memref<10240x128xf32, #tpu.memory_space<hbm>> -> memref<640x128xf32, #tpu.memory_space<hbm>>
      tpu.enqueue_dma source(%dma_start3A_93 : memref<640x128xf32, #tpu.memory_space<hbm>>) target(%dma_start3A_91 : memref<640x128xf32, #tpu.memory_space<vmem_shared>>) target_semaphore(%run_scoped3A : memref<!tpu.dma_semaphore, #tpu.memory_space<semaphore_mem>>)
      %dma_wait3A = arith.constant 0 : i32
      %dma_wait3A_94 = tpu.memref_slice %arg11[%mul3A_2, %dma_wait3A] : memref<10240x128xf32, #tpu.memory_space<vmem_shared>> -> memref<640x128xf32, #tpu.memory_space<vmem_shared>>
      %dma_wait3A_95 = arith.constant 0 : i32
      %dma_wait3A_96 = tpu.memref_slice %arg5[%mul3A_0, %dma_wait3A_95] : memref<10240x128xf32, #tpu.memory_space<hbm>> -> memref<640x128xf32, #tpu.memory_space<hbm>>
      tpu.wait_dma2 semaphore(%run_scoped3A : memref<!tpu.dma_semaphore, #tpu.memory_space<semaphore_mem>>) src(%dma_wait3A_96 : memref<640x128xf32, #tpu.memory_space<hbm>>) dst(%dma_wait3A_94 : memref<640x128xf32, #tpu.memory_space<vmem_shared>>)
      tpu.yield
    }) : () -> ()
    %barrier3A = arith.constant 0 : index
    tpu.barrier barrier_id(%barrier3A)
    "tpu.region"() ({
      %run_scoped3A = tpu.sem_alloc : memref<!tpu.dma_semaphore, #tpu.memory_space<semaphore_mem>>
      %dma_start3A_90 = arith.constant 0 : i32
      %dma_start3A_91 = arith.constant 0 : i32
      %dma_start3A_92 = tpu.memref_slice %arg3[%arg1, %dma_start3A_90, %dma_start3A_91] : memref<16x160x128xi32, #tpu.memory_space<hbm>> -> memref<1x40x128xi32, #tpu.memory_space<hbm>>
      %dma_start3A_93 = tpu.memref_squeeze %dma_start3A_92 : memref<1x40x128xi32, #tpu.memory_space<hbm>> -> memref<40x128xi32, #tpu.memory_space<hbm>>
      %dma_start3A_94 = arith.constant 0 : i32
      %dma_start3A_95 = arith.constant 0 : i32
      %dma_start3A_96 = tpu.memref_slice %arg3[%arg1, %dma_start3A_94, %dma_start3A_95] : memref<16x160x128xi32, #tpu.memory_space<hbm>> -> memref<1x40x128xi32, #tpu.memory_space<hbm>>
      %dma_start3A_97 = tpu.memref_squeeze %dma_start3A_96 : memref<1x40x128xi32, #tpu.memory_space<hbm>> -> memref<40x128xi32, #tpu.memory_space<hbm>>
      tpu.enqueue_dma source(%dma_start3A_97 : memref<40x128xi32, #tpu.memory_space<hbm>>) target(%arg7 : memref<40x128xi32, #tpu.memory_space<vmem>>) target_semaphore(%run_scoped3A : memref<!tpu.dma_semaphore, #tpu.memory_space<semaphore_mem>>)
      %dma_wait3A = arith.constant 0 : i32
      %dma_wait3A_98 = arith.constant 0 : i32
      %dma_wait3A_99 = tpu.memref_slice %arg3[%arg1, %dma_wait3A, %dma_wait3A_98] : memref<16x160x128xi32, #tpu.memory_space<hbm>> -> memref<1x40x128xi32, #tpu.memory_space<hbm>>
      %dma_wait3A_100 = tpu.memref_squeeze %dma_wait3A_99 : memref<1x40x128xi32, #tpu.memory_space<hbm>> -> memref<40x128xi32, #tpu.memory_space<hbm>>
      %dma_wait3A_101 = arith.constant 0 : i32
      %dma_wait3A_102 = arith.constant 0 : i32
      %dma_wait3A_103 = tpu.memref_slice %arg3[%arg1, %dma_wait3A_101, %dma_wait3A_102] : memref<16x160x128xi32, #tpu.memory_space<hbm>> -> memref<1x40x128xi32, #tpu.memory_space<hbm>>
      %dma_wait3A_104 = tpu.memref_squeeze %dma_wait3A_103 : memref<1x40x128xi32, #tpu.memory_space<hbm>> -> memref<40x128xi32, #tpu.memory_space<hbm>>
      tpu.wait_dma2 semaphore(%run_scoped3A : memref<!tpu.dma_semaphore, #tpu.memory_space<semaphore_mem>>) src(%dma_wait3A_104 : memref<40x128xi32, #tpu.memory_space<hbm>>) dst(%arg7 : memref<40x128xi32, #tpu.memory_space<vmem>>)
      tpu.yield
    }) : () -> ()
    "tpu.region"() ({
      %run_scoped3A = tpu.sem_alloc : memref<!tpu.dma_semaphore, #tpu.memory_space<semaphore_mem>>
      %dma_start3A_90 = arith.constant 0 : i32
      %dma_start3A_91 = arith.constant 0 : i32
      %dma_start3A_92 = tpu.memref_slice %arg4[%arg1, %dma_start3A_90, %dma_start3A_91] : memref<16x160x128xi32, #tpu.memory_space<hbm>> -> memref<1x40x128xi32, #tpu.memory_space<hbm>>
      %dma_start3A_93 = tpu.memref_squeeze %dma_start3A_92 : memref<1x40x128xi32, #tpu.memory_space<hbm>> -> memref<40x128xi32, #tpu.memory_space<hbm>>
      %dma_start3A_94 = arith.constant 0 : i32
      %dma_start3A_95 = arith.constant 0 : i32
      %dma_start3A_96 = tpu.memref_slice %arg4[%arg1, %dma_start3A_94, %dma_start3A_95] : memref<16x160x128xi32, #tpu.memory_space<hbm>> -> memref<1x40x128xi32, #tpu.memory_space<hbm>>
      %dma_start3A_97 = tpu.memref_squeeze %dma_start3A_96 : memref<1x40x128xi32, #tpu.memory_space<hbm>> -> memref<40x128xi32, #tpu.memory_space<hbm>>
      tpu.enqueue_dma source(%dma_start3A_97 : memref<40x128xi32, #tpu.memory_space<hbm>>) target(%arg8 : memref<40x128xi32, #tpu.memory_space<vmem>>) target_semaphore(%run_scoped3A : memref<!tpu.dma_semaphore, #tpu.memory_space<semaphore_mem>>)
      %dma_wait3A = arith.constant 0 : i32
      %dma_wait3A_98 = arith.constant 0 : i32
      %dma_wait3A_99 = tpu.memref_slice %arg4[%arg1, %dma_wait3A, %dma_wait3A_98] : memref<16x160x128xi32, #tpu.memory_space<hbm>> -> memref<1x40x128xi32, #tpu.memory_space<hbm>>
      %dma_wait3A_100 = tpu.memref_squeeze %dma_wait3A_99 : memref<1x40x128xi32, #tpu.memory_space<hbm>> -> memref<40x128xi32, #tpu.memory_space<hbm>>
      %dma_wait3A_101 = arith.constant 0 : i32
      %dma_wait3A_102 = arith.constant 0 : i32
      %dma_wait3A_103 = tpu.memref_slice %arg4[%arg1, %dma_wait3A_101, %dma_wait3A_102] : memref<16x160x128xi32, #tpu.memory_space<hbm>> -> memref<1x40x128xi32, #tpu.memory_space<hbm>>
      %dma_wait3A_104 = tpu.memref_squeeze %dma_wait3A_103 : memref<1x40x128xi32, #tpu.memory_space<hbm>> -> memref<40x128xi32, #tpu.memory_space<hbm>>
      tpu.wait_dma2 semaphore(%run_scoped3A : memref<!tpu.dma_semaphore, #tpu.memory_space<semaphore_mem>>) src(%dma_wait3A_104 : memref<40x128xi32, #tpu.memory_space<hbm>>) dst(%arg8 : memref<40x128xi32, #tpu.memory_space<vmem>>)
      tpu.yield
    }) : () -> ()
    %dma_start3A = arith.constant 0 : i32
    %dma_start3A_3 = arith.constant 0 : i32
    %dma_start3A_4 = tpu.memref_slice %arg7[%dma_start3A, %dma_start3A_3] : memref<40x128xi32, #tpu.memory_space<vmem>> -> memref<1x128xi32, #tpu.memory_space<vmem>>
    %dma_start3A_5 = tpu.memref_squeeze %dma_start3A_4 : memref<1x128xi32, #tpu.memory_space<vmem>> -> memref<128xi32, #tpu.memory_space<vmem>>
    %dma_start3A_6 = arith.constant 0 : i32
    %dma_start3A_7 = arith.constant 0 : i32
    %dma_start3A_8 = tpu.memref_slice %arg2[%dma_start3A_6, %dma_start3A_7] : memref<10000x128xf32, #tpu.memory_space<hbm>> -> memref<10000x128xf32, #tpu.memory_space<hbm>>
    tpu.enqueue_indirect_dma source(%dma_start3A_8 : memref<10000x128xf32, #tpu.memory_space<hbm>>) target(%arg9 : memref<128x128xf32, #tpu.memory_space<vmem>>) offsets(%dma_start3A_5 : memref<128xi32, #tpu.memory_space<vmem>>) semaphore(%arg12 : memref<!tpu.dma_semaphore, #tpu.memory_space<semaphore_mem>>)
    %dma_start3A_9 = arith.constant 1 : i32
    %dma_start3A_10 = arith.constant 0 : i32
    %dma_start3A_11 = tpu.memref_slice %arg7[%dma_start3A_9, %dma_start3A_10] : memref<40x128xi32, #tpu.memory_space<vmem>> -> memref<1x128xi32, #tpu.memory_space<vmem>>
    %dma_start3A_12 = tpu.memref_squeeze %dma_start3A_11 : memref<1x128xi32, #tpu.memory_space<vmem>> -> memref<128xi32, #tpu.memory_space<vmem>>
    %dma_start3A_13 = arith.constant 0 : i32
    %dma_start3A_14 = arith.constant 0 : i32
    %dma_start3A_15 = tpu.memref_slice %arg2[%dma_start3A_13, %dma_start3A_14] : memref<10000x128xf32, #tpu.memory_space<hbm>> -> memref<10000x128xf32, #tpu.memory_space<hbm>>
    tpu.enqueue_indirect_dma source(%dma_start3A_15 : memref<10000x128xf32, #tpu.memory_space<hbm>>) target(%arg10 : memref<128x128xf32, #tpu.memory_space<vmem>>) offsets(%dma_start3A_12 : memref<128xi32, #tpu.memory_space<vmem>>) semaphore(%arg13 : memref<!tpu.dma_semaphore, #tpu.memory_space<semaphore_mem>>)
    %scan3A = arith.constant 0 : i32
    %scan3A_16 = arith.constant 0 : i32
    %scan3A_17 = arith.constant 20 : i32
    %scan3A_18 = arith.addi %scan3A_16, %scan3A_17 : i32
    %scan3A_19 = arith.constant 1 : i32
    %scan3A_20 = scf.for %scan3A_90 = %scan3A_16 to %scan3A_18 step %scan3A_19 iter_args(%scan3A_91 = %scan3A) -> (i32)  : i32 {
      %mul3A_92 = arith.constant 2 : i32
      %mul3A_93 = arith.muli %scan3A_90, %mul3A_92 : i32
      %add3A = arith.constant 0 : i32
      %add3A_94 = arith.addi %mul3A_93, %add3A : i32
      %dma_wait3A = arith.constant 0 : i32
      %dma_wait3A_95 = tpu.memref_slice %arg7[%add3A_94, %dma_wait3A] : memref<40x128xi32, #tpu.memory_space<vmem>> -> memref<1x128xi32, #tpu.memory_space<vmem>>
      %dma_wait3A_96 = tpu.memref_squeeze %dma_wait3A_95 : memref<1x128xi32, #tpu.memory_space<vmem>> -> memref<128xi32, #tpu.memory_space<vmem>>
      %dma_wait3A_97 = arith.constant 0 : i32
      %dma_wait3A_98 = arith.constant 0 : i32
      %dma_wait3A_99 = tpu.memref_slice %arg2[%dma_wait3A_97, %dma_wait3A_98] : memref<10000x128xf32, #tpu.memory_space<hbm>> -> memref<10000x128xf32, #tpu.memory_space<hbm>>
      tpu.wait_indirect_dma semaphore(%arg12 : memref<!tpu.dma_semaphore, #tpu.memory_space<semaphore_mem>>) src(%dma_wait3A_99 : memref<10000x128xf32, #tpu.memory_space<hbm>>) dst(%arg9 : memref<128x128xf32, #tpu.memory_space<vmem>>)
      %dma_start3A_100 = arith.constant 0 : i32
      %dma_start3A_101 = tpu.memref_slice %arg8[%add3A_94, %dma_start3A_100] : memref<40x128xi32, #tpu.memory_space<vmem>> -> memref<1x128xi32, #tpu.memory_space<vmem>>
      %dma_start3A_102 = tpu.memref_squeeze %dma_start3A_101 : memref<1x128xi32, #tpu.memory_space<vmem>> -> memref<128xi32, #tpu.memory_space<vmem>>
      %dma_start3A_103 = arith.constant 0 : i32
      %dma_start3A_104 = arith.constant 0 : i32
      %dma_start3A_105 = tpu.memref_slice %arg11[%dma_start3A_103, %dma_start3A_104] : memref<10240x128xf32, #tpu.memory_space<vmem_shared>> -> memref<10240x128xf32, #tpu.memory_space<vmem_shared>>
      tpu.enqueue_indirect_dma source(%arg9 : memref<128x128xf32, #tpu.memory_space<vmem>>) target(%dma_start3A_105 : memref<10240x128xf32, #tpu.memory_space<vmem_shared>>) offsets(%dma_start3A_102 : memref<128xi32, #tpu.memory_space<vmem>>) semaphore(%arg14 : memref<!tpu.dma_semaphore, #tpu.memory_space<semaphore_mem>>) {add = true}
      %dma_wait3A_106 = arith.constant 0 : i32
      %dma_wait3A_107 = tpu.memref_slice %arg8[%add3A_94, %dma_wait3A_106] : memref<40x128xi32, #tpu.memory_space<vmem>> -> memref<1x128xi32, #tpu.memory_space<vmem>>
      %dma_wait3A_108 = tpu.memref_squeeze %dma_wait3A_107 : memref<1x128xi32, #tpu.memory_space<vmem>> -> memref<128xi32, #tpu.memory_space<vmem>>
      %dma_wait3A_109 = arith.constant 0 : i32
      %dma_wait3A_110 = arith.constant 0 : i32
      %dma_wait3A_111 = tpu.memref_slice %arg11[%dma_wait3A_109, %dma_wait3A_110] : memref<10240x128xf32, #tpu.memory_space<vmem_shared>> -> memref<10240x128xf32, #tpu.memory_space<vmem_shared>>
      tpu.wait_indirect_dma semaphore(%arg14 : memref<!tpu.dma_semaphore, #tpu.memory_space<semaphore_mem>>) src(%arg9 : memref<128x128xf32, #tpu.memory_space<vmem>>) dst(%dma_wait3A_111 : memref<10240x128xf32, #tpu.memory_space<vmem_shared>>)
      %add3A_112 = arith.constant 2 : i32
      %add3A_113 = arith.addi %add3A_94, %add3A_112 : i32
      %lt3A = arith.constant 40 : i32
      %lt3A_114 = arith.cmpi slt, %add3A_113, %lt3A : i32
      %convert_element_type3A = arith.extui %lt3A_114 : i1 to i32
      %cond3A = arith.constant 0 : i32
      %cond3A_115 = arith.cmpi ne, %convert_element_type3A, %cond3A : i32
      scf.if %cond3A_115 {
        %add3A_144 = arith.constant 2 : i32
        %add3A_145 = arith.addi %add3A_94, %add3A_144 : i32
        %dma_start3A_146 = arith.constant 0 : i32
        %dma_start3A_147 = tpu.memref_slice %arg7[%add3A_145, %dma_start3A_146] : memref<40x128xi32, #tpu.memory_space<vmem>> -> memref<1x128xi32, #tpu.memory_space<vmem>>
        %dma_start3A_148 = tpu.memref_squeeze %dma_start3A_147 : memref<1x128xi32, #tpu.memory_space<vmem>> -> memref<128xi32, #tpu.memory_space<vmem>>
        %dma_start3A_149 = arith.constant 0 : i32
        %dma_start3A_150 = arith.constant 0 : i32
        %dma_start3A_151 = tpu.memref_slice %arg2[%dma_start3A_149, %dma_start3A_150] : memref<10000x128xf32, #tpu.memory_space<hbm>> -> memref<10000x128xf32, #tpu.memory_space<hbm>>
        tpu.enqueue_indirect_dma source(%dma_start3A_151 : memref<10000x128xf32, #tpu.memory_space<hbm>>) target(%arg9 : memref<128x128xf32, #tpu.memory_space<vmem>>) offsets(%dma_start3A_148 : memref<128xi32, #tpu.memory_space<vmem>>) semaphore(%arg12 : memref<!tpu.dma_semaphore, #tpu.memory_space<semaphore_mem>>)
      } else {
      }
      %add3A_116 = arith.constant 1 : i32
      %add3A_117 = arith.addi %mul3A_93, %add3A_116 : i32
      %dma_wait3A_118 = arith.constant 0 : i32
      %dma_wait3A_119 = tpu.memref_slice %arg7[%add3A_117, %dma_wait3A_118] : memref<40x128xi32, #tpu.memory_space<vmem>> -> memref<1x128xi32, #tpu.memory_space<vmem>>
      %dma_wait3A_120 = tpu.memref_squeeze %dma_wait3A_119 : memref<1x128xi32, #tpu.memory_space<vmem>> -> memref<128xi32, #tpu.memory_space<vmem>>
      %dma_wait3A_121 = arith.constant 0 : i32
      %dma_wait3A_122 = arith.constant 0 : i32
      %dma_wait3A_123 = tpu.memref_slice %arg2[%dma_wait3A_121, %dma_wait3A_122] : memref<10000x128xf32, #tpu.memory_space<hbm>> -> memref<10000x128xf32, #tpu.memory_space<hbm>>
      tpu.wait_indirect_dma semaphore(%arg13 : memref<!tpu.dma_semaphore, #tpu.memory_space<semaphore_mem>>) src(%dma_wait3A_123 : memref<10000x128xf32, #tpu.memory_space<hbm>>) dst(%arg10 : memref<128x128xf32, #tpu.memory_space<vmem>>)
      %dma_start3A_124 = arith.constant 0 : i32
      %dma_start3A_125 = tpu.memref_slice %arg8[%add3A_117, %dma_start3A_124] : memref<40x128xi32, #tpu.memory_space<vmem>> -> memref<1x128xi32, #tpu.memory_space<vmem>>
      %dma_start3A_126 = tpu.memref_squeeze %dma_start3A_125 : memref<1x128xi32, #tpu.memory_space<vmem>> -> memref<128xi32, #tpu.memory_space<vmem>>
      %dma_start3A_127 = arith.constant 0 : i32
      %dma_start3A_128 = arith.constant 0 : i32
      %dma_start3A_129 = tpu.memref_slice %arg11[%dma_start3A_127, %dma_start3A_128] : memref<10240x128xf32, #tpu.memory_space<vmem_shared>> -> memref<10240x128xf32, #tpu.memory_space<vmem_shared>>
      tpu.enqueue_indirect_dma source(%arg10 : memref<128x128xf32, #tpu.memory_space<vmem>>) target(%dma_start3A_129 : memref<10240x128xf32, #tpu.memory_space<vmem_shared>>) offsets(%dma_start3A_126 : memref<128xi32, #tpu.memory_space<vmem>>) semaphore(%arg15 : memref<!tpu.dma_semaphore, #tpu.memory_space<semaphore_mem>>) {add = true}
      %dma_wait3A_130 = arith.constant 0 : i32
      %dma_wait3A_131 = tpu.memref_slice %arg8[%add3A_117, %dma_wait3A_130] : memref<40x128xi32, #tpu.memory_space<vmem>> -> memref<1x128xi32, #tpu.memory_space<vmem>>
      %dma_wait3A_132 = tpu.memref_squeeze %dma_wait3A_131 : memref<1x128xi32, #tpu.memory_space<vmem>> -> memref<128xi32, #tpu.memory_space<vmem>>
      %dma_wait3A_133 = arith.constant 0 : i32
      %dma_wait3A_134 = arith.constant 0 : i32
      %dma_wait3A_135 = tpu.memref_slice %arg11[%dma_wait3A_133, %dma_wait3A_134] : memref<10240x128xf32, #tpu.memory_space<vmem_shared>> -> memref<10240x128xf32, #tpu.memory_space<vmem_shared>>
      tpu.wait_indirect_dma semaphore(%arg15 : memref<!tpu.dma_semaphore, #tpu.memory_space<semaphore_mem>>) src(%arg10 : memref<128x128xf32, #tpu.memory_space<vmem>>) dst(%dma_wait3A_135 : memref<10240x128xf32, #tpu.memory_space<vmem_shared>>)
      %add3A_136 = arith.constant 2 : i32
      %add3A_137 = arith.addi %add3A_117, %add3A_136 : i32
      %lt3A_138 = arith.constant 40 : i32
      %lt3A_139 = arith.cmpi slt, %add3A_137, %lt3A_138 : i32
      %convert_element_type3A_140 = arith.extui %lt3A_139 : i1 to i32
      %cond3A_141 = arith.constant 0 : i32
      %cond3A_142 = arith.cmpi ne, %convert_element_type3A_140, %cond3A_141 : i32
      scf.if %cond3A_142 {
        %add3A_144 = arith.constant 2 : i32
        %add3A_145 = arith.addi %add3A_117, %add3A_144 : i32
        %dma_start3A_146 = arith.constant 0 : i32
        %dma_start3A_147 = tpu.memref_slice %arg7[%add3A_145, %dma_start3A_146] : memref<40x128xi32, #tpu.memory_space<vmem>> -> memref<1x128xi32, #tpu.memory_space<vmem>>
        %dma_start3A_148 = tpu.memref_squeeze %dma_start3A_147 : memref<1x128xi32, #tpu.memory_space<vmem>> -> memref<128xi32, #tpu.memory_space<vmem>>
        %dma_start3A_149 = arith.constant 0 : i32
        %dma_start3A_150 = arith.constant 0 : i32
        %dma_start3A_151 = tpu.memref_slice %arg2[%dma_start3A_149, %dma_start3A_150] : memref<10000x128xf32, #tpu.memory_space<hbm>> -> memref<10000x128xf32, #tpu.memory_space<hbm>>
        tpu.enqueue_indirect_dma source(%dma_start3A_151 : memref<10000x128xf32, #tpu.memory_space<hbm>>) target(%arg10 : memref<128x128xf32, #tpu.memory_space<vmem>>) offsets(%dma_start3A_148 : memref<128xi32, #tpu.memory_space<vmem>>) semaphore(%arg13 : memref<!tpu.dma_semaphore, #tpu.memory_space<semaphore_mem>>)
      } else {
      }
      %scan3A_143 = arith.constant 0 : i32
      scf.yield %scan3A_143 : i32
    }
    %scan3A_21 = arith.constant 20 : i32
    "tpu.region"() ({
      %run_scoped3A = tpu.sem_alloc : memref<!tpu.dma_semaphore, #tpu.memory_space<semaphore_mem>>
      %dma_start3A_90 = arith.constant 40 : i32
      %dma_start3A_91 = arith.constant 0 : i32
      %dma_start3A_92 = tpu.memref_slice %arg3[%arg1, %dma_start3A_90, %dma_start3A_91] : memref<16x160x128xi32, #tpu.memory_space<hbm>> -> memref<1x40x128xi32, #tpu.memory_space<hbm>>
      %dma_start3A_93 = tpu.memref_squeeze %dma_start3A_92 : memref<1x40x128xi32, #tpu.memory_space<hbm>> -> memref<40x128xi32, #tpu.memory_space<hbm>>
      %dma_start3A_94 = arith.constant 40 : i32
      %dma_start3A_95 = arith.constant 0 : i32
      %dma_start3A_96 = tpu.memref_slice %arg3[%arg1, %dma_start3A_94, %dma_start3A_95] : memref<16x160x128xi32, #tpu.memory_space<hbm>> -> memref<1x40x128xi32, #tpu.memory_space<hbm>>
      %dma_start3A_97 = tpu.memref_squeeze %dma_start3A_96 : memref<1x40x128xi32, #tpu.memory_space<hbm>> -> memref<40x128xi32, #tpu.memory_space<hbm>>
      tpu.enqueue_dma source(%dma_start3A_97 : memref<40x128xi32, #tpu.memory_space<hbm>>) target(%arg7 : memref<40x128xi32, #tpu.memory_space<vmem>>) target_semaphore(%run_scoped3A : memref<!tpu.dma_semaphore, #tpu.memory_space<semaphore_mem>>)
      %dma_wait3A = arith.constant 40 : i32
      %dma_wait3A_98 = arith.constant 0 : i32
      %dma_wait3A_99 = tpu.memref_slice %arg3[%arg1, %dma_wait3A, %dma_wait3A_98] : memref<16x160x128xi32, #tpu.memory_space<hbm>> -> memref<1x40x128xi32, #tpu.memory_space<hbm>>
      %dma_wait3A_100 = tpu.memref_squeeze %dma_wait3A_99 : memref<1x40x128xi32, #tpu.memory_space<hbm>> -> memref<40x128xi32, #tpu.memory_space<hbm>>
      %dma_wait3A_101 = arith.constant 40 : i32
      %dma_wait3A_102 = arith.constant 0 : i32
      %dma_wait3A_103 = tpu.memref_slice %arg3[%arg1, %dma_wait3A_101, %dma_wait3A_102] : memref<16x160x128xi32, #tpu.memory_space<hbm>> -> memref<1x40x128xi32, #tpu.memory_space<hbm>>
      %dma_wait3A_104 = tpu.memref_squeeze %dma_wait3A_103 : memref<1x40x128xi32, #tpu.memory_space<hbm>> -> memref<40x128xi32, #tpu.memory_space<hbm>>
      tpu.wait_dma2 semaphore(%run_scoped3A : memref<!tpu.dma_semaphore, #tpu.memory_space<semaphore_mem>>) src(%dma_wait3A_104 : memref<40x128xi32, #tpu.memory_space<hbm>>) dst(%arg7 : memref<40x128xi32, #tpu.memory_space<vmem>>)
      tpu.yield
    }) : () -> ()
    "tpu.region"() ({
      %run_scoped3A = tpu.sem_alloc : memref<!tpu.dma_semaphore, #tpu.memory_space<semaphore_mem>>
      %dma_start3A_90 = arith.constant 40 : i32
      %dma_start3A_91 = arith.constant 0 : i32
      %dma_start3A_92 = tpu.memref_slice %arg4[%arg1, %dma_start3A_90, %dma_start3A_91] : memref<16x160x128xi32, #tpu.memory_space<hbm>> -> memref<1x40x128xi32, #tpu.memory_space<hbm>>
      %dma_start3A_93 = tpu.memref_squeeze %dma_start3A_92 : memref<1x40x128xi32, #tpu.memory_space<hbm>> -> memref<40x128xi32, #tpu.memory_space<hbm>>
      %dma_start3A_94 = arith.constant 40 : i32
      %dma_start3A_95 = arith.constant 0 : i32
      %dma_start3A_96 = tpu.memref_slice %arg4[%arg1, %dma_start3A_94, %dma_start3A_95] : memref<16x160x128xi32, #tpu.memory_space<hbm>> -> memref<1x40x128xi32, #tpu.memory_space<hbm>>
      %dma_start3A_97 = tpu.memref_squeeze %dma_start3A_96 : memref<1x40x128xi32, #tpu.memory_space<hbm>> -> memref<40x128xi32, #tpu.memory_space<hbm>>
      tpu.enqueue_dma source(%dma_start3A_97 : memref<40x128xi32, #tpu.memory_space<hbm>>) target(%arg8 : memref<40x128xi32, #tpu.memory_space<vmem>>) target_semaphore(%run_scoped3A : memref<!tpu.dma_semaphore, #tpu.memory_space<semaphore_mem>>)
      %dma_wait3A = arith.constant 40 : i32
      %dma_wait3A_98 = arith.constant 0 : i32
      %dma_wait3A_99 = tpu.memref_slice %arg4[%arg1, %dma_wait3A, %dma_wait3A_98] : memref<16x160x128xi32, #tpu.memory_space<hbm>> -> memref<1x40x128xi32, #tpu.memory_space<hbm>>
      %dma_wait3A_100 = tpu.memref_squeeze %dma_wait3A_99 : memref<1x40x128xi32, #tpu.memory_space<hbm>> -> memref<40x128xi32, #tpu.memory_space<hbm>>
      %dma_wait3A_101 = arith.constant 40 : i32
      %dma_wait3A_102 = arith.constant 0 : i32
      %dma_wait3A_103 = tpu.memref_slice %arg4[%arg1, %dma_wait3A_101, %dma_wait3A_102] : memref<16x160x128xi32, #tpu.memory_space<hbm>> -> memref<1x40x128xi32, #tpu.memory_space<hbm>>
      %dma_wait3A_104 = tpu.memref_squeeze %dma_wait3A_103 : memref<1x40x128xi32, #tpu.memory_space<hbm>> -> memref<40x128xi32, #tpu.memory_space<hbm>>
      tpu.wait_dma2 semaphore(%run_scoped3A : memref<!tpu.dma_semaphore, #tpu.memory_space<semaphore_mem>>) src(%dma_wait3A_104 : memref<40x128xi32, #tpu.memory_space<hbm>>) dst(%arg8 : memref<40x128xi32, #tpu.memory_space<vmem>>)
      tpu.yield
    }) : () -> ()
    %dma_start3A_22 = arith.constant 0 : i32
    %dma_start3A_23 = arith.constant 0 : i32
    %dma_start3A_24 = tpu.memref_slice %arg7[%dma_start3A_22, %dma_start3A_23] : memref<40x128xi32, #tpu.memory_space<vmem>> -> memref<1x128xi32, #tpu.memory_space<vmem>>
    %dma_start3A_25 = tpu.memref_squeeze %dma_start3A_24 : memref<1x128xi32, #tpu.memory_space<vmem>> -> memref<128xi32, #tpu.memory_space<vmem>>
    %dma_start3A_26 = arith.constant 0 : i32
    %dma_start3A_27 = arith.constant 0 : i32
    %dma_start3A_28 = tpu.memref_slice %arg2[%dma_start3A_26, %dma_start3A_27] : memref<10000x128xf32, #tpu.memory_space<hbm>> -> memref<10000x128xf32, #tpu.memory_space<hbm>>
    tpu.enqueue_indirect_dma source(%dma_start3A_28 : memref<10000x128xf32, #tpu.memory_space<hbm>>) target(%arg9 : memref<128x128xf32, #tpu.memory_space<vmem>>) offsets(%dma_start3A_25 : memref<128xi32, #tpu.memory_space<vmem>>) semaphore(%arg12 : memref<!tpu.dma_semaphore, #tpu.memory_space<semaphore_mem>>)
    %dma_start3A_29 = arith.constant 1 : i32
    %dma_start3A_30 = arith.constant 0 : i32
    %dma_start3A_31 = tpu.memref_slice %arg7[%dma_start3A_29, %dma_start3A_30] : memref<40x128xi32, #tpu.memory_space<vmem>> -> memref<1x128xi32, #tpu.memory_space<vmem>>
    %dma_start3A_32 = tpu.memref_squeeze %dma_start3A_31 : memref<1x128xi32, #tpu.memory_space<vmem>> -> memref<128xi32, #tpu.memory_space<vmem>>
    %dma_start3A_33 = arith.constant 0 : i32
    %dma_start3A_34 = arith.constant 0 : i32
    %dma_start3A_35 = tpu.memref_slice %arg2[%dma_start3A_33, %dma_start3A_34] : memref<10000x128xf32, #tpu.memory_space<hbm>> -> memref<10000x128xf32, #tpu.memory_space<hbm>>
    tpu.enqueue_indirect_dma source(%dma_start3A_35 : memref<10000x128xf32, #tpu.memory_space<hbm>>) target(%arg10 : memref<128x128xf32, #tpu.memory_space<vmem>>) offsets(%dma_start3A_32 : memref<128xi32, #tpu.memory_space<vmem>>) semaphore(%arg13 : memref<!tpu.dma_semaphore, #tpu.memory_space<semaphore_mem>>)
    %scan3A_36 = arith.constant 0 : i32
    %scan3A_37 = arith.constant 0 : i32
    %scan3A_38 = arith.constant 20 : i32
    %scan3A_39 = arith.addi %scan3A_37, %scan3A_38 : i32
    %scan3A_40 = arith.constant 1 : i32
    %scan3A_41 = scf.for %scan3A_90 = %scan3A_37 to %scan3A_39 step %scan3A_40 iter_args(%scan3A_91 = %scan3A_36) -> (i32)  : i32 {
      %mul3A_92 = arith.constant 2 : i32
      %mul3A_93 = arith.muli %scan3A_90, %mul3A_92 : i32
      %add3A = arith.constant 0 : i32
      %add3A_94 = arith.addi %mul3A_93, %add3A : i32
      %dma_wait3A = arith.constant 0 : i32
      %dma_wait3A_95 = tpu.memref_slice %arg7[%add3A_94, %dma_wait3A] : memref<40x128xi32, #tpu.memory_space<vmem>> -> memref<1x128xi32, #tpu.memory_space<vmem>>
      %dma_wait3A_96 = tpu.memref_squeeze %dma_wait3A_95 : memref<1x128xi32, #tpu.memory_space<vmem>> -> memref<128xi32, #tpu.memory_space<vmem>>
      %dma_wait3A_97 = arith.constant 0 : i32
      %dma_wait3A_98 = arith.constant 0 : i32
      %dma_wait3A_99 = tpu.memref_slice %arg2[%dma_wait3A_97, %dma_wait3A_98] : memref<10000x128xf32, #tpu.memory_space<hbm>> -> memref<10000x128xf32, #tpu.memory_space<hbm>>
      tpu.wait_indirect_dma semaphore(%arg12 : memref<!tpu.dma_semaphore, #tpu.memory_space<semaphore_mem>>) src(%dma_wait3A_99 : memref<10000x128xf32, #tpu.memory_space<hbm>>) dst(%arg9 : memref<128x128xf32, #tpu.memory_space<vmem>>)
      %dma_start3A_100 = arith.constant 0 : i32
      %dma_start3A_101 = tpu.memref_slice %arg8[%add3A_94, %dma_start3A_100] : memref<40x128xi32, #tpu.memory_space<vmem>> -> memref<1x128xi32, #tpu.memory_space<vmem>>
      %dma_start3A_102 = tpu.memref_squeeze %dma_start3A_101 : memref<1x128xi32, #tpu.memory_space<vmem>> -> memref<128xi32, #tpu.memory_space<vmem>>
      %dma_start3A_103 = arith.constant 0 : i32
      %dma_start3A_104 = arith.constant 0 : i32
      %dma_start3A_105 = tpu.memref_slice %arg11[%dma_start3A_103, %dma_start3A_104] : memref<10240x128xf32, #tpu.memory_space<vmem_shared>> -> memref<10240x128xf32, #tpu.memory_space<vmem_shared>>
      tpu.enqueue_indirect_dma source(%arg9 : memref<128x128xf32, #tpu.memory_space<vmem>>) target(%dma_start3A_105 : memref<10240x128xf32, #tpu.memory_space<vmem_shared>>) offsets(%dma_start3A_102 : memref<128xi32, #tpu.memory_space<vmem>>) semaphore(%arg14 : memref<!tpu.dma_semaphore, #tpu.memory_space<semaphore_mem>>) {add = true}
      %dma_wait3A_106 = arith.constant 0 : i32
      %dma_wait3A_107 = tpu.memref_slice %arg8[%add3A_94, %dma_wait3A_106] : memref<40x128xi32, #tpu.memory_space<vmem>> -> memref<1x128xi32, #tpu.memory_space<vmem>>
      %dma_wait3A_108 = tpu.memref_squeeze %dma_wait3A_107 : memref<1x128xi32, #tpu.memory_space<vmem>> -> memref<128xi32, #tpu.memory_space<vmem>>
      %dma_wait3A_109 = arith.constant 0 : i32
      %dma_wait3A_110 = arith.constant 0 : i32
      %dma_wait3A_111 = tpu.memref_slice %arg11[%dma_wait3A_109, %dma_wait3A_110] : memref<10240x128xf32, #tpu.memory_space<vmem_shared>> -> memref<10240x128xf32, #tpu.memory_space<vmem_shared>>
      tpu.wait_indirect_dma semaphore(%arg14 : memref<!tpu.dma_semaphore, #tpu.memory_space<semaphore_mem>>) src(%arg9 : memref<128x128xf32, #tpu.memory_space<vmem>>) dst(%dma_wait3A_111 : memref<10240x128xf32, #tpu.memory_space<vmem_shared>>)
      %add3A_112 = arith.constant 2 : i32
      %add3A_113 = arith.addi %add3A_94, %add3A_112 : i32
      %lt3A = arith.constant 40 : i32
      %lt3A_114 = arith.cmpi slt, %add3A_113, %lt3A : i32
      %convert_element_type3A = arith.extui %lt3A_114 : i1 to i32
      %cond3A = arith.constant 0 : i32
      %cond3A_115 = arith.cmpi ne, %convert_element_type3A, %cond3A : i32
      scf.if %cond3A_115 {
        %add3A_144 = arith.constant 2 : i32
        %add3A_145 = arith.addi %add3A_94, %add3A_144 : i32
        %dma_start3A_146 = arith.constant 0 : i32
        %dma_start3A_147 = tpu.memref_slice %arg7[%add3A_145, %dma_start3A_146] : memref<40x128xi32, #tpu.memory_space<vmem>> -> memref<1x128xi32, #tpu.memory_space<vmem>>
        %dma_start3A_148 = tpu.memref_squeeze %dma_start3A_147 : memref<1x128xi32, #tpu.memory_space<vmem>> -> memref<128xi32, #tpu.memory_space<vmem>>
        %dma_start3A_149 = arith.constant 0 : i32
        %dma_start3A_150 = arith.constant 0 : i32
        %dma_start3A_151 = tpu.memref_slice %arg2[%dma_start3A_149, %dma_start3A_150] : memref<10000x128xf32, #tpu.memory_space<hbm>> -> memref<10000x128xf32, #tpu.memory_space<hbm>>
        tpu.enqueue_indirect_dma source(%dma_start3A_151 : memref<10000x128xf32, #tpu.memory_space<hbm>>) target(%arg9 : memref<128x128xf32, #tpu.memory_space<vmem>>) offsets(%dma_start3A_148 : memref<128xi32, #tpu.memory_space<vmem>>) semaphore(%arg12 : memref<!tpu.dma_semaphore, #tpu.memory_space<semaphore_mem>>)
      } else {
      }
      %add3A_116 = arith.constant 1 : i32
      %add3A_117 = arith.addi %mul3A_93, %add3A_116 : i32
      %dma_wait3A_118 = arith.constant 0 : i32
      %dma_wait3A_119 = tpu.memref_slice %arg7[%add3A_117, %dma_wait3A_118] : memref<40x128xi32, #tpu.memory_space<vmem>> -> memref<1x128xi32, #tpu.memory_space<vmem>>
      %dma_wait3A_120 = tpu.memref_squeeze %dma_wait3A_119 : memref<1x128xi32, #tpu.memory_space<vmem>> -> memref<128xi32, #tpu.memory_space<vmem>>
      %dma_wait3A_121 = arith.constant 0 : i32
      %dma_wait3A_122 = arith.constant 0 : i32
      %dma_wait3A_123 = tpu.memref_slice %arg2[%dma_wait3A_121, %dma_wait3A_122] : memref<10000x128xf32, #tpu.memory_space<hbm>> -> memref<10000x128xf32, #tpu.memory_space<hbm>>
      tpu.wait_indirect_dma semaphore(%arg13 : memref<!tpu.dma_semaphore, #tpu.memory_space<semaphore_mem>>) src(%dma_wait3A_123 : memref<10000x128xf32, #tpu.memory_space<hbm>>) dst(%arg10 : memref<128x128xf32, #tpu.memory_space<vmem>>)
      %dma_start3A_124 = arith.constant 0 : i32
      %dma_start3A_125 = tpu.memref_slice %arg8[%add3A_117, %dma_start3A_124] : memref<40x128xi32, #tpu.memory_space<vmem>> -> memref<1x128xi32, #tpu.memory_space<vmem>>
      %dma_start3A_126 = tpu.memref_squeeze %dma_start3A_125 : memref<1x128xi32, #tpu.memory_space<vmem>> -> memref<128xi32, #tpu.memory_space<vmem>>
      %dma_start3A_127 = arith.constant 0 : i32
      %dma_start3A_128 = arith.constant 0 : i32
      %dma_start3A_129 = tpu.memref_slice %arg11[%dma_start3A_127, %dma_start3A_128] : memref<10240x128xf32, #tpu.memory_space<vmem_shared>> -> memref<10240x128xf32, #tpu.memory_space<vmem_shared>>
      tpu.enqueue_indirect_dma source(%arg10 : memref<128x128xf32, #tpu.memory_space<vmem>>) target(%dma_start3A_129 : memref<10240x128xf32, #tpu.memory_space<vmem_shared>>) offsets(%dma_start3A_126 : memref<128xi32, #tpu.memory_space<vmem>>) semaphore(%arg15 : memref<!tpu.dma_semaphore, #tpu.memory_space<semaphore_mem>>) {add = true}
      %dma_wait3A_130 = arith.constant 0 : i32
      %dma_wait3A_131 = tpu.memref_slice %arg8[%add3A_117, %dma_wait3A_130] : memref<40x128xi32, #tpu.memory_space<vmem>> -> memref<1x128xi32, #tpu.memory_space<vmem>>
      %dma_wait3A_132 = tpu.memref_squeeze %dma_wait3A_131 : memref<1x128xi32, #tpu.memory_space<vmem>> -> memref<128xi32, #tpu.memory_space<vmem>>
      %dma_wait3A_133 = arith.constant 0 : i32
      %dma_wait3A_134 = arith.constant 0 : i32
      %dma_wait3A_135 = tpu.memref_slice %arg11[%dma_wait3A_133, %dma_wait3A_134] : memref<10240x128xf32, #tpu.memory_space<vmem_shared>> -> memref<10240x128xf32, #tpu.memory_space<vmem_shared>>
      tpu.wait_indirect_dma semaphore(%arg15 : memref<!tpu.dma_semaphore, #tpu.memory_space<semaphore_mem>>) src(%arg10 : memref<128x128xf32, #tpu.memory_space<vmem>>) dst(%dma_wait3A_135 : memref<10240x128xf32, #tpu.memory_space<vmem_shared>>)
      %add3A_136 = arith.constant 2 : i32
      %add3A_137 = arith.addi %add3A_117, %add3A_136 : i32
      %lt3A_138 = arith.constant 40 : i32
      %lt3A_139 = arith.cmpi slt, %add3A_137, %lt3A_138 : i32
      %convert_element_type3A_140 = arith.extui %lt3A_139 : i1 to i32
      %cond3A_141 = arith.constant 0 : i32
      %cond3A_142 = arith.cmpi ne, %convert_element_type3A_140, %cond3A_141 : i32
      scf.if %cond3A_142 {
        %add3A_144 = arith.constant 2 : i32
        %add3A_145 = arith.addi %add3A_117, %add3A_144 : i32
        %dma_start3A_146 = arith.constant 0 : i32
        %dma_start3A_147 = tpu.memref_slice %arg7[%add3A_145, %dma_start3A_146] : memref<40x128xi32, #tpu.memory_space<vmem>> -> memref<1x128xi32, #tpu.memory_space<vmem>>
        %dma_start3A_148 = tpu.memref_squeeze %dma_start3A_147 : memref<1x128xi32, #tpu.memory_space<vmem>> -> memref<128xi32, #tpu.memory_space<vmem>>
        %dma_start3A_149 = arith.constant 0 : i32
        %dma_start3A_150 = arith.constant 0 : i32
        %dma_start3A_151 = tpu.memref_slice %arg2[%dma_start3A_149, %dma_start3A_150] : memref<10000x128xf32, #tpu.memory_space<hbm>> -> memref<10000x128xf32, #tpu.memory_space<hbm>>
        tpu.enqueue_indirect_dma source(%dma_start3A_151 : memref<10000x128xf32, #tpu.memory_space<hbm>>) target(%arg10 : memref<128x128xf32, #tpu.memory_space<vmem>>) offsets(%dma_start3A_148 : memref<128xi32, #tpu.memory_space<vmem>>) semaphore(%arg13 : memref<!tpu.dma_semaphore, #tpu.memory_space<semaphore_mem>>)
      } else {
      }
      %scan3A_143 = arith.constant 0 : i32
      scf.yield %scan3A_143 : i32
    }
    %scan3A_42 = arith.constant 20 : i32
    "tpu.region"() ({
      %run_scoped3A = tpu.sem_alloc : memref<!tpu.dma_semaphore, #tpu.memory_space<semaphore_mem>>
      %dma_start3A_90 = arith.constant 80 : i32
      %dma_start3A_91 = arith.constant 0 : i32
      %dma_start3A_92 = tpu.memref_slice %arg3[%arg1, %dma_start3A_90, %dma_start3A_91] : memref<16x160x128xi32, #tpu.memory_space<hbm>> -> memref<1x40x128xi32, #tpu.memory_space<hbm>>
      %dma_start3A_93 = tpu.memref_squeeze %dma_start3A_92 : memref<1x40x128xi32, #tpu.memory_space<hbm>> -> memref<40x128xi32, #tpu.memory_space<hbm>>
      %dma_start3A_94 = arith.constant 80 : i32
      %dma_start3A_95 = arith.constant 0 : i32
      %dma_start3A_96 = tpu.memref_slice %arg3[%arg1, %dma_start3A_94, %dma_start3A_95] : memref<16x160x128xi32, #tpu.memory_space<hbm>> -> memref<1x40x128xi32, #tpu.memory_space<hbm>>
      %dma_start3A_97 = tpu.memref_squeeze %dma_start3A_96 : memref<1x40x128xi32, #tpu.memory_space<hbm>> -> memref<40x128xi32, #tpu.memory_space<hbm>>
      tpu.enqueue_dma source(%dma_start3A_97 : memref<40x128xi32, #tpu.memory_space<hbm>>) target(%arg7 : memref<40x128xi32, #tpu.memory_space<vmem>>) target_semaphore(%run_scoped3A : memref<!tpu.dma_semaphore, #tpu.memory_space<semaphore_mem>>)
      %dma_wait3A = arith.constant 80 : i32
      %dma_wait3A_98 = arith.constant 0 : i32
      %dma_wait3A_99 = tpu.memref_slice %arg3[%arg1, %dma_wait3A, %dma_wait3A_98] : memref<16x160x128xi32, #tpu.memory_space<hbm>> -> memref<1x40x128xi32, #tpu.memory_space<hbm>>
      %dma_wait3A_100 = tpu.memref_squeeze %dma_wait3A_99 : memref<1x40x128xi32, #tpu.memory_space<hbm>> -> memref<40x128xi32, #tpu.memory_space<hbm>>
      %dma_wait3A_101 = arith.constant 80 : i32
      %dma_wait3A_102 = arith.constant 0 : i32
      %dma_wait3A_103 = tpu.memref_slice %arg3[%arg1, %dma_wait3A_101, %dma_wait3A_102] : memref<16x160x128xi32, #tpu.memory_space<hbm>> -> memref<1x40x128xi32, #tpu.memory_space<hbm>>
      %dma_wait3A_104 = tpu.memref_squeeze %dma_wait3A_103 : memref<1x40x128xi32, #tpu.memory_space<hbm>> -> memref<40x128xi32, #tpu.memory_space<hbm>>
      tpu.wait_dma2 semaphore(%run_scoped3A : memref<!tpu.dma_semaphore, #tpu.memory_space<semaphore_mem>>) src(%dma_wait3A_104 : memref<40x128xi32, #tpu.memory_space<hbm>>) dst(%arg7 : memref<40x128xi32, #tpu.memory_space<vmem>>)
      tpu.yield
    }) : () -> ()
    "tpu.region"() ({
      %run_scoped3A = tpu.sem_alloc : memref<!tpu.dma_semaphore, #tpu.memory_space<semaphore_mem>>
      %dma_start3A_90 = arith.constant 80 : i32
      %dma_start3A_91 = arith.constant 0 : i32
      %dma_start3A_92 = tpu.memref_slice %arg4[%arg1, %dma_start3A_90, %dma_start3A_91] : memref<16x160x128xi32, #tpu.memory_space<hbm>> -> memref<1x40x128xi32, #tpu.memory_space<hbm>>
      %dma_start3A_93 = tpu.memref_squeeze %dma_start3A_92 : memref<1x40x128xi32, #tpu.memory_space<hbm>> -> memref<40x128xi32, #tpu.memory_space<hbm>>
      %dma_start3A_94 = arith.constant 80 : i32
      %dma_start3A_95 = arith.constant 0 : i32
      %dma_start3A_96 = tpu.memref_slice %arg4[%arg1, %dma_start3A_94, %dma_start3A_95] : memref<16x160x128xi32, #tpu.memory_space<hbm>> -> memref<1x40x128xi32, #tpu.memory_space<hbm>>
      %dma_start3A_97 = tpu.memref_squeeze %dma_start3A_96 : memref<1x40x128xi32, #tpu.memory_space<hbm>> -> memref<40x128xi32, #tpu.memory_space<hbm>>
      tpu.enqueue_dma source(%dma_start3A_97 : memref<40x128xi32, #tpu.memory_space<hbm>>) target(%arg8 : memref<40x128xi32, #tpu.memory_space<vmem>>) target_semaphore(%run_scoped3A : memref<!tpu.dma_semaphore, #tpu.memory_space<semaphore_mem>>)
      %dma_wait3A = arith.constant 80 : i32
      %dma_wait3A_98 = arith.constant 0 : i32
      %dma_wait3A_99 = tpu.memref_slice %arg4[%arg1, %dma_wait3A, %dma_wait3A_98] : memref<16x160x128xi32, #tpu.memory_space<hbm>> -> memref<1x40x128xi32, #tpu.memory_space<hbm>>
      %dma_wait3A_100 = tpu.memref_squeeze %dma_wait3A_99 : memref<1x40x128xi32, #tpu.memory_space<hbm>> -> memref<40x128xi32, #tpu.memory_space<hbm>>
      %dma_wait3A_101 = arith.constant 80 : i32
      %dma_wait3A_102 = arith.constant 0 : i32
      %dma_wait3A_103 = tpu.memref_slice %arg4[%arg1, %dma_wait3A_101, %dma_wait3A_102] : memref<16x160x128xi32, #tpu.memory_space<hbm>> -> memref<1x40x128xi32, #tpu.memory_space<hbm>>
      %dma_wait3A_104 = tpu.memref_squeeze %dma_wait3A_103 : memref<1x40x128xi32, #tpu.memory_space<hbm>> -> memref<40x128xi32, #tpu.memory_space<hbm>>
      tpu.wait_dma2 semaphore(%run_scoped3A : memref<!tpu.dma_semaphore, #tpu.memory_space<semaphore_mem>>) src(%dma_wait3A_104 : memref<40x128xi32, #tpu.memory_space<hbm>>) dst(%arg8 : memref<40x128xi32, #tpu.memory_space<vmem>>)
      tpu.yield
    }) : () -> ()
    %dma_start3A_43 = arith.constant 0 : i32
    %dma_start3A_44 = arith.constant 0 : i32
    %dma_start3A_45 = tpu.memref_slice %arg7[%dma_start3A_43, %dma_start3A_44] : memref<40x128xi32, #tpu.memory_space<vmem>> -> memref<1x128xi32, #tpu.memory_space<vmem>>
    %dma_start3A_46 = tpu.memref_squeeze %dma_start3A_45 : memref<1x128xi32, #tpu.memory_space<vmem>> -> memref<128xi32, #tpu.memory_space<vmem>>
    %dma_start3A_47 = arith.constant 0 : i32
    %dma_start3A_48 = arith.constant 0 : i32
    %dma_start3A_49 = tpu.memref_slice %arg2[%dma_start3A_47, %dma_start3A_48] : memref<10000x128xf32, #tpu.memory_space<hbm>> -> memref<10000x128xf32, #tpu.memory_space<hbm>>
    tpu.enqueue_indirect_dma source(%dma_start3A_49 : memref<10000x128xf32, #tpu.memory_space<hbm>>) target(%arg9 : memref<128x128xf32, #tpu.memory_space<vmem>>) offsets(%dma_start3A_46 : memref<128xi32, #tpu.memory_space<vmem>>) semaphore(%arg12 : memref<!tpu.dma_semaphore, #tpu.memory_space<semaphore_mem>>)
    %dma_start3A_50 = arith.constant 1 : i32
    %dma_start3A_51 = arith.constant 0 : i32
    %dma_start3A_52 = tpu.memref_slice %arg7[%dma_start3A_50, %dma_start3A_51] : memref<40x128xi32, #tpu.memory_space<vmem>> -> memref<1x128xi32, #tpu.memory_space<vmem>>
    %dma_start3A_53 = tpu.memref_squeeze %dma_start3A_52 : memref<1x128xi32, #tpu.memory_space<vmem>> -> memref<128xi32, #tpu.memory_space<vmem>>
    %dma_start3A_54 = arith.constant 0 : i32
    %dma_start3A_55 = arith.constant 0 : i32
    %dma_start3A_56 = tpu.memref_slice %arg2[%dma_start3A_54, %dma_start3A_55] : memref<10000x128xf32, #tpu.memory_space<hbm>> -> memref<10000x128xf32, #tpu.memory_space<hbm>>
    tpu.enqueue_indirect_dma source(%dma_start3A_56 : memref<10000x128xf32, #tpu.memory_space<hbm>>) target(%arg10 : memref<128x128xf32, #tpu.memory_space<vmem>>) offsets(%dma_start3A_53 : memref<128xi32, #tpu.memory_space<vmem>>) semaphore(%arg13 : memref<!tpu.dma_semaphore, #tpu.memory_space<semaphore_mem>>)
    %scan3A_57 = arith.constant 0 : i32
    %scan3A_58 = arith.constant 0 : i32
    %scan3A_59 = arith.constant 20 : i32
    %scan3A_60 = arith.addi %scan3A_58, %scan3A_59 : i32
    %scan3A_61 = arith.constant 1 : i32
    %scan3A_62 = scf.for %scan3A_90 = %scan3A_58 to %scan3A_60 step %scan3A_61 iter_args(%scan3A_91 = %scan3A_57) -> (i32)  : i32 {
      %mul3A_92 = arith.constant 2 : i32
      %mul3A_93 = arith.muli %scan3A_90, %mul3A_92 : i32
      %add3A = arith.constant 0 : i32
      %add3A_94 = arith.addi %mul3A_93, %add3A : i32
      %dma_wait3A = arith.constant 0 : i32
      %dma_wait3A_95 = tpu.memref_slice %arg7[%add3A_94, %dma_wait3A] : memref<40x128xi32, #tpu.memory_space<vmem>> -> memref<1x128xi32, #tpu.memory_space<vmem>>
      %dma_wait3A_96 = tpu.memref_squeeze %dma_wait3A_95 : memref<1x128xi32, #tpu.memory_space<vmem>> -> memref<128xi32, #tpu.memory_space<vmem>>
      %dma_wait3A_97 = arith.constant 0 : i32
      %dma_wait3A_98 = arith.constant 0 : i32
      %dma_wait3A_99 = tpu.memref_slice %arg2[%dma_wait3A_97, %dma_wait3A_98] : memref<10000x128xf32, #tpu.memory_space<hbm>> -> memref<10000x128xf32, #tpu.memory_space<hbm>>
      tpu.wait_indirect_dma semaphore(%arg12 : memref<!tpu.dma_semaphore, #tpu.memory_space<semaphore_mem>>) src(%dma_wait3A_99 : memref<10000x128xf32, #tpu.memory_space<hbm>>) dst(%arg9 : memref<128x128xf32, #tpu.memory_space<vmem>>)
      %dma_start3A_100 = arith.constant 0 : i32
      %dma_start3A_101 = tpu.memref_slice %arg8[%add3A_94, %dma_start3A_100] : memref<40x128xi32, #tpu.memory_space<vmem>> -> memref<1x128xi32, #tpu.memory_space<vmem>>
      %dma_start3A_102 = tpu.memref_squeeze %dma_start3A_101 : memref<1x128xi32, #tpu.memory_space<vmem>> -> memref<128xi32, #tpu.memory_space<vmem>>
      %dma_start3A_103 = arith.constant 0 : i32
      %dma_start3A_104 = arith.constant 0 : i32
      %dma_start3A_105 = tpu.memref_slice %arg11[%dma_start3A_103, %dma_start3A_104] : memref<10240x128xf32, #tpu.memory_space<vmem_shared>> -> memref<10240x128xf32, #tpu.memory_space<vmem_shared>>
      tpu.enqueue_indirect_dma source(%arg9 : memref<128x128xf32, #tpu.memory_space<vmem>>) target(%dma_start3A_105 : memref<10240x128xf32, #tpu.memory_space<vmem_shared>>) offsets(%dma_start3A_102 : memref<128xi32, #tpu.memory_space<vmem>>) semaphore(%arg14 : memref<!tpu.dma_semaphore, #tpu.memory_space<semaphore_mem>>) {add = true}
      %dma_wait3A_106 = arith.constant 0 : i32
      %dma_wait3A_107 = tpu.memref_slice %arg8[%add3A_94, %dma_wait3A_106] : memref<40x128xi32, #tpu.memory_space<vmem>> -> memref<1x128xi32, #tpu.memory_space<vmem>>
      %dma_wait3A_108 = tpu.memref_squeeze %dma_wait3A_107 : memref<1x128xi32, #tpu.memory_space<vmem>> -> memref<128xi32, #tpu.memory_space<vmem>>
      %dma_wait3A_109 = arith.constant 0 : i32
      %dma_wait3A_110 = arith.constant 0 : i32
      %dma_wait3A_111 = tpu.memref_slice %arg11[%dma_wait3A_109, %dma_wait3A_110] : memref<10240x128xf32, #tpu.memory_space<vmem_shared>> -> memref<10240x128xf32, #tpu.memory_space<vmem_shared>>
      tpu.wait_indirect_dma semaphore(%arg14 : memref<!tpu.dma_semaphore, #tpu.memory_space<semaphore_mem>>) src(%arg9 : memref<128x128xf32, #tpu.memory_space<vmem>>) dst(%dma_wait3A_111 : memref<10240x128xf32, #tpu.memory_space<vmem_shared>>)
      %add3A_112 = arith.constant 2 : i32
      %add3A_113 = arith.addi %add3A_94, %add3A_112 : i32
      %lt3A = arith.constant 40 : i32
      %lt3A_114 = arith.cmpi slt, %add3A_113, %lt3A : i32
      %convert_element_type3A = arith.extui %lt3A_114 : i1 to i32
      %cond3A = arith.constant 0 : i32
      %cond3A_115 = arith.cmpi ne, %convert_element_type3A, %cond3A : i32
      scf.if %cond3A_115 {
        %add3A_144 = arith.constant 2 : i32
        %add3A_145 = arith.addi %add3A_94, %add3A_144 : i32
        %dma_start3A_146 = arith.constant 0 : i32
        %dma_start3A_147 = tpu.memref_slice %arg7[%add3A_145, %dma_start3A_146] : memref<40x128xi32, #tpu.memory_space<vmem>> -> memref<1x128xi32, #tpu.memory_space<vmem>>
        %dma_start3A_148 = tpu.memref_squeeze %dma_start3A_147 : memref<1x128xi32, #tpu.memory_space<vmem>> -> memref<128xi32, #tpu.memory_space<vmem>>
        %dma_start3A_149 = arith.constant 0 : i32
        %dma_start3A_150 = arith.constant 0 : i32
        %dma_start3A_151 = tpu.memref_slice %arg2[%dma_start3A_149, %dma_start3A_150] : memref<10000x128xf32, #tpu.memory_space<hbm>> -> memref<10000x128xf32, #tpu.memory_space<hbm>>
        tpu.enqueue_indirect_dma source(%dma_start3A_151 : memref<10000x128xf32, #tpu.memory_space<hbm>>) target(%arg9 : memref<128x128xf32, #tpu.memory_space<vmem>>) offsets(%dma_start3A_148 : memref<128xi32, #tpu.memory_space<vmem>>) semaphore(%arg12 : memref<!tpu.dma_semaphore, #tpu.memory_space<semaphore_mem>>)
      } else {
      }
      %add3A_116 = arith.constant 1 : i32
      %add3A_117 = arith.addi %mul3A_93, %add3A_116 : i32
      %dma_wait3A_118 = arith.constant 0 : i32
      %dma_wait3A_119 = tpu.memref_slice %arg7[%add3A_117, %dma_wait3A_118] : memref<40x128xi32, #tpu.memory_space<vmem>> -> memref<1x128xi32, #tpu.memory_space<vmem>>
      %dma_wait3A_120 = tpu.memref_squeeze %dma_wait3A_119 : memref<1x128xi32, #tpu.memory_space<vmem>> -> memref<128xi32, #tpu.memory_space<vmem>>
      %dma_wait3A_121 = arith.constant 0 : i32
      %dma_wait3A_122 = arith.constant 0 : i32
      %dma_wait3A_123 = tpu.memref_slice %arg2[%dma_wait3A_121, %dma_wait3A_122] : memref<10000x128xf32, #tpu.memory_space<hbm>> -> memref<10000x128xf32, #tpu.memory_space<hbm>>
      tpu.wait_indirect_dma semaphore(%arg13 : memref<!tpu.dma_semaphore, #tpu.memory_space<semaphore_mem>>) src(%dma_wait3A_123 : memref<10000x128xf32, #tpu.memory_space<hbm>>) dst(%arg10 : memref<128x128xf32, #tpu.memory_space<vmem>>)
      %dma_start3A_124 = arith.constant 0 : i32
      %dma_start3A_125 = tpu.memref_slice %arg8[%add3A_117, %dma_start3A_124] : memref<40x128xi32, #tpu.memory_space<vmem>> -> memref<1x128xi32, #tpu.memory_space<vmem>>
      %dma_start3A_126 = tpu.memref_squeeze %dma_start3A_125 : memref<1x128xi32, #tpu.memory_space<vmem>> -> memref<128xi32, #tpu.memory_space<vmem>>
      %dma_start3A_127 = arith.constant 0 : i32
      %dma_start3A_128 = arith.constant 0 : i32
      %dma_start3A_129 = tpu.memref_slice %arg11[%dma_start3A_127, %dma_start3A_128] : memref<10240x128xf32, #tpu.memory_space<vmem_shared>> -> memref<10240x128xf32, #tpu.memory_space<vmem_shared>>
      tpu.enqueue_indirect_dma source(%arg10 : memref<128x128xf32, #tpu.memory_space<vmem>>) target(%dma_start3A_129 : memref<10240x128xf32, #tpu.memory_space<vmem_shared>>) offsets(%dma_start3A_126 : memref<128xi32, #tpu.memory_space<vmem>>) semaphore(%arg15 : memref<!tpu.dma_semaphore, #tpu.memory_space<semaphore_mem>>) {add = true}
      %dma_wait3A_130 = arith.constant 0 : i32
      %dma_wait3A_131 = tpu.memref_slice %arg8[%add3A_117, %dma_wait3A_130] : memref<40x128xi32, #tpu.memory_space<vmem>> -> memref<1x128xi32, #tpu.memory_space<vmem>>
      %dma_wait3A_132 = tpu.memref_squeeze %dma_wait3A_131 : memref<1x128xi32, #tpu.memory_space<vmem>> -> memref<128xi32, #tpu.memory_space<vmem>>
      %dma_wait3A_133 = arith.constant 0 : i32
      %dma_wait3A_134 = arith.constant 0 : i32
      %dma_wait3A_135 = tpu.memref_slice %arg11[%dma_wait3A_133, %dma_wait3A_134] : memref<10240x128xf32, #tpu.memory_space<vmem_shared>> -> memref<10240x128xf32, #tpu.memory_space<vmem_shared>>
      tpu.wait_indirect_dma semaphore(%arg15 : memref<!tpu.dma_semaphore, #tpu.memory_space<semaphore_mem>>) src(%arg10 : memref<128x128xf32, #tpu.memory_space<vmem>>) dst(%dma_wait3A_135 : memref<10240x128xf32, #tpu.memory_space<vmem_shared>>)
      %add3A_136 = arith.constant 2 : i32
      %add3A_137 = arith.addi %add3A_117, %add3A_136 : i32
      %lt3A_138 = arith.constant 40 : i32
      %lt3A_139 = arith.cmpi slt, %add3A_137, %lt3A_138 : i32
      %convert_element_type3A_140 = arith.extui %lt3A_139 : i1 to i32
      %cond3A_141 = arith.constant 0 : i32
      %cond3A_142 = arith.cmpi ne, %convert_element_type3A_140, %cond3A_141 : i32
      scf.if %cond3A_142 {
        %add3A_144 = arith.constant 2 : i32
        %add3A_145 = arith.addi %add3A_117, %add3A_144 : i32
        %dma_start3A_146 = arith.constant 0 : i32
        %dma_start3A_147 = tpu.memref_slice %arg7[%add3A_145, %dma_start3A_146] : memref<40x128xi32, #tpu.memory_space<vmem>> -> memref<1x128xi32, #tpu.memory_space<vmem>>
        %dma_start3A_148 = tpu.memref_squeeze %dma_start3A_147 : memref<1x128xi32, #tpu.memory_space<vmem>> -> memref<128xi32, #tpu.memory_space<vmem>>
        %dma_start3A_149 = arith.constant 0 : i32
        %dma_start3A_150 = arith.constant 0 : i32
        %dma_start3A_151 = tpu.memref_slice %arg2[%dma_start3A_149, %dma_start3A_150] : memref<10000x128xf32, #tpu.memory_space<hbm>> -> memref<10000x128xf32, #tpu.memory_space<hbm>>
        tpu.enqueue_indirect_dma source(%dma_start3A_151 : memref<10000x128xf32, #tpu.memory_space<hbm>>) target(%arg10 : memref<128x128xf32, #tpu.memory_space<vmem>>) offsets(%dma_start3A_148 : memref<128xi32, #tpu.memory_space<vmem>>) semaphore(%arg13 : memref<!tpu.dma_semaphore, #tpu.memory_space<semaphore_mem>>)
      } else {
      }
      %scan3A_143 = arith.constant 0 : i32
      scf.yield %scan3A_143 : i32
    }
    %scan3A_63 = arith.constant 20 : i32
    "tpu.region"() ({
      %run_scoped3A = tpu.sem_alloc : memref<!tpu.dma_semaphore, #tpu.memory_space<semaphore_mem>>
      %dma_start3A_90 = arith.constant 120 : i32
      %dma_start3A_91 = arith.constant 0 : i32
      %dma_start3A_92 = tpu.memref_slice %arg3[%arg1, %dma_start3A_90, %dma_start3A_91] : memref<16x160x128xi32, #tpu.memory_space<hbm>> -> memref<1x40x128xi32, #tpu.memory_space<hbm>>
      %dma_start3A_93 = tpu.memref_squeeze %dma_start3A_92 : memref<1x40x128xi32, #tpu.memory_space<hbm>> -> memref<40x128xi32, #tpu.memory_space<hbm>>
      %dma_start3A_94 = arith.constant 120 : i32
      %dma_start3A_95 = arith.constant 0 : i32
      %dma_start3A_96 = tpu.memref_slice %arg3[%arg1, %dma_start3A_94, %dma_start3A_95] : memref<16x160x128xi32, #tpu.memory_space<hbm>> -> memref<1x40x128xi32, #tpu.memory_space<hbm>>
      %dma_start3A_97 = tpu.memref_squeeze %dma_start3A_96 : memref<1x40x128xi32, #tpu.memory_space<hbm>> -> memref<40x128xi32, #tpu.memory_space<hbm>>
      tpu.enqueue_dma source(%dma_start3A_97 : memref<40x128xi32, #tpu.memory_space<hbm>>) target(%arg7 : memref<40x128xi32, #tpu.memory_space<vmem>>) target_semaphore(%run_scoped3A : memref<!tpu.dma_semaphore, #tpu.memory_space<semaphore_mem>>)
      %dma_wait3A = arith.constant 120 : i32
      %dma_wait3A_98 = arith.constant 0 : i32
      %dma_wait3A_99 = tpu.memref_slice %arg3[%arg1, %dma_wait3A, %dma_wait3A_98] : memref<16x160x128xi32, #tpu.memory_space<hbm>> -> memref<1x40x128xi32, #tpu.memory_space<hbm>>
      %dma_wait3A_100 = tpu.memref_squeeze %dma_wait3A_99 : memref<1x40x128xi32, #tpu.memory_space<hbm>> -> memref<40x128xi32, #tpu.memory_space<hbm>>
      %dma_wait3A_101 = arith.constant 120 : i32
      %dma_wait3A_102 = arith.constant 0 : i32
      %dma_wait3A_103 = tpu.memref_slice %arg3[%arg1, %dma_wait3A_101, %dma_wait3A_102] : memref<16x160x128xi32, #tpu.memory_space<hbm>> -> memref<1x40x128xi32, #tpu.memory_space<hbm>>
      %dma_wait3A_104 = tpu.memref_squeeze %dma_wait3A_103 : memref<1x40x128xi32, #tpu.memory_space<hbm>> -> memref<40x128xi32, #tpu.memory_space<hbm>>
      tpu.wait_dma2 semaphore(%run_scoped3A : memref<!tpu.dma_semaphore, #tpu.memory_space<semaphore_mem>>) src(%dma_wait3A_104 : memref<40x128xi32, #tpu.memory_space<hbm>>) dst(%arg7 : memref<40x128xi32, #tpu.memory_space<vmem>>)
      tpu.yield
    }) : () -> ()
    "tpu.region"() ({
      %run_scoped3A = tpu.sem_alloc : memref<!tpu.dma_semaphore, #tpu.memory_space<semaphore_mem>>
      %dma_start3A_90 = arith.constant 120 : i32
      %dma_start3A_91 = arith.constant 0 : i32
      %dma_start3A_92 = tpu.memref_slice %arg4[%arg1, %dma_start3A_90, %dma_start3A_91] : memref<16x160x128xi32, #tpu.memory_space<hbm>> -> memref<1x40x128xi32, #tpu.memory_space<hbm>>
      %dma_start3A_93 = tpu.memref_squeeze %dma_start3A_92 : memref<1x40x128xi32, #tpu.memory_space<hbm>> -> memref<40x128xi32, #tpu.memory_space<hbm>>
      %dma_start3A_94 = arith.constant 120 : i32
      %dma_start3A_95 = arith.constant 0 : i32
      %dma_start3A_96 = tpu.memref_slice %arg4[%arg1, %dma_start3A_94, %dma_start3A_95] : memref<16x160x128xi32, #tpu.memory_space<hbm>> -> memref<1x40x128xi32, #tpu.memory_space<hbm>>
      %dma_start3A_97 = tpu.memref_squeeze %dma_start3A_96 : memref<1x40x128xi32, #tpu.memory_space<hbm>> -> memref<40x128xi32, #tpu.memory_space<hbm>>
      tpu.enqueue_dma source(%dma_start3A_97 : memref<40x128xi32, #tpu.memory_space<hbm>>) target(%arg8 : memref<40x128xi32, #tpu.memory_space<vmem>>) target_semaphore(%run_scoped3A : memref<!tpu.dma_semaphore, #tpu.memory_space<semaphore_mem>>)
      %dma_wait3A = arith.constant 120 : i32
      %dma_wait3A_98 = arith.constant 0 : i32
      %dma_wait3A_99 = tpu.memref_slice %arg4[%arg1, %dma_wait3A, %dma_wait3A_98] : memref<16x160x128xi32, #tpu.memory_space<hbm>> -> memref<1x40x128xi32, #tpu.memory_space<hbm>>
      %dma_wait3A_100 = tpu.memref_squeeze %dma_wait3A_99 : memref<1x40x128xi32, #tpu.memory_space<hbm>> -> memref<40x128xi32, #tpu.memory_space<hbm>>
      %dma_wait3A_101 = arith.constant 120 : i32
      %dma_wait3A_102 = arith.constant 0 : i32
      %dma_wait3A_103 = tpu.memref_slice %arg4[%arg1, %dma_wait3A_101, %dma_wait3A_102] : memref<16x160x128xi32, #tpu.memory_space<hbm>> -> memref<1x40x128xi32, #tpu.memory_space<hbm>>
      %dma_wait3A_104 = tpu.memref_squeeze %dma_wait3A_103 : memref<1x40x128xi32, #tpu.memory_space<hbm>> -> memref<40x128xi32, #tpu.memory_space<hbm>>
      tpu.wait_dma2 semaphore(%run_scoped3A : memref<!tpu.dma_semaphore, #tpu.memory_space<semaphore_mem>>) src(%dma_wait3A_104 : memref<40x128xi32, #tpu.memory_space<hbm>>) dst(%arg8 : memref<40x128xi32, #tpu.memory_space<vmem>>)
      tpu.yield
    }) : () -> ()
    %dma_start3A_64 = arith.constant 0 : i32
    %dma_start3A_65 = arith.constant 0 : i32
    %dma_start3A_66 = tpu.memref_slice %arg7[%dma_start3A_64, %dma_start3A_65] : memref<40x128xi32, #tpu.memory_space<vmem>> -> memref<1x128xi32, #tpu.memory_space<vmem>>
    %dma_start3A_67 = tpu.memref_squeeze %dma_start3A_66 : memref<1x128xi32, #tpu.memory_space<vmem>> -> memref<128xi32, #tpu.memory_space<vmem>>
    %dma_start3A_68 = arith.constant 0 : i32
    %dma_start3A_69 = arith.constant 0 : i32
    %dma_start3A_70 = tpu.memref_slice %arg2[%dma_start3A_68, %dma_start3A_69] : memref<10000x128xf32, #tpu.memory_space<hbm>> -> memref<10000x128xf32, #tpu.memory_space<hbm>>
    tpu.enqueue_indirect_dma source(%dma_start3A_70 : memref<10000x128xf32, #tpu.memory_space<hbm>>) target(%arg9 : memref<128x128xf32, #tpu.memory_space<vmem>>) offsets(%dma_start3A_67 : memref<128xi32, #tpu.memory_space<vmem>>) semaphore(%arg12 : memref<!tpu.dma_semaphore, #tpu.memory_space<semaphore_mem>>)
    %dma_start3A_71 = arith.constant 1 : i32
    %dma_start3A_72 = arith.constant 0 : i32
    %dma_start3A_73 = tpu.memref_slice %arg7[%dma_start3A_71, %dma_start3A_72] : memref<40x128xi32, #tpu.memory_space<vmem>> -> memref<1x128xi32, #tpu.memory_space<vmem>>
    %dma_start3A_74 = tpu.memref_squeeze %dma_start3A_73 : memref<1x128xi32, #tpu.memory_space<vmem>> -> memref<128xi32, #tpu.memory_space<vmem>>
    %dma_start3A_75 = arith.constant 0 : i32
    %dma_start3A_76 = arith.constant 0 : i32
    %dma_start3A_77 = tpu.memref_slice %arg2[%dma_start3A_75, %dma_start3A_76] : memref<10000x128xf32, #tpu.memory_space<hbm>> -> memref<10000x128xf32, #tpu.memory_space<hbm>>
    tpu.enqueue_indirect_dma source(%dma_start3A_77 : memref<10000x128xf32, #tpu.memory_space<hbm>>) target(%arg10 : memref<128x128xf32, #tpu.memory_space<vmem>>) offsets(%dma_start3A_74 : memref<128xi32, #tpu.memory_space<vmem>>) semaphore(%arg13 : memref<!tpu.dma_semaphore, #tpu.memory_space<semaphore_mem>>)
    %scan3A_78 = arith.constant 0 : i32
    %scan3A_79 = arith.constant 0 : i32
    %scan3A_80 = arith.constant 20 : i32
    %scan3A_81 = arith.addi %scan3A_79, %scan3A_80 : i32
    %scan3A_82 = arith.constant 1 : i32
    %scan3A_83 = scf.for %scan3A_90 = %scan3A_79 to %scan3A_81 step %scan3A_82 iter_args(%scan3A_91 = %scan3A_78) -> (i32)  : i32 {
      %mul3A_92 = arith.constant 2 : i32
      %mul3A_93 = arith.muli %scan3A_90, %mul3A_92 : i32
      %add3A = arith.constant 0 : i32
      %add3A_94 = arith.addi %mul3A_93, %add3A : i32
      %dma_wait3A = arith.constant 0 : i32
      %dma_wait3A_95 = tpu.memref_slice %arg7[%add3A_94, %dma_wait3A] : memref<40x128xi32, #tpu.memory_space<vmem>> -> memref<1x128xi32, #tpu.memory_space<vmem>>
      %dma_wait3A_96 = tpu.memref_squeeze %dma_wait3A_95 : memref<1x128xi32, #tpu.memory_space<vmem>> -> memref<128xi32, #tpu.memory_space<vmem>>
      %dma_wait3A_97 = arith.constant 0 : i32
      %dma_wait3A_98 = arith.constant 0 : i32
      %dma_wait3A_99 = tpu.memref_slice %arg2[%dma_wait3A_97, %dma_wait3A_98] : memref<10000x128xf32, #tpu.memory_space<hbm>> -> memref<10000x128xf32, #tpu.memory_space<hbm>>
      tpu.wait_indirect_dma semaphore(%arg12 : memref<!tpu.dma_semaphore, #tpu.memory_space<semaphore_mem>>) src(%dma_wait3A_99 : memref<10000x128xf32, #tpu.memory_space<hbm>>) dst(%arg9 : memref<128x128xf32, #tpu.memory_space<vmem>>)
      %dma_start3A_100 = arith.constant 0 : i32
      %dma_start3A_101 = tpu.memref_slice %arg8[%add3A_94, %dma_start3A_100] : memref<40x128xi32, #tpu.memory_space<vmem>> -> memref<1x128xi32, #tpu.memory_space<vmem>>
      %dma_start3A_102 = tpu.memref_squeeze %dma_start3A_101 : memref<1x128xi32, #tpu.memory_space<vmem>> -> memref<128xi32, #tpu.memory_space<vmem>>
      %dma_start3A_103 = arith.constant 0 : i32
      %dma_start3A_104 = arith.constant 0 : i32
      %dma_start3A_105 = tpu.memref_slice %arg11[%dma_start3A_103, %dma_start3A_104] : memref<10240x128xf32, #tpu.memory_space<vmem_shared>> -> memref<10240x128xf32, #tpu.memory_space<vmem_shared>>
      tpu.enqueue_indirect_dma source(%arg9 : memref<128x128xf32, #tpu.memory_space<vmem>>) target(%dma_start3A_105 : memref<10240x128xf32, #tpu.memory_space<vmem_shared>>) offsets(%dma_start3A_102 : memref<128xi32, #tpu.memory_space<vmem>>) semaphore(%arg14 : memref<!tpu.dma_semaphore, #tpu.memory_space<semaphore_mem>>) {add = true}
      %dma_wait3A_106 = arith.constant 0 : i32
      %dma_wait3A_107 = tpu.memref_slice %arg8[%add3A_94, %dma_wait3A_106] : memref<40x128xi32, #tpu.memory_space<vmem>> -> memref<1x128xi32, #tpu.memory_space<vmem>>
      %dma_wait3A_108 = tpu.memref_squeeze %dma_wait3A_107 : memref<1x128xi32, #tpu.memory_space<vmem>> -> memref<128xi32, #tpu.memory_space<vmem>>
      %dma_wait3A_109 = arith.constant 0 : i32
      %dma_wait3A_110 = arith.constant 0 : i32
      %dma_wait3A_111 = tpu.memref_slice %arg11[%dma_wait3A_109, %dma_wait3A_110] : memref<10240x128xf32, #tpu.memory_space<vmem_shared>> -> memref<10240x128xf32, #tpu.memory_space<vmem_shared>>
      tpu.wait_indirect_dma semaphore(%arg14 : memref<!tpu.dma_semaphore, #tpu.memory_space<semaphore_mem>>) src(%arg9 : memref<128x128xf32, #tpu.memory_space<vmem>>) dst(%dma_wait3A_111 : memref<10240x128xf32, #tpu.memory_space<vmem_shared>>)
      %add3A_112 = arith.constant 2 : i32
      %add3A_113 = arith.addi %add3A_94, %add3A_112 : i32
      %lt3A = arith.constant 40 : i32
      %lt3A_114 = arith.cmpi slt, %add3A_113, %lt3A : i32
      %convert_element_type3A = arith.extui %lt3A_114 : i1 to i32
      %cond3A = arith.constant 0 : i32
      %cond3A_115 = arith.cmpi ne, %convert_element_type3A, %cond3A : i32
      scf.if %cond3A_115 {
        %add3A_144 = arith.constant 2 : i32
        %add3A_145 = arith.addi %add3A_94, %add3A_144 : i32
        %dma_start3A_146 = arith.constant 0 : i32
        %dma_start3A_147 = tpu.memref_slice %arg7[%add3A_145, %dma_start3A_146] : memref<40x128xi32, #tpu.memory_space<vmem>> -> memref<1x128xi32, #tpu.memory_space<vmem>>
        %dma_start3A_148 = tpu.memref_squeeze %dma_start3A_147 : memref<1x128xi32, #tpu.memory_space<vmem>> -> memref<128xi32, #tpu.memory_space<vmem>>
        %dma_start3A_149 = arith.constant 0 : i32
        %dma_start3A_150 = arith.constant 0 : i32
        %dma_start3A_151 = tpu.memref_slice %arg2[%dma_start3A_149, %dma_start3A_150] : memref<10000x128xf32, #tpu.memory_space<hbm>> -> memref<10000x128xf32, #tpu.memory_space<hbm>>
        tpu.enqueue_indirect_dma source(%dma_start3A_151 : memref<10000x128xf32, #tpu.memory_space<hbm>>) target(%arg9 : memref<128x128xf32, #tpu.memory_space<vmem>>) offsets(%dma_start3A_148 : memref<128xi32, #tpu.memory_space<vmem>>) semaphore(%arg12 : memref<!tpu.dma_semaphore, #tpu.memory_space<semaphore_mem>>)
      } else {
      }
      %add3A_116 = arith.constant 1 : i32
      %add3A_117 = arith.addi %mul3A_93, %add3A_116 : i32
      %dma_wait3A_118 = arith.constant 0 : i32
      %dma_wait3A_119 = tpu.memref_slice %arg7[%add3A_117, %dma_wait3A_118] : memref<40x128xi32, #tpu.memory_space<vmem>> -> memref<1x128xi32, #tpu.memory_space<vmem>>
      %dma_wait3A_120 = tpu.memref_squeeze %dma_wait3A_119 : memref<1x128xi32, #tpu.memory_space<vmem>> -> memref<128xi32, #tpu.memory_space<vmem>>
      %dma_wait3A_121 = arith.constant 0 : i32
      %dma_wait3A_122 = arith.constant 0 : i32
      %dma_wait3A_123 = tpu.memref_slice %arg2[%dma_wait3A_121, %dma_wait3A_122] : memref<10000x128xf32, #tpu.memory_space<hbm>> -> memref<10000x128xf32, #tpu.memory_space<hbm>>
      tpu.wait_indirect_dma semaphore(%arg13 : memref<!tpu.dma_semaphore, #tpu.memory_space<semaphore_mem>>) src(%dma_wait3A_123 : memref<10000x128xf32, #tpu.memory_space<hbm>>) dst(%arg10 : memref<128x128xf32, #tpu.memory_space<vmem>>)
      %dma_start3A_124 = arith.constant 0 : i32
      %dma_start3A_125 = tpu.memref_slice %arg8[%add3A_117, %dma_start3A_124] : memref<40x128xi32, #tpu.memory_space<vmem>> -> memref<1x128xi32, #tpu.memory_space<vmem>>
      %dma_start3A_126 = tpu.memref_squeeze %dma_start3A_125 : memref<1x128xi32, #tpu.memory_space<vmem>> -> memref<128xi32, #tpu.memory_space<vmem>>
      %dma_start3A_127 = arith.constant 0 : i32
      %dma_start3A_128 = arith.constant 0 : i32
      %dma_start3A_129 = tpu.memref_slice %arg11[%dma_start3A_127, %dma_start3A_128] : memref<10240x128xf32, #tpu.memory_space<vmem_shared>> -> memref<10240x128xf32, #tpu.memory_space<vmem_shared>>
      tpu.enqueue_indirect_dma source(%arg10 : memref<128x128xf32, #tpu.memory_space<vmem>>) target(%dma_start3A_129 : memref<10240x128xf32, #tpu.memory_space<vmem_shared>>) offsets(%dma_start3A_126 : memref<128xi32, #tpu.memory_space<vmem>>) semaphore(%arg15 : memref<!tpu.dma_semaphore, #tpu.memory_space<semaphore_mem>>) {add = true}
      %dma_wait3A_130 = arith.constant 0 : i32
      %dma_wait3A_131 = tpu.memref_slice %arg8[%add3A_117, %dma_wait3A_130] : memref<40x128xi32, #tpu.memory_space<vmem>> -> memref<1x128xi32, #tpu.memory_space<vmem>>
      %dma_wait3A_132 = tpu.memref_squeeze %dma_wait3A_131 : memref<1x128xi32, #tpu.memory_space<vmem>> -> memref<128xi32, #tpu.memory_space<vmem>>
      %dma_wait3A_133 = arith.constant 0 : i32
      %dma_wait3A_134 = arith.constant 0 : i32
      %dma_wait3A_135 = tpu.memref_slice %arg11[%dma_wait3A_133, %dma_wait3A_134] : memref<10240x128xf32, #tpu.memory_space<vmem_shared>> -> memref<10240x128xf32, #tpu.memory_space<vmem_shared>>
      tpu.wait_indirect_dma semaphore(%arg15 : memref<!tpu.dma_semaphore, #tpu.memory_space<semaphore_mem>>) src(%arg10 : memref<128x128xf32, #tpu.memory_space<vmem>>) dst(%dma_wait3A_135 : memref<10240x128xf32, #tpu.memory_space<vmem_shared>>)
      %add3A_136 = arith.constant 2 : i32
      %add3A_137 = arith.addi %add3A_117, %add3A_136 : i32
      %lt3A_138 = arith.constant 40 : i32
      %lt3A_139 = arith.cmpi slt, %add3A_137, %lt3A_138 : i32
      %convert_element_type3A_140 = arith.extui %lt3A_139 : i1 to i32
      %cond3A_141 = arith.constant 0 : i32
      %cond3A_142 = arith.cmpi ne, %convert_element_type3A_140, %cond3A_141 : i32
      scf.if %cond3A_142 {
        %add3A_144 = arith.constant 2 : i32
        %add3A_145 = arith.addi %add3A_117, %add3A_144 : i32
        %dma_start3A_146 = arith.constant 0 : i32
        %dma_start3A_147 = tpu.memref_slice %arg7[%add3A_145, %dma_start3A_146] : memref<40x128xi32, #tpu.memory_space<vmem>> -> memref<1x128xi32, #tpu.memory_space<vmem>>
        %dma_start3A_148 = tpu.memref_squeeze %dma_start3A_147 : memref<1x128xi32, #tpu.memory_space<vmem>> -> memref<128xi32, #tpu.memory_space<vmem>>
        %dma_start3A_149 = arith.constant 0 : i32
        %dma_start3A_150 = arith.constant 0 : i32
        %dma_start3A_151 = tpu.memref_slice %arg2[%dma_start3A_149, %dma_start3A_150] : memref<10000x128xf32, #tpu.memory_space<hbm>> -> memref<10000x128xf32, #tpu.memory_space<hbm>>
        tpu.enqueue_indirect_dma source(%dma_start3A_151 : memref<10000x128xf32, #tpu.memory_space<hbm>>) target(%arg10 : memref<128x128xf32, #tpu.memory_space<vmem>>) offsets(%dma_start3A_148 : memref<128xi32, #tpu.memory_space<vmem>>) semaphore(%arg13 : memref<!tpu.dma_semaphore, #tpu.memory_space<semaphore_mem>>)
      } else {
      }
      %scan3A_143 = arith.constant 0 : i32
      scf.yield %scan3A_143 : i32
    }
    %scan3A_84 = arith.constant 20 : i32
    %barrier3A_85 = arith.constant 0 : index
    tpu.barrier barrier_id(%barrier3A_85)
    %mul3A_86 = arith.constant 640 : i32
    %mul3A_87 = arith.muli %arg1, %mul3A_86 : i32
    %mul3A_88 = arith.constant 640 : i32
    %mul3A_89 = arith.muli %arg1, %mul3A_88 : i32
    "tpu.region"() ({
      %run_scoped3A = tpu.sem_alloc : memref<!tpu.dma_semaphore, #tpu.memory_space<semaphore_mem>>
      %dma_start3A_90 = arith.constant 0 : i32
      %dma_start3A_91 = tpu.memref_slice %arg6[%mul3A_89, %dma_start3A_90] : memref<10240x128xf32, #tpu.memory_space<hbm>> -> memref<640x128xf32, #tpu.memory_space<hbm>>
      %dma_start3A_92 = arith.constant 0 : i32
      %dma_start3A_93 = tpu.memref_slice %arg11[%mul3A_87, %dma_start3A_92] : memref<10240x128xf32, #tpu.memory_space<vmem_shared>> -> memref<640x128xf32, #tpu.memory_space<vmem_shared>>
      tpu.enqueue_dma source(%dma_start3A_93 : memref<640x128xf32, #tpu.memory_space<vmem_shared>>) target(%dma_start3A_91 : memref<640x128xf32, #tpu.memory_space<hbm>>) target_semaphore(%run_scoped3A : memref<!tpu.dma_semaphore, #tpu.memory_space<semaphore_mem>>)
      %dma_wait3A = arith.constant 0 : i32
      %dma_wait3A_94 = tpu.memref_slice %arg6[%mul3A_89, %dma_wait3A] : memref<10240x128xf32, #tpu.memory_space<hbm>> -> memref<640x128xf32, #tpu.memory_space<hbm>>
      %dma_wait3A_95 = arith.constant 0 : i32
      %dma_wait3A_96 = tpu.memref_slice %arg11[%mul3A_87, %dma_wait3A_95] : memref<10240x128xf32, #tpu.memory_space<vmem_shared>> -> memref<640x128xf32, #tpu.memory_space<vmem_shared>>
      tpu.wait_dma2 semaphore(%run_scoped3A : memref<!tpu.dma_semaphore, #tpu.memory_space<semaphore_mem>>) src(%dma_wait3A_96 : memref<640x128xf32, #tpu.memory_space<vmem_shared>>) dst(%dma_wait3A_94 : memref<640x128xf32, #tpu.memory_space<hbm>>)
      tpu.yield
    }) : () -> ()
    return
  }
}

#map = affine_map<(d0, d1) -> (0, 0)>
#map1 = affine_map<(d0, d1) -> (0, 0, 0)>
module attributes {stable_mosaic.version = 14 : i64} {
  func.func @k(%arg0: i32, %arg1: i32, %arg2: memref<10000x128xf32, #tpu.memory_space<hbm>>, %arg3: memref<16x160x128xi32, #tpu.memory_space<hbm>>, %arg4: memref<16x160x128xi32, #tpu.memory_space<hbm>>, %arg5: memref<10240x128xf32, #tpu.memory_space<hbm>>, %arg6: memref<10240x128xf32, #tpu.memory_space<hbm>>, %arg7: memref<40x128xi32, #tpu.memory_space<vmem>>, %arg8: memref<40x128xi32, #tpu.memory_space<vmem>>, %arg9: memref<128x128xf32, #tpu.memory_space<vmem>>, %arg10: memref<128x128xf32, #tpu.memory_space<vmem>>, %arg11: memref<10240x128xf32, #tpu.memory_space<vmem_shared>>, %arg12: memref<!tpu.dma_semaphore, #tpu.memory_space<semaphore_mem>>, %arg13: memref<!tpu.dma_semaphore, #tpu.memory_space<semaphore_mem>>, %arg14: memref<!tpu.dma_semaphore, #tpu.memory_space<semaphore_mem>>, %arg15: memref<!tpu.dma_semaphore, #tpu.memory_space<semaphore_mem>>) attributes {dimension_semantics = [#tpu.dimension_semantics<core_parallel>, #tpu.dimension_semantics<subcore_parallel>], iteration_bounds = array<i64: 1, 16>, scalar_prefetch = 0 : i64, scratch_operands = 9 : i64, tpu.core_type = #tpu.core_type<sc_vector_subcore>, window_params = [{transform_indices = #map}, {transform_indices = #map1}, {transform_indices = #map1}, {transform_indices = #map}, {transform_indices = #map}]} {
    %mul3A = arith.constant 640 : i32
    %mul3A_0 = arith.muli %arg1, %mul3A : i32
    %mul3A_1 = arith.constant 640 : i32
    %mul3A_2 = arith.muli %arg1, %mul3A_1 : i32
    "tpu.region"() ({
      %run_scoped3A = tpu.sem_alloc : memref<!tpu.dma_semaphore, #tpu.memory_space<semaphore_mem>>
      %dma_start3A_90 = arith.constant 0 : i32
      %dma_start3A_91 = tpu.memref_slice %arg11[%mul3A_2, %dma_start3A_90] : memref<10240x128xf32, #tpu.memory_space<vmem_shared>> -> memref<640x128xf32, #tpu.memory_space<vmem_shared>>
      %dma_start3A_92 = arith.constant 0 : i32
      %dma_start3A_93 = tpu.memref_slice %arg5[%mul3A_0, %dma_start3A_92] : memref<10240x128xf32, #tpu.memory_space<hbm>> -> memref<640x128xf32, #tpu.memory_space<hbm>>
      tpu.enqueue_dma source(%dma_start3A_93 : memref<640x128xf32, #tpu.memory_space<hbm>>) target(%dma_start3A_91 : memref<640x128xf32, #tpu.memory_space<vmem_shared>>) target_semaphore(%run_scoped3A : memref<!tpu.dma_semaphore, #tpu.memory_space<semaphore_mem>>)
      %dma_wait3A = arith.constant 0 : i32
      %dma_wait3A_94 = tpu.memref_slice %arg11[%mul3A_2, %dma_wait3A] : memref<10240x128xf32, #tpu.memory_space<vmem_shared>> -> memref<640x128xf32, #tpu.memory_space<vmem_shared>>
      %dma_wait3A_95 = arith.constant 0 : i32
      %dma_wait3A_96 = tpu.memref_slice %arg5[%mul3A_0, %dma_wait3A_95] : memref<10240x128xf32, #tpu.memory_space<hbm>> -> memref<640x128xf32, #tpu.memory_space<hbm>>
      tpu.wait_dma2 semaphore(%run_scoped3A : memref<!tpu.dma_semaphore, #tpu.memory_space<semaphore_mem>>) src(%dma_wait3A_96 : memref<640x128xf32, #tpu.memory_space<hbm>>) dst(%dma_wait3A_94 : memref<640x128xf32, #tpu.memory_space<vmem_shared>>)
      tpu.yield
    }) : () -> ()
    %barrier3A = arith.constant 0 : index
    tpu.barrier barrier_id(%barrier3A)
    "tpu.region"() ({
      %run_scoped3A = tpu.sem_alloc : memref<!tpu.dma_semaphore, #tpu.memory_space<semaphore_mem>>
      %dma_start3A_90 = arith.constant 0 : i32
      %dma_start3A_91 = arith.constant 0 : i32
      %dma_start3A_92 = tpu.memref_slice %arg3[%arg1, %dma_start3A_90, %dma_start3A_91] : memref<16x160x128xi32, #tpu.memory_space<hbm>> -> memref<1x40x128xi32, #tpu.memory_space<hbm>>
      %dma_start3A_93 = tpu.memref_squeeze %dma_start3A_92 : memref<1x40x128xi32, #tpu.memory_space<hbm>> -> memref<40x128xi32, #tpu.memory_space<hbm>>
      %dma_start3A_94 = arith.constant 0 : i32
      %dma_start3A_95 = arith.constant 0 : i32
      %dma_start3A_96 = tpu.memref_slice %arg3[%arg1, %dma_start3A_94, %dma_start3A_95] : memref<16x160x128xi32, #tpu.memory_space<hbm>> -> memref<1x40x128xi32, #tpu.memory_space<hbm>>
      %dma_start3A_97 = tpu.memref_squeeze %dma_start3A_96 : memref<1x40x128xi32, #tpu.memory_space<hbm>> -> memref<40x128xi32, #tpu.memory_space<hbm>>
      tpu.enqueue_dma source(%dma_start3A_97 : memref<40x128xi32, #tpu.memory_space<hbm>>) target(%arg7 : memref<40x128xi32, #tpu.memory_space<vmem>>) target_semaphore(%run_scoped3A : memref<!tpu.dma_semaphore, #tpu.memory_space<semaphore_mem>>)
      %dma_wait3A = arith.constant 0 : i32
      %dma_wait3A_98 = arith.constant 0 : i32
      %dma_wait3A_99 = tpu.memref_slice %arg3[%arg1, %dma_wait3A, %dma_wait3A_98] : memref<16x160x128xi32, #tpu.memory_space<hbm>> -> memref<1x40x128xi32, #tpu.memory_space<hbm>>
      %dma_wait3A_100 = tpu.memref_squeeze %dma_wait3A_99 : memref<1x40x128xi32, #tpu.memory_space<hbm>> -> memref<40x128xi32, #tpu.memory_space<hbm>>
      %dma_wait3A_101 = arith.constant 0 : i32
      %dma_wait3A_102 = arith.constant 0 : i32
      %dma_wait3A_103 = tpu.memref_slice %arg3[%arg1, %dma_wait3A_101, %dma_wait3A_102] : memref<16x160x128xi32, #tpu.memory_space<hbm>> -> memref<1x40x128xi32, #tpu.memory_space<hbm>>
      %dma_wait3A_104 = tpu.memref_squeeze %dma_wait3A_103 : memref<1x40x128xi32, #tpu.memory_space<hbm>> -> memref<40x128xi32, #tpu.memory_space<hbm>>
      tpu.wait_dma2 semaphore(%run_scoped3A : memref<!tpu.dma_semaphore, #tpu.memory_space<semaphore_mem>>) src(%dma_wait3A_104 : memref<40x128xi32, #tpu.memory_space<hbm>>) dst(%arg7 : memref<40x128xi32, #tpu.memory_space<vmem>>)
      tpu.yield
    }) : () -> ()
    "tpu.region"() ({
      %run_scoped3A = tpu.sem_alloc : memref<!tpu.dma_semaphore, #tpu.memory_space<semaphore_mem>>
      %dma_start3A_90 = arith.constant 0 : i32
      %dma_start3A_91 = arith.constant 0 : i32
      %dma_start3A_92 = tpu.memref_slice %arg4[%arg1, %dma_start3A_90, %dma_start3A_91] : memref<16x160x128xi32, #tpu.memory_space<hbm>> -> memref<1x40x128xi32, #tpu.memory_space<hbm>>
      %dma_start3A_93 = tpu.memref_squeeze %dma_start3A_92 : memref<1x40x128xi32, #tpu.memory_space<hbm>> -> memref<40x128xi32, #tpu.memory_space<hbm>>
      %dma_start3A_94 = arith.constant 0 : i32
      %dma_start3A_95 = arith.constant 0 : i32
      %dma_start3A_96 = tpu.memref_slice %arg4[%arg1, %dma_start3A_94, %dma_start3A_95] : memref<16x160x128xi32, #tpu.memory_space<hbm>> -> memref<1x40x128xi32, #tpu.memory_space<hbm>>
      %dma_start3A_97 = tpu.memref_squeeze %dma_start3A_96 : memref<1x40x128xi32, #tpu.memory_space<hbm>> -> memref<40x128xi32, #tpu.memory_space<hbm>>
      tpu.enqueue_dma source(%dma_start3A_97 : memref<40x128xi32, #tpu.memory_space<hbm>>) target(%arg8 : memref<40x128xi32, #tpu.memory_space<vmem>>) target_semaphore(%run_scoped3A : memref<!tpu.dma_semaphore, #tpu.memory_space<semaphore_mem>>)
      %dma_wait3A = arith.constant 0 : i32
      %dma_wait3A_98 = arith.constant 0 : i32
      %dma_wait3A_99 = tpu.memref_slice %arg4[%arg1, %dma_wait3A, %dma_wait3A_98] : memref<16x160x128xi32, #tpu.memory_space<hbm>> -> memref<1x40x128xi32, #tpu.memory_space<hbm>>
      %dma_wait3A_100 = tpu.memref_squeeze %dma_wait3A_99 : memref<1x40x128xi32, #tpu.memory_space<hbm>> -> memref<40x128xi32, #tpu.memory_space<hbm>>
      %dma_wait3A_101 = arith.constant 0 : i32
      %dma_wait3A_102 = arith.constant 0 : i32
      %dma_wait3A_103 = tpu.memref_slice %arg4[%arg1, %dma_wait3A_101, %dma_wait3A_102] : memref<16x160x128xi32, #tpu.memory_space<hbm>> -> memref<1x40x128xi32, #tpu.memory_space<hbm>>
      %dma_wait3A_104 = tpu.memref_squeeze %dma_wait3A_103 : memref<1x40x128xi32, #tpu.memory_space<hbm>> -> memref<40x128xi32, #tpu.memory_space<hbm>>
      tpu.wait_dma2 semaphore(%run_scoped3A : memref<!tpu.dma_semaphore, #tpu.memory_space<semaphore_mem>>) src(%dma_wait3A_104 : memref<40x128xi32, #tpu.memory_space<hbm>>) dst(%arg8 : memref<40x128xi32, #tpu.memory_space<vmem>>)
      tpu.yield
    }) : () -> ()
    %dma_start3A = arith.constant 0 : i32
    %dma_start3A_3 = arith.constant 0 : i32
    %dma_start3A_4 = tpu.memref_slice %arg7[%dma_start3A, %dma_start3A_3] : memref<40x128xi32, #tpu.memory_space<vmem>> -> memref<1x128xi32, #tpu.memory_space<vmem>>
    %dma_start3A_5 = tpu.memref_squeeze %dma_start3A_4 : memref<1x128xi32, #tpu.memory_space<vmem>> -> memref<128xi32, #tpu.memory_space<vmem>>
    %dma_start3A_6 = arith.constant 0 : i32
    %dma_start3A_7 = arith.constant 0 : i32
    %dma_start3A_8 = tpu.memref_slice %arg2[%dma_start3A_6, %dma_start3A_7] : memref<10000x128xf32, #tpu.memory_space<hbm>> -> memref<10000x128xf32, #tpu.memory_space<hbm>>
    tpu.enqueue_indirect_dma source(%dma_start3A_8 : memref<10000x128xf32, #tpu.memory_space<hbm>>) target(%arg9 : memref<128x128xf32, #tpu.memory_space<vmem>>) offsets(%dma_start3A_5 : memref<128xi32, #tpu.memory_space<vmem>>) semaphore(%arg12 : memref<!tpu.dma_semaphore, #tpu.memory_space<semaphore_mem>>)
    %dma_start3A_9 = arith.constant 1 : i32
    %dma_start3A_10 = arith.constant 0 : i32
    %dma_start3A_11 = tpu.memref_slice %arg7[%dma_start3A_9, %dma_start3A_10] : memref<40x128xi32, #tpu.memory_space<vmem>> -> memref<1x128xi32, #tpu.memory_space<vmem>>
    %dma_start3A_12 = tpu.memref_squeeze %dma_start3A_11 : memref<1x128xi32, #tpu.memory_space<vmem>> -> memref<128xi32, #tpu.memory_space<vmem>>
    %dma_start3A_13 = arith.constant 0 : i32
    %dma_start3A_14 = arith.constant 0 : i32
    %dma_start3A_15 = tpu.memref_slice %arg2[%dma_start3A_13, %dma_start3A_14] : memref<10000x128xf32, #tpu.memory_space<hbm>> -> memref<10000x128xf32, #tpu.memory_space<hbm>>
    tpu.enqueue_indirect_dma source(%dma_start3A_15 : memref<10000x128xf32, #tpu.memory_space<hbm>>) target(%arg10 : memref<128x128xf32, #tpu.memory_space<vmem>>) offsets(%dma_start3A_12 : memref<128xi32, #tpu.memory_space<vmem>>) semaphore(%arg13 : memref<!tpu.dma_semaphore, #tpu.memory_space<semaphore_mem>>)
    %scan3A = arith.constant 0 : i32
    %scan3A_16 = arith.constant 0 : i32
    %scan3A_17 = arith.constant 20 : i32
    %scan3A_18 = arith.addi %scan3A_16, %scan3A_17 : i32
    %scan3A_19 = arith.constant 1 : i32
    %scan3A_20 = scf.for %scan3A_90 = %scan3A_16 to %scan3A_18 step %scan3A_19 iter_args(%scan3A_91 = %scan3A) -> (i32)  : i32 {
      %mul3A_92 = arith.constant 2 : i32
      %mul3A_93 = arith.muli %scan3A_90, %mul3A_92 : i32
      %add3A = arith.constant 0 : i32
      %add3A_94 = arith.addi %mul3A_93, %add3A : i32
      %dma_wait3A = arith.constant 0 : i32
      %dma_wait3A_95 = tpu.memref_slice %arg7[%add3A_94, %dma_wait3A] : memref<40x128xi32, #tpu.memory_space<vmem>> -> memref<1x128xi32, #tpu.memory_space<vmem>>
      %dma_wait3A_96 = tpu.memref_squeeze %dma_wait3A_95 : memref<1x128xi32, #tpu.memory_space<vmem>> -> memref<128xi32, #tpu.memory_space<vmem>>
      %dma_wait3A_97 = arith.constant 0 : i32
      %dma_wait3A_98 = arith.constant 0 : i32
      %dma_wait3A_99 = tpu.memref_slice %arg2[%dma_wait3A_97, %dma_wait3A_98] : memref<10000x128xf32, #tpu.memory_space<hbm>> -> memref<10000x128xf32, #tpu.memory_space<hbm>>
      tpu.wait_indirect_dma semaphore(%arg12 : memref<!tpu.dma_semaphore, #tpu.memory_space<semaphore_mem>>) src(%dma_wait3A_99 : memref<10000x128xf32, #tpu.memory_space<hbm>>) dst(%arg9 : memref<128x128xf32, #tpu.memory_space<vmem>>)
      %dma_start3A_100 = arith.constant 0 : i32
      %dma_start3A_101 = tpu.memref_slice %arg8[%add3A_94, %dma_start3A_100] : memref<40x128xi32, #tpu.memory_space<vmem>> -> memref<1x128xi32, #tpu.memory_space<vmem>>
      %dma_start3A_102 = tpu.memref_squeeze %dma_start3A_101 : memref<1x128xi32, #tpu.memory_space<vmem>> -> memref<128xi32, #tpu.memory_space<vmem>>
      %dma_start3A_103 = arith.constant 0 : i32
      %dma_start3A_104 = arith.constant 0 : i32
      %dma_start3A_105 = tpu.memref_slice %arg11[%dma_start3A_103, %dma_start3A_104] : memref<10240x128xf32, #tpu.memory_space<vmem_shared>> -> memref<10240x128xf32, #tpu.memory_space<vmem_shared>>
      tpu.enqueue_indirect_dma source(%arg9 : memref<128x128xf32, #tpu.memory_space<vmem>>) target(%dma_start3A_105 : memref<10240x128xf32, #tpu.memory_space<vmem_shared>>) offsets(%dma_start3A_102 : memref<128xi32, #tpu.memory_space<vmem>>) semaphore(%arg14 : memref<!tpu.dma_semaphore, #tpu.memory_space<semaphore_mem>>) {add = true}
      %dma_wait3A_106 = arith.constant 0 : i32
      %dma_wait3A_107 = tpu.memref_slice %arg8[%add3A_94, %dma_wait3A_106] : memref<40x128xi32, #tpu.memory_space<vmem>> -> memref<1x128xi32, #tpu.memory_space<vmem>>
      %dma_wait3A_108 = tpu.memref_squeeze %dma_wait3A_107 : memref<1x128xi32, #tpu.memory_space<vmem>> -> memref<128xi32, #tpu.memory_space<vmem>>
      %dma_wait3A_109 = arith.constant 0 : i32
      %dma_wait3A_110 = arith.constant 0 : i32
      %dma_wait3A_111 = tpu.memref_slice %arg11[%dma_wait3A_109, %dma_wait3A_110] : memref<10240x128xf32, #tpu.memory_space<vmem_shared>> -> memref<10240x128xf32, #tpu.memory_space<vmem_shared>>
      tpu.wait_indirect_dma semaphore(%arg14 : memref<!tpu.dma_semaphore, #tpu.memory_space<semaphore_mem>>) src(%arg9 : memref<128x128xf32, #tpu.memory_space<vmem>>) dst(%dma_wait3A_111 : memref<10240x128xf32, #tpu.memory_space<vmem_shared>>)
      %add3A_112 = arith.constant 2 : i32
      %add3A_113 = arith.addi %add3A_94, %add3A_112 : i32
      %lt3A = arith.constant 40 : i32
      %lt3A_114 = arith.cmpi slt, %add3A_113, %lt3A : i32
      %convert_element_type3A = arith.extui %lt3A_114 : i1 to i32
      %cond3A = arith.constant 0 : i32
      %cond3A_115 = arith.cmpi ne, %convert_element_type3A, %cond3A : i32
      scf.if %cond3A_115 {
        %add3A_144 = arith.constant 2 : i32
        %add3A_145 = arith.addi %add3A_94, %add3A_144 : i32
        %dma_start3A_146 = arith.constant 0 : i32
        %dma_start3A_147 = tpu.memref_slice %arg7[%add3A_145, %dma_start3A_146] : memref<40x128xi32, #tpu.memory_space<vmem>> -> memref<1x128xi32, #tpu.memory_space<vmem>>
        %dma_start3A_148 = tpu.memref_squeeze %dma_start3A_147 : memref<1x128xi32, #tpu.memory_space<vmem>> -> memref<128xi32, #tpu.memory_space<vmem>>
        %dma_start3A_149 = arith.constant 0 : i32
        %dma_start3A_150 = arith.constant 0 : i32
        %dma_start3A_151 = tpu.memref_slice %arg2[%dma_start3A_149, %dma_start3A_150] : memref<10000x128xf32, #tpu.memory_space<hbm>> -> memref<10000x128xf32, #tpu.memory_space<hbm>>
        tpu.enqueue_indirect_dma source(%dma_start3A_151 : memref<10000x128xf32, #tpu.memory_space<hbm>>) target(%arg9 : memref<128x128xf32, #tpu.memory_space<vmem>>) offsets(%dma_start3A_148 : memref<128xi32, #tpu.memory_space<vmem>>) semaphore(%arg12 : memref<!tpu.dma_semaphore, #tpu.memory_space<semaphore_mem>>)
      } else {
      }
      %add3A_116 = arith.constant 1 : i32
      %add3A_117 = arith.addi %mul3A_93, %add3A_116 : i32
      %dma_wait3A_118 = arith.constant 0 : i32
      %dma_wait3A_119 = tpu.memref_slice %arg7[%add3A_117, %dma_wait3A_118] : memref<40x128xi32, #tpu.memory_space<vmem>> -> memref<1x128xi32, #tpu.memory_space<vmem>>
      %dma_wait3A_120 = tpu.memref_squeeze %dma_wait3A_119 : memref<1x128xi32, #tpu.memory_space<vmem>> -> memref<128xi32, #tpu.memory_space<vmem>>
      %dma_wait3A_121 = arith.constant 0 : i32
      %dma_wait3A_122 = arith.constant 0 : i32
      %dma_wait3A_123 = tpu.memref_slice %arg2[%dma_wait3A_121, %dma_wait3A_122] : memref<10000x128xf32, #tpu.memory_space<hbm>> -> memref<10000x128xf32, #tpu.memory_space<hbm>>
      tpu.wait_indirect_dma semaphore(%arg13 : memref<!tpu.dma_semaphore, #tpu.memory_space<semaphore_mem>>) src(%dma_wait3A_123 : memref<10000x128xf32, #tpu.memory_space<hbm>>) dst(%arg10 : memref<128x128xf32, #tpu.memory_space<vmem>>)
      %dma_start3A_124 = arith.constant 0 : i32
      %dma_start3A_125 = tpu.memref_slice %arg8[%add3A_117, %dma_start3A_124] : memref<40x128xi32, #tpu.memory_space<vmem>> -> memref<1x128xi32, #tpu.memory_space<vmem>>
      %dma_start3A_126 = tpu.memref_squeeze %dma_start3A_125 : memref<1x128xi32, #tpu.memory_space<vmem>> -> memref<128xi32, #tpu.memory_space<vmem>>
      %dma_start3A_127 = arith.constant 0 : i32
      %dma_start3A_128 = arith.constant 0 : i32
      %dma_start3A_129 = tpu.memref_slice %arg11[%dma_start3A_127, %dma_start3A_128] : memref<10240x128xf32, #tpu.memory_space<vmem_shared>> -> memref<10240x128xf32, #tpu.memory_space<vmem_shared>>
      tpu.enqueue_indirect_dma source(%arg10 : memref<128x128xf32, #tpu.memory_space<vmem>>) target(%dma_start3A_129 : memref<10240x128xf32, #tpu.memory_space<vmem_shared>>) offsets(%dma_start3A_126 : memref<128xi32, #tpu.memory_space<vmem>>) semaphore(%arg15 : memref<!tpu.dma_semaphore, #tpu.memory_space<semaphore_mem>>) {add = true}
      %dma_wait3A_130 = arith.constant 0 : i32
      %dma_wait3A_131 = tpu.memref_slice %arg8[%add3A_117, %dma_wait3A_130] : memref<40x128xi32, #tpu.memory_space<vmem>> -> memref<1x128xi32, #tpu.memory_space<vmem>>
      %dma_wait3A_132 = tpu.memref_squeeze %dma_wait3A_131 : memref<1x128xi32, #tpu.memory_space<vmem>> -> memref<128xi32, #tpu.memory_space<vmem>>
      %dma_wait3A_133 = arith.constant 0 : i32
      %dma_wait3A_134 = arith.constant 0 : i32
      %dma_wait3A_135 = tpu.memref_slice %arg11[%dma_wait3A_133, %dma_wait3A_134] : memref<10240x128xf32, #tpu.memory_space<vmem_shared>> -> memref<10240x128xf32, #tpu.memory_space<vmem_shared>>
      tpu.wait_indirect_dma semaphore(%arg15 : memref<!tpu.dma_semaphore, #tpu.memory_space<semaphore_mem>>) src(%arg10 : memref<128x128xf32, #tpu.memory_space<vmem>>) dst(%dma_wait3A_135 : memref<10240x128xf32, #tpu.memory_space<vmem_shared>>)
      %add3A_136 = arith.constant 2 : i32
      %add3A_137 = arith.addi %add3A_117, %add3A_136 : i32
      %lt3A_138 = arith.constant 40 : i32
      %lt3A_139 = arith.cmpi slt, %add3A_137, %lt3A_138 : i32
      %convert_element_type3A_140 = arith.extui %lt3A_139 : i1 to i32
      %cond3A_141 = arith.constant 0 : i32
      %cond3A_142 = arith.cmpi ne, %convert_element_type3A_140, %cond3A_141 : i32
      scf.if %cond3A_142 {
        %add3A_144 = arith.constant 2 : i32
        %add3A_145 = arith.addi %add3A_117, %add3A_144 : i32
        %dma_start3A_146 = arith.constant 0 : i32
        %dma_start3A_147 = tpu.memref_slice %arg7[%add3A_145, %dma_start3A_146] : memref<40x128xi32, #tpu.memory_space<vmem>> -> memref<1x128xi32, #tpu.memory_space<vmem>>
        %dma_start3A_148 = tpu.memref_squeeze %dma_start3A_147 : memref<1x128xi32, #tpu.memory_space<vmem>> -> memref<128xi32, #tpu.memory_space<vmem>>
        %dma_start3A_149 = arith.constant 0 : i32
        %dma_start3A_150 = arith.constant 0 : i32
        %dma_start3A_151 = tpu.memref_slice %arg2[%dma_start3A_149, %dma_start3A_150] : memref<10000x128xf32, #tpu.memory_space<hbm>> -> memref<10000x128xf32, #tpu.memory_space<hbm>>
        tpu.enqueue_indirect_dma source(%dma_start3A_151 : memref<10000x128xf32, #tpu.memory_space<hbm>>) target(%arg10 : memref<128x128xf32, #tpu.memory_space<vmem>>) offsets(%dma_start3A_148 : memref<128xi32, #tpu.memory_space<vmem>>) semaphore(%arg13 : memref<!tpu.dma_semaphore, #tpu.memory_space<semaphore_mem>>)
      } else {
      }
      %scan3A_143 = arith.constant 0 : i32
      scf.yield %scan3A_143 : i32
    }
    %scan3A_21 = arith.constant 20 : i32
    "tpu.region"() ({
      %run_scoped3A = tpu.sem_alloc : memref<!tpu.dma_semaphore, #tpu.memory_space<semaphore_mem>>
      %dma_start3A_90 = arith.constant 40 : i32
      %dma_start3A_91 = arith.constant 0 : i32
      %dma_start3A_92 = tpu.memref_slice %arg3[%arg1, %dma_start3A_90, %dma_start3A_91] : memref<16x160x128xi32, #tpu.memory_space<hbm>> -> memref<1x40x128xi32, #tpu.memory_space<hbm>>
      %dma_start3A_93 = tpu.memref_squeeze %dma_start3A_92 : memref<1x40x128xi32, #tpu.memory_space<hbm>> -> memref<40x128xi32, #tpu.memory_space<hbm>>
      %dma_start3A_94 = arith.constant 40 : i32
      %dma_start3A_95 = arith.constant 0 : i32
      %dma_start3A_96 = tpu.memref_slice %arg3[%arg1, %dma_start3A_94, %dma_start3A_95] : memref<16x160x128xi32, #tpu.memory_space<hbm>> -> memref<1x40x128xi32, #tpu.memory_space<hbm>>
      %dma_start3A_97 = tpu.memref_squeeze %dma_start3A_96 : memref<1x40x128xi32, #tpu.memory_space<hbm>> -> memref<40x128xi32, #tpu.memory_space<hbm>>
      tpu.enqueue_dma source(%dma_start3A_97 : memref<40x128xi32, #tpu.memory_space<hbm>>) target(%arg7 : memref<40x128xi32, #tpu.memory_space<vmem>>) target_semaphore(%run_scoped3A : memref<!tpu.dma_semaphore, #tpu.memory_space<semaphore_mem>>)
      %dma_wait3A = arith.constant 40 : i32
      %dma_wait3A_98 = arith.constant 0 : i32
      %dma_wait3A_99 = tpu.memref_slice %arg3[%arg1, %dma_wait3A, %dma_wait3A_98] : memref<16x160x128xi32, #tpu.memory_space<hbm>> -> memref<1x40x128xi32, #tpu.memory_space<hbm>>
      %dma_wait3A_100 = tpu.memref_squeeze %dma_wait3A_99 : memref<1x40x128xi32, #tpu.memory_space<hbm>> -> memref<40x128xi32, #tpu.memory_space<hbm>>
      %dma_wait3A_101 = arith.constant 40 : i32
      %dma_wait3A_102 = arith.constant 0 : i32
      %dma_wait3A_103 = tpu.memref_slice %arg3[%arg1, %dma_wait3A_101, %dma_wait3A_102] : memref<16x160x128xi32, #tpu.memory_space<hbm>> -> memref<1x40x128xi32, #tpu.memory_space<hbm>>
      %dma_wait3A_104 = tpu.memref_squeeze %dma_wait3A_103 : memref<1x40x128xi32, #tpu.memory_space<hbm>> -> memref<40x128xi32, #tpu.memory_space<hbm>>
      tpu.wait_dma2 semaphore(%run_scoped3A : memref<!tpu.dma_semaphore, #tpu.memory_space<semaphore_mem>>) src(%dma_wait3A_104 : memref<40x128xi32, #tpu.memory_space<hbm>>) dst(%arg7 : memref<40x128xi32, #tpu.memory_space<vmem>>)
      tpu.yield
    }) : () -> ()
    "tpu.region"() ({
      %run_scoped3A = tpu.sem_alloc : memref<!tpu.dma_semaphore, #tpu.memory_space<semaphore_mem>>
      %dma_start3A_90 = arith.constant 40 : i32
      %dma_start3A_91 = arith.constant 0 : i32
      %dma_start3A_92 = tpu.memref_slice %arg4[%arg1, %dma_start3A_90, %dma_start3A_91] : memref<16x160x128xi32, #tpu.memory_space<hbm>> -> memref<1x40x128xi32, #tpu.memory_space<hbm>>
      %dma_start3A_93 = tpu.memref_squeeze %dma_start3A_92 : memref<1x40x128xi32, #tpu.memory_space<hbm>> -> memref<40x128xi32, #tpu.memory_space<hbm>>
      %dma_start3A_94 = arith.constant 40 : i32
      %dma_start3A_95 = arith.constant 0 : i32
      %dma_start3A_96 = tpu.memref_slice %arg4[%arg1, %dma_start3A_94, %dma_start3A_95] : memref<16x160x128xi32, #tpu.memory_space<hbm>> -> memref<1x40x128xi32, #tpu.memory_space<hbm>>
      %dma_start3A_97 = tpu.memref_squeeze %dma_start3A_96 : memref<1x40x128xi32, #tpu.memory_space<hbm>> -> memref<40x128xi32, #tpu.memory_space<hbm>>
      tpu.enqueue_dma source(%dma_start3A_97 : memref<40x128xi32, #tpu.memory_space<hbm>>) target(%arg8 : memref<40x128xi32, #tpu.memory_space<vmem>>) target_semaphore(%run_scoped3A : memref<!tpu.dma_semaphore, #tpu.memory_space<semaphore_mem>>)
      %dma_wait3A = arith.constant 40 : i32
      %dma_wait3A_98 = arith.constant 0 : i32
      %dma_wait3A_99 = tpu.memref_slice %arg4[%arg1, %dma_wait3A, %dma_wait3A_98] : memref<16x160x128xi32, #tpu.memory_space<hbm>> -> memref<1x40x128xi32, #tpu.memory_space<hbm>>
      %dma_wait3A_100 = tpu.memref_squeeze %dma_wait3A_99 : memref<1x40x128xi32, #tpu.memory_space<hbm>> -> memref<40x128xi32, #tpu.memory_space<hbm>>
      %dma_wait3A_101 = arith.constant 40 : i32
      %dma_wait3A_102 = arith.constant 0 : i32
      %dma_wait3A_103 = tpu.memref_slice %arg4[%arg1, %dma_wait3A_101, %dma_wait3A_102] : memref<16x160x128xi32, #tpu.memory_space<hbm>> -> memref<1x40x128xi32, #tpu.memory_space<hbm>>
      %dma_wait3A_104 = tpu.memref_squeeze %dma_wait3A_103 : memref<1x40x128xi32, #tpu.memory_space<hbm>> -> memref<40x128xi32, #tpu.memory_space<hbm>>
      tpu.wait_dma2 semaphore(%run_scoped3A : memref<!tpu.dma_semaphore, #tpu.memory_space<semaphore_mem>>) src(%dma_wait3A_104 : memref<40x128xi32, #tpu.memory_space<hbm>>) dst(%arg8 : memref<40x128xi32, #tpu.memory_space<vmem>>)
      tpu.yield
    }) : () -> ()
    %dma_start3A_22 = arith.constant 0 : i32
    %dma_start3A_23 = arith.constant 0 : i32
    %dma_start3A_24 = tpu.memref_slice %arg7[%dma_start3A_22, %dma_start3A_23] : memref<40x128xi32, #tpu.memory_space<vmem>> -> memref<1x128xi32, #tpu.memory_space<vmem>>
    %dma_start3A_25 = tpu.memref_squeeze %dma_start3A_24 : memref<1x128xi32, #tpu.memory_space<vmem>> -> memref<128xi32, #tpu.memory_space<vmem>>
    %dma_start3A_26 = arith.constant 0 : i32
    %dma_start3A_27 = arith.constant 0 : i32
    %dma_start3A_28 = tpu.memref_slice %arg2[%dma_start3A_26, %dma_start3A_27] : memref<10000x128xf32, #tpu.memory_space<hbm>> -> memref<10000x128xf32, #tpu.memory_space<hbm>>
    tpu.enqueue_indirect_dma source(%dma_start3A_28 : memref<10000x128xf32, #tpu.memory_space<hbm>>) target(%arg9 : memref<128x128xf32, #tpu.memory_space<vmem>>) offsets(%dma_start3A_25 : memref<128xi32, #tpu.memory_space<vmem>>) semaphore(%arg12 : memref<!tpu.dma_semaphore, #tpu.memory_space<semaphore_mem>>)
    %dma_start3A_29 = arith.constant 1 : i32
    %dma_start3A_30 = arith.constant 0 : i32
    %dma_start3A_31 = tpu.memref_slice %arg7[%dma_start3A_29, %dma_start3A_30] : memref<40x128xi32, #tpu.memory_space<vmem>> -> memref<1x128xi32, #tpu.memory_space<vmem>>
    %dma_start3A_32 = tpu.memref_squeeze %dma_start3A_31 : memref<1x128xi32, #tpu.memory_space<vmem>> -> memref<128xi32, #tpu.memory_space<vmem>>
    %dma_start3A_33 = arith.constant 0 : i32
    %dma_start3A_34 = arith.constant 0 : i32
    %dma_start3A_35 = tpu.memref_slice %arg2[%dma_start3A_33, %dma_start3A_34] : memref<10000x128xf32, #tpu.memory_space<hbm>> -> memref<10000x128xf32, #tpu.memory_space<hbm>>
    tpu.enqueue_indirect_dma source(%dma_start3A_35 : memref<10000x128xf32, #tpu.memory_space<hbm>>) target(%arg10 : memref<128x128xf32, #tpu.memory_space<vmem>>) offsets(%dma_start3A_32 : memref<128xi32, #tpu.memory_space<vmem>>) semaphore(%arg13 : memref<!tpu.dma_semaphore, #tpu.memory_space<semaphore_mem>>)
    %scan3A_36 = arith.constant 0 : i32
    %scan3A_37 = arith.constant 0 : i32
    %scan3A_38 = arith.constant 20 : i32
    %scan3A_39 = arith.addi %scan3A_37, %scan3A_38 : i32
    %scan3A_40 = arith.constant 1 : i32
    %scan3A_41 = scf.for %scan3A_90 = %scan3A_37 to %scan3A_39 step %scan3A_40 iter_args(%scan3A_91 = %scan3A_36) -> (i32)  : i32 {
      %mul3A_92 = arith.constant 2 : i32
      %mul3A_93 = arith.muli %scan3A_90, %mul3A_92 : i32
      %add3A = arith.constant 0 : i32
      %add3A_94 = arith.addi %mul3A_93, %add3A : i32
      %dma_wait3A = arith.constant 0 : i32
      %dma_wait3A_95 = tpu.memref_slice %arg7[%add3A_94, %dma_wait3A] : memref<40x128xi32, #tpu.memory_space<vmem>> -> memref<1x128xi32, #tpu.memory_space<vmem>>
      %dma_wait3A_96 = tpu.memref_squeeze %dma_wait3A_95 : memref<1x128xi32, #tpu.memory_space<vmem>> -> memref<128xi32, #tpu.memory_space<vmem>>
      %dma_wait3A_97 = arith.constant 0 : i32
      %dma_wait3A_98 = arith.constant 0 : i32
      %dma_wait3A_99 = tpu.memref_slice %arg2[%dma_wait3A_97, %dma_wait3A_98] : memref<10000x128xf32, #tpu.memory_space<hbm>> -> memref<10000x128xf32, #tpu.memory_space<hbm>>
      tpu.wait_indirect_dma semaphore(%arg12 : memref<!tpu.dma_semaphore, #tpu.memory_space<semaphore_mem>>) src(%dma_wait3A_99 : memref<10000x128xf32, #tpu.memory_space<hbm>>) dst(%arg9 : memref<128x128xf32, #tpu.memory_space<vmem>>)
      %dma_start3A_100 = arith.constant 0 : i32
      %dma_start3A_101 = tpu.memref_slice %arg8[%add3A_94, %dma_start3A_100] : memref<40x128xi32, #tpu.memory_space<vmem>> -> memref<1x128xi32, #tpu.memory_space<vmem>>
      %dma_start3A_102 = tpu.memref_squeeze %dma_start3A_101 : memref<1x128xi32, #tpu.memory_space<vmem>> -> memref<128xi32, #tpu.memory_space<vmem>>
      %dma_start3A_103 = arith.constant 0 : i32
      %dma_start3A_104 = arith.constant 0 : i32
      %dma_start3A_105 = tpu.memref_slice %arg11[%dma_start3A_103, %dma_start3A_104] : memref<10240x128xf32, #tpu.memory_space<vmem_shared>> -> memref<10240x128xf32, #tpu.memory_space<vmem_shared>>
      tpu.enqueue_indirect_dma source(%arg9 : memref<128x128xf32, #tpu.memory_space<vmem>>) target(%dma_start3A_105 : memref<10240x128xf32, #tpu.memory_space<vmem_shared>>) offsets(%dma_start3A_102 : memref<128xi32, #tpu.memory_space<vmem>>) semaphore(%arg14 : memref<!tpu.dma_semaphore, #tpu.memory_space<semaphore_mem>>) {add = true}
      %dma_wait3A_106 = arith.constant 0 : i32
      %dma_wait3A_107 = tpu.memref_slice %arg8[%add3A_94, %dma_wait3A_106] : memref<40x128xi32, #tpu.memory_space<vmem>> -> memref<1x128xi32, #tpu.memory_space<vmem>>
      %dma_wait3A_108 = tpu.memref_squeeze %dma_wait3A_107 : memref<1x128xi32, #tpu.memory_space<vmem>> -> memref<128xi32, #tpu.memory_space<vmem>>
      %dma_wait3A_109 = arith.constant 0 : i32
      %dma_wait3A_110 = arith.constant 0 : i32
      %dma_wait3A_111 = tpu.memref_slice %arg11[%dma_wait3A_109, %dma_wait3A_110] : memref<10240x128xf32, #tpu.memory_space<vmem_shared>> -> memref<10240x128xf32, #tpu.memory_space<vmem_shared>>
      tpu.wait_indirect_dma semaphore(%arg14 : memref<!tpu.dma_semaphore, #tpu.memory_space<semaphore_mem>>) src(%arg9 : memref<128x128xf32, #tpu.memory_space<vmem>>) dst(%dma_wait3A_111 : memref<10240x128xf32, #tpu.memory_space<vmem_shared>>)
      %add3A_112 = arith.constant 2 : i32
      %add3A_113 = arith.addi %add3A_94, %add3A_112 : i32
      %lt3A = arith.constant 40 : i32
      %lt3A_114 = arith.cmpi slt, %add3A_113, %lt3A : i32
      %convert_element_type3A = arith.extui %lt3A_114 : i1 to i32
      %cond3A = arith.constant 0 : i32
      %cond3A_115 = arith.cmpi ne, %convert_element_type3A, %cond3A : i32
      scf.if %cond3A_115 {
        %add3A_144 = arith.constant 2 : i32
        %add3A_145 = arith.addi %add3A_94, %add3A_144 : i32
        %dma_start3A_146 = arith.constant 0 : i32
        %dma_start3A_147 = tpu.memref_slice %arg7[%add3A_145, %dma_start3A_146] : memref<40x128xi32, #tpu.memory_space<vmem>> -> memref<1x128xi32, #tpu.memory_space<vmem>>
        %dma_start3A_148 = tpu.memref_squeeze %dma_start3A_147 : memref<1x128xi32, #tpu.memory_space<vmem>> -> memref<128xi32, #tpu.memory_space<vmem>>
        %dma_start3A_149 = arith.constant 0 : i32
        %dma_start3A_150 = arith.constant 0 : i32
        %dma_start3A_151 = tpu.memref_slice %arg2[%dma_start3A_149, %dma_start3A_150] : memref<10000x128xf32, #tpu.memory_space<hbm>> -> memref<10000x128xf32, #tpu.memory_space<hbm>>
        tpu.enqueue_indirect_dma source(%dma_start3A_151 : memref<10000x128xf32, #tpu.memory_space<hbm>>) target(%arg9 : memref<128x128xf32, #tpu.memory_space<vmem>>) offsets(%dma_start3A_148 : memref<128xi32, #tpu.memory_space<vmem>>) semaphore(%arg12 : memref<!tpu.dma_semaphore, #tpu.memory_space<semaphore_mem>>)
      } else {
      }
      %add3A_116 = arith.constant 1 : i32
      %add3A_117 = arith.addi %mul3A_93, %add3A_116 : i32
      %dma_wait3A_118 = arith.constant 0 : i32
      %dma_wait3A_119 = tpu.memref_slice %arg7[%add3A_117, %dma_wait3A_118] : memref<40x128xi32, #tpu.memory_space<vmem>> -> memref<1x128xi32, #tpu.memory_space<vmem>>
      %dma_wait3A_120 = tpu.memref_squeeze %dma_wait3A_119 : memref<1x128xi32, #tpu.memory_space<vmem>> -> memref<128xi32, #tpu.memory_space<vmem>>
      %dma_wait3A_121 = arith.constant 0 : i32
      %dma_wait3A_122 = arith.constant 0 : i32
      %dma_wait3A_123 = tpu.memref_slice %arg2[%dma_wait3A_121, %dma_wait3A_122] : memref<10000x128xf32, #tpu.memory_space<hbm>> -> memref<10000x128xf32, #tpu.memory_space<hbm>>
      tpu.wait_indirect_dma semaphore(%arg13 : memref<!tpu.dma_semaphore, #tpu.memory_space<semaphore_mem>>) src(%dma_wait3A_123 : memref<10000x128xf32, #tpu.memory_space<hbm>>) dst(%arg10 : memref<128x128xf32, #tpu.memory_space<vmem>>)
      %dma_start3A_124 = arith.constant 0 : i32
      %dma_start3A_125 = tpu.memref_slice %arg8[%add3A_117, %dma_start3A_124] : memref<40x128xi32, #tpu.memory_space<vmem>> -> memref<1x128xi32, #tpu.memory_space<vmem>>
      %dma_start3A_126 = tpu.memref_squeeze %dma_start3A_125 : memref<1x128xi32, #tpu.memory_space<vmem>> -> memref<128xi32, #tpu.memory_space<vmem>>
      %dma_start3A_127 = arith.constant 0 : i32
      %dma_start3A_128 = arith.constant 0 : i32
      %dma_start3A_129 = tpu.memref_slice %arg11[%dma_start3A_127, %dma_start3A_128] : memref<10240x128xf32, #tpu.memory_space<vmem_shared>> -> memref<10240x128xf32, #tpu.memory_space<vmem_shared>>
      tpu.enqueue_indirect_dma source(%arg10 : memref<128x128xf32, #tpu.memory_space<vmem>>) target(%dma_start3A_129 : memref<10240x128xf32, #tpu.memory_space<vmem_shared>>) offsets(%dma_start3A_126 : memref<128xi32, #tpu.memory_space<vmem>>) semaphore(%arg15 : memref<!tpu.dma_semaphore, #tpu.memory_space<semaphore_mem>>) {add = true}
      %dma_wait3A_130 = arith.constant 0 : i32
      %dma_wait3A_131 = tpu.memref_slice %arg8[%add3A_117, %dma_wait3A_130] : memref<40x128xi32, #tpu.memory_space<vmem>> -> memref<1x128xi32, #tpu.memory_space<vmem>>
      %dma_wait3A_132 = tpu.memref_squeeze %dma_wait3A_131 : memref<1x128xi32, #tpu.memory_space<vmem>> -> memref<128xi32, #tpu.memory_space<vmem>>
      %dma_wait3A_133 = arith.constant 0 : i32
      %dma_wait3A_134 = arith.constant 0 : i32
      %dma_wait3A_135 = tpu.memref_slice %arg11[%dma_wait3A_133, %dma_wait3A_134] : memref<10240x128xf32, #tpu.memory_space<vmem_shared>> -> memref<10240x128xf32, #tpu.memory_space<vmem_shared>>
      tpu.wait_indirect_dma semaphore(%arg15 : memref<!tpu.dma_semaphore, #tpu.memory_space<semaphore_mem>>) src(%arg10 : memref<128x128xf32, #tpu.memory_space<vmem>>) dst(%dma_wait3A_135 : memref<10240x128xf32, #tpu.memory_space<vmem_shared>>)
      %add3A_136 = arith.constant 2 : i32
      %add3A_137 = arith.addi %add3A_117, %add3A_136 : i32
      %lt3A_138 = arith.constant 40 : i32
      %lt3A_139 = arith.cmpi slt, %add3A_137, %lt3A_138 : i32
      %convert_element_type3A_140 = arith.extui %lt3A_139 : i1 to i32
      %cond3A_141 = arith.constant 0 : i32
      %cond3A_142 = arith.cmpi ne, %convert_element_type3A_140, %cond3A_141 : i32
      scf.if %cond3A_142 {
        %add3A_144 = arith.constant 2 : i32
        %add3A_145 = arith.addi %add3A_117, %add3A_144 : i32
        %dma_start3A_146 = arith.constant 0 : i32
        %dma_start3A_147 = tpu.memref_slice %arg7[%add3A_145, %dma_start3A_146] : memref<40x128xi32, #tpu.memory_space<vmem>> -> memref<1x128xi32, #tpu.memory_space<vmem>>
        %dma_start3A_148 = tpu.memref_squeeze %dma_start3A_147 : memref<1x128xi32, #tpu.memory_space<vmem>> -> memref<128xi32, #tpu.memory_space<vmem>>
        %dma_start3A_149 = arith.constant 0 : i32
        %dma_start3A_150 = arith.constant 0 : i32
        %dma_start3A_151 = tpu.memref_slice %arg2[%dma_start3A_149, %dma_start3A_150] : memref<10000x128xf32, #tpu.memory_space<hbm>> -> memref<10000x128xf32, #tpu.memory_space<hbm>>
        tpu.enqueue_indirect_dma source(%dma_start3A_151 : memref<10000x128xf32, #tpu.memory_space<hbm>>) target(%arg10 : memref<128x128xf32, #tpu.memory_space<vmem>>) offsets(%dma_start3A_148 : memref<128xi32, #tpu.memory_space<vmem>>) semaphore(%arg13 : memref<!tpu.dma_semaphore, #tpu.memory_space<semaphore_mem>>)
      } else {
      }
      %scan3A_143 = arith.constant 0 : i32
      scf.yield %scan3A_143 : i32
    }
    %scan3A_42 = arith.constant 20 : i32
    "tpu.region"() ({
      %run_scoped3A = tpu.sem_alloc : memref<!tpu.dma_semaphore, #tpu.memory_space<semaphore_mem>>
      %dma_start3A_90 = arith.constant 80 : i32
      %dma_start3A_91 = arith.constant 0 : i32
      %dma_start3A_92 = tpu.memref_slice %arg3[%arg1, %dma_start3A_90, %dma_start3A_91] : memref<16x160x128xi32, #tpu.memory_space<hbm>> -> memref<1x40x128xi32, #tpu.memory_space<hbm>>
      %dma_start3A_93 = tpu.memref_squeeze %dma_start3A_92 : memref<1x40x128xi32, #tpu.memory_space<hbm>> -> memref<40x128xi32, #tpu.memory_space<hbm>>
      %dma_start3A_94 = arith.constant 80 : i32
      %dma_start3A_95 = arith.constant 0 : i32
      %dma_start3A_96 = tpu.memref_slice %arg3[%arg1, %dma_start3A_94, %dma_start3A_95] : memref<16x160x128xi32, #tpu.memory_space<hbm>> -> memref<1x40x128xi32, #tpu.memory_space<hbm>>
      %dma_start3A_97 = tpu.memref_squeeze %dma_start3A_96 : memref<1x40x128xi32, #tpu.memory_space<hbm>> -> memref<40x128xi32, #tpu.memory_space<hbm>>
      tpu.enqueue_dma source(%dma_start3A_97 : memref<40x128xi32, #tpu.memory_space<hbm>>) target(%arg7 : memref<40x128xi32, #tpu.memory_space<vmem>>) target_semaphore(%run_scoped3A : memref<!tpu.dma_semaphore, #tpu.memory_space<semaphore_mem>>)
      %dma_wait3A = arith.constant 80 : i32
      %dma_wait3A_98 = arith.constant 0 : i32
      %dma_wait3A_99 = tpu.memref_slice %arg3[%arg1, %dma_wait3A, %dma_wait3A_98] : memref<16x160x128xi32, #tpu.memory_space<hbm>> -> memref<1x40x128xi32, #tpu.memory_space<hbm>>
      %dma_wait3A_100 = tpu.memref_squeeze %dma_wait3A_99 : memref<1x40x128xi32, #tpu.memory_space<hbm>> -> memref<40x128xi32, #tpu.memory_space<hbm>>
      %dma_wait3A_101 = arith.constant 80 : i32
      %dma_wait3A_102 = arith.constant 0 : i32
      %dma_wait3A_103 = tpu.memref_slice %arg3[%arg1, %dma_wait3A_101, %dma_wait3A_102] : memref<16x160x128xi32, #tpu.memory_space<hbm>> -> memref<1x40x128xi32, #tpu.memory_space<hbm>>
      %dma_wait3A_104 = tpu.memref_squeeze %dma_wait3A_103 : memref<1x40x128xi32, #tpu.memory_space<hbm>> -> memref<40x128xi32, #tpu.memory_space<hbm>>
      tpu.wait_dma2 semaphore(%run_scoped3A : memref<!tpu.dma_semaphore, #tpu.memory_space<semaphore_mem>>) src(%dma_wait3A_104 : memref<40x128xi32, #tpu.memory_space<hbm>>) dst(%arg7 : memref<40x128xi32, #tpu.memory_space<vmem>>)
      tpu.yield
    }) : () -> ()
    "tpu.region"() ({
      %run_scoped3A = tpu.sem_alloc : memref<!tpu.dma_semaphore, #tpu.memory_space<semaphore_mem>>
      %dma_start3A_90 = arith.constant 80 : i32
      %dma_start3A_91 = arith.constant 0 : i32
      %dma_start3A_92 = tpu.memref_slice %arg4[%arg1, %dma_start3A_90, %dma_start3A_91] : memref<16x160x128xi32, #tpu.memory_space<hbm>> -> memref<1x40x128xi32, #tpu.memory_space<hbm>>
      %dma_start3A_93 = tpu.memref_squeeze %dma_start3A_92 : memref<1x40x128xi32, #tpu.memory_space<hbm>> -> memref<40x128xi32, #tpu.memory_space<hbm>>
      %dma_start3A_94 = arith.constant 80 : i32
      %dma_start3A_95 = arith.constant 0 : i32
      %dma_start3A_96 = tpu.memref_slice %arg4[%arg1, %dma_start3A_94, %dma_start3A_95] : memref<16x160x128xi32, #tpu.memory_space<hbm>> -> memref<1x40x128xi32, #tpu.memory_space<hbm>>
      %dma_start3A_97 = tpu.memref_squeeze %dma_start3A_96 : memref<1x40x128xi32, #tpu.memory_space<hbm>> -> memref<40x128xi32, #tpu.memory_space<hbm>>
      tpu.enqueue_dma source(%dma_start3A_97 : memref<40x128xi32, #tpu.memory_space<hbm>>) target(%arg8 : memref<40x128xi32, #tpu.memory_space<vmem>>) target_semaphore(%run_scoped3A : memref<!tpu.dma_semaphore, #tpu.memory_space<semaphore_mem>>)
      %dma_wait3A = arith.constant 80 : i32
      %dma_wait3A_98 = arith.constant 0 : i32
      %dma_wait3A_99 = tpu.memref_slice %arg4[%arg1, %dma_wait3A, %dma_wait3A_98] : memref<16x160x128xi32, #tpu.memory_space<hbm>> -> memref<1x40x128xi32, #tpu.memory_space<hbm>>
      %dma_wait3A_100 = tpu.memref_squeeze %dma_wait3A_99 : memref<1x40x128xi32, #tpu.memory_space<hbm>> -> memref<40x128xi32, #tpu.memory_space<hbm>>
      %dma_wait3A_101 = arith.constant 80 : i32
      %dma_wait3A_102 = arith.constant 0 : i32
      %dma_wait3A_103 = tpu.memref_slice %arg4[%arg1, %dma_wait3A_101, %dma_wait3A_102] : memref<16x160x128xi32, #tpu.memory_space<hbm>> -> memref<1x40x128xi32, #tpu.memory_space<hbm>>
      %dma_wait3A_104 = tpu.memref_squeeze %dma_wait3A_103 : memref<1x40x128xi32, #tpu.memory_space<hbm>> -> memref<40x128xi32, #tpu.memory_space<hbm>>
      tpu.wait_dma2 semaphore(%run_scoped3A : memref<!tpu.dma_semaphore, #tpu.memory_space<semaphore_mem>>) src(%dma_wait3A_104 : memref<40x128xi32, #tpu.memory_space<hbm>>) dst(%arg8 : memref<40x128xi32, #tpu.memory_space<vmem>>)
      tpu.yield
    }) : () -> ()
    %dma_start3A_43 = arith.constant 0 : i32
    %dma_start3A_44 = arith.constant 0 : i32
    %dma_start3A_45 = tpu.memref_slice %arg7[%dma_start3A_43, %dma_start3A_44] : memref<40x128xi32, #tpu.memory_space<vmem>> -> memref<1x128xi32, #tpu.memory_space<vmem>>
    %dma_start3A_46 = tpu.memref_squeeze %dma_start3A_45 : memref<1x128xi32, #tpu.memory_space<vmem>> -> memref<128xi32, #tpu.memory_space<vmem>>
    %dma_start3A_47 = arith.constant 0 : i32
    %dma_start3A_48 = arith.constant 0 : i32
    %dma_start3A_49 = tpu.memref_slice %arg2[%dma_start3A_47, %dma_start3A_48] : memref<10000x128xf32, #tpu.memory_space<hbm>> -> memref<10000x128xf32, #tpu.memory_space<hbm>>
    tpu.enqueue_indirect_dma source(%dma_start3A_49 : memref<10000x128xf32, #tpu.memory_space<hbm>>) target(%arg9 : memref<128x128xf32, #tpu.memory_space<vmem>>) offsets(%dma_start3A_46 : memref<128xi32, #tpu.memory_space<vmem>>) semaphore(%arg12 : memref<!tpu.dma_semaphore, #tpu.memory_space<semaphore_mem>>)
    %dma_start3A_50 = arith.constant 1 : i32
    %dma_start3A_51 = arith.constant 0 : i32
    %dma_start3A_52 = tpu.memref_slice %arg7[%dma_start3A_50, %dma_start3A_51] : memref<40x128xi32, #tpu.memory_space<vmem>> -> memref<1x128xi32, #tpu.memory_space<vmem>>
    %dma_start3A_53 = tpu.memref_squeeze %dma_start3A_52 : memref<1x128xi32, #tpu.memory_space<vmem>> -> memref<128xi32, #tpu.memory_space<vmem>>
    %dma_start3A_54 = arith.constant 0 : i32
    %dma_start3A_55 = arith.constant 0 : i32
    %dma_start3A_56 = tpu.memref_slice %arg2[%dma_start3A_54, %dma_start3A_55] : memref<10000x128xf32, #tpu.memory_space<hbm>> -> memref<10000x128xf32, #tpu.memory_space<hbm>>
    tpu.enqueue_indirect_dma source(%dma_start3A_56 : memref<10000x128xf32, #tpu.memory_space<hbm>>) target(%arg10 : memref<128x128xf32, #tpu.memory_space<vmem>>) offsets(%dma_start3A_53 : memref<128xi32, #tpu.memory_space<vmem>>) semaphore(%arg13 : memref<!tpu.dma_semaphore, #tpu.memory_space<semaphore_mem>>)
    %scan3A_57 = arith.constant 0 : i32
    %scan3A_58 = arith.constant 0 : i32
    %scan3A_59 = arith.constant 20 : i32
    %scan3A_60 = arith.addi %scan3A_58, %scan3A_59 : i32
    %scan3A_61 = arith.constant 1 : i32
    %scan3A_62 = scf.for %scan3A_90 = %scan3A_58 to %scan3A_60 step %scan3A_61 iter_args(%scan3A_91 = %scan3A_57) -> (i32)  : i32 {
      %mul3A_92 = arith.constant 2 : i32
      %mul3A_93 = arith.muli %scan3A_90, %mul3A_92 : i32
      %add3A = arith.constant 0 : i32
      %add3A_94 = arith.addi %mul3A_93, %add3A : i32
      %dma_wait3A = arith.constant 0 : i32
      %dma_wait3A_95 = tpu.memref_slice %arg7[%add3A_94, %dma_wait3A] : memref<40x128xi32, #tpu.memory_space<vmem>> -> memref<1x128xi32, #tpu.memory_space<vmem>>
      %dma_wait3A_96 = tpu.memref_squeeze %dma_wait3A_95 : memref<1x128xi32, #tpu.memory_space<vmem>> -> memref<128xi32, #tpu.memory_space<vmem>>
      %dma_wait3A_97 = arith.constant 0 : i32
      %dma_wait3A_98 = arith.constant 0 : i32
      %dma_wait3A_99 = tpu.memref_slice %arg2[%dma_wait3A_97, %dma_wait3A_98] : memref<10000x128xf32, #tpu.memory_space<hbm>> -> memref<10000x128xf32, #tpu.memory_space<hbm>>
      tpu.wait_indirect_dma semaphore(%arg12 : memref<!tpu.dma_semaphore, #tpu.memory_space<semaphore_mem>>) src(%dma_wait3A_99 : memref<10000x128xf32, #tpu.memory_space<hbm>>) dst(%arg9 : memref<128x128xf32, #tpu.memory_space<vmem>>)
      %dma_start3A_100 = arith.constant 0 : i32
      %dma_start3A_101 = tpu.memref_slice %arg8[%add3A_94, %dma_start3A_100] : memref<40x128xi32, #tpu.memory_space<vmem>> -> memref<1x128xi32, #tpu.memory_space<vmem>>
      %dma_start3A_102 = tpu.memref_squeeze %dma_start3A_101 : memref<1x128xi32, #tpu.memory_space<vmem>> -> memref<128xi32, #tpu.memory_space<vmem>>
      %dma_start3A_103 = arith.constant 0 : i32
      %dma_start3A_104 = arith.constant 0 : i32
      %dma_start3A_105 = tpu.memref_slice %arg11[%dma_start3A_103, %dma_start3A_104] : memref<10240x128xf32, #tpu.memory_space<vmem_shared>> -> memref<10240x128xf32, #tpu.memory_space<vmem_shared>>
      tpu.enqueue_indirect_dma source(%arg9 : memref<128x128xf32, #tpu.memory_space<vmem>>) target(%dma_start3A_105 : memref<10240x128xf32, #tpu.memory_space<vmem_shared>>) offsets(%dma_start3A_102 : memref<128xi32, #tpu.memory_space<vmem>>) semaphore(%arg14 : memref<!tpu.dma_semaphore, #tpu.memory_space<semaphore_mem>>) {add = true}
      %dma_wait3A_106 = arith.constant 0 : i32
      %dma_wait3A_107 = tpu.memref_slice %arg8[%add3A_94, %dma_wait3A_106] : memref<40x128xi32, #tpu.memory_space<vmem>> -> memref<1x128xi32, #tpu.memory_space<vmem>>
      %dma_wait3A_108 = tpu.memref_squeeze %dma_wait3A_107 : memref<1x128xi32, #tpu.memory_space<vmem>> -> memref<128xi32, #tpu.memory_space<vmem>>
      %dma_wait3A_109 = arith.constant 0 : i32
      %dma_wait3A_110 = arith.constant 0 : i32
      %dma_wait3A_111 = tpu.memref_slice %arg11[%dma_wait3A_109, %dma_wait3A_110] : memref<10240x128xf32, #tpu.memory_space<vmem_shared>> -> memref<10240x128xf32, #tpu.memory_space<vmem_shared>>
      tpu.wait_indirect_dma semaphore(%arg14 : memref<!tpu.dma_semaphore, #tpu.memory_space<semaphore_mem>>) src(%arg9 : memref<128x128xf32, #tpu.memory_space<vmem>>) dst(%dma_wait3A_111 : memref<10240x128xf32, #tpu.memory_space<vmem_shared>>)
      %add3A_112 = arith.constant 2 : i32
      %add3A_113 = arith.addi %add3A_94, %add3A_112 : i32
      %lt3A = arith.constant 40 : i32
      %lt3A_114 = arith.cmpi slt, %add3A_113, %lt3A : i32
      %convert_element_type3A = arith.extui %lt3A_114 : i1 to i32
      %cond3A = arith.constant 0 : i32
      %cond3A_115 = arith.cmpi ne, %convert_element_type3A, %cond3A : i32
      scf.if %cond3A_115 {
        %add3A_144 = arith.constant 2 : i32
        %add3A_145 = arith.addi %add3A_94, %add3A_144 : i32
        %dma_start3A_146 = arith.constant 0 : i32
        %dma_start3A_147 = tpu.memref_slice %arg7[%add3A_145, %dma_start3A_146] : memref<40x128xi32, #tpu.memory_space<vmem>> -> memref<1x128xi32, #tpu.memory_space<vmem>>
        %dma_start3A_148 = tpu.memref_squeeze %dma_start3A_147 : memref<1x128xi32, #tpu.memory_space<vmem>> -> memref<128xi32, #tpu.memory_space<vmem>>
        %dma_start3A_149 = arith.constant 0 : i32
        %dma_start3A_150 = arith.constant 0 : i32
        %dma_start3A_151 = tpu.memref_slice %arg2[%dma_start3A_149, %dma_start3A_150] : memref<10000x128xf32, #tpu.memory_space<hbm>> -> memref<10000x128xf32, #tpu.memory_space<hbm>>
        tpu.enqueue_indirect_dma source(%dma_start3A_151 : memref<10000x128xf32, #tpu.memory_space<hbm>>) target(%arg9 : memref<128x128xf32, #tpu.memory_space<vmem>>) offsets(%dma_start3A_148 : memref<128xi32, #tpu.memory_space<vmem>>) semaphore(%arg12 : memref<!tpu.dma_semaphore, #tpu.memory_space<semaphore_mem>>)
      } else {
      }
      %add3A_116 = arith.constant 1 : i32
      %add3A_117 = arith.addi %mul3A_93, %add3A_116 : i32
      %dma_wait3A_118 = arith.constant 0 : i32
      %dma_wait3A_119 = tpu.memref_slice %arg7[%add3A_117, %dma_wait3A_118] : memref<40x128xi32, #tpu.memory_space<vmem>> -> memref<1x128xi32, #tpu.memory_space<vmem>>
      %dma_wait3A_120 = tpu.memref_squeeze %dma_wait3A_119 : memref<1x128xi32, #tpu.memory_space<vmem>> -> memref<128xi32, #tpu.memory_space<vmem>>
      %dma_wait3A_121 = arith.constant 0 : i32
      %dma_wait3A_122 = arith.constant 0 : i32
      %dma_wait3A_123 = tpu.memref_slice %arg2[%dma_wait3A_121, %dma_wait3A_122] : memref<10000x128xf32, #tpu.memory_space<hbm>> -> memref<10000x128xf32, #tpu.memory_space<hbm>>
      tpu.wait_indirect_dma semaphore(%arg13 : memref<!tpu.dma_semaphore, #tpu.memory_space<semaphore_mem>>) src(%dma_wait3A_123 : memref<10000x128xf32, #tpu.memory_space<hbm>>) dst(%arg10 : memref<128x128xf32, #tpu.memory_space<vmem>>)
      %dma_start3A_124 = arith.constant 0 : i32
      %dma_start3A_125 = tpu.memref_slice %arg8[%add3A_117, %dma_start3A_124] : memref<40x128xi32, #tpu.memory_space<vmem>> -> memref<1x128xi32, #tpu.memory_space<vmem>>
      %dma_start3A_126 = tpu.memref_squeeze %dma_start3A_125 : memref<1x128xi32, #tpu.memory_space<vmem>> -> memref<128xi32, #tpu.memory_space<vmem>>
      %dma_start3A_127 = arith.constant 0 : i32
      %dma_start3A_128 = arith.constant 0 : i32
      %dma_start3A_129 = tpu.memref_slice %arg11[%dma_start3A_127, %dma_start3A_128] : memref<10240x128xf32, #tpu.memory_space<vmem_shared>> -> memref<10240x128xf32, #tpu.memory_space<vmem_shared>>
      tpu.enqueue_indirect_dma source(%arg10 : memref<128x128xf32, #tpu.memory_space<vmem>>) target(%dma_start3A_129 : memref<10240x128xf32, #tpu.memory_space<vmem_shared>>) offsets(%dma_start3A_126 : memref<128xi32, #tpu.memory_space<vmem>>) semaphore(%arg15 : memref<!tpu.dma_semaphore, #tpu.memory_space<semaphore_mem>>) {add = true}
      %dma_wait3A_130 = arith.constant 0 : i32
      %dma_wait3A_131 = tpu.memref_slice %arg8[%add3A_117, %dma_wait3A_130] : memref<40x128xi32, #tpu.memory_space<vmem>> -> memref<1x128xi32, #tpu.memory_space<vmem>>
      %dma_wait3A_132 = tpu.memref_squeeze %dma_wait3A_131 : memref<1x128xi32, #tpu.memory_space<vmem>> -> memref<128xi32, #tpu.memory_space<vmem>>
      %dma_wait3A_133 = arith.constant 0 : i32
      %dma_wait3A_134 = arith.constant 0 : i32
      %dma_wait3A_135 = tpu.memref_slice %arg11[%dma_wait3A_133, %dma_wait3A_134] : memref<10240x128xf32, #tpu.memory_space<vmem_shared>> -> memref<10240x128xf32, #tpu.memory_space<vmem_shared>>
      tpu.wait_indirect_dma semaphore(%arg15 : memref<!tpu.dma_semaphore, #tpu.memory_space<semaphore_mem>>) src(%arg10 : memref<128x128xf32, #tpu.memory_space<vmem>>) dst(%dma_wait3A_135 : memref<10240x128xf32, #tpu.memory_space<vmem_shared>>)
      %add3A_136 = arith.constant 2 : i32
      %add3A_137 = arith.addi %add3A_117, %add3A_136 : i32
      %lt3A_138 = arith.constant 40 : i32
      %lt3A_139 = arith.cmpi slt, %add3A_137, %lt3A_138 : i32
      %convert_element_type3A_140 = arith.extui %lt3A_139 : i1 to i32
      %cond3A_141 = arith.constant 0 : i32
      %cond3A_142 = arith.cmpi ne, %convert_element_type3A_140, %cond3A_141 : i32
      scf.if %cond3A_142 {
        %add3A_144 = arith.constant 2 : i32
        %add3A_145 = arith.addi %add3A_117, %add3A_144 : i32
        %dma_start3A_146 = arith.constant 0 : i32
        %dma_start3A_147 = tpu.memref_slice %arg7[%add3A_145, %dma_start3A_146] : memref<40x128xi32, #tpu.memory_space<vmem>> -> memref<1x128xi32, #tpu.memory_space<vmem>>
        %dma_start3A_148 = tpu.memref_squeeze %dma_start3A_147 : memref<1x128xi32, #tpu.memory_space<vmem>> -> memref<128xi32, #tpu.memory_space<vmem>>
        %dma_start3A_149 = arith.constant 0 : i32
        %dma_start3A_150 = arith.constant 0 : i32
        %dma_start3A_151 = tpu.memref_slice %arg2[%dma_start3A_149, %dma_start3A_150] : memref<10000x128xf32, #tpu.memory_space<hbm>> -> memref<10000x128xf32, #tpu.memory_space<hbm>>
        tpu.enqueue_indirect_dma source(%dma_start3A_151 : memref<10000x128xf32, #tpu.memory_space<hbm>>) target(%arg10 : memref<128x128xf32, #tpu.memory_space<vmem>>) offsets(%dma_start3A_148 : memref<128xi32, #tpu.memory_space<vmem>>) semaphore(%arg13 : memref<!tpu.dma_semaphore, #tpu.memory_space<semaphore_mem>>)
      } else {
      }
      %scan3A_143 = arith.constant 0 : i32
      scf.yield %scan3A_143 : i32
    }
    %scan3A_63 = arith.constant 20 : i32
    "tpu.region"() ({
      %run_scoped3A = tpu.sem_alloc : memref<!tpu.dma_semaphore, #tpu.memory_space<semaphore_mem>>
      %dma_start3A_90 = arith.constant 120 : i32
      %dma_start3A_91 = arith.constant 0 : i32
      %dma_start3A_92 = tpu.memref_slice %arg3[%arg1, %dma_start3A_90, %dma_start3A_91] : memref<16x160x128xi32, #tpu.memory_space<hbm>> -> memref<1x40x128xi32, #tpu.memory_space<hbm>>
      %dma_start3A_93 = tpu.memref_squeeze %dma_start3A_92 : memref<1x40x128xi32, #tpu.memory_space<hbm>> -> memref<40x128xi32, #tpu.memory_space<hbm>>
      %dma_start3A_94 = arith.constant 120 : i32
      %dma_start3A_95 = arith.constant 0 : i32
      %dma_start3A_96 = tpu.memref_slice %arg3[%arg1, %dma_start3A_94, %dma_start3A_95] : memref<16x160x128xi32, #tpu.memory_space<hbm>> -> memref<1x40x128xi32, #tpu.memory_space<hbm>>
      %dma_start3A_97 = tpu.memref_squeeze %dma_start3A_96 : memref<1x40x128xi32, #tpu.memory_space<hbm>> -> memref<40x128xi32, #tpu.memory_space<hbm>>
      tpu.enqueue_dma source(%dma_start3A_97 : memref<40x128xi32, #tpu.memory_space<hbm>>) target(%arg7 : memref<40x128xi32, #tpu.memory_space<vmem>>) target_semaphore(%run_scoped3A : memref<!tpu.dma_semaphore, #tpu.memory_space<semaphore_mem>>)
      %dma_wait3A = arith.constant 120 : i32
      %dma_wait3A_98 = arith.constant 0 : i32
      %dma_wait3A_99 = tpu.memref_slice %arg3[%arg1, %dma_wait3A, %dma_wait3A_98] : memref<16x160x128xi32, #tpu.memory_space<hbm>> -> memref<1x40x128xi32, #tpu.memory_space<hbm>>
      %dma_wait3A_100 = tpu.memref_squeeze %dma_wait3A_99 : memref<1x40x128xi32, #tpu.memory_space<hbm>> -> memref<40x128xi32, #tpu.memory_space<hbm>>
      %dma_wait3A_101 = arith.constant 120 : i32
      %dma_wait3A_102 = arith.constant 0 : i32
      %dma_wait3A_103 = tpu.memref_slice %arg3[%arg1, %dma_wait3A_101, %dma_wait3A_102] : memref<16x160x128xi32, #tpu.memory_space<hbm>> -> memref<1x40x128xi32, #tpu.memory_space<hbm>>
      %dma_wait3A_104 = tpu.memref_squeeze %dma_wait3A_103 : memref<1x40x128xi32, #tpu.memory_space<hbm>> -> memref<40x128xi32, #tpu.memory_space<hbm>>
      tpu.wait_dma2 semaphore(%run_scoped3A : memref<!tpu.dma_semaphore, #tpu.memory_space<semaphore_mem>>) src(%dma_wait3A_104 : memref<40x128xi32, #tpu.memory_space<hbm>>) dst(%arg7 : memref<40x128xi32, #tpu.memory_space<vmem>>)
      tpu.yield
    }) : () -> ()
    "tpu.region"() ({
      %run_scoped3A = tpu.sem_alloc : memref<!tpu.dma_semaphore, #tpu.memory_space<semaphore_mem>>
      %dma_start3A_90 = arith.constant 120 : i32
      %dma_start3A_91 = arith.constant 0 : i32
      %dma_start3A_92 = tpu.memref_slice %arg4[%arg1, %dma_start3A_90, %dma_start3A_91] : memref<16x160x128xi32, #tpu.memory_space<hbm>> -> memref<1x40x128xi32, #tpu.memory_space<hbm>>
      %dma_start3A_93 = tpu.memref_squeeze %dma_start3A_92 : memref<1x40x128xi32, #tpu.memory_space<hbm>> -> memref<40x128xi32, #tpu.memory_space<hbm>>
      %dma_start3A_94 = arith.constant 120 : i32
      %dma_start3A_95 = arith.constant 0 : i32
      %dma_start3A_96 = tpu.memref_slice %arg4[%arg1, %dma_start3A_94, %dma_start3A_95] : memref<16x160x128xi32, #tpu.memory_space<hbm>> -> memref<1x40x128xi32, #tpu.memory_space<hbm>>
      %dma_start3A_97 = tpu.memref_squeeze %dma_start3A_96 : memref<1x40x128xi32, #tpu.memory_space<hbm>> -> memref<40x128xi32, #tpu.memory_space<hbm>>
      tpu.enqueue_dma source(%dma_start3A_97 : memref<40x128xi32, #tpu.memory_space<hbm>>) target(%arg8 : memref<40x128xi32, #tpu.memory_space<vmem>>) target_semaphore(%run_scoped3A : memref<!tpu.dma_semaphore, #tpu.memory_space<semaphore_mem>>)
      %dma_wait3A = arith.constant 120 : i32
      %dma_wait3A_98 = arith.constant 0 : i32
      %dma_wait3A_99 = tpu.memref_slice %arg4[%arg1, %dma_wait3A, %dma_wait3A_98] : memref<16x160x128xi32, #tpu.memory_space<hbm>> -> memref<1x40x128xi32, #tpu.memory_space<hbm>>
      %dma_wait3A_100 = tpu.memref_squeeze %dma_wait3A_99 : memref<1x40x128xi32, #tpu.memory_space<hbm>> -> memref<40x128xi32, #tpu.memory_space<hbm>>
      %dma_wait3A_101 = arith.constant 120 : i32
      %dma_wait3A_102 = arith.constant 0 : i32
      %dma_wait3A_103 = tpu.memref_slice %arg4[%arg1, %dma_wait3A_101, %dma_wait3A_102] : memref<16x160x128xi32, #tpu.memory_space<hbm>> -> memref<1x40x128xi32, #tpu.memory_space<hbm>>
      %dma_wait3A_104 = tpu.memref_squeeze %dma_wait3A_103 : memref<1x40x128xi32, #tpu.memory_space<hbm>> -> memref<40x128xi32, #tpu.memory_space<hbm>>
      tpu.wait_dma2 semaphore(%run_scoped3A : memref<!tpu.dma_semaphore, #tpu.memory_space<semaphore_mem>>) src(%dma_wait3A_104 : memref<40x128xi32, #tpu.memory_space<hbm>>) dst(%arg8 : memref<40x128xi32, #tpu.memory_space<vmem>>)
      tpu.yield
    }) : () -> ()
    %dma_start3A_64 = arith.constant 0 : i32
    %dma_start3A_65 = arith.constant 0 : i32
    %dma_start3A_66 = tpu.memref_slice %arg7[%dma_start3A_64, %dma_start3A_65] : memref<40x128xi32, #tpu.memory_space<vmem>> -> memref<1x128xi32, #tpu.memory_space<vmem>>
    %dma_start3A_67 = tpu.memref_squeeze %dma_start3A_66 : memref<1x128xi32, #tpu.memory_space<vmem>> -> memref<128xi32, #tpu.memory_space<vmem>>
    %dma_start3A_68 = arith.constant 0 : i32
    %dma_start3A_69 = arith.constant 0 : i32
    %dma_start3A_70 = tpu.memref_slice %arg2[%dma_start3A_68, %dma_start3A_69] : memref<10000x128xf32, #tpu.memory_space<hbm>> -> memref<10000x128xf32, #tpu.memory_space<hbm>>
    tpu.enqueue_indirect_dma source(%dma_start3A_70 : memref<10000x128xf32, #tpu.memory_space<hbm>>) target(%arg9 : memref<128x128xf32, #tpu.memory_space<vmem>>) offsets(%dma_start3A_67 : memref<128xi32, #tpu.memory_space<vmem>>) semaphore(%arg12 : memref<!tpu.dma_semaphore, #tpu.memory_space<semaphore_mem>>)
    %dma_start3A_71 = arith.constant 1 : i32
    %dma_start3A_72 = arith.constant 0 : i32
    %dma_start3A_73 = tpu.memref_slice %arg7[%dma_start3A_71, %dma_start3A_72] : memref<40x128xi32, #tpu.memory_space<vmem>> -> memref<1x128xi32, #tpu.memory_space<vmem>>
    %dma_start3A_74 = tpu.memref_squeeze %dma_start3A_73 : memref<1x128xi32, #tpu.memory_space<vmem>> -> memref<128xi32, #tpu.memory_space<vmem>>
    %dma_start3A_75 = arith.constant 0 : i32
    %dma_start3A_76 = arith.constant 0 : i32
    %dma_start3A_77 = tpu.memref_slice %arg2[%dma_start3A_75, %dma_start3A_76] : memref<10000x128xf32, #tpu.memory_space<hbm>> -> memref<10000x128xf32, #tpu.memory_space<hbm>>
    tpu.enqueue_indirect_dma source(%dma_start3A_77 : memref<10000x128xf32, #tpu.memory_space<hbm>>) target(%arg10 : memref<128x128xf32, #tpu.memory_space<vmem>>) offsets(%dma_start3A_74 : memref<128xi32, #tpu.memory_space<vmem>>) semaphore(%arg13 : memref<!tpu.dma_semaphore, #tpu.memory_space<semaphore_mem>>)
    %scan3A_78 = arith.constant 0 : i32
    %scan3A_79 = arith.constant 0 : i32
    %scan3A_80 = arith.constant 20 : i32
    %scan3A_81 = arith.addi %scan3A_79, %scan3A_80 : i32
    %scan3A_82 = arith.constant 1 : i32
    %scan3A_83 = scf.for %scan3A_90 = %scan3A_79 to %scan3A_81 step %scan3A_82 iter_args(%scan3A_91 = %scan3A_78) -> (i32)  : i32 {
      %mul3A_92 = arith.constant 2 : i32
      %mul3A_93 = arith.muli %scan3A_90, %mul3A_92 : i32
      %add3A = arith.constant 0 : i32
      %add3A_94 = arith.addi %mul3A_93, %add3A : i32
      %dma_wait3A = arith.constant 0 : i32
      %dma_wait3A_95 = tpu.memref_slice %arg7[%add3A_94, %dma_wait3A] : memref<40x128xi32, #tpu.memory_space<vmem>> -> memref<1x128xi32, #tpu.memory_space<vmem>>
      %dma_wait3A_96 = tpu.memref_squeeze %dma_wait3A_95 : memref<1x128xi32, #tpu.memory_space<vmem>> -> memref<128xi32, #tpu.memory_space<vmem>>
      %dma_wait3A_97 = arith.constant 0 : i32
      %dma_wait3A_98 = arith.constant 0 : i32
      %dma_wait3A_99 = tpu.memref_slice %arg2[%dma_wait3A_97, %dma_wait3A_98] : memref<10000x128xf32, #tpu.memory_space<hbm>> -> memref<10000x128xf32, #tpu.memory_space<hbm>>
      tpu.wait_indirect_dma semaphore(%arg12 : memref<!tpu.dma_semaphore, #tpu.memory_space<semaphore_mem>>) src(%dma_wait3A_99 : memref<10000x128xf32, #tpu.memory_space<hbm>>) dst(%arg9 : memref<128x128xf32, #tpu.memory_space<vmem>>)
      %dma_start3A_100 = arith.constant 0 : i32
      %dma_start3A_101 = tpu.memref_slice %arg8[%add3A_94, %dma_start3A_100] : memref<40x128xi32, #tpu.memory_space<vmem>> -> memref<1x128xi32, #tpu.memory_space<vmem>>
      %dma_start3A_102 = tpu.memref_squeeze %dma_start3A_101 : memref<1x128xi32, #tpu.memory_space<vmem>> -> memref<128xi32, #tpu.memory_space<vmem>>
      %dma_start3A_103 = arith.constant 0 : i32
      %dma_start3A_104 = arith.constant 0 : i32
      %dma_start3A_105 = tpu.memref_slice %arg11[%dma_start3A_103, %dma_start3A_104] : memref<10240x128xf32, #tpu.memory_space<vmem_shared>> -> memref<10240x128xf32, #tpu.memory_space<vmem_shared>>
      tpu.enqueue_indirect_dma source(%arg9 : memref<128x128xf32, #tpu.memory_space<vmem>>) target(%dma_start3A_105 : memref<10240x128xf32, #tpu.memory_space<vmem_shared>>) offsets(%dma_start3A_102 : memref<128xi32, #tpu.memory_space<vmem>>) semaphore(%arg14 : memref<!tpu.dma_semaphore, #tpu.memory_space<semaphore_mem>>) {add = true}
      %dma_wait3A_106 = arith.constant 0 : i32
      %dma_wait3A_107 = tpu.memref_slice %arg8[%add3A_94, %dma_wait3A_106] : memref<40x128xi32, #tpu.memory_space<vmem>> -> memref<1x128xi32, #tpu.memory_space<vmem>>
      %dma_wait3A_108 = tpu.memref_squeeze %dma_wait3A_107 : memref<1x128xi32, #tpu.memory_space<vmem>> -> memref<128xi32, #tpu.memory_space<vmem>>
      %dma_wait3A_109 = arith.constant 0 : i32
      %dma_wait3A_110 = arith.constant 0 : i32
      %dma_wait3A_111 = tpu.memref_slice %arg11[%dma_wait3A_109, %dma_wait3A_110] : memref<10240x128xf32, #tpu.memory_space<vmem_shared>> -> memref<10240x128xf32, #tpu.memory_space<vmem_shared>>
      tpu.wait_indirect_dma semaphore(%arg14 : memref<!tpu.dma_semaphore, #tpu.memory_space<semaphore_mem>>) src(%arg9 : memref<128x128xf32, #tpu.memory_space<vmem>>) dst(%dma_wait3A_111 : memref<10240x128xf32, #tpu.memory_space<vmem_shared>>)
      %add3A_112 = arith.constant 2 : i32
      %add3A_113 = arith.addi %add3A_94, %add3A_112 : i32
      %lt3A = arith.constant 40 : i32
      %lt3A_114 = arith.cmpi slt, %add3A_113, %lt3A : i32
      %convert_element_type3A = arith.extui %lt3A_114 : i1 to i32
      %cond3A = arith.constant 0 : i32
      %cond3A_115 = arith.cmpi ne, %convert_element_type3A, %cond3A : i32
      scf.if %cond3A_115 {
        %add3A_144 = arith.constant 2 : i32
        %add3A_145 = arith.addi %add3A_94, %add3A_144 : i32
        %dma_start3A_146 = arith.constant 0 : i32
        %dma_start3A_147 = tpu.memref_slice %arg7[%add3A_145, %dma_start3A_146] : memref<40x128xi32, #tpu.memory_space<vmem>> -> memref<1x128xi32, #tpu.memory_space<vmem>>
        %dma_start3A_148 = tpu.memref_squeeze %dma_start3A_147 : memref<1x128xi32, #tpu.memory_space<vmem>> -> memref<128xi32, #tpu.memory_space<vmem>>
        %dma_start3A_149 = arith.constant 0 : i32
        %dma_start3A_150 = arith.constant 0 : i32
        %dma_start3A_151 = tpu.memref_slice %arg2[%dma_start3A_149, %dma_start3A_150] : memref<10000x128xf32, #tpu.memory_space<hbm>> -> memref<10000x128xf32, #tpu.memory_space<hbm>>
        tpu.enqueue_indirect_dma source(%dma_start3A_151 : memref<10000x128xf32, #tpu.memory_space<hbm>>) target(%arg9 : memref<128x128xf32, #tpu.memory_space<vmem>>) offsets(%dma_start3A_148 : memref<128xi32, #tpu.memory_space<vmem>>) semaphore(%arg12 : memref<!tpu.dma_semaphore, #tpu.memory_space<semaphore_mem>>)
      } else {
      }
      %add3A_116 = arith.constant 1 : i32
      %add3A_117 = arith.addi %mul3A_93, %add3A_116 : i32
      %dma_wait3A_118 = arith.constant 0 : i32
      %dma_wait3A_119 = tpu.memref_slice %arg7[%add3A_117, %dma_wait3A_118] : memref<40x128xi32, #tpu.memory_space<vmem>> -> memref<1x128xi32, #tpu.memory_space<vmem>>
      %dma_wait3A_120 = tpu.memref_squeeze %dma_wait3A_119 : memref<1x128xi32, #tpu.memory_space<vmem>> -> memref<128xi32, #tpu.memory_space<vmem>>
      %dma_wait3A_121 = arith.constant 0 : i32
      %dma_wait3A_122 = arith.constant 0 : i32
      %dma_wait3A_123 = tpu.memref_slice %arg2[%dma_wait3A_121, %dma_wait3A_122] : memref<10000x128xf32, #tpu.memory_space<hbm>> -> memref<10000x128xf32, #tpu.memory_space<hbm>>
      tpu.wait_indirect_dma semaphore(%arg13 : memref<!tpu.dma_semaphore, #tpu.memory_space<semaphore_mem>>) src(%dma_wait3A_123 : memref<10000x128xf32, #tpu.memory_space<hbm>>) dst(%arg10 : memref<128x128xf32, #tpu.memory_space<vmem>>)
      %dma_start3A_124 = arith.constant 0 : i32
      %dma_start3A_125 = tpu.memref_slice %arg8[%add3A_117, %dma_start3A_124] : memref<40x128xi32, #tpu.memory_space<vmem>> -> memref<1x128xi32, #tpu.memory_space<vmem>>
      %dma_start3A_126 = tpu.memref_squeeze %dma_start3A_125 : memref<1x128xi32, #tpu.memory_space<vmem>> -> memref<128xi32, #tpu.memory_space<vmem>>
      %dma_start3A_127 = arith.constant 0 : i32
      %dma_start3A_128 = arith.constant 0 : i32
      %dma_start3A_129 = tpu.memref_slice %arg11[%dma_start3A_127, %dma_start3A_128] : memref<10240x128xf32, #tpu.memory_space<vmem_shared>> -> memref<10240x128xf32, #tpu.memory_space<vmem_shared>>
      tpu.enqueue_indirect_dma source(%arg10 : memref<128x128xf32, #tpu.memory_space<vmem>>) target(%dma_start3A_129 : memref<10240x128xf32, #tpu.memory_space<vmem_shared>>) offsets(%dma_start3A_126 : memref<128xi32, #tpu.memory_space<vmem>>) semaphore(%arg15 : memref<!tpu.dma_semaphore, #tpu.memory_space<semaphore_mem>>) {add = true}
      %dma_wait3A_130 = arith.constant 0 : i32
      %dma_wait3A_131 = tpu.memref_slice %arg8[%add3A_117, %dma_wait3A_130] : memref<40x128xi32, #tpu.memory_space<vmem>> -> memref<1x128xi32, #tpu.memory_space<vmem>>
      %dma_wait3A_132 = tpu.memref_squeeze %dma_wait3A_131 : memref<1x128xi32, #tpu.memory_space<vmem>> -> memref<128xi32, #tpu.memory_space<vmem>>
      %dma_wait3A_133 = arith.constant 0 : i32
      %dma_wait3A_134 = arith.constant 0 : i32
      %dma_wait3A_135 = tpu.memref_slice %arg11[%dma_wait3A_133, %dma_wait3A_134] : memref<10240x128xf32, #tpu.memory_space<vmem_shared>> -> memref<10240x128xf32, #tpu.memory_space<vmem_shared>>
      tpu.wait_indirect_dma semaphore(%arg15 : memref<!tpu.dma_semaphore, #tpu.memory_space<semaphore_mem>>) src(%arg10 : memref<128x128xf32, #tpu.memory_space<vmem>>) dst(%dma_wait3A_135 : memref<10240x128xf32, #tpu.memory_space<vmem_shared>>)
      %add3A_136 = arith.constant 2 : i32
      %add3A_137 = arith.addi %add3A_117, %add3A_136 : i32
      %lt3A_138 = arith.constant 40 : i32
      %lt3A_139 = arith.cmpi slt, %add3A_137, %lt3A_138 : i32
      %convert_element_type3A_140 = arith.extui %lt3A_139 : i1 to i32
      %cond3A_141 = arith.constant 0 : i32
      %cond3A_142 = arith.cmpi ne, %convert_element_type3A_140, %cond3A_141 : i32
      scf.if %cond3A_142 {
        %add3A_144 = arith.constant 2 : i32
        %add3A_145 = arith.addi %add3A_117, %add3A_144 : i32
        %dma_start3A_146 = arith.constant 0 : i32
        %dma_start3A_147 = tpu.memref_slice %arg7[%add3A_145, %dma_start3A_146] : memref<40x128xi32, #tpu.memory_space<vmem>> -> memref<1x128xi32, #tpu.memory_space<vmem>>
        %dma_start3A_148 = tpu.memref_squeeze %dma_start3A_147 : memref<1x128xi32, #tpu.memory_space<vmem>> -> memref<128xi32, #tpu.memory_space<vmem>>
        %dma_start3A_149 = arith.constant 0 : i32
        %dma_start3A_150 = arith.constant 0 : i32
        %dma_start3A_151 = tpu.memref_slice %arg2[%dma_start3A_149, %dma_start3A_150] : memref<10000x128xf32, #tpu.memory_space<hbm>> -> memref<10000x128xf32, #tpu.memory_space<hbm>>
        tpu.enqueue_indirect_dma source(%dma_start3A_151 : memref<10000x128xf32, #tpu.memory_space<hbm>>) target(%arg10 : memref<128x128xf32, #tpu.memory_space<vmem>>) offsets(%dma_start3A_148 : memref<128xi32, #tpu.memory_space<vmem>>) semaphore(%arg13 : memref<!tpu.dma_semaphore, #tpu.memory_space<semaphore_mem>>)
      } else {
      }
      %scan3A_143 = arith.constant 0 : i32
      scf.yield %scan3A_143 : i32
    }
    %scan3A_84 = arith.constant 20 : i32
    %barrier3A_85 = arith.constant 0 : index
    tpu.barrier barrier_id(%barrier3A_85)
    %mul3A_86 = arith.constant 640 : i32
    %mul3A_87 = arith.muli %arg1, %mul3A_86 : i32
    %mul3A_88 = arith.constant 640 : i32
    %mul3A_89 = arith.muli %arg1, %mul3A_88 : i32
    "tpu.region"() ({
      %run_scoped3A = tpu.sem_alloc : memref<!tpu.dma_semaphore, #tpu.memory_space<semaphore_mem>>
      %dma_start3A_90 = arith.constant 0 : i32
      %dma_start3A_91 = tpu.memref_slice %arg6[%mul3A_89, %dma_start3A_90] : memref<10240x128xf32, #tpu.memory_space<hbm>> -> memref<640x128xf32, #tpu.memory_space<hbm>>
      %dma_start3A_92 = arith.constant 0 : i32
      %dma_start3A_93 = tpu.memref_slice %arg11[%mul3A_87, %dma_start3A_92] : memref<10240x128xf32, #tpu.memory_space<vmem_shared>> -> memref<640x128xf32, #tpu.memory_space<vmem_shared>>
      tpu.enqueue_dma source(%dma_start3A_93 : memref<640x128xf32, #tpu.memory_space<vmem_shared>>) target(%dma_start3A_91 : memref<640x128xf32, #tpu.memory_space<hbm>>) target_semaphore(%run_scoped3A : memref<!tpu.dma_semaphore, #tpu.memory_space<semaphore_mem>>)
      %dma_wait3A = arith.constant 0 : i32
      %dma_wait3A_94 = tpu.memref_slice %arg6[%mul3A_89, %dma_wait3A] : memref<10240x128xf32, #tpu.memory_space<hbm>> -> memref<640x128xf32, #tpu.memory_space<hbm>>
      %dma_wait3A_95 = arith.constant 0 : i32
      %dma_wait3A_96 = tpu.memref_slice %arg11[%mul3A_87, %dma_wait3A_95] : memref<10240x128xf32, #tpu.memory_space<vmem_shared>> -> memref<640x128xf32, #tpu.memory_space<vmem_shared>>
      tpu.wait_dma2 semaphore(%run_scoped3A : memref<!tpu.dma_semaphore, #tpu.memory_space<semaphore_mem>>) src(%dma_wait3A_96 : memref<640x128xf32, #tpu.memory_space<vmem_shared>>) dst(%dma_wait3A_94 : memref<640x128xf32, #tpu.memory_space<hbm>>)
      tpu.yield
    }) : () -> ()
    return
  }
}

module attributes {stable_mosaic.version = 14 : i64} {
  func.func @body(%arg0: memref<10000x128xf32, #tpu.memory_space<vmem>>, %arg1: memref<128x128xf32, #tpu.memory_space<vmem>>, %arg2: memref<10000x128xf32, #tpu.memory_space<vmem>>) attributes {dimension_semantics = [], scalar_prefetch = 0 : i64, scratch_operands = 0 : i64, tpu.core_type = #tpu.core_type<tc>} {
    %get3A = arith.constant 0 : index
    %get3A_0 = arith.constant 0 : index
    %get3A_1 = vector.load %arg0[%get3A, %get3A_0] : memref<10000x128xf32, #tpu.memory_space<vmem>>, vector<10000x128xf32>
    %get3A_2 = arith.constant 0 : index
    %get3A_3 = arith.constant 0 : index
    %get3A_4 = vector.load %arg1[%get3A_2, %get3A_3] : memref<128x128xf32, #tpu.memory_space<vmem>>, vector<128x128xf32>
    %dot_general3A = arith.constant dense<0.000000e+00> : vector<10000x128xf32>
    %dot_general3A_5 = tpu.matmul %get3A_1, %get3A_4, %dot_general3A {dimension_numbers = #tpu.dot_dimension_numbers<[1], [0], [0], [1], [0, 0, 1, 1], [], []>, transpose_lhs_hint = false} : vector<10000x128xf32>, vector<128x128xf32>, vector<10000x128xf32> -> vector<10000x128xf32>
    %swap3A = arith.constant 0 : index
    %swap3A_6 = arith.constant 0 : index
    %swap3A_7 = vector.load %arg2[%swap3A, %swap3A_6] : memref<10000x128xf32, #tpu.memory_space<vmem>>, vector<10000x128xf32>
    tpu.vector_store %arg2[%swap3A, %swap3A_6], %dot_general3A_5 {strides = array<i32>} : memref<10000x128xf32, #tpu.memory_space<vmem>>, vector<10000x128xf32>,
    return
  }
}

module attributes {stable_mosaic.version = 14 : i64} {
  func.func @body(%arg0: memref<10240x128xf32, #tpu.memory_space<vmem>>, %arg1: memref<1x128xf32, #tpu.memory_space<vmem>>, %arg2: memref<1x128xf32, #tpu.memory_space<vmem>>, %arg3: memref<128x128xf32, #tpu.memory_space<vmem>>, %arg4: memref<10000x128xf32, #tpu.memory_space<vmem>>) attributes {dimension_semantics = [], scalar_prefetch = 0 : i64, scratch_operands = 0 : i64, tpu.core_type = #tpu.core_type<tc>} {
    %get3A = arith.constant 0 : index
    %get3A_0 = arith.constant 0 : index
    %get3A_1 = vector.load %arg0[%get3A, %get3A_0] : memref<10240x128xf32, #tpu.memory_space<vmem>>, vector<10000x128xf32>
    %reduce_sum3A = arith.constant dense<0.000000e+00> : vector<128xf32>
    %reduce_sum3A_2 = vector.multi_reduction <add>, %get3A_1, %reduce_sum3A [0] : vector<10000x128xf32> to vector<128xf32>
    %broadcast_in_dim3A = vector.shape_cast %reduce_sum3A_2 : vector<128xf32> to vector<1x128xf32>
    %div3A = arith.constant 1.000000e+04 : f32
    %div3A_3 = vector.broadcast %div3A : f32 to vector<1x128xf32>
    %div3A_4 = arith.divf %broadcast_in_dim3A, %div3A_3 : vector<1x128xf32>
    %sub3A = vector.broadcast %div3A_4 : vector<1x128xf32> to vector<10000x128xf32>
    %sub3A_5 = arith.subf %get3A_1, %sub3A : vector<10000x128xf32>
    %mul3A = arith.mulf %sub3A_5, %sub3A_5 : vector<10000x128xf32>
    %reduce_sum3A_6 = arith.constant dense<0.000000e+00> : vector<128xf32>
    %reduce_sum3A_7 = vector.multi_reduction <add>, %mul3A, %reduce_sum3A_6 [0] : vector<10000x128xf32> to vector<128xf32>
    %broadcast_in_dim3A_8 = vector.shape_cast %reduce_sum3A_7 : vector<128xf32> to vector<1x128xf32>
    %div3A_9 = arith.constant 1.000000e+04 : f32
    %div3A_10 = vector.broadcast %div3A_9 : f32 to vector<1x128xf32>
    %div3A_11 = arith.divf %broadcast_in_dim3A_8, %div3A_10 : vector<1x128xf32>
    %get3A_12 = arith.constant 0 : index
    %get3A_13 = arith.constant 0 : index
    %get3A_14 = vector.load %arg1[%get3A_12, %get3A_13] : memref<1x128xf32, #tpu.memory_space<vmem>>, vector<1x128xf32>
    %mul3A_15 = vector.broadcast %get3A_14 : vector<1x128xf32> to vector<10000x128xf32>
    %mul3A_16 = arith.mulf %mul3A_15, %sub3A_5 : vector<10000x128xf32>
    %add3A = arith.constant 9.99999974E-6 : f32
    %add3A_17 = vector.broadcast %add3A : f32 to vector<1x128xf32>
    %add3A_18 = arith.addf %div3A_11, %add3A_17 : vector<1x128xf32>
    %rsqrt3A = math.rsqrt %add3A_18 : vector<1x128xf32>
    %mul3A_19 = vector.broadcast %rsqrt3A : vector<1x128xf32> to vector<10000x128xf32>
    %mul3A_20 = arith.mulf %mul3A_16, %mul3A_19 : vector<10000x128xf32>
    %get3A_21 = arith.constant 0 : index
    %get3A_22 = arith.constant 0 : index
    %get3A_23 = vector.load %arg2[%get3A_21, %get3A_22] : memref<1x128xf32, #tpu.memory_space<vmem>>, vector<1x128xf32>
    %add3A_24 = vector.broadcast %get3A_23 : vector<1x128xf32> to vector<10000x128xf32>
    %add3A_25 = arith.addf %mul3A_20, %add3A_24 : vector<10000x128xf32>
    %max3A = arith.constant 0.000000e+00 : f32
    %max3A_26 = vector.broadcast %max3A : f32 to vector<10000x128xf32>
    %max3A_27 = arith.maximumf %add3A_25, %max3A_26 : vector<10000x128xf32>
    %get3A_28 = arith.constant 0 : index
    %get3A_29 = arith.constant 0 : index
    %get3A_30 = vector.load %arg3[%get3A_28, %get3A_29] : memref<128x128xf32, #tpu.memory_space<vmem>>, vector<128x128xf32>
    %dot_general3A = arith.constant dense<0.000000e+00> : vector<10000x128xf32>
    %dot_general3A_31 = tpu.matmul %max3A_27, %get3A_30, %dot_general3A {dimension_numbers = #tpu.dot_dimension_numbers<[1], [0], [0], [1], [0, 0, 1, 1], [], []>, transpose_lhs_hint = false} : vector<10000x128xf32>, vector<128x128xf32>, vector<10000x128xf32> -> vector<10000x128xf32>
    %swap3A = arith.constant 0 : index
    %swap3A_32 = arith.constant 0 : index
    %swap3A_33 = vector.load %arg4[%swap3A, %swap3A_32] : memref<10000x128xf32, #tpu.memory_space<vmem>>, vector<10000x128xf32>
    tpu.vector_store %arg4[%swap3A, %swap3A_32], %dot_general3A_31 {strides = array<i32>} : memref<10000x128xf32, #tpu.memory_space<vmem>>, vector<10000x128xf32>,
    return
  }
}

module attributes {stable_mosaic.version = 14 : i64} {
  func.func @body(%arg0: memref<10240x128xf32, #tpu.memory_space<vmem>>, %arg1: memref<1x128xf32, #tpu.memory_space<vmem>>, %arg2: memref<1x128xf32, #tpu.memory_space<vmem>>, %arg3: memref<128x64xf32, #tpu.memory_space<vmem>>, %arg4: memref<1x64xf32, #tpu.memory_space<vmem>>, %arg5: memref<64x16xf32, #tpu.memory_space<vmem>>, %arg6: memref<1x16xf32, #tpu.memory_space<vmem>>, %arg7: memref<1x16xf32, #tpu.memory_space<vmem>>) attributes {dimension_semantics = [], scalar_prefetch = 0 : i64, scratch_operands = 0 : i64, tpu.core_type = #tpu.core_type<tc>} {
    %get3A = arith.constant 0 : index
    %get3A_0 = arith.constant 0 : index
    %get3A_1 = vector.load %arg0[%get3A, %get3A_0] : memref<10240x128xf32, #tpu.memory_space<vmem>>, vector<10000x128xf32>
    %reduce_sum3A = arith.constant dense<0.000000e+00> : vector<128xf32>
    %reduce_sum3A_2 = vector.multi_reduction <add>, %get3A_1, %reduce_sum3A [0] : vector<10000x128xf32> to vector<128xf32>
    %broadcast_in_dim3A = vector.shape_cast %reduce_sum3A_2 : vector<128xf32> to vector<1x128xf32>
    %div3A = arith.constant 1.000000e+04 : f32
    %div3A_3 = vector.broadcast %div3A : f32 to vector<1x128xf32>
    %div3A_4 = arith.divf %broadcast_in_dim3A, %div3A_3 : vector<1x128xf32>
    %sub3A = vector.broadcast %div3A_4 : vector<1x128xf32> to vector<10000x128xf32>
    %sub3A_5 = arith.subf %get3A_1, %sub3A : vector<10000x128xf32>
    %mul3A = arith.mulf %sub3A_5, %sub3A_5 : vector<10000x128xf32>
    %reduce_sum3A_6 = arith.constant dense<0.000000e+00> : vector<128xf32>
    %reduce_sum3A_7 = vector.multi_reduction <add>, %mul3A, %reduce_sum3A_6 [0] : vector<10000x128xf32> to vector<128xf32>
    %broadcast_in_dim3A_8 = vector.shape_cast %reduce_sum3A_7 : vector<128xf32> to vector<1x128xf32>
    %div3A_9 = arith.constant 1.000000e+04 : f32
    %div3A_10 = vector.broadcast %div3A_9 : f32 to vector<1x128xf32>
    %div3A_11 = arith.divf %broadcast_in_dim3A_8, %div3A_10 : vector<1x128xf32>
    %get3A_12 = arith.constant 0 : index
    %get3A_13 = arith.constant 0 : index
    %get3A_14 = vector.load %arg1[%get3A_12, %get3A_13] : memref<1x128xf32, #tpu.memory_space<vmem>>, vector<1x128xf32>
    %mul3A_15 = vector.broadcast %get3A_14 : vector<1x128xf32> to vector<10000x128xf32>
    %mul3A_16 = arith.mulf %mul3A_15, %sub3A_5 : vector<10000x128xf32>
    %add3A = arith.constant 9.99999974E-6 : f32
    %add3A_17 = vector.broadcast %add3A : f32 to vector<1x128xf32>
    %add3A_18 = arith.addf %div3A_11, %add3A_17 : vector<1x128xf32>
    %rsqrt3A = math.rsqrt %add3A_18 : vector<1x128xf32>
    %mul3A_19 = vector.broadcast %rsqrt3A : vector<1x128xf32> to vector<10000x128xf32>
    %mul3A_20 = arith.mulf %mul3A_16, %mul3A_19 : vector<10000x128xf32>
    %get3A_21 = arith.constant 0 : index
    %get3A_22 = arith.constant 0 : index
    %get3A_23 = vector.load %arg2[%get3A_21, %get3A_22] : memref<1x128xf32, #tpu.memory_space<vmem>>, vector<1x128xf32>
    %add3A_24 = vector.broadcast %get3A_23 : vector<1x128xf32> to vector<10000x128xf32>
    %add3A_25 = arith.addf %mul3A_20, %add3A_24 : vector<10000x128xf32>
    %max3A = arith.constant 0.000000e+00 : f32
    %max3A_26 = vector.broadcast %max3A : f32 to vector<10000x128xf32>
    %max3A_27 = arith.maximumf %add3A_25, %max3A_26 : vector<10000x128xf32>
    %reduce_sum3A_28 = arith.constant dense<0.000000e+00> : vector<128xf32>
    %reduce_sum3A_29 = vector.multi_reduction <add>, %max3A_27, %reduce_sum3A_28 [0] : vector<10000x128xf32> to vector<128xf32>
    %broadcast_in_dim3A_30 = vector.shape_cast %reduce_sum3A_29 : vector<128xf32> to vector<1x128xf32>
    %get3A_31 = arith.constant 0 : index
    %get3A_32 = arith.constant 0 : index
    %get3A_33 = vector.load %arg3[%get3A_31, %get3A_32] : memref<128x64xf32, #tpu.memory_space<vmem>>, vector<128x64xf32>
    %dot_general3A = arith.constant dense<0.000000e+00> : vector<1x64xf32>
    %dot_general3A_34 = tpu.matmul %broadcast_in_dim3A_30, %get3A_33, %dot_general3A {dimension_numbers = #tpu.dot_dimension_numbers<[1], [0], [0], [1], [0, 0, 1, 1], [], []>, transpose_lhs_hint = false} : vector<1x128xf32>, vector<128x64xf32>, vector<1x64xf32> -> vector<1x64xf32>
    %get3A_35 = arith.constant 0 : index
    %get3A_36 = arith.constant 0 : index
    %get3A_37 = vector.load %arg4[%get3A_35, %get3A_36] : memref<1x64xf32, #tpu.memory_space<vmem>>, vector<1x64xf32>
    %add3A_38 = arith.addf %dot_general3A_34, %get3A_37 : vector<1x64xf32>
    %max3A_39 = arith.constant 0.000000e+00 : f32
    %max3A_40 = vector.broadcast %max3A_39 : f32 to vector<1x64xf32>
    %max3A_41 = arith.maximumf %add3A_38, %max3A_40 : vector<1x64xf32>
    %get3A_42 = arith.constant 0 : index
    %get3A_43 = arith.constant 0 : index
    %get3A_44 = vector.load %arg5[%get3A_42, %get3A_43] : memref<64x16xf32, #tpu.memory_space<vmem>>, vector<64x16xf32>
    %dot_general3A_45 = arith.constant dense<0.000000e+00> : vector<1x16xf32>
    %dot_general3A_46 = tpu.matmul %max3A_41, %get3A_44, %dot_general3A_45 {dimension_numbers = #tpu.dot_dimension_numbers<[1], [0], [0], [1], [0, 0, 1, 1], [], []>, transpose_lhs_hint = false} : vector<1x64xf32>, vector<64x16xf32>, vector<1x16xf32> -> vector<1x16xf32>
    %get3A_47 = arith.constant 0 : index
    %get3A_48 = arith.constant 0 : index
    %get3A_49 = vector.load %arg6[%get3A_47, %get3A_48] : memref<1x16xf32, #tpu.memory_space<vmem>>, vector<1x16xf32>
    %add3A_50 = arith.addf %dot_general3A_46, %get3A_49 : vector<1x16xf32>
    %swap3A = arith.constant 0 : index
    %swap3A_51 = arith.constant 0 : index
    %swap3A_52 = vector.load %arg7[%swap3A, %swap3A_51] : memref<1x16xf32, #tpu.memory_space<vmem>>, vector<1x16xf32>
    tpu.vector_store %arg7[%swap3A, %swap3A_51], %add3A_50 {strides = array<i32>} : memref<1x16xf32, #tpu.memory_space<vmem>>, vector<1x16xf32>,
    return
  }
}

</mosaic_0001>

<sc_bundles>
// kernel: kernel.12.cloned.1.call-start
scs
__scs_entry_jumppad:
0x0: {  	(pc) =	sbr.rel $0x88, $3  }
0x1: {  	(tag) =	ssettag $0x0;
	lr =	simm.s32 $0x1  }
0x2: {  	[smem:$0x3F92] =	sst lr;
	_ =	strace $0xD0000000  }
0x3: {  	_ = 	snop  }
0x4: {  	_ = 	snop  }
0x5: {  	_ = 	snop  }
0x6: {  	_ = 	snop  }
0x7: {  	_ = 	snop  }
__scs_overlays_trampoline_lowered:
0x8: {  	[smem:$0x3FA1] =	sst s0  }
0x9: {  	[smem:$0x3FA2] =	sst s1  }
0xa: {  	[smem:$0x3FA3] =	sst s2  }
0xb: {  	[smem:$0x3FA4] =	sst s3  }
0xc: {  	[smem:$0x3FA5] =	sst s4  }
0xd: {  	[smem:$0x3FA6] =	sst s5  }
0xe: {  	[smem:$0x3FA7] =	sst s6  }
0xf: {  	[smem:$0x3FA8] =	sst s7  }
0x10: {  	[smem:$0x3FA9] =	sst s8  }
0x11: {  	[smem:$0x3FAA] =	sst s9;
	s0 =	simm.s32 @!p0 $0x0  }
0x12: {  	s1 =	sld [smem:$0x3F90];
	s0 =	simm.s32 @p0 $0x1  }
0x13: {  	[smem:$0x3FAB] =	sst s0;
	s0 =	simm.s32 @!p1 $0x0  }
0x14: {  	s2 =	sld [smem:$0x3F8F];
	s0 =	simm.s32 @p1 $0x1  }
0x15: {  	[smem:$0x3FAC] =	sst s0;
	s0 =	simm.s32 @!p2 $0x0  }
0x16: {  	s3 =	sld [smem:$0x3FDB];
	s0 =	simm.s32 @p2 $0x1  }
0x17: {  	s4 =	simm.s32 $0x1BF5;
	[smem:$0x3FAE] =	sst s0  }
0x18: {  	s0 =	sld [smem:$0x3F91];
	_ =	swait.ge [sflag:s4], $0x0  }
0x19: {  	s7 =	sld [smem:$0x3F92]  }
0x1a: {  	s8 =	sadd.s32 $0xFFFFE003, lr  }
0x1b: {  	s9 =	sadd.s32 $0xFFFFFEF7, lr;
	s5 =	simm.s32 $0xFFFFFFFF;
	p2 =	slt.u32 s8, $0xFFFFF086  }
0x1c: {  	p1 =	slt.u32 s9, $0xF7A;
	s5 =	simm.s32 @!p2 $0x0  }
0x1d: {  	s5 =	simm.s32 @p1 $0x1;
	p0 =	seq.s32 s7, s2  }
0x1e: {  	s7 =	smul.u32 @!p0 $0xF7A, s2;
	p2 =	seq.s32 @!p0 s5, $0x0  }
0x1f: {  	s9 =	smul.u32 $0xF7A, s1;
	s8 =	simm.s32 @!p0 $0x1BF5;
	p2 =	por !p2, p0  }
0x20: {  	[sflag:s8] =	ssyncset.s32 @!p0 $0xFFFFF086;
	s6 =	sadd.s32 @!p0 s3, s7;
	s7 =	simm.s32 @!p0 $0x108  }
0x21: {  	s3 =	sadd.s32 s3, s9;
	s6 =	sadd.s32 @!p0 $0x88, s6;
	s7 =	simm.s32 @p2 $0x1082  }
0x22: {  	[simem:s7], [sflag:s8] =	dma.local @!p0 [hbm:s6], $0xF7A  }
0x23: {  	s9 =	sor.u32 $0xD0000000, s2;
	s6 =	simm.s32 $0x108;
	_ =	swait.ge @!p0 [sflag:s8], $0x0  }
0x24: {  	s3 =	sadd.s32 $0x88, s3;
	s6 =	simm.s32 @!p1 $0x1082;
	[sflag:s4] =	ssyncset.s32 $0xFFFFF086  }
0x25: {  	[simem:s6], [sflag:s4] =	dma.local [hbm:s3], $0xF7A  }
0x26: {  	[smem:$0x3F92] =	sst s1;
	(tag) =	ssettag s2;
	_ =	strace s9  }
0x27: {  	s1 =	sld [smem:$0x3FA2]  }
0x28: {  	s2 =	sld [smem:$0x3FA3]  }
0x29: {  	s4 =	sld [smem:$0x3FA5]  }
0x2a: {  	p0 =	seq.s32 s5, $0x0;
	s5 =	sld [smem:$0x3FA6]  }
0x2b: {  	s6 =	sld [smem:$0x3FA7]  }
0x2c: {  	s7 =	sld [smem:$0x3FA8]  }
0x2d: {  	s3 =	simm.s32 $0x108;
	s8 =	sld [smem:$0x3FA9]  }
0x2e: {  	s3 =	simm.s32 @!p0 $0x1082;
	s9 =	sld [smem:$0x3FAA]  }
0x2f: {  	lr =	sadd.s32 s0, s3;
	s0 =	sld [smem:$0x3FA1]  }
0x30: {  	s3 =	sld [smem:$0x3FA4]  }
0x31: {  	[smem:$0x3FAD] =	sst s10  }
0x32: {  	s10 =	sld [smem:$0x3FAB];
	_ =	sdelay $0x3  }
0x33: {  	p0 =	seq.s32 s10, $0x1;
	s10 =	sld [smem:$0x3FAD];
	_ =	sdelay $0x3  }
0x34: {  	[smem:$0x3FAD] =	sst s10  }
0x35: {  	s10 =	sld [smem:$0x3FAC];
	_ =	sdelay $0x3  }
0x36: {  	p1 =	seq.s32 s10, $0x1;
	s10 =	sld [smem:$0x3FAD];
	_ =	sdelay $0x3  }
0x37: {  	[smem:$0x3FAD] =	sst s10  }
0x38: {  	s10 =	sld [smem:$0x3FAE]  }
0x39: {  	_ = 	snop;
	(pc) =	sbr.ind lr, $3  }
0x3a: {  	_ = 	snop  }
0x3b: {  	_ = 	snop  }
0x3c: {  	p2 =	seq.s32 s10, $0x1;
	s10 =	sld [smem:$0x3FAD]  }
0x3d: {  	_ =	shalt  }
0x3e: {  	_ =	shalt  }
0x3f: {  	_ =	shalt  }
0x40: {  	_ =	shalt  }
0x41: {  	_ =	shalt  }
0x42: {  	_ =	shalt  }
0x43: {  	_ =	shalt  }
0x44: {  	_ =	shalt  }
0x45: {  	_ =	shalt  }
0x46: {  	_ =	shalt  }
0x47: {  	_ =	shalt  }
0x48: {  	_ =	shalt  }
0x49: {  	_ =	shalt  }
0x4a: {  	_ =	shalt  }
0x4b: {  	_ =	shalt  }
0x4c: {  	_ =	shalt  }
0x4d: {  	_ =	shalt  }
0x4e: {  	_ =	shalt  }
0x4f: {  	_ =	shalt  }
0x50: {  	_ =	shalt  }
0x51: {  	_ =	shalt  }
0x52: {  	_ =	shalt  }
0x53: {  	_ =	shalt  }
0x54: {  	_ =	shalt  }
0x55: {  	_ =	shalt  }
0x56: {  	_ =	shalt  }
0x57: {  	_ =	shalt  }
0x58: {  	_ =	shalt  }
0x59: {  	_ =	shalt  }
0x5a: {  	_ =	shalt  }
0x5b: {  	_ =	shalt  }
0x5c: {  	_ =	shalt  }
0x5d: {  	_ =	shalt  }
0x5e: {  	_ =	shalt  }
0x5f: {  	_ =	shalt  }
0x60: {  	_ =	shalt  }
0x61: {  	_ =	shalt  }
0x62: {  	_ =	shalt  }
0x63: {  	_ =	shalt  }
0x64: {  	_ =	shalt  }
0x65: {  	_ =	shalt  }
0x66: {  	_ =	shalt  }
0x67: {  	_ =	shalt  }
0x68: {  	_ =	shalt  }
0x69: {  	_ =	shalt  }
0x6a: {  	_ =	shalt  }
0x6b: {  	_ =	shalt  }
0x6c: {  	_ =	shalt  }
0x6d: {  	_ =	shalt  }
0x6e: {  	_ =	shalt  }
0x6f: {  	_ =	shalt  }
0x70: {  	_ =	shalt  }
0x71: {  	_ =	shalt  }
0x72: {  	_ =	shalt  }
0x73: {  	_ =	shalt  }
0x74: {  	_ =	shalt  }
0x75: {  	_ =	shalt  }
0x76: {  	_ =	shalt  }
0x77: {  	_ =	shalt  }
0x78: {  	_ =	shalt  }
0x79: {  	_ =	shalt  }
0x7a: {  	_ =	shalt  }
0x7b: {  	_ =	shalt  }
0x7c: {  	_ =	shalt  }
0x7d: {  	_ =	shalt  }
0x7e: {  	_ =	shalt  }
0x7f: {  	_ =	shalt  }
0x80: {  	_ =	shalt  }
0x81: {  	_ =	shalt  }
0x82: {  	_ =	shalt  }
0x83: {  	_ =	shalt  }
0x84: {  	_ =	shalt  }
0x85: {  	_ =	shalt  }
0x86: {  	_ =	shalt  }
0x87: {  	_ =	shalt  }
.Lfunc_end0:
.L_simem_size_0:
called_computation.1_lowered:
.L_overlay_start_0:
0x88: {  	s0 =	sld [smem:$0x3FD9]  }
0x89: {  	s1 =	sld [smem:$0x3FFE];
	_ =	sdelay $0x3  }
0x8a: {  	s0 =	sadd.s32 s1, s0  }
0x8b: {  	[smem:$0x3FB9] =	sst s0  }
0x8c: {  	_ = 	snop  }
0x8d: {  	(tm) =	ssettm $0x1  }
0x8e: {  	s15 =	sld [smem:$0x3FFB];
	_ =	sdelay $0x3  }
0x8f: {  	_ =	strace s15  }
0x90: {  	s0 =	sld [smem:$0x3FFC];
	_ =	sdelay $0x3  }
0x91: {  	_ =	strace s0  }
0x92: {  	s0 =	sld [smem:$0x3FFD];
	_ =	sdelay $0x3  }
0x93: {  	_ =	strace s0  }
0x94: {  	_ =	strace $0x8FFFFFFF  }
0x95: {  	s16 =	sld [smem:$0x3FDB];
	_ =	sdelay $0x1  }
0x96: {  	s17 =	simm.s32 $_scs_section_size  }
0x97: {  	s2 =	simm.s32 $_size__tile_overlayer_lowered;
	s3 =	simm.s32 $_tile_overlayer_lowered  }
0x98: {  	s20 =	simm.s32 $0x1BFF;
	s19 =	sshll.u32 s3, $0x1;
	s0 =	sadd.s32 s17, s16  }
0x99: {  	s4 =	simm.s32 $0x0;
	s18 =	sshll.u32 s2, $0x1;
	s2 =	sadd.s32 s19, s0  }
0x9a: {  	[timem:s4], [sflag:s20] =	dma.local [hbm:s2], s18  }
0x9b: {  	_ =	swait.ge [sflag:s20], s18  }
0x9c: {  	s1 =	ssub.s32 $0x0, s18;
	[sflag:s20] =	ssyncset.done $0x0  }
0x9d: {  	[sflag:s20] =	ssyncadd.s32 s1;
	_ =	sdelay $0x1  }
0x9e: {  	s21 =	simm.s32 $0x1B8B  }
0x9f: {  	_ =	swait.ge [sflag:s21], $0x1  }
0xa0: {  	[sflag:s21] =	ssyncset.done $0x0  }
0xa1: {  	s23 =	simm.s32 $0x1B8E;
	s22 =	sld [smem:$0x3FFE];
	[sflag:s21] =	ssyncadd.s32 $0xFFFFFFFF  }
0xa2: {  	s24 =	simm.s32 $execute0_lowered;
	[smem:$0x3FD2] =	sst s23  }
0xa3: {  	s2 =	sshll.u32 s24, $0x1;
	_ =	strace $0x80000049;
	[dreg:$0x1] =	wrdreg $0xFFFFFFFF  }
0xa4: {  	s25 =	simm.s32 $_size_execute0_lowered;
	s0 =	sadd.s32 s0, s2;
	[dreg:$0x0] =	wrdreg $0x0  }
0xa5: {  	s2 =	sshll.u32 s25, $0x1;
	[dreg:$0x2] =	wrdreg s0  }
0xa6: {  	[dreg:$0x3] =	wrdreg s2  }
0xa7: {  	[dreg:$0x4] =	wrdreg $0xC0  }
0xa8: {  	_ =	task [dreg:s4], $0x5FFFF  }
0xa9: {  	[dreg:$0x1] =	wrdreg $0xFFFFFFFF  }
0xaa: {  	[dreg:$0x0] =	wrdreg $0x60  }
0xab: {  	[dreg:$0x2] =	wrdreg s22  }
0xac: {  	[dreg:$0x3] =	wrdreg $0xA8000  }
0xad: {  	[dreg:$0x4] =	wrdreg $0x9  }
0xae: {  	_ =	task.clear_ibuf [dreg:s4], $0x5FFFF;
	_ =	strace $0x90000049  }
0xaf: {  	s26 =	simm.s32 $0x9;
	_ =	strace $0x8000004B  }
0xb0: {  	_ =	swait.ge [sflag:s26], $0x1  }
0xb1: {  	[sflag:s26] =	ssyncadd.s32 $0xFFFFFFFF  }
0xb2: {  	_ =	strace $0x9000004B  }
0xb3: {  	_ =	sfence  }
0xb4: {  	s28 =	sld [smem:$0x0];
	_ =	sdelay $0x1  }
0xb5: {  	s29 =	srdreg.scid  }
0xb6: {  	s30 =	sshll.u32 s29, $0xD;
	s31 =	sshrl.u32 s29, $0x2  }
0xb7: {  	s1 =	sand.u32 $0x1, s29;
	s2 =	sand.u32 $0x4000, s30;
	s0 =	sadd.s32 s31, s28  }
0xb8: {  	s1 =	sor.u32 s2, s1;
	s0 =	sshll.u32 s0, $0x11  }
0xb9: {  	s0 =	sor.u32 s0, s1  }
0xba: {  	s0 =	sadd.s32 $0x8F2B, s0  }
0xbb: {  	[sflag:s0] =	ssyncadd.remote.s32 $0x1  }
0xbc: {  	_ =	sfence.sel $0xFFFF  }
0xbd: {  	[dreg:$0x0] =	wrdreg $0xFFFFFFFF;
	(pc) =	sbr.abs _section_cstart, $3  }
0xbe: {  	[dreg:$0x1] =	wrdreg $0xFFFFFFFF  }
0xbf: {  	_ =	task.clear_ibuf [dreg:s4], $0x2FFFF;
	_ =	strace $0x9FFFFFFF  }
0xc0: {  	(tm) =	ssettm $0x7FFFFFFF  }
0xc1: {  	_ =	shalt  }
tec
execute0_lowered:
.L_overlay_start_1:
0x0: {  	(tag) =	ssettag $0x1  }
0x1: {  	s7 =	rddreg [dreg:$0x0]  }
0x2: {  	s2 =	rddreg [dreg:$0x1];
	s1 =	stileid.u32  }
0x3: {  	s0 =	rddreg [dreg:$0x2];
	s4 =	smul.u32 $0x50000, s1  }
0x4: {  	s13 =	simm.s32 $0x0;
	s11 =	simm.s32 $0x5;
	s3 =	smul.u32 $0x2800, s1  }
0x5: {  	[smem:$0x7FF] =	sst s13;
	s29 =	sshll.u32 s1, $0x6;
	s4 =	sshrl.u32 s4, $0x2  }
0x6: {  	_ =	strace $0x8000004A;
	s5 =	sadd.s32 s3, s7;
	s6 =	sadd.s32 s4, s2  }
0x7: {  	s8 =	sadd.s32 $0x3DE00, s5;
	s4 =	sor.u32 $0x1C05, s29;
	s5 =	sshrl.u32 s6, $0x3  }
0x8: {  	[spmem:s5], [sflag:s4] =	dma.local [hbm:s8], $0x2800  }
0x9: {  	s30 =	smul.u32 $0x5000, s1;
	_ =	swait.ge [sflag:s11], $0x2800  }
0xa: {  	[sflag:s11] =	ssyncset.done $0x0  }
0xb: {  	s10 =	sshrl.u32 s30, $0x3;
	s8 =	sadd.s32 $0x2C00, s7;
	[sflag:s11] =	ssyncadd.s32 $0xFFFFD800  }
0xc: {  	s6 =	sadd.s32 s8, s10;
	[bflag:$0x0] =	sbarrier.arrive $0xFFFF  }
0xd: {  	[tilespmem:s13], [sflag:$0x5] =	stream.linear.gather [hbm4b:s6+s13], $0x1400, $0x38;
	[tilespmem:$0x1E800] =	vst v63  }
0xe: {  	_ =	swait.ge [sflag:s11], $0x1400  }
0xf: {  	s9 =	sadd.s32 $0xCC00, s7;
	[sflag:s11] =	ssyncset.done $0x0  }
0x10: {  	s12 =	simm.s32 $0x1400;
	s31 =	sadd.s32 s9, s10;
	[sflag:s11] =	ssyncadd.s32 $0xFFFFEC00  }
0x11: {  	[tilespmem:s12], [sflag:$0x5] =	stream.linear.gather [hbm4b:s31+s13], $0x1400, $0x38;
	[tilespmem:$0x1E800] =	vst v63  }
0x12: {  	_ =	swait.ge [sflag:s11], $0x1400  }
0x13: {  	s6 =	sadd.s32 $0x16C00, s7;
	[sflag:s11] =	ssyncset.done $0x0  }
0x14: {  	s12 =	simm.s32 $0x2800;
	[sflag:s11] =	ssyncadd.s32 $0xFFFFEC00;
	s11 =	simm.s32 $0x80  }
0x15: {  	[tilespmem:s12], [sflag:$0x1] =	stream.indirect.gather [hbm4b:s6+s11], $0x80, s13, s11, $0xb8;
	[tilespmem:$0x1E800] =	vst v63  }
0x16: {  	s14 =	simm.s32 $0x1;
	s13 =	simm.s32 $0x6800  }
0x17: {  	[tilespmem:s13], [sflag:$0x2] =	stream.indirect.gather [hbm4b:s6+s11], $0x80, s11, s11, $0xb8;
	[tilespmem:$0x1E800] =	vst v63  }
0x18: {  	_ =	swait.ge [sflag:s14], $0x4000  }
0x19: {  	[sflag:s14] =	ssyncset.done $0x0  }
0x1a: {  	s15 =	simm.s32 $0x3;
	s16 =	simm.s32 $0x1400;
	[sflag:s14] =	ssyncadd.s32 $0xFFFFC000  }
0x1b: {  	[spmem:s2] =	stream.indirect.scatter.add.f32 [tilespmem:s12], [sflag:$0x3], $0x80, s16, s11, $0xb8;
	[tilespmem:$0x1E800] =	vst v63  }
0x1c: {  	_ =	swait.ge [sflag:s15], $0x4000  }
0x1d: {  	[sflag:s15] =	ssyncset.done $0x0  }
0x1e: {  	s17 =	simm.s32 $0x100;
	s16 =	simm.s32 $0x2;
	[sflag:s15] =	ssyncadd.s32 $0xFFFFC000  }
0x1f: {  	[tilespmem:s12], [sflag:$0x1] =	stream.indirect.gather [hbm4b:s6+s11], $0x80, s17, s11, $0xb8;
	[tilespmem:$0x1E800] =	vst v63  }
0x20: {  	_ =	swait.ge [sflag:s16], $0x4000  }
0x21: {  	[sflag:s16] =	ssyncset.done $0x0  }
0x22: {  	s18 =	simm.s32 $0x1480;
	s17 =	simm.s32 $0x4;
	[sflag:s16] =	ssyncadd.s32 $0xFFFFC000  }
0x23: {  	[spmem:s2] =	stream.indirect.scatter.add.f32 [tilespmem:s13], [sflag:$0x4], $0x80, s18, s11, $0xb8;
	[tilespmem:$0x1E800] =	vst v63  }
0x24: {  	_ =	swait.ge [sflag:s17], $0x4000  }
0x25: {  	s19 =	simm.s32 $0x180;
	[sflag:s17] =	ssyncset.done $0x0  }
0x26: {  	s7 =	sadd.s32 $0x65E00, s7;
	s18 =	simm.s32 $0x400;
	[sflag:s17] =	ssyncadd.s32 $0xFFFFC000  }
.LBB2_1:
0x27: {  	[tilespmem:s13], [sflag:$0x2] =	stream.indirect.gather [hbm4b:s6+s11], $0x80, s19, s11, $0xb8;
	[tilespmem:$0x1E800] =	vst v63  }
0x28: {  	s19 =	smov.u32 s18  }
0x29: {  	p0 =	sne.s32 s18, $0x4800;
	s18 =	sadd.s32 $0x400, s18;
	_ =	swait.ge [sflag:s14], $0x4000  }
0x2a: {  	s19 =	sshra.s32 s19, $0x2;
	[sflag:s14] =	ssyncset.done $0x0  }
0x2b: {  	s20 =	sadd.s32 $0x1400, s19;
	[sflag:s14] =	ssyncadd.s32 $0xFFFFC000  }
0x2c: {  	[spmem:s2] =	stream.indirect.scatter.add.f32 [tilespmem:s12], [sflag:$0x3], $0x80, s20, s11, $0xb8;
	[tilespmem:$0x1E800] =	vst v63  }
0x2d: {  	_ =	swait.ge [sflag:s15], $0x4000  }
0x2e: {  	[sflag:s15] =	ssyncset.done $0x0  }
0x2f: {  	s20 =	sadd.s32 $0x100, s19;
	[sflag:s15] =	ssyncadd.s32 $0xFFFFC000  }
0x30: {  	[tilespmem:s12], [sflag:$0x1] =	stream.indirect.gather [hbm4b:s6+s11], $0x80, s20, s11, $0xb8;
	[tilespmem:$0x1E800] =	vst v63  }
0x31: {  	_ =	swait.ge [sflag:s16], $0x4000  }
0x32: {  	[sflag:s16] =	ssyncset.done $0x0  }
.Ltmp0:
0x33: {  	s20 =	sadd.s32 $0x1480, s19;
	[sflag:s16] =	ssyncadd.s32 $0xFFFFC000;
	(pc) =	sbr.rel @p0 .LBB2_1-.Ltmp0, $4  }
0x34: {  	[spmem:s2] =	stream.indirect.scatter.add.f32 [tilespmem:s13], [sflag:$0x4], $0x80, s20, s11, $0xb8;
	[tilespmem:$0x1E800] =	vst v63  }
0x35: {  	_ =	swait.ge [sflag:s17], $0x4000  }
0x36: {  	[sflag:s17] =	ssyncset.done $0x0  }
0x37: {  	s19 =	sadd.s32 $0x180, s19;
	[sflag:s17] =	ssyncadd.s32 $0xFFFFC000  }
0x38: {  	[tilespmem:s13], [sflag:$0x2] =	stream.indirect.gather [hbm4b:s6+s11], $0x80, s19, s11, $0xb8;
	[tilespmem:$0x1E800] =	vst v63  }
0x39: {  	s11 =	simm.s32 $0x1  }
0x3a: {  	_ =	swait.ge [sflag:s11], $0x4000  }
0x3b: {  	s12 =	simm.s32 $0x80;
	[sflag:s11] =	ssyncset.done $0x0  }
0x3c: {  	s14 =	simm.s32 $0x2700;
	s13 =	simm.s32 $0x2800;
	[sflag:s11] =	ssyncadd.s32 $0xFFFFC000  }
0x3d: {  	[spmem:s2] =	stream.indirect.scatter.add.f32 [tilespmem:s13], [sflag:$0x3], $0x80, s14, s12, $0xb8;
	[tilespmem:$0x1E800] =	vst v63  }
0x3e: {  	s14 =	simm.s32 $0x3  }
0x3f: {  	_ =	swait.ge [sflag:s14], $0x4000  }
0x40: {  	[sflag:s14] =	ssyncset.done $0x0  }
0x41: {  	s15 =	simm.s32 $0x2;
	[sflag:s14] =	ssyncadd.s32 $0xFFFFC000  }
0x42: {  	_ =	swait.ge [sflag:s15], $0x4000  }
0x43: {  	[sflag:s15] =	ssyncset.done $0x0  }
0x44: {  	s17 =	simm.s32 $0x2780;
	s16 =	simm.s32 $0x6800;
	[sflag:s15] =	ssyncadd.s32 $0xFFFFC000  }
0x45: {  	[spmem:s2] =	stream.indirect.scatter.add.f32 [tilespmem:s16], [sflag:$0x4], $0x80, s17, s12, $0xb8;
	[tilespmem:$0x1E800] =	vst v63  }
0x46: {  	s17 =	simm.s32 $0x4  }
0x47: {  	_ =	swait.ge [sflag:s17], $0x4000  }
0x48: {  	s18 =	sadd.s32 $0x280, s10;
	s20 =	simm.s32 $0x0;
	[sflag:s17] =	ssyncset.done $0x0  }
0x49: {  	s28 =	simm.s32 $0x5;
	s26 =	sadd.s32 s8, s18;
	[sflag:s17] =	ssyncadd.s32 $0xFFFFC000  }
0x4a: {  	[tilespmem:s20], [sflag:$0x5] =	stream.linear.gather [hbm4b:s26+s20], $0x1400, $0x38;
	[tilespmem:$0x1E800] =	vst v63  }
0x4b: {  	_ =	swait.ge [sflag:s28], $0x1400  }
0x4c: {  	[sflag:s28] =	ssyncset.done $0x0  }
0x4d: {  	s21 =	simm.s32 $0x1400;
	s18 =	sadd.s32 s9, s18;
	[sflag:s28] =	ssyncadd.s32 $0xFFFFEC00  }
0x4e: {  	[tilespmem:s21], [sflag:$0x5] =	stream.linear.gather [hbm4b:s18+s20], $0x1400, $0x38;
	[tilespmem:$0x1E800] =	vst v63  }
0x4f: {  	_ =	swait.ge [sflag:s28], $0x1400  }
0x50: {  	[sflag:s28] =	ssyncset.done $0x0  }
0x51: {  	[sflag:s28] =	ssyncadd.s32 $0xFFFFEC00  }
0x52: {  	[tilespmem:s13], [sflag:$0x1] =	stream.indirect.gather [hbm4b:s6+s12], $0x80, s20, s12, $0xb8;
	[tilespmem:$0x1E800] =	vst v63  }
0x53: {  	_ = 	snop  }
0x54: {  	[tilespmem:s16], [sflag:$0x2] =	stream.indirect.gather [hbm4b:s6+s12], $0x80, s12, s12, $0xb8;
	[tilespmem:$0x1E800] =	vst v63  }
0x55: {  	_ =	swait.ge [sflag:s11], $0x4000  }
0x56: {  	[sflag:s11] =	ssyncset.done $0x0  }
0x57: {  	s29 =	simm.s32 $0x1400;
	[sflag:s11] =	ssyncadd.s32 $0xFFFFC000  }
0x58: {  	[spmem:s2] =	stream.indirect.scatter.add.f32 [tilespmem:s13], [sflag:$0x3], $0x80, s29, s12, $0xb8;
	[tilespmem:$0x1E800] =	vst v63  }
0x59: {  	_ =	swait.ge [sflag:s14], $0x4000  }
0x5a: {  	[sflag:s14] =	ssyncset.done $0x0  }
0x5b: {  	s30 =	simm.s32 $0x100;
	[sflag:s14] =	ssyncadd.s32 $0xFFFFC000  }
0x5c: {  	[tilespmem:s13], [sflag:$0x1] =	stream.indirect.gather [hbm4b:s6+s12], $0x80, s30, s12, $0xb8;
	[tilespmem:$0x1E800] =	vst v63  }
0x5d: {  	_ =	swait.ge [sflag:s15], $0x4000  }
0x5e: {  	[sflag:s15] =	ssyncset.done $0x0  }
0x5f: {  	s31 =	simm.s32 $0x1480;
	[sflag:s15] =	ssyncadd.s32 $0xFFFFC000  }
0x60: {  	[spmem:s2] =	stream.indirect.scatter.add.f32 [tilespmem:s16], [sflag:$0x4], $0x80, s31, s12, $0xb8;
	[tilespmem:$0x1E800] =	vst v63  }
0x61: {  	_ =	swait.ge [sflag:s17], $0x4000  }
0x62: {  	[sflag:s17] =	ssyncset.done $0x0  }
0x63: {  	s19 =	simm.s32 $0x180;
	s18 =	simm.s32 $0x400;
	[sflag:s17] =	ssyncadd.s32 $0xFFFFC000  }
.LBB2_3:
0x64: {  	[tilespmem:s16], [sflag:$0x2] =	stream.indirect.gather [hbm4b:s6+s12], $0x80, s19, s12, $0xb8;
	[tilespmem:$0x1E800] =	vst v63  }
0x65: {  	s19 =	smov.u32 s18  }
0x66: {  	p0 =	sne.s32 s18, $0x4800;
	s18 =	sadd.s32 $0x400, s18;
	_ =	swait.ge [sflag:s11], $0x4000  }
0x67: {  	s19 =	sshra.s32 s19, $0x2;
	[sflag:s11] =	ssyncset.done $0x0  }
0x68: {  	s20 =	sadd.s32 $0x1400, s19;
	[sflag:s11] =	ssyncadd.s32 $0xFFFFC000  }
0x69: {  	[spmem:s2] =	stream.indirect.scatter.add.f32 [tilespmem:s13], [sflag:$0x3], $0x80, s20, s12, $0xb8;
	[tilespmem:$0x1E800] =	vst v63  }
0x6a: {  	_ =	swait.ge [sflag:s14], $0x4000  }
0x6b: {  	[sflag:s14] =	ssyncset.done $0x0  }
0x6c: {  	s20 =	sadd.s32 $0x100, s19;
	[sflag:s14] =	ssyncadd.s32 $0xFFFFC000  }
0x6d: {  	[tilespmem:s13], [sflag:$0x1] =	stream.indirect.gather [hbm4b:s6+s12], $0x80, s20, s12, $0xb8;
	[tilespmem:$0x1E800] =	vst v63  }
0x6e: {  	_ =	swait.ge [sflag:s15], $0x4000  }
0x6f: {  	[sflag:s15] =	ssyncset.done $0x0  }
.Ltmp1:
0x70: {  	s20 =	sadd.s32 $0x1480, s19;
	[sflag:s15] =	ssyncadd.s32 $0xFFFFC000;
	(pc) =	sbr.rel @p0 .LBB2_3-.Ltmp1, $4  }
0x71: {  	[spmem:s2] =	stream.indirect.scatter.add.f32 [tilespmem:s16], [sflag:$0x4], $0x80, s20, s12, $0xb8;
	[tilespmem:$0x1E800] =	vst v63  }
0x72: {  	_ =	swait.ge [sflag:s17], $0x4000  }
0x73: {  	[sflag:s17] =	ssyncset.done $0x0  }
0x74: {  	s19 =	sadd.s32 $0x180, s19;
	[sflag:s17] =	ssyncadd.s32 $0xFFFFC000  }
0x75: {  	[tilespmem:s16], [sflag:$0x2] =	stream.indirect.gather [hbm4b:s6+s12], $0x80, s19, s12, $0xb8;
	[tilespmem:$0x1E800] =	vst v63  }
0x76: {  	s11 =	simm.s32 $0x1  }
0x77: {  	_ =	swait.ge [sflag:s11], $0x4000  }
0x78: {  	s12 =	simm.s32 $0x80;
	[sflag:s11] =	ssyncset.done $0x0  }
0x79: {  	s14 =	simm.s32 $0x2700;
	s13 =	simm.s32 $0x2800;
	[sflag:s11] =	ssyncadd.s32 $0xFFFFC000  }
0x7a: {  	[spmem:s2] =	stream.indirect.scatter.add.f32 [tilespmem:s13], [sflag:$0x3], $0x80, s14, s12, $0xb8;
	[tilespmem:$0x1E800] =	vst v63  }
0x7b: {  	s14 =	simm.s32 $0x3  }
0x7c: {  	_ =	swait.ge [sflag:s14], $0x4000  }
0x7d: {  	[sflag:s14] =	ssyncset.done $0x0  }
0x7e: {  	s15 =	simm.s32 $0x2;
	[sflag:s14] =	ssyncadd.s32 $0xFFFFC000  }
0x7f: {  	_ =	swait.ge [sflag:s15], $0x4000  }
0x80: {  	[sflag:s15] =	ssyncset.done $0x0  }
0x81: {  	s17 =	simm.s32 $0x2780;
	s16 =	simm.s32 $0x6800;
	[sflag:s15] =	ssyncadd.s32 $0xFFFFC000  }
0x82: {  	[spmem:s2] =	stream.indirect.scatter.add.f32 [tilespmem:s16], [sflag:$0x4], $0x80, s17, s12, $0xb8;
	[tilespmem:$0x1E800] =	vst v63  }
0x83: {  	s17 =	simm.s32 $0x4  }
0x84: {  	_ =	swait.ge [sflag:s17], $0x4000  }
0x85: {  	s18 =	sadd.s32 $0x500, s10;
	s20 =	simm.s32 $0x0;
	[sflag:s17] =	ssyncset.done $0x0  }
0x86: {  	s28 =	simm.s32 $0x5;
	s26 =	sadd.s32 s8, s18;
	[sflag:s17] =	ssyncadd.s32 $0xFFFFC000  }
0x87: {  	[tilespmem:s20], [sflag:$0x5] =	stream.linear.gather [hbm4b:s26+s20], $0x1400, $0x38;
	[tilespmem:$0x1E800] =	vst v63  }
0x88: {  	_ =	swait.ge [sflag:s28], $0x1400  }
0x89: {  	[sflag:s28] =	ssyncset.done $0x0  }
0x8a: {  	s21 =	simm.s32 $0x1400;
	s18 =	sadd.s32 s9, s18;
	[sflag:s28] =	ssyncadd.s32 $0xFFFFEC00  }
0x8b: {  	[tilespmem:s21], [sflag:$0x5] =	stream.linear.gather [hbm4b:s18+s20], $0x1400, $0x38;
	[tilespmem:$0x1E800] =	vst v63  }
0x8c: {  	_ =	swait.ge [sflag:s28], $0x1400  }
0x8d: {  	[sflag:s28] =	ssyncset.done $0x0  }
0x8e: {  	[sflag:s28] =	ssyncadd.s32 $0xFFFFEC00  }
0x8f: {  	[tilespmem:s13], [sflag:$0x1] =	stream.indirect.gather [hbm4b:s6+s12], $0x80, s20, s12, $0xb8;
	[tilespmem:$0x1E800] =	vst v63  }
0x90: {  	_ = 	snop  }
0x91: {  	[tilespmem:s16], [sflag:$0x2] =	stream.indirect.gather [hbm4b:s6+s12], $0x80, s12, s12, $0xb8;
	[tilespmem:$0x1E800] =	vst v63  }
0x92: {  	_ =	swait.ge [sflag:s11], $0x4000  }
0x93: {  	[sflag:s11] =	ssyncset.done $0x0  }
0x94: {  	s29 =	simm.s32 $0x1400;
	[sflag:s11] =	ssyncadd.s32 $0xFFFFC000  }
0x95: {  	[spmem:s2] =	stream.indirect.scatter.add.f32 [tilespmem:s13], [sflag:$0x3], $0x80, s29, s12, $0xb8;
	[tilespmem:$0x1E800] =	vst v63  }
0x96: {  	_ =	swait.ge [sflag:s14], $0x4000  }
0x97: {  	[sflag:s14] =	ssyncset.done $0x0  }
0x98: {  	s30 =	simm.s32 $0x100;
	[sflag:s14] =	ssyncadd.s32 $0xFFFFC000  }
0x99: {  	[tilespmem:s13], [sflag:$0x1] =	stream.indirect.gather [hbm4b:s6+s12], $0x80, s30, s12, $0xb8;
	[tilespmem:$0x1E800] =	vst v63  }
0x9a: {  	_ =	swait.ge [sflag:s15], $0x4000  }
0x9b: {  	[sflag:s15] =	ssyncset.done $0x0  }
0x9c: {  	s31 =	simm.s32 $0x1480;
	[sflag:s15] =	ssyncadd.s32 $0xFFFFC000  }
0x9d: {  	[spmem:s2] =	stream.indirect.scatter.add.f32 [tilespmem:s16], [sflag:$0x4], $0x80, s31, s12, $0xb8;
	[tilespmem:$0x1E800] =	vst v63  }
0x9e: {  	_ =	swait.ge [sflag:s17], $0x4000  }
0x9f: {  	[sflag:s17] =	ssyncset.done $0x0  }
0xa0: {  	s19 =	simm.s32 $0x180;
	s18 =	simm.s32 $0x400;
	[sflag:s17] =	ssyncadd.s32 $0xFFFFC000  }
.LBB2_5:
0xa1: {  	[tilespmem:s16], [sflag:$0x2] =	stream.indirect.gather [hbm4b:s6+s12], $0x80, s19, s12, $0xb8;
	[tilespmem:$0x1E800] =	vst v63  }
0xa2: {  	s19 =	smov.u32 s18  }
0xa3: {  	p0 =	sne.s32 s18, $0x4800;
	s18 =	sadd.s32 $0x400, s18;
	_ =	swait.ge [sflag:s11], $0x4000  }
0xa4: {  	s19 =	sshra.s32 s19, $0x2;
	[sflag:s11] =	ssyncset.done $0x0  }
0xa5: {  	s20 =	sadd.s32 $0x1400, s19;
	[sflag:s11] =	ssyncadd.s32 $0xFFFFC000  }
0xa6: {  	[spmem:s2] =	stream.indirect.scatter.add.f32 [tilespmem:s13], [sflag:$0x3], $0x80, s20, s12, $0xb8;
	[tilespmem:$0x1E800] =	vst v63  }
0xa7: {  	_ =	swait.ge [sflag:s14], $0x4000  }
0xa8: {  	[sflag:s14] =	ssyncset.done $0x0  }
0xa9: {  	s20 =	sadd.s32 $0x100, s19;
	[sflag:s14] =	ssyncadd.s32 $0xFFFFC000  }
0xaa: {  	[tilespmem:s13], [sflag:$0x1] =	stream.indirect.gather [hbm4b:s6+s12], $0x80, s20, s12, $0xb8;
	[tilespmem:$0x1E800] =	vst v63  }
0xab: {  	_ =	swait.ge [sflag:s15], $0x4000  }
0xac: {  	[sflag:s15] =	ssyncset.done $0x0  }
.Ltmp2:
0xad: {  	s20 =	sadd.s32 $0x1480, s19;
	[sflag:s15] =	ssyncadd.s32 $0xFFFFC000;
	(pc) =	sbr.rel @p0 .LBB2_5-.Ltmp2, $4  }
0xae: {  	[spmem:s2] =	stream.indirect.scatter.add.f32 [tilespmem:s16], [sflag:$0x4], $0x80, s20, s12, $0xb8;
	[tilespmem:$0x1E800] =	vst v63  }
0xaf: {  	_ =	swait.ge [sflag:s17], $0x4000  }
0xb0: {  	[sflag:s17] =	ssyncset.done $0x0  }
0xb1: {  	s19 =	sadd.s32 $0x180, s19;
	[sflag:s17] =	ssyncadd.s32 $0xFFFFC000  }
0xb2: {  	[tilespmem:s16], [sflag:$0x2] =	stream.indirect.gather [hbm4b:s6+s12], $0x80, s19, s12, $0xb8;
	[tilespmem:$0x1E800] =	vst v63  }
0xb3: {  	s11 =	simm.s32 $0x1  }
0xb4: {  	_ =	swait.ge [sflag:s11], $0x4000  }
0xb5: {  	s12 =	simm.s32 $0x80;
	[sflag:s11] =	ssyncset.done $0x0  }
0xb6: {  	s14 =	simm.s32 $0x2700;
	s13 =	simm.s32 $0x2800;
	[sflag:s11] =	ssyncadd.s32 $0xFFFFC000  }
0xb7: {  	[spmem:s2] =	stream.indirect.scatter.add.f32 [tilespmem:s13], [sflag:$0x3], $0x80, s14, s12, $0xb8;
	[tilespmem:$0x1E800] =	vst v63  }
0xb8: {  	s14 =	simm.s32 $0x3  }
0xb9: {  	_ =	swait.ge [sflag:s14], $0x4000  }
0xba: {  	[sflag:s14] =	ssyncset.done $0x0  }
0xbb: {  	s15 =	simm.s32 $0x2;
	[sflag:s14] =	ssyncadd.s32 $0xFFFFC000  }
0xbc: {  	_ =	swait.ge [sflag:s15], $0x4000  }
0xbd: {  	[sflag:s15] =	ssyncset.done $0x0  }
0xbe: {  	s17 =	simm.s32 $0x2780;
	s16 =	simm.s32 $0x6800;
	[sflag:s15] =	ssyncadd.s32 $0xFFFFC000  }
0xbf: {  	[spmem:s2] =	stream.indirect.scatter.add.f32 [tilespmem:s16], [sflag:$0x4], $0x80, s17, s12, $0xb8;
	[tilespmem:$0x1E800] =	vst v63  }
0xc0: {  	s17 =	simm.s32 $0x4  }
0xc1: {  	_ =	swait.ge [sflag:s17], $0x4000  }
0xc2: {  	s10 =	sadd.s32 $0x780, s10;
	s18 =	simm.s32 $0x0;
	[sflag:s17] =	ssyncset.done $0x0  }
0xc3: {  	s26 =	simm.s32 $0x5;
	s8 =	sadd.s32 s8, s10;
	[sflag:s17] =	ssyncadd.s32 $0xFFFFC000  }
0xc4: {  	[tilespmem:s18], [sflag:$0x5] =	stream.linear.gather [hbm4b:s8+s18], $0x1400, $0x38;
	[tilespmem:$0x1E800] =	vst v63  }
0xc5: {  	_ =	swait.ge [sflag:s26], $0x1400  }
0xc6: {  	[sflag:s26] =	ssyncset.done $0x0  }
0xc7: {  	s28 =	simm.s32 $0x1400;
	s9 =	sadd.s32 s9, s10;
	[sflag:s26] =	ssyncadd.s32 $0xFFFFEC00  }
0xc8: {  	[tilespmem:s28], [sflag:$0x5] =	stream.linear.gather [hbm4b:s9+s18], $0x1400, $0x38;
	[tilespmem:$0x1E800] =	vst v63  }
0xc9: {  	_ =	swait.ge [sflag:s26], $0x1400  }
0xca: {  	[sflag:s26] =	ssyncset.done $0x0  }
0xcb: {  	[sflag:s26] =	ssyncadd.s32 $0xFFFFEC00  }
0xcc: {  	[tilespmem:s13], [sflag:$0x1] =	stream.indirect.gather [hbm4b:s6+s12], $0x80, s18, s12, $0xb8;
	[tilespmem:$0x1E800] =	vst v63  }
0xcd: {  	_ = 	snop  }
0xce: {  	[tilespmem:s16], [sflag:$0x2] =	stream.indirect.gather [hbm4b:s6+s12], $0x80, s12, s12, $0xb8;
	[tilespmem:$0x1E800] =	vst v63  }
0xcf: {  	_ =	swait.ge [sflag:s11], $0x4000  }
0xd0: {  	[sflag:s11] =	ssyncset.done $0x0  }
0xd1: {  	s29 =	simm.s32 $0x1400;
	[sflag:s11] =	ssyncadd.s32 $0xFFFFC000  }
0xd2: {  	[spmem:s2] =	stream.indirect.scatter.add.f32 [tilespmem:s13], [sflag:$0x3], $0x80, s29, s12, $0xb8;
	[tilespmem:$0x1E800] =	vst v63  }
0xd3: {  	_ =	swait.ge [sflag:s14], $0x4000  }
0xd4: {  	[sflag:s14] =	ssyncset.done $0x0  }
0xd5: {  	s30 =	simm.s32 $0x100;
	[sflag:s14] =	ssyncadd.s32 $0xFFFFC000  }
0xd6: {  	[tilespmem:s13], [sflag:$0x1] =	stream.indirect.gather [hbm4b:s6+s12], $0x80, s30, s12, $0xb8;
	[tilespmem:$0x1E800] =	vst v63  }
0xd7: {  	_ =	swait.ge [sflag:s15], $0x4000  }
0xd8: {  	[sflag:s15] =	ssyncset.done $0x0  }
0xd9: {  	s31 =	simm.s32 $0x1480;
	[sflag:s15] =	ssyncadd.s32 $0xFFFFC000  }
0xda: {  	[spmem:s2] =	stream.indirect.scatter.add.f32 [tilespmem:s16], [sflag:$0x4], $0x80, s31, s12, $0xb8;
	[tilespmem:$0x1E800] =	vst v63  }
0xdb: {  	_ =	swait.ge [sflag:s17], $0x4000  }
0xdc: {  	[sflag:s17] =	ssyncset.done $0x0  }
0xdd: {  	s8 =	simm.s32 $0x400;
	s9 =	simm.s32 $0x180;
	[sflag:s17] =	ssyncadd.s32 $0xFFFFC000  }
.LBB2_7:
0xde: {  	[tilespmem:s16], [sflag:$0x2] =	stream.indirect.gather [hbm4b:s6+s12], $0x80, s9, s12, $0xb8;
	[tilespmem:$0x1E800] =	vst v63  }
0xdf: {  	s9 =	smov.u32 s8  }
0xe0: {  	p0 =	sne.s32 s8, $0x4800;
	s8 =	sadd.s32 $0x400, s8;
	_ =	swait.ge [sflag:s11], $0x4000  }
0xe1: {  	s9 =	sshra.s32 s9, $0x2;
	[sflag:s11] =	ssyncset.done $0x0  }
0xe2: {  	s10 =	sadd.s32 $0x1400, s9;
	[sflag:s11] =	ssyncadd.s32 $0xFFFFC000  }
0xe3: {  	[spmem:s2] =	stream.indirect.scatter.add.f32 [tilespmem:s13], [sflag:$0x3], $0x80, s10, s12, $0xb8;
	[tilespmem:$0x1E800] =	vst v63  }
0xe4: {  	_ =	swait.ge [sflag:s14], $0x4000  }
0xe5: {  	[sflag:s14] =	ssyncset.done $0x0  }
0xe6: {  	s10 =	sadd.s32 $0x100, s9;
	[sflag:s14] =	ssyncadd.s32 $0xFFFFC000  }
0xe7: {  	[tilespmem:s13], [sflag:$0x1] =	stream.indirect.gather [hbm4b:s6+s12], $0x80, s10, s12, $0xb8;
	[tilespmem:$0x1E800] =	vst v63  }
0xe8: {  	_ =	swait.ge [sflag:s15], $0x4000  }
0xe9: {  	[sflag:s15] =	ssyncset.done $0x0  }
.Ltmp3:
0xea: {  	s10 =	sadd.s32 $0x1480, s9;
	[sflag:s15] =	ssyncadd.s32 $0xFFFFC000;
	(pc) =	sbr.rel @p0 .LBB2_7-.Ltmp3, $4  }
0xeb: {  	[spmem:s2] =	stream.indirect.scatter.add.f32 [tilespmem:s16], [sflag:$0x4], $0x80, s10, s12, $0xb8;
	[tilespmem:$0x1E800] =	vst v63  }
0xec: {  	_ =	swait.ge [sflag:s17], $0x4000  }
0xed: {  	[sflag:s17] =	ssyncset.done $0x0  }
0xee: {  	s9 =	sadd.s32 $0x180, s9;
	[sflag:s17] =	ssyncadd.s32 $0xFFFFC000  }
0xef: {  	[tilespmem:s16], [sflag:$0x2] =	stream.indirect.gather [hbm4b:s6+s12], $0x80, s9, s12, $0xb8;
	[tilespmem:$0x1E800] =	vst v63  }
0xf0: {  	s21 =	simm.s32 $0x1  }
0xf1: {  	_ =	swait.ge [sflag:s21], $0x4000  }
0xf2: {  	s22 =	simm.s32 $0x80;
	s8 =	simm.s32 $0x2700;
	[sflag:s21] =	ssyncset.done $0x0  }
0xf3: {  	s23 =	simm.s32 $0x2800;
	s24 =	simm.s32 $0x3;
	[sflag:s21] =	ssyncadd.s32 $0xFFFFC000  }
0xf4: {  	[spmem:s2] =	stream.indirect.scatter.add.f32 [tilespmem:s23], [sflag:$0x3], $0x80, s8, s22, $0xb8;
	[tilespmem:$0x1E800] =	vst v63  }
0xf5: {  	_ =	swait.ge [sflag:s24], $0x4000  }
0xf6: {  	[sflag:s24] =	ssyncset.done $0x0  }
0xf7: {  	s25 =	simm.s32 $0x2;
	[sflag:s24] =	ssyncadd.s32 $0xFFFFC000  }
0xf8: {  	_ =	swait.ge [sflag:s25], $0x4000  }
0xf9: {  	s26 =	simm.s32 $0x2780;
	[sflag:s25] =	ssyncset.done $0x0  }
0xfa: {  	s28 =	simm.s32 $0x6800;
	s29 =	simm.s32 $0x4;
	[sflag:s25] =	ssyncadd.s32 $0xFFFFC000  }
0xfb: {  	[spmem:s2] =	stream.indirect.scatter.add.f32 [tilespmem:s28], [sflag:$0x4], $0x80, s26, s22, $0xb8;
	[tilespmem:$0x1E800] =	vst v63  }
0xfc: {  	_ =	swait.ge [sflag:s29], $0x4000  }
0xfd: {  	[sflag:s29] =	ssyncset.done $0x0  }
0xfe: {  	[sflag:s29] =	ssyncadd.s32 $0xFFFFC000  }
0xff: {  	s30 =	sadd.s32 s7, s3;
	s31 =	simm.s32 $0x5;
	[bflag:$0x0] =	sbarrier.arrive $0xFFFF  }
0x100: {  	[hbm:s30], [sflag:s4] =	dma.local [spmem:s5], $0x2800  }
0x101: {  	_ =	swait.ge [sflag:s31], $0x2800  }
0x102: {  	[sflag:s31] =	ssyncset.done $0x0  }
0x103: {  	[sflag:s31] =	ssyncadd.s32 $0xFFFFD800  }
0x104: {  	_ =	sfence.sel $0x180000  }
0x105: {  	[bflag:$0x0] =	sbarrier.arrive $0xFFFF  }
0x106: {  	p0 =	sne.s32 s1, $0x0;
	_ =	strace $0x9000004A  }
0x107: {  	s0 =	sadd.s32 @!p0 $0x100000, s0;
	[bflag:$0x2] =	sbarrier.arrive $0xFFFF  }
0x108: {  	[sflag:s0] =	ssyncadd.tile.s32 @!p0 $0x1;
	_ =	shalt  }
.Lfunc_end2:
_tile_overlayer_lowered:
.L_overlay_start_2:
0x109: {  	(tag) =	ssettag $0x2  }
0x10a: {  	s0 =	rddreg [dreg:$0x0];
	s2 =	stileid.u32  }
0x10b: {  	s1 =	rddreg [dreg:$0x1];
	p0 =	sne.s32 s2, $0x0  }
0x10c: {  	s3 =	rddreg [dreg:$0x2];
	[bflag:$0x3] =	sbarrier.arrive $0xFFFF;
	s2 =	simm.s32 @!p0 $0x1C05  }
0x10d: {  	[timem:s3], [sflag:s2] =	dma.local @!p0 [hbm:s0], s1  }
0x10e: {  	s0 =	simm.s32 @!p0 $0x5  }
0x10f: {  	_ =	swait.ge @!p0 [sflag:s0], s1  }
0x110: {  	s1 =	ssub.s32 @!p0 $0x0, s1;
	[sflag:s0] =	ssyncset.done @!p0 $0x0  }
0x111: {  	[sflag:s0] =	ssyncadd.s32 @!p0 s1  }
0x112: {  	[bflag:$0x3] =	sbarrier.arrive $0xFFFF  }
0x113: {  	_ =	shalt  }

// kernel: kernel.15.cloned.1.call-start
scs
__scs_entry_jumppad:
0x0: {  	(pc) =	sbr.rel $0x88, $3  }
0x1: {  	(tag) =	ssettag $0x0;
	lr =	simm.s32 $0x1  }
0x2: {  	[smem:$0x3F92] =	sst lr;
	_ =	strace $0xD0000000  }
0x3: {  	_ = 	snop  }
0x4: {  	_ = 	snop  }
0x5: {  	_ = 	snop  }
0x6: {  	_ = 	snop  }
0x7: {  	_ = 	snop  }
__scs_overlays_trampoline_lowered:
0x8: {  	[smem:$0x3FA1] =	sst s0  }
0x9: {  	[smem:$0x3FA2] =	sst s1  }
0xa: {  	[smem:$0x3FA3] =	sst s2  }
0xb: {  	[smem:$0x3FA4] =	sst s3  }
0xc: {  	[smem:$0x3FA5] =	sst s4  }
0xd: {  	[smem:$0x3FA6] =	sst s5  }
0xe: {  	[smem:$0x3FA7] =	sst s6  }
0xf: {  	[smem:$0x3FA8] =	sst s7  }
0x10: {  	[smem:$0x3FA9] =	sst s8  }
0x11: {  	[smem:$0x3FAA] =	sst s9;
	s0 =	simm.s32 @!p0 $0x0  }
0x12: {  	s1 =	sld [smem:$0x3F90];
	s0 =	simm.s32 @p0 $0x1  }
0x13: {  	[smem:$0x3FAB] =	sst s0;
	s0 =	simm.s32 @!p1 $0x0  }
0x14: {  	s2 =	sld [smem:$0x3F8F];
	s0 =	simm.s32 @p1 $0x1  }
0x15: {  	[smem:$0x3FAC] =	sst s0;
	s0 =	simm.s32 @!p2 $0x0  }
0x16: {  	s3 =	sld [smem:$0x3FDB];
	s0 =	simm.s32 @p2 $0x1  }
0x17: {  	s4 =	simm.s32 $0x1BF5;
	[smem:$0x3FAE] =	sst s0  }
0x18: {  	s0 =	sld [smem:$0x3F91];
	_ =	swait.ge [sflag:s4], $0x0  }
0x19: {  	s7 =	sld [smem:$0x3F92]  }
0x1a: {  	s8 =	sadd.s32 $0xFFFFE003, lr  }
0x1b: {  	s9 =	sadd.s32 $0xFFFFFEF7, lr;
	s5 =	simm.s32 $0xFFFFFFFF;
	p2 =	slt.u32 s8, $0xFFFFF086  }
0x1c: {  	p1 =	slt.u32 s9, $0xF7A;
	s5 =	simm.s32 @!p2 $0x0  }
0x1d: {  	s5 =	simm.s32 @p1 $0x1;
	p0 =	seq.s32 s7, s2  }
0x1e: {  	s7 =	smul.u32 @!p0 $0xF7A, s2;
	p2 =	seq.s32 @!p0 s5, $0x0  }
0x1f: {  	s9 =	smul.u32 $0xF7A, s1;
	s8 =	simm.s32 @!p0 $0x1BF5;
	p2 =	por !p2, p0  }
0x20: {  	[sflag:s8] =	ssyncset.s32 @!p0 $0xFFFFF086;
	s6 =	sadd.s32 @!p0 s3, s7;
	s7 =	simm.s32 @!p0 $0x108  }
0x21: {  	s3 =	sadd.s32 s3, s9;
	s6 =	sadd.s32 @!p0 $0x88, s6;
	s7 =	simm.s32 @p2 $0x1082  }
0x22: {  	[simem:s7], [sflag:s8] =	dma.local @!p0 [hbm:s6], $0xF7A  }
0x23: {  	s9 =	sor.u32 $0xD0000000, s2;
	s6 =	simm.s32 $0x108;
	_ =	swait.ge @!p0 [sflag:s8], $0x0  }
0x24: {  	s3 =	sadd.s32 $0x88, s3;
	s6 =	simm.s32 @!p1 $0x1082;
	[sflag:s4] =	ssyncset.s32 $0xFFFFF086  }
0x25: {  	[simem:s6], [sflag:s4] =	dma.local [hbm:s3], $0xF7A  }
0x26: {  	[smem:$0x3F92] =	sst s1;
	(tag) =	ssettag s2;
	_ =	strace s9  }
0x27: {  	s1 =	sld [smem:$0x3FA2]  }
0x28: {  	s2 =	sld [smem:$0x3FA3]  }
0x29: {  	s4 =	sld [smem:$0x3FA5]  }
0x2a: {  	p0 =	seq.s32 s5, $0x0;
	s5 =	sld [smem:$0x3FA6]  }
0x2b: {  	s6 =	sld [smem:$0x3FA7]  }
0x2c: {  	s7 =	sld [smem:$0x3FA8]  }
0x2d: {  	s3 =	simm.s32 $0x108;
	s8 =	sld [smem:$0x3FA9]  }
0x2e: {  	s3 =	simm.s32 @!p0 $0x1082;
	s9 =	sld [smem:$0x3FAA]  }
0x2f: {  	lr =	sadd.s32 s0, s3;
	s0 =	sld [smem:$0x3FA1]  }
0x30: {  	s3 =	sld [smem:$0x3FA4]  }
0x31: {  	[smem:$0x3FAD] =	sst s10  }
0x32: {  	s10 =	sld [smem:$0x3FAB];
	_ =	sdelay $0x3  }
0x33: {  	p0 =	seq.s32 s10, $0x1;
	s10 =	sld [smem:$0x3FAD];
	_ =	sdelay $0x3  }
0x34: {  	[smem:$0x3FAD] =	sst s10  }
0x35: {  	s10 =	sld [smem:$0x3FAC];
	_ =	sdelay $0x3  }
0x36: {  	p1 =	seq.s32 s10, $0x1;
	s10 =	sld [smem:$0x3FAD];
	_ =	sdelay $0x3  }
0x37: {  	[smem:$0x3FAD] =	sst s10  }
0x38: {  	s10 =	sld [smem:$0x3FAE]  }
0x39: {  	_ = 	snop;
	(pc) =	sbr.ind lr, $3  }
0x3a: {  	_ = 	snop  }
0x3b: {  	_ = 	snop  }
0x3c: {  	p2 =	seq.s32 s10, $0x1;
	s10 =	sld [smem:$0x3FAD]  }
0x3d: {  	_ =	shalt  }
0x3e: {  	_ =	shalt  }
0x3f: {  	_ =	shalt  }
0x40: {  	_ =	shalt  }
0x41: {  	_ =	shalt  }
0x42: {  	_ =	shalt  }
0x43: {  	_ =	shalt  }
0x44: {  	_ =	shalt  }
0x45: {  	_ =	shalt  }
0x46: {  	_ =	shalt  }
0x47: {  	_ =	shalt  }
0x48: {  	_ =	shalt  }
0x49: {  	_ =	shalt  }
0x4a: {  	_ =	shalt  }
0x4b: {  	_ =	shalt  }
0x4c: {  	_ =	shalt  }
0x4d: {  	_ =	shalt  }
0x4e: {  	_ =	shalt  }
0x4f: {  	_ =	shalt  }
0x50: {  	_ =	shalt  }
0x51: {  	_ =	shalt  }
0x52: {  	_ =	shalt  }
0x53: {  	_ =	shalt  }
0x54: {  	_ =	shalt  }
0x55: {  	_ =	shalt  }
0x56: {  	_ =	shalt  }
0x57: {  	_ =	shalt  }
0x58: {  	_ =	shalt  }
0x59: {  	_ =	shalt  }
0x5a: {  	_ =	shalt  }
0x5b: {  	_ =	shalt  }
0x5c: {  	_ =	shalt  }
0x5d: {  	_ =	shalt  }
0x5e: {  	_ =	shalt  }
0x5f: {  	_ =	shalt  }
0x60: {  	_ =	shalt  }
0x61: {  	_ =	shalt  }
0x62: {  	_ =	shalt  }
0x63: {  	_ =	shalt  }
0x64: {  	_ =	shalt  }
0x65: {  	_ =	shalt  }
0x66: {  	_ =	shalt  }
0x67: {  	_ =	shalt  }
0x68: {  	_ =	shalt  }
0x69: {  	_ =	shalt  }
0x6a: {  	_ =	shalt  }
0x6b: {  	_ =	shalt  }
0x6c: {  	_ =	shalt  }
0x6d: {  	_ =	shalt  }
0x6e: {  	_ =	shalt  }
0x6f: {  	_ =	shalt  }
0x70: {  	_ =	shalt  }
0x71: {  	_ =	shalt  }
0x72: {  	_ =	shalt  }
0x73: {  	_ =	shalt  }
0x74: {  	_ =	shalt  }
0x75: {  	_ =	shalt  }
0x76: {  	_ =	shalt  }
0x77: {  	_ =	shalt  }
0x78: {  	_ =	shalt  }
0x79: {  	_ =	shalt  }
0x7a: {  	_ =	shalt  }
0x7b: {  	_ =	shalt  }
0x7c: {  	_ =	shalt  }
0x7d: {  	_ =	shalt  }
0x7e: {  	_ =	shalt  }
0x7f: {  	_ =	shalt  }
0x80: {  	_ =	shalt  }
0x81: {  	_ =	shalt  }
0x82: {  	_ =	shalt  }
0x83: {  	_ =	shalt  }
0x84: {  	_ =	shalt  }
0x85: {  	_ =	shalt  }
0x86: {  	_ =	shalt  }
0x87: {  	_ =	shalt  }
.Lfunc_end0:
.L_simem_size_0:
called_computation.2_lowered:
.L_overlay_start_0:
0x88: {  	s0 =	sld [smem:$0x3FD9]  }
0x89: {  	s1 =	sld [smem:$0x3FFE];
	_ =	sdelay $0x3  }
0x8a: {  	s0 =	sadd.s32 s1, s0  }
0x8b: {  	[smem:$0x3FB9] =	sst s0  }
0x8c: {  	_ = 	snop  }
0x8d: {  	(tm) =	ssettm $0x1  }
0x8e: {  	s15 =	sld [smem:$0x3FFB];
	_ =	sdelay $0x3  }
0x8f: {  	_ =	strace s15  }
0x90: {  	s0 =	sld [smem:$0x3FFC];
	_ =	sdelay $0x3  }
0x91: {  	_ =	strace s0  }
0x92: {  	s0 =	sld [smem:$0x3FFD];
	_ =	sdelay $0x3  }
0x93: {  	_ =	strace s0  }
0x94: {  	_ =	strace $0x8FFFFFFF  }
0x95: {  	s16 =	sld [smem:$0x3FDB];
	_ =	sdelay $0x1  }
0x96: {  	s17 =	simm.s32 $_scs_section_size  }
0x97: {  	s2 =	simm.s32 $_size__tile_overlayer_lowered;
	s3 =	simm.s32 $_tile_overlayer_lowered  }
0x98: {  	s20 =	simm.s32 $0x1BFF;
	s19 =	sshll.u32 s3, $0x1;
	s0 =	sadd.s32 s17, s16  }
0x99: {  	s4 =	simm.s32 $0x0;
	s18 =	sshll.u32 s2, $0x1;
	s2 =	sadd.s32 s19, s0  }
0x9a: {  	[timem:s4], [sflag:s20] =	dma.local [hbm:s2], s18  }
0x9b: {  	_ =	swait.ge [sflag:s20], s18  }
0x9c: {  	s1 =	ssub.s32 $0x0, s18;
	[sflag:s20] =	ssyncset.done $0x0  }
0x9d: {  	[sflag:s20] =	ssyncadd.s32 s1;
	_ =	sdelay $0x1  }
0x9e: {  	s21 =	simm.s32 $0x1B8B  }
0x9f: {  	_ =	swait.ge [sflag:s21], $0x1  }
0xa0: {  	[sflag:s21] =	ssyncset.done $0x0  }
0xa1: {  	s23 =	simm.s32 $0x1B8E;
	s22 =	sld [smem:$0x3FFE];
	[sflag:s21] =	ssyncadd.s32 $0xFFFFFFFF  }
0xa2: {  	s24 =	simm.s32 $execute0_lowered;
	[smem:$0x3FD2] =	sst s23  }
0xa3: {  	s2 =	sshll.u32 s24, $0x1;
	_ =	strace $0x8000004C;
	[dreg:$0x1] =	wrdreg $0xFFFFFFFF  }
0xa4: {  	s25 =	simm.s32 $_size_execute0_lowered;
	s0 =	sadd.s32 s0, s2;
	[dreg:$0x0] =	wrdreg $0x0  }
0xa5: {  	s2 =	sshll.u32 s25, $0x1;
	[dreg:$0x2] =	wrdreg s0  }
0xa6: {  	[dreg:$0x3] =	wrdreg s2  }
0xa7: {  	[dreg:$0x4] =	wrdreg $0xC0  }
0xa8: {  	_ =	task [dreg:s4], $0x5FFFF  }
0xa9: {  	[dreg:$0x1] =	wrdreg $0xFFFFFFFF  }
0xaa: {  	[dreg:$0x0] =	wrdreg $0x60  }
0xab: {  	[dreg:$0x2] =	wrdreg s22  }
0xac: {  	[dreg:$0x3] =	wrdreg $0xA8000  }
0xad: {  	[dreg:$0x4] =	wrdreg $0x9  }
0xae: {  	_ =	task.clear_ibuf [dreg:s4], $0x5FFFF;
	_ =	strace $0x9000004C  }
0xaf: {  	s26 =	simm.s32 $0x9;
	_ =	strace $0x8000004E  }
0xb0: {  	_ =	swait.ge [sflag:s26], $0x1  }
0xb1: {  	[sflag:s26] =	ssyncadd.s32 $0xFFFFFFFF  }
0xb2: {  	_ =	strace $0x9000004E  }
0xb3: {  	_ =	sfence  }
0xb4: {  	s28 =	sld [smem:$0x0];
	_ =	sdelay $0x1  }
0xb5: {  	s29 =	srdreg.scid  }
0xb6: {  	s30 =	sshll.u32 s29, $0xD;
	s31 =	sshrl.u32 s29, $0x2  }
0xb7: {  	s1 =	sand.u32 $0x1, s29;
	s2 =	sand.u32 $0x4000, s30;
	s0 =	sadd.s32 s31, s28  }
0xb8: {  	s1 =	sor.u32 s2, s1;
	s0 =	sshll.u32 s0, $0x11  }
0xb9: {  	s0 =	sor.u32 s0, s1  }
0xba: {  	s0 =	sadd.s32 $0x8F2B, s0  }
0xbb: {  	[sflag:s0] =	ssyncadd.remote.s32 $0x1  }
0xbc: {  	_ =	sfence.sel $0xFFFF  }
0xbd: {  	[dreg:$0x0] =	wrdreg $0xFFFFFFFF;
	(pc) =	sbr.abs _section_cstart, $3  }
0xbe: {  	[dreg:$0x1] =	wrdreg $0xFFFFFFFF  }
0xbf: {  	_ =	task.clear_ibuf [dreg:s4], $0x2FFFF;
	_ =	strace $0x9FFFFFFF  }
0xc0: {  	(tm) =	ssettm $0x7FFFFFFF  }
0xc1: {  	_ =	shalt  }
tec
execute0_lowered:
.L_overlay_start_1:
0x0: {  	(tag) =	ssettag $0x1  }
0x1: {  	s7 =	rddreg [dreg:$0x0]  }
0x2: {  	s2 =	rddreg [dreg:$0x1];
	s1 =	stileid.u32  }
0x3: {  	s0 =	rddreg [dreg:$0x2];
	s4 =	smul.u32 $0x50000, s1  }
0x4: {  	s13 =	simm.s32 $0x0;
	s11 =	simm.s32 $0x5;
	s3 =	smul.u32 $0x2800, s1  }
0x5: {  	[smem:$0x7FF] =	sst s13;
	s29 =	sshll.u32 s1, $0x6;
	s4 =	sshrl.u32 s4, $0x2  }
0x6: {  	_ =	strace $0x8000004D;
	s5 =	sadd.s32 s3, s7;
	s6 =	sadd.s32 s4, s2  }
0x7: {  	s8 =	sadd.s32 $0x3DE00, s5;
	s4 =	sor.u32 $0x1C05, s29;
	s5 =	sshrl.u32 s6, $0x3  }
0x8: {  	[spmem:s5], [sflag:s4] =	dma.local [hbm:s8], $0x2800  }
0x9: {  	s30 =	smul.u32 $0x5000, s1;
	_ =	swait.ge [sflag:s11], $0x2800  }
0xa: {  	[sflag:s11] =	ssyncset.done $0x0  }
0xb: {  	s10 =	sshrl.u32 s30, $0x3;
	s8 =	sadd.s32 $0x2C00, s7;
	[sflag:s11] =	ssyncadd.s32 $0xFFFFD800  }
0xc: {  	s6 =	sadd.s32 s8, s10;
	[bflag:$0x0] =	sbarrier.arrive $0xFFFF  }
0xd: {  	[tilespmem:s13], [sflag:$0x5] =	stream.linear.gather [hbm4b:s6+s13], $0x1400, $0x38;
	[tilespmem:$0x1E800] =	vst v63  }
0xe: {  	_ =	swait.ge [sflag:s11], $0x1400  }
0xf: {  	s9 =	sadd.s32 $0xCC00, s7;
	[sflag:s11] =	ssyncset.done $0x0  }
0x10: {  	s12 =	simm.s32 $0x1400;
	s31 =	sadd.s32 s9, s10;
	[sflag:s11] =	ssyncadd.s32 $0xFFFFEC00  }
0x11: {  	[tilespmem:s12], [sflag:$0x5] =	stream.linear.gather [hbm4b:s31+s13], $0x1400, $0x38;
	[tilespmem:$0x1E800] =	vst v63  }
0x12: {  	_ =	swait.ge [sflag:s11], $0x1400  }
0x13: {  	s6 =	sadd.s32 $0x16C00, s7;
	[sflag:s11] =	ssyncset.done $0x0  }
0x14: {  	s12 =	simm.s32 $0x2800;
	[sflag:s11] =	ssyncadd.s32 $0xFFFFEC00;
	s11 =	simm.s32 $0x80  }
0x15: {  	[tilespmem:s12], [sflag:$0x1] =	stream.indirect.gather [hbm4b:s6+s11], $0x80, s13, s11, $0xb8;
	[tilespmem:$0x1E800] =	vst v63  }
0x16: {  	s14 =	simm.s32 $0x1;
	s13 =	simm.s32 $0x6800  }
0x17: {  	[tilespmem:s13], [sflag:$0x2] =	stream.indirect.gather [hbm4b:s6+s11], $0x80, s11, s11, $0xb8;
	[tilespmem:$0x1E800] =	vst v63  }
0x18: {  	_ =	swait.ge [sflag:s14], $0x4000  }
0x19: {  	[sflag:s14] =	ssyncset.done $0x0  }
0x1a: {  	s15 =	simm.s32 $0x3;
	s16 =	simm.s32 $0x1400;
	[sflag:s14] =	ssyncadd.s32 $0xFFFFC000  }
0x1b: {  	[spmem:s2] =	stream.indirect.scatter.add.f32 [tilespmem:s12], [sflag:$0x3], $0x80, s16, s11, $0xb8;
	[tilespmem:$0x1E800] =	vst v63  }
0x1c: {  	_ =	swait.ge [sflag:s15], $0x4000  }
0x1d: {  	[sflag:s15] =	ssyncset.done $0x0  }
0x1e: {  	s17 =	simm.s32 $0x100;
	s16 =	simm.s32 $0x2;
	[sflag:s15] =	ssyncadd.s32 $0xFFFFC000  }
0x1f: {  	[tilespmem:s12], [sflag:$0x1] =	stream.indirect.gather [hbm4b:s6+s11], $0x80, s17, s11, $0xb8;
	[tilespmem:$0x1E800] =	vst v63  }
0x20: {  	_ =	swait.ge [sflag:s16], $0x4000  }
0x21: {  	[sflag:s16] =	ssyncset.done $0x0  }
0x22: {  	s18 =	simm.s32 $0x1480;
	s17 =	simm.s32 $0x4;
	[sflag:s16] =	ssyncadd.s32 $0xFFFFC000  }
0x23: {  	[spmem:s2] =	stream.indirect.scatter.add.f32 [tilespmem:s13], [sflag:$0x4], $0x80, s18, s11, $0xb8;
	[tilespmem:$0x1E800] =	vst v63  }
0x24: {  	_ =	swait.ge [sflag:s17], $0x4000  }
0x25: {  	s19 =	simm.s32 $0x180;
	[sflag:s17] =	ssyncset.done $0x0  }
0x26: {  	s7 =	sadd.s32 $0x65E00, s7;
	s18 =	simm.s32 $0x400;
	[sflag:s17] =	ssyncadd.s32 $0xFFFFC000  }
.LBB2_1:
0x27: {  	[tilespmem:s13], [sflag:$0x2] =	stream.indirect.gather [hbm4b:s6+s11], $0x80, s19, s11, $0xb8;
	[tilespmem:$0x1E800] =	vst v63  }
0x28: {  	s19 =	smov.u32 s18  }
0x29: {  	p0 =	sne.s32 s18, $0x4800;
	s18 =	sadd.s32 $0x400, s18;
	_ =	swait.ge [sflag:s14], $0x4000  }
0x2a: {  	s19 =	sshra.s32 s19, $0x2;
	[sflag:s14] =	ssyncset.done $0x0  }
0x2b: {  	s20 =	sadd.s32 $0x1400, s19;
	[sflag:s14] =	ssyncadd.s32 $0xFFFFC000  }
0x2c: {  	[spmem:s2] =	stream.indirect.scatter.add.f32 [tilespmem:s12], [sflag:$0x3], $0x80, s20, s11, $0xb8;
	[tilespmem:$0x1E800] =	vst v63  }
0x2d: {  	_ =	swait.ge [sflag:s15], $0x4000  }
0x2e: {  	[sflag:s15] =	ssyncset.done $0x0  }
0x2f: {  	s20 =	sadd.s32 $0x100, s19;
	[sflag:s15] =	ssyncadd.s32 $0xFFFFC000  }
0x30: {  	[tilespmem:s12], [sflag:$0x1] =	stream.indirect.gather [hbm4b:s6+s11], $0x80, s20, s11, $0xb8;
	[tilespmem:$0x1E800] =	vst v63  }
0x31: {  	_ =	swait.ge [sflag:s16], $0x4000  }
0x32: {  	[sflag:s16] =	ssyncset.done $0x0  }
.Ltmp0:
0x33: {  	s20 =	sadd.s32 $0x1480, s19;
	[sflag:s16] =	ssyncadd.s32 $0xFFFFC000;
	(pc) =	sbr.rel @p0 .LBB2_1-.Ltmp0, $4  }
0x34: {  	[spmem:s2] =	stream.indirect.scatter.add.f32 [tilespmem:s13], [sflag:$0x4], $0x80, s20, s11, $0xb8;
	[tilespmem:$0x1E800] =	vst v63  }
0x35: {  	_ =	swait.ge [sflag:s17], $0x4000  }
0x36: {  	[sflag:s17] =	ssyncset.done $0x0  }
0x37: {  	s19 =	sadd.s32 $0x180, s19;
	[sflag:s17] =	ssyncadd.s32 $0xFFFFC000  }
0x38: {  	[tilespmem:s13], [sflag:$0x2] =	stream.indirect.gather [hbm4b:s6+s11], $0x80, s19, s11, $0xb8;
	[tilespmem:$0x1E800] =	vst v63  }
0x39: {  	s11 =	simm.s32 $0x1  }
0x3a: {  	_ =	swait.ge [sflag:s11], $0x4000  }
0x3b: {  	s12 =	simm.s32 $0x80;
	[sflag:s11] =	ssyncset.done $0x0  }
0x3c: {  	s14 =	simm.s32 $0x2700;
	s13 =	simm.s32 $0x2800;
	[sflag:s11] =	ssyncadd.s32 $0xFFFFC000  }
0x3d: {  	[spmem:s2] =	stream.indirect.scatter.add.f32 [tilespmem:s13], [sflag:$0x3], $0x80, s14, s12, $0xb8;
	[tilespmem:$0x1E800] =	vst v63  }
0x3e: {  	s14 =	simm.s32 $0x3  }
0x3f: {  	_ =	swait.ge [sflag:s14], $0x4000  }
0x40: {  	[sflag:s14] =	ssyncset.done $0x0  }
0x41: {  	s15 =	simm.s32 $0x2;
	[sflag:s14] =	ssyncadd.s32 $0xFFFFC000  }
0x42: {  	_ =	swait.ge [sflag:s15], $0x4000  }
0x43: {  	[sflag:s15] =	ssyncset.done $0x0  }
0x44: {  	s17 =	simm.s32 $0x2780;
	s16 =	simm.s32 $0x6800;
	[sflag:s15] =	ssyncadd.s32 $0xFFFFC000  }
0x45: {  	[spmem:s2] =	stream.indirect.scatter.add.f32 [tilespmem:s16], [sflag:$0x4], $0x80, s17, s12, $0xb8;
	[tilespmem:$0x1E800] =	vst v63  }
0x46: {  	s17 =	simm.s32 $0x4  }
0x47: {  	_ =	swait.ge [sflag:s17], $0x4000  }
0x48: {  	s18 =	sadd.s32 $0x280, s10;
	s20 =	simm.s32 $0x0;
	[sflag:s17] =	ssyncset.done $0x0  }
0x49: {  	s28 =	simm.s32 $0x5;
	s26 =	sadd.s32 s8, s18;
	[sflag:s17] =	ssyncadd.s32 $0xFFFFC000  }
0x4a: {  	[tilespmem:s20], [sflag:$0x5] =	stream.linear.gather [hbm4b:s26+s20], $0x1400, $0x38;
	[tilespmem:$0x1E800] =	vst v63  }
0x4b: {  	_ =	swait.ge [sflag:s28], $0x1400  }
0x4c: {  	[sflag:s28] =	ssyncset.done $0x0  }
0x4d: {  	s21 =	simm.s32 $0x1400;
	s18 =	sadd.s32 s9, s18;
	[sflag:s28] =	ssyncadd.s32 $0xFFFFEC00  }
0x4e: {  	[tilespmem:s21], [sflag:$0x5] =	stream.linear.gather [hbm4b:s18+s20], $0x1400, $0x38;
	[tilespmem:$0x1E800] =	vst v63  }
0x4f: {  	_ =	swait.ge [sflag:s28], $0x1400  }
0x50: {  	[sflag:s28] =	ssyncset.done $0x0  }
0x51: {  	[sflag:s28] =	ssyncadd.s32 $0xFFFFEC00  }
0x52: {  	[tilespmem:s13], [sflag:$0x1] =	stream.indirect.gather [hbm4b:s6+s12], $0x80, s20, s12, $0xb8;
	[tilespmem:$0x1E800] =	vst v63  }
0x53: {  	_ = 	snop  }
0x54: {  	[tilespmem:s16], [sflag:$0x2] =	stream.indirect.gather [hbm4b:s6+s12], $0x80, s12, s12, $0xb8;
	[tilespmem:$0x1E800] =	vst v63  }
0x55: {  	_ =	swait.ge [sflag:s11], $0x4000  }
0x56: {  	[sflag:s11] =	ssyncset.done $0x0  }
0x57: {  	s29 =	simm.s32 $0x1400;
	[sflag:s11] =	ssyncadd.s32 $0xFFFFC000  }
0x58: {  	[spmem:s2] =	stream.indirect.scatter.add.f32 [tilespmem:s13], [sflag:$0x3], $0x80, s29, s12, $0xb8;
	[tilespmem:$0x1E800] =	vst v63  }
0x59: {  	_ =	swait.ge [sflag:s14], $0x4000  }
0x5a: {  	[sflag:s14] =	ssyncset.done $0x0  }
0x5b: {  	s30 =	simm.s32 $0x100;
	[sflag:s14] =	ssyncadd.s32 $0xFFFFC000  }
0x5c: {  	[tilespmem:s13], [sflag:$0x1] =	stream.indirect.gather [hbm4b:s6+s12], $0x80, s30, s12, $0xb8;
	[tilespmem:$0x1E800] =	vst v63  }
0x5d: {  	_ =	swait.ge [sflag:s15], $0x4000  }
0x5e: {  	[sflag:s15] =	ssyncset.done $0x0  }
0x5f: {  	s31 =	simm.s32 $0x1480;
	[sflag:s15] =	ssyncadd.s32 $0xFFFFC000  }
0x60: {  	[spmem:s2] =	stream.indirect.scatter.add.f32 [tilespmem:s16], [sflag:$0x4], $0x80, s31, s12, $0xb8;
	[tilespmem:$0x1E800] =	vst v63  }
0x61: {  	_ =	swait.ge [sflag:s17], $0x4000  }
0x62: {  	[sflag:s17] =	ssyncset.done $0x0  }
0x63: {  	s19 =	simm.s32 $0x180;
	s18 =	simm.s32 $0x400;
	[sflag:s17] =	ssyncadd.s32 $0xFFFFC000  }
.LBB2_3:
0x64: {  	[tilespmem:s16], [sflag:$0x2] =	stream.indirect.gather [hbm4b:s6+s12], $0x80, s19, s12, $0xb8;
	[tilespmem:$0x1E800] =	vst v63  }
0x65: {  	s19 =	smov.u32 s18  }
0x66: {  	p0 =	sne.s32 s18, $0x4800;
	s18 =	sadd.s32 $0x400, s18;
	_ =	swait.ge [sflag:s11], $0x4000  }
0x67: {  	s19 =	sshra.s32 s19, $0x2;
	[sflag:s11] =	ssyncset.done $0x0  }
0x68: {  	s20 =	sadd.s32 $0x1400, s19;
	[sflag:s11] =	ssyncadd.s32 $0xFFFFC000  }
0x69: {  	[spmem:s2] =	stream.indirect.scatter.add.f32 [tilespmem:s13], [sflag:$0x3], $0x80, s20, s12, $0xb8;
	[tilespmem:$0x1E800] =	vst v63  }
0x6a: {  	_ =	swait.ge [sflag:s14], $0x4000  }
0x6b: {  	[sflag:s14] =	ssyncset.done $0x0  }
0x6c: {  	s20 =	sadd.s32 $0x100, s19;
	[sflag:s14] =	ssyncadd.s32 $0xFFFFC000  }
0x6d: {  	[tilespmem:s13], [sflag:$0x1] =	stream.indirect.gather [hbm4b:s6+s12], $0x80, s20, s12, $0xb8;
	[tilespmem:$0x1E800] =	vst v63  }
0x6e: {  	_ =	swait.ge [sflag:s15], $0x4000  }
0x6f: {  	[sflag:s15] =	ssyncset.done $0x0  }
.Ltmp1:
0x70: {  	s20 =	sadd.s32 $0x1480, s19;
	[sflag:s15] =	ssyncadd.s32 $0xFFFFC000;
	(pc) =	sbr.rel @p0 .LBB2_3-.Ltmp1, $4  }
0x71: {  	[spmem:s2] =	stream.indirect.scatter.add.f32 [tilespmem:s16], [sflag:$0x4], $0x80, s20, s12, $0xb8;
	[tilespmem:$0x1E800] =	vst v63  }
0x72: {  	_ =	swait.ge [sflag:s17], $0x4000  }
0x73: {  	[sflag:s17] =	ssyncset.done $0x0  }
0x74: {  	s19 =	sadd.s32 $0x180, s19;
	[sflag:s17] =	ssyncadd.s32 $0xFFFFC000  }
0x75: {  	[tilespmem:s16], [sflag:$0x2] =	stream.indirect.gather [hbm4b:s6+s12], $0x80, s19, s12, $0xb8;
	[tilespmem:$0x1E800] =	vst v63  }
0x76: {  	s11 =	simm.s32 $0x1  }
0x77: {  	_ =	swait.ge [sflag:s11], $0x4000  }
0x78: {  	s12 =	simm.s32 $0x80;
	[sflag:s11] =	ssyncset.done $0x0  }
0x79: {  	s14 =	simm.s32 $0x2700;
	s13 =	simm.s32 $0x2800;
	[sflag:s11] =	ssyncadd.s32 $0xFFFFC000  }
0x7a: {  	[spmem:s2] =	stream.indirect.scatter.add.f32 [tilespmem:s13], [sflag:$0x3], $0x80, s14, s12, $0xb8;
	[tilespmem:$0x1E800] =	vst v63  }
0x7b: {  	s14 =	simm.s32 $0x3  }
0x7c: {  	_ =	swait.ge [sflag:s14], $0x4000  }
0x7d: {  	[sflag:s14] =	ssyncset.done $0x0  }
0x7e: {  	s15 =	simm.s32 $0x2;
	[sflag:s14] =	ssyncadd.s32 $0xFFFFC000  }
0x7f: {  	_ =	swait.ge [sflag:s15], $0x4000  }
0x80: {  	[sflag:s15] =	ssyncset.done $0x0  }
0x81: {  	s17 =	simm.s32 $0x2780;
	s16 =	simm.s32 $0x6800;
	[sflag:s15] =	ssyncadd.s32 $0xFFFFC000  }
0x82: {  	[spmem:s2] =	stream.indirect.scatter.add.f32 [tilespmem:s16], [sflag:$0x4], $0x80, s17, s12, $0xb8;
	[tilespmem:$0x1E800] =	vst v63  }
0x83: {  	s17 =	simm.s32 $0x4  }
0x84: {  	_ =	swait.ge [sflag:s17], $0x4000  }
0x85: {  	s18 =	sadd.s32 $0x500, s10;
	s20 =	simm.s32 $0x0;
	[sflag:s17] =	ssyncset.done $0x0  }
0x86: {  	s28 =	simm.s32 $0x5;
	s26 =	sadd.s32 s8, s18;
	[sflag:s17] =	ssyncadd.s32 $0xFFFFC000  }
0x87: {  	[tilespmem:s20], [sflag:$0x5] =	stream.linear.gather [hbm4b:s26+s20], $0x1400, $0x38;
	[tilespmem:$0x1E800] =	vst v63  }
0x88: {  	_ =	swait.ge [sflag:s28], $0x1400  }
0x89: {  	[sflag:s28] =	ssyncset.done $0x0  }
0x8a: {  	s21 =	simm.s32 $0x1400;
	s18 =	sadd.s32 s9, s18;
	[sflag:s28] =	ssyncadd.s32 $0xFFFFEC00  }
0x8b: {  	[tilespmem:s21], [sflag:$0x5] =	stream.linear.gather [hbm4b:s18+s20], $0x1400, $0x38;
	[tilespmem:$0x1E800] =	vst v63  }
0x8c: {  	_ =	swait.ge [sflag:s28], $0x1400  }
0x8d: {  	[sflag:s28] =	ssyncset.done $0x0  }
0x8e: {  	[sflag:s28] =	ssyncadd.s32 $0xFFFFEC00  }
0x8f: {  	[tilespmem:s13], [sflag:$0x1] =	stream.indirect.gather [hbm4b:s6+s12], $0x80, s20, s12, $0xb8;
	[tilespmem:$0x1E800] =	vst v63  }
0x90: {  	_ = 	snop  }
0x91: {  	[tilespmem:s16], [sflag:$0x2] =	stream.indirect.gather [hbm4b:s6+s12], $0x80, s12, s12, $0xb8;
	[tilespmem:$0x1E800] =	vst v63  }
0x92: {  	_ =	swait.ge [sflag:s11], $0x4000  }
0x93: {  	[sflag:s11] =	ssyncset.done $0x0  }
0x94: {  	s29 =	simm.s32 $0x1400;
	[sflag:s11] =	ssyncadd.s32 $0xFFFFC000  }
0x95: {  	[spmem:s2] =	stream.indirect.scatter.add.f32 [tilespmem:s13], [sflag:$0x3], $0x80, s29, s12, $0xb8;
	[tilespmem:$0x1E800] =	vst v63  }
0x96: {  	_ =	swait.ge [sflag:s14], $0x4000  }
0x97: {  	[sflag:s14] =	ssyncset.done $0x0  }
0x98: {  	s30 =	simm.s32 $0x100;
	[sflag:s14] =	ssyncadd.s32 $0xFFFFC000  }
0x99: {  	[tilespmem:s13], [sflag:$0x1] =	stream.indirect.gather [hbm4b:s6+s12], $0x80, s30, s12, $0xb8;
	[tilespmem:$0x1E800] =	vst v63  }
0x9a: {  	_ =	swait.ge [sflag:s15], $0x4000  }
0x9b: {  	[sflag:s15] =	ssyncset.done $0x0  }
0x9c: {  	s31 =	simm.s32 $0x1480;
	[sflag:s15] =	ssyncadd.s32 $0xFFFFC000  }
0x9d: {  	[spmem:s2] =	stream.indirect.scatter.add.f32 [tilespmem:s16], [sflag:$0x4], $0x80, s31, s12, $0xb8;
	[tilespmem:$0x1E800] =	vst v63  }
0x9e: {  	_ =	swait.ge [sflag:s17], $0x4000  }
0x9f: {  	[sflag:s17] =	ssyncset.done $0x0  }
0xa0: {  	s19 =	simm.s32 $0x180;
	s18 =	simm.s32 $0x400;
	[sflag:s17] =	ssyncadd.s32 $0xFFFFC000  }
.LBB2_5:
0xa1: {  	[tilespmem:s16], [sflag:$0x2] =	stream.indirect.gather [hbm4b:s6+s12], $0x80, s19, s12, $0xb8;
	[tilespmem:$0x1E800] =	vst v63  }
0xa2: {  	s19 =	smov.u32 s18  }
0xa3: {  	p0 =	sne.s32 s18, $0x4800;
	s18 =	sadd.s32 $0x400, s18;
	_ =	swait.ge [sflag:s11], $0x4000  }
0xa4: {  	s19 =	sshra.s32 s19, $0x2;
	[sflag:s11] =	ssyncset.done $0x0  }
0xa5: {  	s20 =	sadd.s32 $0x1400, s19;
	[sflag:s11] =	ssyncadd.s32 $0xFFFFC000  }
0xa6: {  	[spmem:s2] =	stream.indirect.scatter.add.f32 [tilespmem:s13], [sflag:$0x3], $0x80, s20, s12, $0xb8;
	[tilespmem:$0x1E800] =	vst v63  }
0xa7: {  	_ =	swait.ge [sflag:s14], $0x4000  }
0xa8: {  	[sflag:s14] =	ssyncset.done $0x0  }
0xa9: {  	s20 =	sadd.s32 $0x100, s19;
	[sflag:s14] =	ssyncadd.s32 $0xFFFFC000  }
0xaa: {  	[tilespmem:s13], [sflag:$0x1] =	stream.indirect.gather [hbm4b:s6+s12], $0x80, s20, s12, $0xb8;
	[tilespmem:$0x1E800] =	vst v63  }
0xab: {  	_ =	swait.ge [sflag:s15], $0x4000  }
0xac: {  	[sflag:s15] =	ssyncset.done $0x0  }
.Ltmp2:
0xad: {  	s20 =	sadd.s32 $0x1480, s19;
	[sflag:s15] =	ssyncadd.s32 $0xFFFFC000;
	(pc) =	sbr.rel @p0 .LBB2_5-.Ltmp2, $4  }
0xae: {  	[spmem:s2] =	stream.indirect.scatter.add.f32 [tilespmem:s16], [sflag:$0x4], $0x80, s20, s12, $0xb8;
	[tilespmem:$0x1E800] =	vst v63  }
0xaf: {  	_ =	swait.ge [sflag:s17], $0x4000  }
0xb0: {  	[sflag:s17] =	ssyncset.done $0x0  }
0xb1: {  	s19 =	sadd.s32 $0x180, s19;
	[sflag:s17] =	ssyncadd.s32 $0xFFFFC000  }
0xb2: {  	[tilespmem:s16], [sflag:$0x2] =	stream.indirect.gather [hbm4b:s6+s12], $0x80, s19, s12, $0xb8;
	[tilespmem:$0x1E800] =	vst v63  }
0xb3: {  	s11 =	simm.s32 $0x1  }
0xb4: {  	_ =	swait.ge [sflag:s11], $0x4000  }
0xb5: {  	s12 =	simm.s32 $0x80;
	[sflag:s11] =	ssyncset.done $0x0  }
0xb6: {  	s14 =	simm.s32 $0x2700;
	s13 =	simm.s32 $0x2800;
	[sflag:s11] =	ssyncadd.s32 $0xFFFFC000  }
0xb7: {  	[spmem:s2] =	stream.indirect.scatter.add.f32 [tilespmem:s13], [sflag:$0x3], $0x80, s14, s12, $0xb8;
	[tilespmem:$0x1E800] =	vst v63  }
0xb8: {  	s14 =	simm.s32 $0x3  }
0xb9: {  	_ =	swait.ge [sflag:s14], $0x4000  }
0xba: {  	[sflag:s14] =	ssyncset.done $0x0  }
0xbb: {  	s15 =	simm.s32 $0x2;
	[sflag:s14] =	ssyncadd.s32 $0xFFFFC000  }
0xbc: {  	_ =	swait.ge [sflag:s15], $0x4000  }
0xbd: {  	[sflag:s15] =	ssyncset.done $0x0  }
0xbe: {  	s17 =	simm.s32 $0x2780;
	s16 =	simm.s32 $0x6800;
	[sflag:s15] =	ssyncadd.s32 $0xFFFFC000  }
0xbf: {  	[spmem:s2] =	stream.indirect.scatter.add.f32 [tilespmem:s16], [sflag:$0x4], $0x80, s17, s12, $0xb8;
	[tilespmem:$0x1E800] =	vst v63  }
0xc0: {  	s17 =	simm.s32 $0x4  }
0xc1: {  	_ =	swait.ge [sflag:s17], $0x4000  }
0xc2: {  	s10 =	sadd.s32 $0x780, s10;
	s18 =	simm.s32 $0x0;
	[sflag:s17] =	ssyncset.done $0x0  }
0xc3: {  	s26 =	simm.s32 $0x5;
	s8 =	sadd.s32 s8, s10;
	[sflag:s17] =	ssyncadd.s32 $0xFFFFC000  }
0xc4: {  	[tilespmem:s18], [sflag:$0x5] =	stream.linear.gather [hbm4b:s8+s18], $0x1400, $0x38;
	[tilespmem:$0x1E800] =	vst v63  }
0xc5: {  	_ =	swait.ge [sflag:s26], $0x1400  }
0xc6: {  	[sflag:s26] =	ssyncset.done $0x0  }
0xc7: {  	s28 =	simm.s32 $0x1400;
	s9 =	sadd.s32 s9, s10;
	[sflag:s26] =	ssyncadd.s32 $0xFFFFEC00  }
0xc8: {  	[tilespmem:s28], [sflag:$0x5] =	stream.linear.gather [hbm4b:s9+s18], $0x1400, $0x38;
	[tilespmem:$0x1E800] =	vst v63  }
0xc9: {  	_ =	swait.ge [sflag:s26], $0x1400  }
0xca: {  	[sflag:s26] =	ssyncset.done $0x0  }
0xcb: {  	[sflag:s26] =	ssyncadd.s32 $0xFFFFEC00  }
0xcc: {  	[tilespmem:s13], [sflag:$0x1] =	stream.indirect.gather [hbm4b:s6+s12], $0x80, s18, s12, $0xb8;
	[tilespmem:$0x1E800] =	vst v63  }
0xcd: {  	_ = 	snop  }
0xce: {  	[tilespmem:s16], [sflag:$0x2] =	stream.indirect.gather [hbm4b:s6+s12], $0x80, s12, s12, $0xb8;
	[tilespmem:$0x1E800] =	vst v63  }
0xcf: {  	_ =	swait.ge [sflag:s11], $0x4000  }
0xd0: {  	[sflag:s11] =	ssyncset.done $0x0  }
0xd1: {  	s29 =	simm.s32 $0x1400;
	[sflag:s11] =	ssyncadd.s32 $0xFFFFC000  }
0xd2: {  	[spmem:s2] =	stream.indirect.scatter.add.f32 [tilespmem:s13], [sflag:$0x3], $0x80, s29, s12, $0xb8;
	[tilespmem:$0x1E800] =	vst v63  }
0xd3: {  	_ =	swait.ge [sflag:s14], $0x4000  }
0xd4: {  	[sflag:s14] =	ssyncset.done $0x0  }
0xd5: {  	s30 =	simm.s32 $0x100;
	[sflag:s14] =	ssyncadd.s32 $0xFFFFC000  }
0xd6: {  	[tilespmem:s13], [sflag:$0x1] =	stream.indirect.gather [hbm4b:s6+s12], $0x80, s30, s12, $0xb8;
	[tilespmem:$0x1E800] =	vst v63  }
0xd7: {  	_ =	swait.ge [sflag:s15], $0x4000  }
0xd8: {  	[sflag:s15] =	ssyncset.done $0x0  }
0xd9: {  	s31 =	simm.s32 $0x1480;
	[sflag:s15] =	ssyncadd.s32 $0xFFFFC000  }
0xda: {  	[spmem:s2] =	stream.indirect.scatter.add.f32 [tilespmem:s16], [sflag:$0x4], $0x80, s31, s12, $0xb8;
	[tilespmem:$0x1E800] =	vst v63  }
0xdb: {  	_ =	swait.ge [sflag:s17], $0x4000  }
0xdc: {  	[sflag:s17] =	ssyncset.done $0x0  }
0xdd: {  	s8 =	simm.s32 $0x400;
	s9 =	simm.s32 $0x180;
	[sflag:s17] =	ssyncadd.s32 $0xFFFFC000  }
.LBB2_7:
0xde: {  	[tilespmem:s16], [sflag:$0x2] =	stream.indirect.gather [hbm4b:s6+s12], $0x80, s9, s12, $0xb8;
	[tilespmem:$0x1E800] =	vst v63  }
0xdf: {  	s9 =	smov.u32 s8  }
0xe0: {  	p0 =	sne.s32 s8, $0x4800;
	s8 =	sadd.s32 $0x400, s8;
	_ =	swait.ge [sflag:s11], $0x4000  }
0xe1: {  	s9 =	sshra.s32 s9, $0x2;
	[sflag:s11] =	ssyncset.done $0x0  }
0xe2: {  	s10 =	sadd.s32 $0x1400, s9;
	[sflag:s11] =	ssyncadd.s32 $0xFFFFC000  }
0xe3: {  	[spmem:s2] =	stream.indirect.scatter.add.f32 [tilespmem:s13], [sflag:$0x3], $0x80, s10, s12, $0xb8;
	[tilespmem:$0x1E800] =	vst v63  }
0xe4: {  	_ =	swait.ge [sflag:s14], $0x4000  }
0xe5: {  	[sflag:s14] =	ssyncset.done $0x0  }
0xe6: {  	s10 =	sadd.s32 $0x100, s9;
	[sflag:s14] =	ssyncadd.s32 $0xFFFFC000  }
0xe7: {  	[tilespmem:s13], [sflag:$0x1] =	stream.indirect.gather [hbm4b:s6+s12], $0x80, s10, s12, $0xb8;
	[tilespmem:$0x1E800] =	vst v63  }
0xe8: {  	_ =	swait.ge [sflag:s15], $0x4000  }
0xe9: {  	[sflag:s15] =	ssyncset.done $0x0  }
.Ltmp3:
0xea: {  	s10 =	sadd.s32 $0x1480, s9;
	[sflag:s15] =	ssyncadd.s32 $0xFFFFC000;
	(pc) =	sbr.rel @p0 .LBB2_7-.Ltmp3, $4  }
0xeb: {  	[spmem:s2] =	stream.indirect.scatter.add.f32 [tilespmem:s16], [sflag:$0x4], $0x80, s10, s12, $0xb8;
	[tilespmem:$0x1E800] =	vst v63  }
0xec: {  	_ =	swait.ge [sflag:s17], $0x4000  }
0xed: {  	[sflag:s17] =	ssyncset.done $0x0  }
0xee: {  	s9 =	sadd.s32 $0x180, s9;
	[sflag:s17] =	ssyncadd.s32 $0xFFFFC000  }
0xef: {  	[tilespmem:s16], [sflag:$0x2] =	stream.indirect.gather [hbm4b:s6+s12], $0x80, s9, s12, $0xb8;
	[tilespmem:$0x1E800] =	vst v63  }
0xf0: {  	s21 =	simm.s32 $0x1  }
0xf1: {  	_ =	swait.ge [sflag:s21], $0x4000  }
0xf2: {  	s22 =	simm.s32 $0x80;
	s8 =	simm.s32 $0x2700;
	[sflag:s21] =	ssyncset.done $0x0  }
0xf3: {  	s23 =	simm.s32 $0x2800;
	s24 =	simm.s32 $0x3;
	[sflag:s21] =	ssyncadd.s32 $0xFFFFC000  }
0xf4: {  	[spmem:s2] =	stream.indirect.scatter.add.f32 [tilespmem:s23], [sflag:$0x3], $0x80, s8, s22, $0xb8;
	[tilespmem:$0x1E800] =	vst v63  }
0xf5: {  	_ =	swait.ge [sflag:s24], $0x4000  }
0xf6: {  	[sflag:s24] =	ssyncset.done $0x0  }
0xf7: {  	s25 =	simm.s32 $0x2;
	[sflag:s24] =	ssyncadd.s32 $0xFFFFC000  }
0xf8: {  	_ =	swait.ge [sflag:s25], $0x4000  }
0xf9: {  	s26 =	simm.s32 $0x2780;
	[sflag:s25] =	ssyncset.done $0x0  }
0xfa: {  	s28 =	simm.s32 $0x6800;
	s29 =	simm.s32 $0x4;
	[sflag:s25] =	ssyncadd.s32 $0xFFFFC000  }
0xfb: {  	[spmem:s2] =	stream.indirect.scatter.add.f32 [tilespmem:s28], [sflag:$0x4], $0x80, s26, s22, $0xb8;
	[tilespmem:$0x1E800] =	vst v63  }
0xfc: {  	_ =	swait.ge [sflag:s29], $0x4000  }
0xfd: {  	[sflag:s29] =	ssyncset.done $0x0  }
0xfe: {  	[sflag:s29] =	ssyncadd.s32 $0xFFFFC000  }
0xff: {  	s30 =	sadd.s32 s7, s3;
	s31 =	simm.s32 $0x5;
	[bflag:$0x0] =	sbarrier.arrive $0xFFFF  }
0x100: {  	[hbm:s30], [sflag:s4] =	dma.local [spmem:s5], $0x2800  }
0x101: {  	_ =	swait.ge [sflag:s31], $0x2800  }
0x102: {  	[sflag:s31] =	ssyncset.done $0x0  }
0x103: {  	[sflag:s31] =	ssyncadd.s32 $0xFFFFD800  }
0x104: {  	_ =	sfence.sel $0x180000  }
0x105: {  	[bflag:$0x0] =	sbarrier.arrive $0xFFFF  }
0x106: {  	p0 =	sne.s32 s1, $0x0;
	_ =	strace $0x9000004D  }
0x107: {  	s0 =	sadd.s32 @!p0 $0x100000, s0;
	[bflag:$0x2] =	sbarrier.arrive $0xFFFF  }
0x108: {  	[sflag:s0] =	ssyncadd.tile.s32 @!p0 $0x1;
	_ =	shalt  }
.Lfunc_end2:
_tile_overlayer_lowered:
.L_overlay_start_2:
0x109: {  	(tag) =	ssettag $0x2  }
0x10a: {  	s0 =	rddreg [dreg:$0x0];
	s2 =	stileid.u32  }
0x10b: {  	s1 =	rddreg [dreg:$0x1];
	p0 =	sne.s32 s2, $0x0  }
0x10c: {  	s3 =	rddreg [dreg:$0x2];
	[bflag:$0x3] =	sbarrier.arrive $0xFFFF;
	s2 =	simm.s32 @!p0 $0x1C05  }
0x10d: {  	[timem:s3], [sflag:s2] =	dma.local @!p0 [hbm:s0], s1  }
0x10e: {  	s0 =	simm.s32 @!p0 $0x5  }
0x10f: {  	_ =	swait.ge @!p0 [sflag:s0], s1  }
0x110: {  	s1 =	ssub.s32 @!p0 $0x0, s1;
	[sflag:s0] =	ssyncset.done @!p0 $0x0  }
0x111: {  	[sflag:s0] =	ssyncadd.s32 @!p0 s1  }
0x112: {  	[bflag:$0x3] =	sbarrier.arrive $0xFFFF  }
0x113: {  	_ =	shalt  }

// kernel: kernel.9.cloned.1.call-start
scs
__scs_entry_jumppad:
0x0: {  	(pc) =	sbr.rel $0x88, $3  }
0x1: {  	(tag) =	ssettag $0x0;
	lr =	simm.s32 $0x1  }
0x2: {  	[smem:$0x3F92] =	sst lr;
	_ =	strace $0xD0000000  }
0x3: {  	_ = 	snop  }
0x4: {  	_ = 	snop  }
0x5: {  	_ = 	snop  }
0x6: {  	_ = 	snop  }
0x7: {  	_ = 	snop  }
__scs_overlays_trampoline_lowered:
0x8: {  	[smem:$0x3FA1] =	sst s0  }
0x9: {  	[smem:$0x3FA2] =	sst s1  }
0xa: {  	[smem:$0x3FA3] =	sst s2  }
0xb: {  	[smem:$0x3FA4] =	sst s3  }
0xc: {  	[smem:$0x3FA5] =	sst s4  }
0xd: {  	[smem:$0x3FA6] =	sst s5  }
0xe: {  	[smem:$0x3FA7] =	sst s6  }
0xf: {  	[smem:$0x3FA8] =	sst s7  }
0x10: {  	[smem:$0x3FA9] =	sst s8  }
0x11: {  	[smem:$0x3FAA] =	sst s9;
	s0 =	simm.s32 @!p0 $0x0  }
0x12: {  	s1 =	sld [smem:$0x3F90];
	s0 =	simm.s32 @p0 $0x1  }
0x13: {  	[smem:$0x3FAB] =	sst s0;
	s0 =	simm.s32 @!p1 $0x0  }
0x14: {  	s2 =	sld [smem:$0x3F8F];
	s0 =	simm.s32 @p1 $0x1  }
0x15: {  	[smem:$0x3FAC] =	sst s0;
	s0 =	simm.s32 @!p2 $0x0  }
0x16: {  	s3 =	sld [smem:$0x3FDB];
	s0 =	simm.s32 @p2 $0x1  }
0x17: {  	s4 =	simm.s32 $0x1BF5;
	[smem:$0x3FAE] =	sst s0  }
0x18: {  	s0 =	sld [smem:$0x3F91];
	_ =	swait.ge [sflag:s4], $0x0  }
0x19: {  	s7 =	sld [smem:$0x3F92]  }
0x1a: {  	s8 =	sadd.s32 $0xFFFFE003, lr  }
0x1b: {  	s9 =	sadd.s32 $0xFFFFFEF7, lr;
	s5 =	simm.s32 $0xFFFFFFFF;
	p2 =	slt.u32 s8, $0xFFFFF086  }
0x1c: {  	p1 =	slt.u32 s9, $0xF7A;
	s5 =	simm.s32 @!p2 $0x0  }
0x1d: {  	s5 =	simm.s32 @p1 $0x1;
	p0 =	seq.s32 s7, s2  }
0x1e: {  	s7 =	smul.u32 @!p0 $0xF7A, s2;
	p2 =	seq.s32 @!p0 s5, $0x0  }
0x1f: {  	s9 =	smul.u32 $0xF7A, s1;
	s8 =	simm.s32 @!p0 $0x1BF5;
	p2 =	por !p2, p0  }
0x20: {  	[sflag:s8] =	ssyncset.s32 @!p0 $0xFFFFF086;
	s6 =	sadd.s32 @!p0 s3, s7;
	s7 =	simm.s32 @!p0 $0x108  }
0x21: {  	s3 =	sadd.s32 s3, s9;
	s6 =	sadd.s32 @!p0 $0x88, s6;
	s7 =	simm.s32 @p2 $0x1082  }
0x22: {  	[simem:s7], [sflag:s8] =	dma.local @!p0 [hbm:s6], $0xF7A  }
0x23: {  	s9 =	sor.u32 $0xD0000000, s2;
	s6 =	simm.s32 $0x108;
	_ =	swait.ge @!p0 [sflag:s8], $0x0  }
0x24: {  	s3 =	sadd.s32 $0x88, s3;
	s6 =	simm.s32 @!p1 $0x1082;
	[sflag:s4] =	ssyncset.s32 $0xFFFFF086  }
0x25: {  	[simem:s6], [sflag:s4] =	dma.local [hbm:s3], $0xF7A  }
0x26: {  	[smem:$0x3F92] =	sst s1;
	(tag) =	ssettag s2;
	_ =	strace s9  }
0x27: {  	s1 =	sld [smem:$0x3FA2]  }
0x28: {  	s2 =	sld [smem:$0x3FA3]  }
0x29: {  	s4 =	sld [smem:$0x3FA5]  }
0x2a: {  	p0 =	seq.s32 s5, $0x0;
	s5 =	sld [smem:$0x3FA6]  }
0x2b: {  	s6 =	sld [smem:$0x3FA7]  }
0x2c: {  	s7 =	sld [smem:$0x3FA8]  }
0x2d: {  	s3 =	simm.s32 $0x108;
	s8 =	sld [smem:$0x3FA9]  }
0x2e: {  	s3 =	simm.s32 @!p0 $0x1082;
	s9 =	sld [smem:$0x3FAA]  }
0x2f: {  	lr =	sadd.s32 s0, s3;
	s0 =	sld [smem:$0x3FA1]  }
0x30: {  	s3 =	sld [smem:$0x3FA4]  }
0x31: {  	[smem:$0x3FAD] =	sst s10  }
0x32: {  	s10 =	sld [smem:$0x3FAB];
	_ =	sdelay $0x3  }
0x33: {  	p0 =	seq.s32 s10, $0x1;
	s10 =	sld [smem:$0x3FAD];
	_ =	sdelay $0x3  }
0x34: {  	[smem:$0x3FAD] =	sst s10  }
0x35: {  	s10 =	sld [smem:$0x3FAC];
	_ =	sdelay $0x3  }
0x36: {  	p1 =	seq.s32 s10, $0x1;
	s10 =	sld [smem:$0x3FAD];
	_ =	sdelay $0x3  }
0x37: {  	[smem:$0x3FAD] =	sst s10  }
0x38: {  	s10 =	sld [smem:$0x3FAE]  }
0x39: {  	_ = 	snop;
	(pc) =	sbr.ind lr, $3  }
0x3a: {  	_ = 	snop  }
0x3b: {  	_ = 	snop  }
0x3c: {  	p2 =	seq.s32 s10, $0x1;
	s10 =	sld [smem:$0x3FAD]  }
0x3d: {  	_ =	shalt  }
0x3e: {  	_ =	shalt  }
0x3f: {  	_ =	shalt  }
0x40: {  	_ =	shalt  }
0x41: {  	_ =	shalt  }
0x42: {  	_ =	shalt  }
0x43: {  	_ =	shalt  }
0x44: {  	_ =	shalt  }
0x45: {  	_ =	shalt  }
0x46: {  	_ =	shalt  }
0x47: {  	_ =	shalt  }
0x48: {  	_ =	shalt  }
0x49: {  	_ =	shalt  }
0x4a: {  	_ =	shalt  }
0x4b: {  	_ =	shalt  }
0x4c: {  	_ =	shalt  }
0x4d: {  	_ =	shalt  }
0x4e: {  	_ =	shalt  }
0x4f: {  	_ =	shalt  }
0x50: {  	_ =	shalt  }
0x51: {  	_ =	shalt  }
0x52: {  	_ =	shalt  }
0x53: {  	_ =	shalt  }
0x54: {  	_ =	shalt  }
0x55: {  	_ =	shalt  }
0x56: {  	_ =	shalt  }
0x57: {  	_ =	shalt  }
0x58: {  	_ =	shalt  }
0x59: {  	_ =	shalt  }
0x5a: {  	_ =	shalt  }
0x5b: {  	_ =	shalt  }
0x5c: {  	_ =	shalt  }
0x5d: {  	_ =	shalt  }
0x5e: {  	_ =	shalt  }
0x5f: {  	_ =	shalt  }
0x60: {  	_ =	shalt  }
0x61: {  	_ =	shalt  }
0x62: {  	_ =	shalt  }
0x63: {  	_ =	shalt  }
0x64: {  	_ =	shalt  }
0x65: {  	_ =	shalt  }
0x66: {  	_ =	shalt  }
0x67: {  	_ =	shalt  }
0x68: {  	_ =	shalt  }
0x69: {  	_ =	shalt  }
0x6a: {  	_ =	shalt  }
0x6b: {  	_ =	shalt  }
0x6c: {  	_ =	shalt  }
0x6d: {  	_ =	shalt  }
0x6e: {  	_ =	shalt  }
0x6f: {  	_ =	shalt  }
0x70: {  	_ =	shalt  }
0x71: {  	_ =	shalt  }
0x72: {  	_ =	shalt  }
0x73: {  	_ =	shalt  }
0x74: {  	_ =	shalt  }
0x75: {  	_ =	shalt  }
0x76: {  	_ =	shalt  }
0x77: {  	_ =	shalt  }
0x78: {  	_ =	shalt  }
0x79: {  	_ =	shalt  }
0x7a: {  	_ =	shalt  }
0x7b: {  	_ =	shalt  }
0x7c: {  	_ =	shalt  }
0x7d: {  	_ =	shalt  }
0x7e: {  	_ =	shalt  }
0x7f: {  	_ =	shalt  }
0x80: {  	_ =	shalt  }
0x81: {  	_ =	shalt  }
0x82: {  	_ =	shalt  }
0x83: {  	_ =	shalt  }
0x84: {  	_ =	shalt  }
0x85: {  	_ =	shalt  }
0x86: {  	_ =	shalt  }
0x87: {  	_ =	shalt  }
.Lfunc_end0:
.L_simem_size_0:
called_computation_lowered:
.L_overlay_start_0:
0x88: {  	s0 =	sld [smem:$0x3FD9]  }
0x89: {  	s1 =	sld [smem:$0x3FFE];
	_ =	sdelay $0x3  }
0x8a: {  	s0 =	sadd.s32 s1, s0  }
0x8b: {  	[smem:$0x3FB9] =	sst s0  }
0x8c: {  	_ = 	snop  }
0x8d: {  	(tm) =	ssettm $0x1  }
0x8e: {  	s15 =	sld [smem:$0x3FFB];
	_ =	sdelay $0x3  }
0x8f: {  	_ =	strace s15  }
0x90: {  	s0 =	sld [smem:$0x3FFC];
	_ =	sdelay $0x3  }
0x91: {  	_ =	strace s0  }
0x92: {  	s0 =	sld [smem:$0x3FFD];
	_ =	sdelay $0x3  }
0x93: {  	_ =	strace s0  }
0x94: {  	_ =	strace $0x8FFFFFFF  }
0x95: {  	s16 =	sld [smem:$0x3FDB];
	_ =	sdelay $0x1  }
0x96: {  	s17 =	simm.s32 $_scs_section_size  }
0x97: {  	s2 =	simm.s32 $_size__tile_overlayer_lowered;
	s3 =	simm.s32 $_tile_overlayer_lowered  }
0x98: {  	s20 =	simm.s32 $0x1BFF;
	s19 =	sshll.u32 s3, $0x1;
	s0 =	sadd.s32 s17, s16  }
0x99: {  	s4 =	simm.s32 $0x0;
	s18 =	sshll.u32 s2, $0x1;
	s2 =	sadd.s32 s19, s0  }
0x9a: {  	[timem:s4], [sflag:s20] =	dma.local [hbm:s2], s18  }
0x9b: {  	_ =	swait.ge [sflag:s20], s18  }
0x9c: {  	s1 =	ssub.s32 $0x0, s18;
	[sflag:s20] =	ssyncset.done $0x0  }
0x9d: {  	[sflag:s20] =	ssyncadd.s32 s1;
	_ =	sdelay $0x1  }
0x9e: {  	s21 =	simm.s32 $0x1B8B  }
0x9f: {  	_ =	swait.ge [sflag:s21], $0x1  }
0xa0: {  	[sflag:s21] =	ssyncset.done $0x0  }
0xa1: {  	s23 =	simm.s32 $0x1B8E;
	s22 =	sld [smem:$0x3FFE];
	[sflag:s21] =	ssyncadd.s32 $0xFFFFFFFF  }
0xa2: {  	s24 =	simm.s32 $execute0_lowered;
	[smem:$0x3FD2] =	sst s23  }
0xa3: {  	s2 =	sshll.u32 s24, $0x1;
	_ =	strace $0x80000046;
	[dreg:$0x1] =	wrdreg $0xFFFFFFFF  }
0xa4: {  	s25 =	simm.s32 $_size_execute0_lowered;
	s0 =	sadd.s32 s0, s2;
	[dreg:$0x0] =	wrdreg $0x0  }
0xa5: {  	s2 =	sshll.u32 s25, $0x1;
	[dreg:$0x2] =	wrdreg s0  }
0xa6: {  	[dreg:$0x3] =	wrdreg s2  }
0xa7: {  	[dreg:$0x4] =	wrdreg $0xC0  }
0xa8: {  	_ =	task [dreg:s4], $0x5FFFF  }
0xa9: {  	[dreg:$0x1] =	wrdreg $0xFFFFFFFF  }
0xaa: {  	[dreg:$0x0] =	wrdreg $0x60  }
0xab: {  	[dreg:$0x2] =	wrdreg s22  }
0xac: {  	[dreg:$0x3] =	wrdreg $0xA8000  }
0xad: {  	[dreg:$0x4] =	wrdreg $0x9  }
0xae: {  	_ =	task.clear_ibuf [dreg:s4], $0x5FFFF;
	_ =	strace $0x90000046  }
0xaf: {  	s26 =	simm.s32 $0x9;
	_ =	strace $0x80000048  }
0xb0: {  	_ =	swait.ge [sflag:s26], $0x1  }
0xb1: {  	[sflag:s26] =	ssyncadd.s32 $0xFFFFFFFF  }
0xb2: {  	_ =	strace $0x90000048  }
0xb3: {  	_ =	sfence  }
0xb4: {  	s28 =	sld [smem:$0x0];
	_ =	sdelay $0x1  }
0xb5: {  	s29 =	srdreg.scid  }
0xb6: {  	s30 =	sshll.u32 s29, $0xD;
	s31 =	sshrl.u32 s29, $0x2  }
0xb7: {  	s1 =	sand.u32 $0x1, s29;
	s2 =	sand.u32 $0x4000, s30;
	s0 =	sadd.s32 s31, s28  }
0xb8: {  	s1 =	sor.u32 s2, s1;
	s0 =	sshll.u32 s0, $0x11  }
0xb9: {  	s0 =	sor.u32 s0, s1  }
0xba: {  	s0 =	sadd.s32 $0x8F2B, s0  }
0xbb: {  	[sflag:s0] =	ssyncadd.remote.s32 $0x1  }
0xbc: {  	_ =	sfence.sel $0xFFFF  }
0xbd: {  	[dreg:$0x0] =	wrdreg $0xFFFFFFFF;
	(pc) =	sbr.abs _section_cstart, $3  }
0xbe: {  	[dreg:$0x1] =	wrdreg $0xFFFFFFFF  }
0xbf: {  	_ =	task.clear_ibuf [dreg:s4], $0x2FFFF;
	_ =	strace $0x9FFFFFFF  }
0xc0: {  	(tm) =	ssettm $0x7FFFFFFF  }
0xc1: {  	_ =	shalt  }
tec
execute0_lowered:
.L_overlay_start_1:
0x0: {  	(tag) =	ssettag $0x1  }
0x1: {  	s7 =	rddreg [dreg:$0x0]  }
0x2: {  	s2 =	rddreg [dreg:$0x1];
	s1 =	stileid.u32  }
0x3: {  	s0 =	rddreg [dreg:$0x2];
	s4 =	smul.u32 $0x50000, s1  }
0x4: {  	s13 =	simm.s32 $0x0;
	s11 =	simm.s32 $0x5;
	s3 =	smul.u32 $0x2800, s1  }
0x5: {  	[smem:$0x7FF] =	sst s13;
	s29 =	sshll.u32 s1, $0x6;
	s4 =	sshrl.u32 s4, $0x2  }
0x6: {  	_ =	strace $0x80000047;
	s5 =	sadd.s32 s3, s7;
	s6 =	sadd.s32 s4, s2  }
0x7: {  	s8 =	sadd.s32 $0x3DE00, s5;
	s4 =	sor.u32 $0x1C05, s29;
	s5 =	sshrl.u32 s6, $0x3  }
0x8: {  	[spmem:s5], [sflag:s4] =	dma.local [hbm:s8], $0x2800  }
0x9: {  	s30 =	smul.u32 $0x5000, s1;
	_ =	swait.ge [sflag:s11], $0x2800  }
0xa: {  	[sflag:s11] =	ssyncset.done $0x0  }
0xb: {  	s10 =	sshrl.u32 s30, $0x3;
	s8 =	sadd.s32 $0x2C00, s7;
	[sflag:s11] =	ssyncadd.s32 $0xFFFFD800  }
0xc: {  	s6 =	sadd.s32 s8, s10;
	[bflag:$0x0] =	sbarrier.arrive $0xFFFF  }
0xd: {  	[tilespmem:s13], [sflag:$0x5] =	stream.linear.gather [hbm4b:s6+s13], $0x1400, $0x38;
	[tilespmem:$0x1E800] =	vst v63  }
0xe: {  	_ =	swait.ge [sflag:s11], $0x1400  }
0xf: {  	s9 =	sadd.s32 $0xCC00, s7;
	[sflag:s11] =	ssyncset.done $0x0  }
0x10: {  	s12 =	simm.s32 $0x1400;
	s31 =	sadd.s32 s9, s10;
	[sflag:s11] =	ssyncadd.s32 $0xFFFFEC00  }
0x11: {  	[tilespmem:s12], [sflag:$0x5] =	stream.linear.gather [hbm4b:s31+s13], $0x1400, $0x38;
	[tilespmem:$0x1E800] =	vst v63  }
0x12: {  	_ =	swait.ge [sflag:s11], $0x1400  }
0x13: {  	s6 =	sadd.s32 $0x16C00, s7;
	[sflag:s11] =	ssyncset.done $0x0  }
0x14: {  	s12 =	simm.s32 $0x2800;
	[sflag:s11] =	ssyncadd.s32 $0xFFFFEC00;
	s11 =	simm.s32 $0x80  }
0x15: {  	[tilespmem:s12], [sflag:$0x1] =	stream.indirect.gather [hbm4b:s6+s11], $0x80, s13, s11, $0xb8;
	[tilespmem:$0x1E800] =	vst v63  }
0x16: {  	s14 =	simm.s32 $0x1;
	s13 =	simm.s32 $0x6800  }
0x17: {  	[tilespmem:s13], [sflag:$0x2] =	stream.indirect.gather [hbm4b:s6+s11], $0x80, s11, s11, $0xb8;
	[tilespmem:$0x1E800] =	vst v63  }
0x18: {  	_ =	swait.ge [sflag:s14], $0x4000  }
0x19: {  	[sflag:s14] =	ssyncset.done $0x0  }
0x1a: {  	s15 =	simm.s32 $0x3;
	s16 =	simm.s32 $0x1400;
	[sflag:s14] =	ssyncadd.s32 $0xFFFFC000  }
0x1b: {  	[spmem:s2] =	stream.indirect.scatter.add.f32 [tilespmem:s12], [sflag:$0x3], $0x80, s16, s11, $0xb8;
	[tilespmem:$0x1E800] =	vst v63  }
0x1c: {  	_ =	swait.ge [sflag:s15], $0x4000  }
0x1d: {  	[sflag:s15] =	ssyncset.done $0x0  }
0x1e: {  	s17 =	simm.s32 $0x100;
	s16 =	simm.s32 $0x2;
	[sflag:s15] =	ssyncadd.s32 $0xFFFFC000  }
0x1f: {  	[tilespmem:s12], [sflag:$0x1] =	stream.indirect.gather [hbm4b:s6+s11], $0x80, s17, s11, $0xb8;
	[tilespmem:$0x1E800] =	vst v63  }
0x20: {  	_ =	swait.ge [sflag:s16], $0x4000  }
0x21: {  	[sflag:s16] =	ssyncset.done $0x0  }
0x22: {  	s18 =	simm.s32 $0x1480;
	s17 =	simm.s32 $0x4;
	[sflag:s16] =	ssyncadd.s32 $0xFFFFC000  }
0x23: {  	[spmem:s2] =	stream.indirect.scatter.add.f32 [tilespmem:s13], [sflag:$0x4], $0x80, s18, s11, $0xb8;
	[tilespmem:$0x1E800] =	vst v63  }
0x24: {  	_ =	swait.ge [sflag:s17], $0x4000  }
0x25: {  	s19 =	simm.s32 $0x180;
	[sflag:s17] =	ssyncset.done $0x0  }
0x26: {  	s7 =	sadd.s32 $0x65E00, s7;
	s18 =	simm.s32 $0x400;
	[sflag:s17] =	ssyncadd.s32 $0xFFFFC000  }
.LBB2_1:
0x27: {  	[tilespmem:s13], [sflag:$0x2] =	stream.indirect.gather [hbm4b:s6+s11], $0x80, s19, s11, $0xb8;
	[tilespmem:$0x1E800] =	vst v63  }
0x28: {  	s19 =	smov.u32 s18  }
0x29: {  	p0 =	sne.s32 s18, $0x4800;
	s18 =	sadd.s32 $0x400, s18;
	_ =	swait.ge [sflag:s14], $0x4000  }
0x2a: {  	s19 =	sshra.s32 s19, $0x2;
	[sflag:s14] =	ssyncset.done $0x0  }
0x2b: {  	s20 =	sadd.s32 $0x1400, s19;
	[sflag:s14] =	ssyncadd.s32 $0xFFFFC000  }
0x2c: {  	[spmem:s2] =	stream.indirect.scatter.add.f32 [tilespmem:s12], [sflag:$0x3], $0x80, s20, s11, $0xb8;
	[tilespmem:$0x1E800] =	vst v63  }
0x2d: {  	_ =	swait.ge [sflag:s15], $0x4000  }
0x2e: {  	[sflag:s15] =	ssyncset.done $0x0  }
0x2f: {  	s20 =	sadd.s32 $0x100, s19;
	[sflag:s15] =	ssyncadd.s32 $0xFFFFC000  }
0x30: {  	[tilespmem:s12], [sflag:$0x1] =	stream.indirect.gather [hbm4b:s6+s11], $0x80, s20, s11, $0xb8;
	[tilespmem:$0x1E800] =	vst v63  }
0x31: {  	_ =	swait.ge [sflag:s16], $0x4000  }
0x32: {  	[sflag:s16] =	ssyncset.done $0x0  }
.Ltmp0:
0x33: {  	s20 =	sadd.s32 $0x1480, s19;
	[sflag:s16] =	ssyncadd.s32 $0xFFFFC000;
	(pc) =	sbr.rel @p0 .LBB2_1-.Ltmp0, $4  }
0x34: {  	[spmem:s2] =	stream.indirect.scatter.add.f32 [tilespmem:s13], [sflag:$0x4], $0x80, s20, s11, $0xb8;
	[tilespmem:$0x1E800] =	vst v63  }
0x35: {  	_ =	swait.ge [sflag:s17], $0x4000  }
0x36: {  	[sflag:s17] =	ssyncset.done $0x0  }
0x37: {  	s19 =	sadd.s32 $0x180, s19;
	[sflag:s17] =	ssyncadd.s32 $0xFFFFC000  }
0x38: {  	[tilespmem:s13], [sflag:$0x2] =	stream.indirect.gather [hbm4b:s6+s11], $0x80, s19, s11, $0xb8;
	[tilespmem:$0x1E800] =	vst v63  }
0x39: {  	s11 =	simm.s32 $0x1  }
0x3a: {  	_ =	swait.ge [sflag:s11], $0x4000  }
0x3b: {  	s12 =	simm.s32 $0x80;
	[sflag:s11] =	ssyncset.done $0x0  }
0x3c: {  	s14 =	simm.s32 $0x2700;
	s13 =	simm.s32 $0x2800;
	[sflag:s11] =	ssyncadd.s32 $0xFFFFC000  }
0x3d: {  	[spmem:s2] =	stream.indirect.scatter.add.f32 [tilespmem:s13], [sflag:$0x3], $0x80, s14, s12, $0xb8;
	[tilespmem:$0x1E800] =	vst v63  }
0x3e: {  	s14 =	simm.s32 $0x3  }
0x3f: {  	_ =	swait.ge [sflag:s14], $0x4000  }
0x40: {  	[sflag:s14] =	ssyncset.done $0x0  }
0x41: {  	s15 =	simm.s32 $0x2;
	[sflag:s14] =	ssyncadd.s32 $0xFFFFC000  }
0x42: {  	_ =	swait.ge [sflag:s15], $0x4000  }
0x43: {  	[sflag:s15] =	ssyncset.done $0x0  }
0x44: {  	s17 =	simm.s32 $0x2780;
	s16 =	simm.s32 $0x6800;
	[sflag:s15] =	ssyncadd.s32 $0xFFFFC000  }
0x45: {  	[spmem:s2] =	stream.indirect.scatter.add.f32 [tilespmem:s16], [sflag:$0x4], $0x80, s17, s12, $0xb8;
	[tilespmem:$0x1E800] =	vst v63  }
0x46: {  	s17 =	simm.s32 $0x4  }
0x47: {  	_ =	swait.ge [sflag:s17], $0x4000  }
0x48: {  	s18 =	sadd.s32 $0x280, s10;
	s20 =	simm.s32 $0x0;
	[sflag:s17] =	ssyncset.done $0x0  }
0x49: {  	s28 =	simm.s32 $0x5;
	s26 =	sadd.s32 s8, s18;
	[sflag:s17] =	ssyncadd.s32 $0xFFFFC000  }
0x4a: {  	[tilespmem:s20], [sflag:$0x5] =	stream.linear.gather [hbm4b:s26+s20], $0x1400, $0x38;
	[tilespmem:$0x1E800] =	vst v63  }
0x4b: {  	_ =	swait.ge [sflag:s28], $0x1400  }
0x4c: {  	[sflag:s28] =	ssyncset.done $0x0  }
0x4d: {  	s21 =	simm.s32 $0x1400;
	s18 =	sadd.s32 s9, s18;
	[sflag:s28] =	ssyncadd.s32 $0xFFFFEC00  }
0x4e: {  	[tilespmem:s21], [sflag:$0x5] =	stream.linear.gather [hbm4b:s18+s20], $0x1400, $0x38;
	[tilespmem:$0x1E800] =	vst v63  }
0x4f: {  	_ =	swait.ge [sflag:s28], $0x1400  }
0x50: {  	[sflag:s28] =	ssyncset.done $0x0  }
0x51: {  	[sflag:s28] =	ssyncadd.s32 $0xFFFFEC00  }
0x52: {  	[tilespmem:s13], [sflag:$0x1] =	stream.indirect.gather [hbm4b:s6+s12], $0x80, s20, s12, $0xb8;
	[tilespmem:$0x1E800] =	vst v63  }
0x53: {  	_ = 	snop  }
0x54: {  	[tilespmem:s16], [sflag:$0x2] =	stream.indirect.gather [hbm4b:s6+s12], $0x80, s12, s12, $0xb8;
	[tilespmem:$0x1E800] =	vst v63  }
0x55: {  	_ =	swait.ge [sflag:s11], $0x4000  }
0x56: {  	[sflag:s11] =	ssyncset.done $0x0  }
0x57: {  	s29 =	simm.s32 $0x1400;
	[sflag:s11] =	ssyncadd.s32 $0xFFFFC000  }
0x58: {  	[spmem:s2] =	stream.indirect.scatter.add.f32 [tilespmem:s13], [sflag:$0x3], $0x80, s29, s12, $0xb8;
	[tilespmem:$0x1E800] =	vst v63  }
0x59: {  	_ =	swait.ge [sflag:s14], $0x4000  }
0x5a: {  	[sflag:s14] =	ssyncset.done $0x0  }
0x5b: {  	s30 =	simm.s32 $0x100;
	[sflag:s14] =	ssyncadd.s32 $0xFFFFC000  }
0x5c: {  	[tilespmem:s13], [sflag:$0x1] =	stream.indirect.gather [hbm4b:s6+s12], $0x80, s30, s12, $0xb8;
	[tilespmem:$0x1E800] =	vst v63  }
0x5d: {  	_ =	swait.ge [sflag:s15], $0x4000  }
0x5e: {  	[sflag:s15] =	ssyncset.done $0x0  }
0x5f: {  	s31 =	simm.s32 $0x1480;
	[sflag:s15] =	ssyncadd.s32 $0xFFFFC000  }
0x60: {  	[spmem:s2] =	stream.indirect.scatter.add.f32 [tilespmem:s16], [sflag:$0x4], $0x80, s31, s12, $0xb8;
	[tilespmem:$0x1E800] =	vst v63  }
0x61: {  	_ =	swait.ge [sflag:s17], $0x4000  }
0x62: {  	[sflag:s17] =	ssyncset.done $0x0  }
0x63: {  	s19 =	simm.s32 $0x180;
	s18 =	simm.s32 $0x400;
	[sflag:s17] =	ssyncadd.s32 $0xFFFFC000  }
.LBB2_3:
0x64: {  	[tilespmem:s16], [sflag:$0x2] =	stream.indirect.gather [hbm4b:s6+s12], $0x80, s19, s12, $0xb8;
	[tilespmem:$0x1E800] =	vst v63  }
0x65: {  	s19 =	smov.u32 s18  }
0x66: {  	p0 =	sne.s32 s18, $0x4800;
	s18 =	sadd.s32 $0x400, s18;
	_ =	swait.ge [sflag:s11], $0x4000  }
0x67: {  	s19 =	sshra.s32 s19, $0x2;
	[sflag:s11] =	ssyncset.done $0x0  }
0x68: {  	s20 =	sadd.s32 $0x1400, s19;
	[sflag:s11] =	ssyncadd.s32 $0xFFFFC000  }
0x69: {  	[spmem:s2] =	stream.indirect.scatter.add.f32 [tilespmem:s13], [sflag:$0x3], $0x80, s20, s12, $0xb8;
	[tilespmem:$0x1E800] =	vst v63  }
0x6a: {  	_ =	swait.ge [sflag:s14], $0x4000  }
0x6b: {  	[sflag:s14] =	ssyncset.done $0x0  }
0x6c: {  	s20 =	sadd.s32 $0x100, s19;
	[sflag:s14] =	ssyncadd.s32 $0xFFFFC000  }
0x6d: {  	[tilespmem:s13], [sflag:$0x1] =	stream.indirect.gather [hbm4b:s6+s12], $0x80, s20, s12, $0xb8;
	[tilespmem:$0x1E800] =	vst v63  }
0x6e: {  	_ =	swait.ge [sflag:s15], $0x4000  }
0x6f: {  	[sflag:s15] =	ssyncset.done $0x0  }
.Ltmp1:
0x70: {  	s20 =	sadd.s32 $0x1480, s19;
	[sflag:s15] =	ssyncadd.s32 $0xFFFFC000;
	(pc) =	sbr.rel @p0 .LBB2_3-.Ltmp1, $4  }
0x71: {  	[spmem:s2] =	stream.indirect.scatter.add.f32 [tilespmem:s16], [sflag:$0x4], $0x80, s20, s12, $0xb8;
	[tilespmem:$0x1E800] =	vst v63  }
0x72: {  	_ =	swait.ge [sflag:s17], $0x4000  }
0x73: {  	[sflag:s17] =	ssyncset.done $0x0  }
0x74: {  	s19 =	sadd.s32 $0x180, s19;
	[sflag:s17] =	ssyncadd.s32 $0xFFFFC000  }
0x75: {  	[tilespmem:s16], [sflag:$0x2] =	stream.indirect.gather [hbm4b:s6+s12], $0x80, s19, s12, $0xb8;
	[tilespmem:$0x1E800] =	vst v63  }
0x76: {  	s11 =	simm.s32 $0x1  }
0x77: {  	_ =	swait.ge [sflag:s11], $0x4000  }
0x78: {  	s12 =	simm.s32 $0x80;
	[sflag:s11] =	ssyncset.done $0x0  }
0x79: {  	s14 =	simm.s32 $0x2700;
	s13 =	simm.s32 $0x2800;
	[sflag:s11] =	ssyncadd.s32 $0xFFFFC000  }
0x7a: {  	[spmem:s2] =	stream.indirect.scatter.add.f32 [tilespmem:s13], [sflag:$0x3], $0x80, s14, s12, $0xb8;
	[tilespmem:$0x1E800] =	vst v63  }
0x7b: {  	s14 =	simm.s32 $0x3  }
0x7c: {  	_ =	swait.ge [sflag:s14], $0x4000  }
0x7d: {  	[sflag:s14] =	ssyncset.done $0x0  }
0x7e: {  	s15 =	simm.s32 $0x2;
	[sflag:s14] =	ssyncadd.s32 $0xFFFFC000  }
0x7f: {  	_ =	swait.ge [sflag:s15], $0x4000  }
0x80: {  	[sflag:s15] =	ssyncset.done $0x0  }
0x81: {  	s17 =	simm.s32 $0x2780;
	s16 =	simm.s32 $0x6800;
	[sflag:s15] =	ssyncadd.s32 $0xFFFFC000  }
0x82: {  	[spmem:s2] =	stream.indirect.scatter.add.f32 [tilespmem:s16], [sflag:$0x4], $0x80, s17, s12, $0xb8;
	[tilespmem:$0x1E800] =	vst v63  }
0x83: {  	s17 =	simm.s32 $0x4  }
0x84: {  	_ =	swait.ge [sflag:s17], $0x4000  }
0x85: {  	s18 =	sadd.s32 $0x500, s10;
	s20 =	simm.s32 $0x0;
	[sflag:s17] =	ssyncset.done $0x0  }
0x86: {  	s28 =	simm.s32 $0x5;
	s26 =	sadd.s32 s8, s18;
	[sflag:s17] =	ssyncadd.s32 $0xFFFFC000  }
0x87: {  	[tilespmem:s20], [sflag:$0x5] =	stream.linear.gather [hbm4b:s26+s20], $0x1400, $0x38;
	[tilespmem:$0x1E800] =	vst v63  }
0x88: {  	_ =	swait.ge [sflag:s28], $0x1400  }
0x89: {  	[sflag:s28] =	ssyncset.done $0x0  }
0x8a: {  	s21 =	simm.s32 $0x1400;
	s18 =	sadd.s32 s9, s18;
	[sflag:s28] =	ssyncadd.s32 $0xFFFFEC00  }
0x8b: {  	[tilespmem:s21], [sflag:$0x5] =	stream.linear.gather [hbm4b:s18+s20], $0x1400, $0x38;
	[tilespmem:$0x1E800] =	vst v63  }
0x8c: {  	_ =	swait.ge [sflag:s28], $0x1400  }
0x8d: {  	[sflag:s28] =	ssyncset.done $0x0  }
0x8e: {  	[sflag:s28] =	ssyncadd.s32 $0xFFFFEC00  }
0x8f: {  	[tilespmem:s13], [sflag:$0x1] =	stream.indirect.gather [hbm4b:s6+s12], $0x80, s20, s12, $0xb8;
	[tilespmem:$0x1E800] =	vst v63  }
0x90: {  	_ = 	snop  }
0x91: {  	[tilespmem:s16], [sflag:$0x2] =	stream.indirect.gather [hbm4b:s6+s12], $0x80, s12, s12, $0xb8;
	[tilespmem:$0x1E800] =	vst v63  }
0x92: {  	_ =	swait.ge [sflag:s11], $0x4000  }
0x93: {  	[sflag:s11] =	ssyncset.done $0x0  }
0x94: {  	s29 =	simm.s32 $0x1400;
	[sflag:s11] =	ssyncadd.s32 $0xFFFFC000  }
0x95: {  	[spmem:s2] =	stream.indirect.scatter.add.f32 [tilespmem:s13], [sflag:$0x3], $0x80, s29, s12, $0xb8;
	[tilespmem:$0x1E800] =	vst v63  }
0x96: {  	_ =	swait.ge [sflag:s14], $0x4000  }
0x97: {  	[sflag:s14] =	ssyncset.done $0x0  }
0x98: {  	s30 =	simm.s32 $0x100;
	[sflag:s14] =	ssyncadd.s32 $0xFFFFC000  }
0x99: {  	[tilespmem:s13], [sflag:$0x1] =	stream.indirect.gather [hbm4b:s6+s12], $0x80, s30, s12, $0xb8;
	[tilespmem:$0x1E800] =	vst v63  }
0x9a: {  	_ =	swait.ge [sflag:s15], $0x4000  }
0x9b: {  	[sflag:s15] =	ssyncset.done $0x0  }
0x9c: {  	s31 =	simm.s32 $0x1480;
	[sflag:s15] =	ssyncadd.s32 $0xFFFFC000  }
0x9d: {  	[spmem:s2] =	stream.indirect.scatter.add.f32 [tilespmem:s16], [sflag:$0x4], $0x80, s31, s12, $0xb8;
	[tilespmem:$0x1E800] =	vst v63  }
0x9e: {  	_ =	swait.ge [sflag:s17], $0x4000  }
0x9f: {  	[sflag:s17] =	ssyncset.done $0x0  }
0xa0: {  	s19 =	simm.s32 $0x180;
	s18 =	simm.s32 $0x400;
	[sflag:s17] =	ssyncadd.s32 $0xFFFFC000  }
.LBB2_5:
0xa1: {  	[tilespmem:s16], [sflag:$0x2] =	stream.indirect.gather [hbm4b:s6+s12], $0x80, s19, s12, $0xb8;
	[tilespmem:$0x1E800] =	vst v63  }
0xa2: {  	s19 =	smov.u32 s18  }
0xa3: {  	p0 =	sne.s32 s18, $0x4800;
	s18 =	sadd.s32 $0x400, s18;
	_ =	swait.ge [sflag:s11], $0x4000  }
0xa4: {  	s19 =	sshra.s32 s19, $0x2;
	[sflag:s11] =	ssyncset.done $0x0  }
0xa5: {  	s20 =	sadd.s32 $0x1400, s19;
	[sflag:s11] =	ssyncadd.s32 $0xFFFFC000  }
0xa6: {  	[spmem:s2] =	stream.indirect.scatter.add.f32 [tilespmem:s13], [sflag:$0x3], $0x80, s20, s12, $0xb8;
	[tilespmem:$0x1E800] =	vst v63  }
0xa7: {  	_ =	swait.ge [sflag:s14], $0x4000  }
0xa8: {  	[sflag:s14] =	ssyncset.done $0x0  }
0xa9: {  	s20 =	sadd.s32 $0x100, s19;
	[sflag:s14] =	ssyncadd.s32 $0xFFFFC000  }
0xaa: {  	[tilespmem:s13], [sflag:$0x1] =	stream.indirect.gather [hbm4b:s6+s12], $0x80, s20, s12, $0xb8;
	[tilespmem:$0x1E800] =	vst v63  }
0xab: {  	_ =	swait.ge [sflag:s15], $0x4000  }
0xac: {  	[sflag:s15] =	ssyncset.done $0x0  }
.Ltmp2:
0xad: {  	s20 =	sadd.s32 $0x1480, s19;
	[sflag:s15] =	ssyncadd.s32 $0xFFFFC000;
	(pc) =	sbr.rel @p0 .LBB2_5-.Ltmp2, $4  }
0xae: {  	[spmem:s2] =	stream.indirect.scatter.add.f32 [tilespmem:s16], [sflag:$0x4], $0x80, s20, s12, $0xb8;
	[tilespmem:$0x1E800] =	vst v63  }
0xaf: {  	_ =	swait.ge [sflag:s17], $0x4000  }
0xb0: {  	[sflag:s17] =	ssyncset.done $0x0  }
0xb1: {  	s19 =	sadd.s32 $0x180, s19;
	[sflag:s17] =	ssyncadd.s32 $0xFFFFC000  }
0xb2: {  	[tilespmem:s16], [sflag:$0x2] =	stream.indirect.gather [hbm4b:s6+s12], $0x80, s19, s12, $0xb8;
	[tilespmem:$0x1E800] =	vst v63  }
0xb3: {  	s11 =	simm.s32 $0x1  }
0xb4: {  	_ =	swait.ge [sflag:s11], $0x4000  }
0xb5: {  	s12 =	simm.s32 $0x80;
	[sflag:s11] =	ssyncset.done $0x0  }
0xb6: {  	s14 =	simm.s32 $0x2700;
	s13 =	simm.s32 $0x2800;
	[sflag:s11] =	ssyncadd.s32 $0xFFFFC000  }
0xb7: {  	[spmem:s2] =	stream.indirect.scatter.add.f32 [tilespmem:s13], [sflag:$0x3], $0x80, s14, s12, $0xb8;
	[tilespmem:$0x1E800] =	vst v63  }
0xb8: {  	s14 =	simm.s32 $0x3  }
0xb9: {  	_ =	swait.ge [sflag:s14], $0x4000  }
0xba: {  	[sflag:s14] =	ssyncset.done $0x0  }
0xbb: {  	s15 =	simm.s32 $0x2;
	[sflag:s14] =	ssyncadd.s32 $0xFFFFC000  }
0xbc: {  	_ =	swait.ge [sflag:s15], $0x4000  }
0xbd: {  	[sflag:s15] =	ssyncset.done $0x0  }
0xbe: {  	s17 =	simm.s32 $0x2780;
	s16 =	simm.s32 $0x6800;
	[sflag:s15] =	ssyncadd.s32 $0xFFFFC000  }
0xbf: {  	[spmem:s2] =	stream.indirect.scatter.add.f32 [tilespmem:s16], [sflag:$0x4], $0x80, s17, s12, $0xb8;
	[tilespmem:$0x1E800] =	vst v63  }
0xc0: {  	s17 =	simm.s32 $0x4  }
0xc1: {  	_ =	swait.ge [sflag:s17], $0x4000  }
0xc2: {  	s10 =	sadd.s32 $0x780, s10;
	s18 =	simm.s32 $0x0;
	[sflag:s17] =	ssyncset.done $0x0  }
0xc3: {  	s26 =	simm.s32 $0x5;
	s8 =	sadd.s32 s8, s10;
	[sflag:s17] =	ssyncadd.s32 $0xFFFFC000  }
0xc4: {  	[tilespmem:s18], [sflag:$0x5] =	stream.linear.gather [hbm4b:s8+s18], $0x1400, $0x38;
	[tilespmem:$0x1E800] =	vst v63  }
0xc5: {  	_ =	swait.ge [sflag:s26], $0x1400  }
0xc6: {  	[sflag:s26] =	ssyncset.done $0x0  }
0xc7: {  	s28 =	simm.s32 $0x1400;
	s9 =	sadd.s32 s9, s10;
	[sflag:s26] =	ssyncadd.s32 $0xFFFFEC00  }
0xc8: {  	[tilespmem:s28], [sflag:$0x5] =	stream.linear.gather [hbm4b:s9+s18], $0x1400, $0x38;
	[tilespmem:$0x1E800] =	vst v63  }
0xc9: {  	_ =	swait.ge [sflag:s26], $0x1400  }
0xca: {  	[sflag:s26] =	ssyncset.done $0x0  }
0xcb: {  	[sflag:s26] =	ssyncadd.s32 $0xFFFFEC00  }
0xcc: {  	[tilespmem:s13], [sflag:$0x1] =	stream.indirect.gather [hbm4b:s6+s12], $0x80, s18, s12, $0xb8;
	[tilespmem:$0x1E800] =	vst v63  }
0xcd: {  	_ = 	snop  }
0xce: {  	[tilespmem:s16], [sflag:$0x2] =	stream.indirect.gather [hbm4b:s6+s12], $0x80, s12, s12, $0xb8;
	[tilespmem:$0x1E800] =	vst v63  }
0xcf: {  	_ =	swait.ge [sflag:s11], $0x4000  }
0xd0: {  	[sflag:s11] =	ssyncset.done $0x0  }
0xd1: {  	s29 =	simm.s32 $0x1400;
	[sflag:s11] =	ssyncadd.s32 $0xFFFFC000  }
0xd2: {  	[spmem:s2] =	stream.indirect.scatter.add.f32 [tilespmem:s13], [sflag:$0x3], $0x80, s29, s12, $0xb8;
	[tilespmem:$0x1E800] =	vst v63  }
0xd3: {  	_ =	swait.ge [sflag:s14], $0x4000  }
0xd4: {  	[sflag:s14] =	ssyncset.done $0x0  }
0xd5: {  	s30 =	simm.s32 $0x100;
	[sflag:s14] =	ssyncadd.s32 $0xFFFFC000  }
0xd6: {  	[tilespmem:s13], [sflag:$0x1] =	stream.indirect.gather [hbm4b:s6+s12], $0x80, s30, s12, $0xb8;
	[tilespmem:$0x1E800] =	vst v63  }
0xd7: {  	_ =	swait.ge [sflag:s15], $0x4000  }
0xd8: {  	[sflag:s15] =	ssyncset.done $0x0  }
0xd9: {  	s31 =	simm.s32 $0x1480;
	[sflag:s15] =	ssyncadd.s32 $0xFFFFC000  }
0xda: {  	[spmem:s2] =	stream.indirect.scatter.add.f32 [tilespmem:s16], [sflag:$0x4], $0x80, s31, s12, $0xb8;
	[tilespmem:$0x1E800] =	vst v63  }
0xdb: {  	_ =	swait.ge [sflag:s17], $0x4000  }
0xdc: {  	[sflag:s17] =	ssyncset.done $0x0  }
0xdd: {  	s8 =	simm.s32 $0x400;
	s9 =	simm.s32 $0x180;
	[sflag:s17] =	ssyncadd.s32 $0xFFFFC000  }
.LBB2_7:
0xde: {  	[tilespmem:s16], [sflag:$0x2] =	stream.indirect.gather [hbm4b:s6+s12], $0x80, s9, s12, $0xb8;
	[tilespmem:$0x1E800] =	vst v63  }
0xdf: {  	s9 =	smov.u32 s8  }
0xe0: {  	p0 =	sne.s32 s8, $0x4800;
	s8 =	sadd.s32 $0x400, s8;
	_ =	swait.ge [sflag:s11], $0x4000  }
0xe1: {  	s9 =	sshra.s32 s9, $0x2;
	[sflag:s11] =	ssyncset.done $0x0  }
0xe2: {  	s10 =	sadd.s32 $0x1400, s9;
	[sflag:s11] =	ssyncadd.s32 $0xFFFFC000  }
0xe3: {  	[spmem:s2] =	stream.indirect.scatter.add.f32 [tilespmem:s13], [sflag:$0x3], $0x80, s10, s12, $0xb8;
	[tilespmem:$0x1E800] =	vst v63  }
0xe4: {  	_ =	swait.ge [sflag:s14], $0x4000  }
0xe5: {  	[sflag:s14] =	ssyncset.done $0x0  }
0xe6: {  	s10 =	sadd.s32 $0x100, s9;
	[sflag:s14] =	ssyncadd.s32 $0xFFFFC000  }
0xe7: {  	[tilespmem:s13], [sflag:$0x1] =	stream.indirect.gather [hbm4b:s6+s12], $0x80, s10, s12, $0xb8;
	[tilespmem:$0x1E800] =	vst v63  }
0xe8: {  	_ =	swait.ge [sflag:s15], $0x4000  }
0xe9: {  	[sflag:s15] =	ssyncset.done $0x0  }
.Ltmp3:
0xea: {  	s10 =	sadd.s32 $0x1480, s9;
	[sflag:s15] =	ssyncadd.s32 $0xFFFFC000;
	(pc) =	sbr.rel @p0 .LBB2_7-.Ltmp3, $4  }
0xeb: {  	[spmem:s2] =	stream.indirect.scatter.add.f32 [tilespmem:s16], [sflag:$0x4], $0x80, s10, s12, $0xb8;
	[tilespmem:$0x1E800] =	vst v63  }
0xec: {  	_ =	swait.ge [sflag:s17], $0x4000  }
0xed: {  	[sflag:s17] =	ssyncset.done $0x0  }
0xee: {  	s9 =	sadd.s32 $0x180, s9;
	[sflag:s17] =	ssyncadd.s32 $0xFFFFC000  }
0xef: {  	[tilespmem:s16], [sflag:$0x2] =	stream.indirect.gather [hbm4b:s6+s12], $0x80, s9, s12, $0xb8;
	[tilespmem:$0x1E800] =	vst v63  }
0xf0: {  	s21 =	simm.s32 $0x1  }
0xf1: {  	_ =	swait.ge [sflag:s21], $0x4000  }
0xf2: {  	s22 =	simm.s32 $0x80;
	s8 =	simm.s32 $0x2700;
	[sflag:s21] =	ssyncset.done $0x0  }
0xf3: {  	s23 =	simm.s32 $0x2800;
	s24 =	simm.s32 $0x3;
	[sflag:s21] =	ssyncadd.s32 $0xFFFFC000  }
0xf4: {  	[spmem:s2] =	stream.indirect.scatter.add.f32 [tilespmem:s23], [sflag:$0x3], $0x80, s8, s22, $0xb8;
	[tilespmem:$0x1E800] =	vst v63  }
0xf5: {  	_ =	swait.ge [sflag:s24], $0x4000  }
0xf6: {  	[sflag:s24] =	ssyncset.done $0x0  }
0xf7: {  	s25 =	simm.s32 $0x2;
	[sflag:s24] =	ssyncadd.s32 $0xFFFFC000  }
0xf8: {  	_ =	swait.ge [sflag:s25], $0x4000  }
0xf9: {  	s26 =	simm.s32 $0x2780;
	[sflag:s25] =	ssyncset.done $0x0  }
0xfa: {  	s28 =	simm.s32 $0x6800;
	s29 =	simm.s32 $0x4;
	[sflag:s25] =	ssyncadd.s32 $0xFFFFC000  }
0xfb: {  	[spmem:s2] =	stream.indirect.scatter.add.f32 [tilespmem:s28], [sflag:$0x4], $0x80, s26, s22, $0xb8;
	[tilespmem:$0x1E800] =	vst v63  }
0xfc: {  	_ =	swait.ge [sflag:s29], $0x4000  }
0xfd: {  	[sflag:s29] =	ssyncset.done $0x0  }
0xfe: {  	[sflag:s29] =	ssyncadd.s32 $0xFFFFC000  }
0xff: {  	s30 =	sadd.s32 s7, s3;
	s31 =	simm.s32 $0x5;
	[bflag:$0x0] =	sbarrier.arrive $0xFFFF  }
0x100: {  	[hbm:s30], [sflag:s4] =	dma.local [spmem:s5], $0x2800  }
0x101: {  	_ =	swait.ge [sflag:s31], $0x2800  }
0x102: {  	[sflag:s31] =	ssyncset.done $0x0  }
0x103: {  	[sflag:s31] =	ssyncadd.s32 $0xFFFFD800  }
0x104: {  	_ =	sfence.sel $0x180000  }
0x105: {  	[bflag:$0x0] =	sbarrier.arrive $0xFFFF  }
0x106: {  	p0 =	sne.s32 s1, $0x0;
	_ =	strace $0x90000047  }
0x107: {  	s0 =	sadd.s32 @!p0 $0x100000, s0;
	[bflag:$0x2] =	sbarrier.arrive $0xFFFF  }
0x108: {  	[sflag:s0] =	ssyncadd.tile.s32 @!p0 $0x1;
	_ =	shalt  }
.Lfunc_end2:
_tile_overlayer_lowered:
.L_overlay_start_2:
0x109: {  	(tag) =	ssettag $0x2  }
0x10a: {  	s0 =	rddreg [dreg:$0x0];
	s2 =	stileid.u32  }
0x10b: {  	s1 =	rddreg [dreg:$0x1];
	p0 =	sne.s32 s2, $0x0  }
0x10c: {  	s3 =	rddreg [dreg:$0x2];
	[bflag:$0x3] =	sbarrier.arrive $0xFFFF;
	s2 =	simm.s32 @!p0 $0x1C05  }
0x10d: {  	[timem:s3], [sflag:s2] =	dma.local @!p0 [hbm:s0], s1  }
0x10e: {  	s0 =	simm.s32 @!p0 $0x5  }
0x10f: {  	_ =	swait.ge @!p0 [sflag:s0], s1  }
0x110: {  	s1 =	ssub.s32 @!p0 $0x0, s1;
	[sflag:s0] =	ssyncset.done @!p0 $0x0  }
0x111: {  	[sflag:s0] =	ssyncadd.s32 @!p0 s1  }
0x112: {  	[bflag:$0x3] =	sbarrier.arrive $0xFFFF  }
0x113: {  	_ =	shalt  }

</sc_bundles>
